<compile_context>
chip_gen: v7x
topology: tpu7x:2x2x1
jax: 0.10.2.dev20260603
libtpu: 0.0.44.dev20260713+nightly
codegen_flags: <defaults>
</compile_context>

<pallas_src>
import jax
import jax.numpy as jnp
from jax import lax
from jax.experimental import pallas as pl
from jax.experimental.pallas import tpu as pltpu
from jax.experimental.pallas import tpu_sc as plsc

BATCH = 16384
HIDDEN = 64
OUT_DIM = 64

_NC = 2
_NS = 16
_NW = _NC * _NS
_NB = 7813
_CAP = 576
_ICH = 2048
_SENT = 500 << 21
_NBUF = 6
_PAD = BATCH + 64


def _gather_body(idx_hbm, tableT_hbm, out_hbm,
                 idx_c, selk_v, bands, rows_v,
                 off_s, gk_s, nb_s, sems, sem_out):
    wid = lax.axis_index("s") * _NC + lax.axis_index("c")
    lo = (_NB * wid) // _NW
    hi = (_NB * (wid + 1)) // _NW
    nloc = hi - lo
    iota = lax.iota(jnp.int32, 16)

    def round_body(carry):
        round_lo, _ = carry

        def sent(i, _):
            selk_v[pl.ds(i * 16, 16)] = jnp.full((16,), _SENT, jnp.int32)
            return 0
        lax.fori_loop(0, _CAP // 16, sent, 0)

        cnt = 0
        for ch in range(BATCH // _ICH):
            pltpu.sync_copy(idx_hbm.at[pl.ds(ch * _ICH, _ICH)], idx_c)

            def grp(g, cnt, ch=ch):
                v16 = idx_c[pl.ds(g * 16, 16)]
                rt16 = v16 >> 7
                lo16 = jnp.full((16,), lo, jnp.int32)
                hi16 = jnp.full((16,), hi, jnp.int32)
                one16 = jnp.full((16,), 1, jnp.int32)
                w16 = (rt16 - lo16) | (hi16 - one16 - rt16)
                mi = one16 - lax.shift_right_logical(w16, 31)
                c16 = plsc.cumsum(mi)
                ord16 = jnp.full((16,), cnt, jnp.int32) + c16 - one16
                rl16 = jnp.full((16,), round_lo, jnp.int32)
                cap16 = jnp.full((16,), _CAP, jnp.int32)
                win16 = (ord16 - rl16) | (rl16 + cap16 - one16 - ord16)
                mw = mi * (one16 - lax.shift_right_logical(win16, 31))
                k16 = (((rt16 - lo16) << 21) | ((v16 & 127) << 14)
                       | (iota + (ch * _ICH + g * 16)))
                dump16 = jnp.full((16,), _CAP + 8, jnp.int32)
                pos16 = (mw * (ord16 - rl16)
                         + (one16 - mw) * dump16)
                plsc.store_scatter(selk_v, [pos16], k16)
                return cnt + c16[15]

            cnt = lax.fori_loop(0, _ICH // 16, grp, cnt)

        def zero(b, _):
            off_s[b] = 0
            return 0
        lax.fori_loop(0, 256, zero, 0)

        def count(g, _):
            k16 = selk_v[pl.ds(g * 16, 16)]
            for l in range(16):
                b = k16[l] >> 21
                bb = jnp.where(b < nloc, b, 255)
                off_s[bb] = off_s[bb] + 1
            return 0
        lax.fori_loop(0, _CAP // 16, count, 0)

        def prefix(b, carry2):
            running, nb_cnt = carry2
            c = off_s[b]
            use = b < nloc

            @pl.when(use & (c > 0))
            def _():
                nb_s[nb_cnt] = b
            running = jnp.where(use, running + c, running)
            nb_cnt = jnp.where(use & (c > 0), nb_cnt + 1, nb_cnt)

            @pl.when(use)
            def _():
                off_s[b] = running
            return running, nb_cnt

        total, m_nb = lax.fori_loop(0, 246, prefix, (0, 0))
        off_s[246] = total

        def scat(j, _):
            g = (_CAP // 16 - 1) - j
            k16 = selk_v[pl.ds(g * 16, 16)]
            for l in reversed(range(16)):
                k = k16[l]
                b = k >> 21

                @pl.when(b < nloc)
                def _(k=k, b=b):
                    slot = off_s[b] - 1
                    off_s[b] = slot
                    gk_s[slot] = k
            return 0
        lax.fori_loop(0, _CAP // 16, scat, 0)

        def fetch(b_loc, buf, sem):
            pltpu.async_copy(
                tableT_hbm.at[:, pl.ds((lo + b_loc) * 128, 128)], buf, sem)

        for par in range(_NBUF):
            @pl.when(m_nb > par)
            def _(par=par):
                fetch(nb_s[par], bands[par], sems[par])

        def quad(u, _):
            for par in range(_NBUF):
                t = _NBUF * u + par
                buf = bands[par]
                sem = sems[par]

                @pl.when(t < m_nb)
                def _(t=t, buf=buf, sem=sem):
                    pltpu.make_async_copy(
                        tableT_hbm.at[:, pl.ds(0, 128)], buf, sem).wait()
                    b = nb_s[t]
                    start = off_s[b]
                    end = off_s[jnp.where(b + 1 < nloc, b + 1, 246)]
                    end = jnp.where(b + 1 < nloc, end, total)

                    def extract(e, _):
                        k = gk_s[e]
                        lane = (k >> 14) & 127
                        for c in range(HIDDEN // 16):
                            vals = plsc.load_gather(
                                buf, [iota + 16 * c,
                                      jnp.full((16,), lane, jnp.int32)])
                            plsc.store_scatter(
                                rows_v,
                                [jnp.full((16,), e, jnp.int32),
                                 iota + 16 * c],
                                vals)
                        return 0

                    lax.fori_loop(start, end, extract, 0)

                    @pl.when(t + _NBUF < m_nb)
                    def _():
                        fetch(nb_s[t + _NBUF], buf, sem)
            return 0

        lax.fori_loop(0, (246 + _NBUF - 1) // _NBUF, quad, 0)

        def flush(g, _):
            for l in range(16):
                e = g * 16 + l
                real = e < total
                pos = jnp.where(real, gk_s[jnp.where(real, e, 0)] & 16383,
                                BATCH + wid)
                pltpu.async_copy(rows_v.at[e], out_hbm.at[pos], sem_out)
            return 0

        lax.fori_loop(0, _CAP // 16, flush, 0)
        pltpu.make_async_copy(
            out_hbm.at[pl.ds(0, _CAP)], rows_v, sem_out).wait()

        return round_lo + _CAP, cnt

    lax.while_loop(lambda c: c[0] < c[1], round_body, (0, 1))


_gather = pl.kernel(
    _gather_body,
    out_type=jax.ShapeDtypeStruct((_PAD, HIDDEN), jnp.float32),
    mesh=plsc.VectorSubcoreMesh(core_axis_name="c", subcore_axis_name="s"),
    scratch_types=[
        pltpu.VMEM((_ICH,), jnp.int32),
        pltpu.VMEM((_CAP + 32,), jnp.int32),
        [pltpu.VMEM((HIDDEN, 128), jnp.float32) for _ in range(_NBUF)],
        pltpu.VMEM((_CAP, HIDDEN), jnp.float32),
        pltpu.SMEM((256,), jnp.int32),
        pltpu.SMEM((_CAP,), jnp.int32),
        pltpu.SMEM((256,), jnp.int32),
        [pltpu.SemaphoreType.DMA for _ in range(_NBUF)],
        pltpu.SemaphoreType.DMA,
    ],
    compiler_params=pltpu.CompilerParams(needs_layout_passes=False),
)

_BM = 2048


def _proj_body(x_ref, w_ref, b_ref, o_ref):
    o_ref[...] = (
        lax.dot_general(
            w_ref[...],
            x_ref[...],
            (((1,), (1,)), ((), ())),
            preferred_element_type=jnp.float32,
        )
        + b_ref[...]
    )


_project = pl.pallas_call(
    _proj_body,
    grid=(BATCH // _BM,),
    in_specs=[
        pl.BlockSpec((_BM, HIDDEN), lambda i: (i, 0)),
        pl.BlockSpec((OUT_DIM, HIDDEN), lambda i: (0, 0)),
        pl.BlockSpec((OUT_DIM, 1), lambda i: (0, 0)),
    ],
    out_specs=pl.BlockSpec((OUT_DIM, _BM), lambda i: (0, i)),
    out_shape=jax.ShapeDtypeStruct((OUT_DIM, BATCH), jnp.float32),
)


def kernel(course_id, embed_table, W, b):
    idx = course_id.reshape(BATCH).astype(jnp.int32)
    tableT = embed_table.T
    rows = _gather(idx, tableT)
    y = _project(rows, W, b.reshape(OUT_DIM, 1))
    return y.T.reshape(BATCH, 1, OUT_DIM)

# --- scband reference (transcript-rebuilt; emitter-appended) ---
"""Pipeline reference for scband-course-embedding-78348793414174 (READ-ONLY COPY).

The authoritative reference and input builder live on the scoring server;
editing this copy changes nothing except your own understanding.
"""

import jax, jax.numpy as jnp
import numpy as np

USER_NUM = 1000000
HIDDEN_DIM = 64
OUTPUT_DIM = 64
BATCH = 16384

def setup_inputs(seed: int = 0) -> dict:
    key = jax.random.key(seed)
    k1, k2, k3, k4 = jax.random.split(key, 4)
    course_id = jax.random.randint(k1, (BATCH, 1), 0, USER_NUM, dtype=jnp.int64 if jax.config.jax_enable_x64 else jnp.int32)
    embed_table = jax.random.normal(k2, (USER_NUM, HIDDEN_DIM), dtype=jnp.float32)
    # nn.Linear default init: uniform(-1/sqrt(in), 1/sqrt(in))
    bound = 1.0 / np.sqrt(HIDDEN_DIM)
    W = jax.random.uniform(k3, (OUTPUT_DIM, HIDDEN_DIM), minval=-bound, maxval=bound, dtype=jnp.float32)
    b = jax.random.uniform(k4, (OUTPUT_DIM,), minval=-bound, maxval=bound, dtype=jnp.float32)
    return {"course_id": course_id, "embed_table": embed_table, "W": W, "b": b}

def reference(course_id, embed_table, W, b):
    # Embedding lookup: [B, 1] -> [B, 1, hidden_dim]
    feat_course = jnp.take(embed_table, course_id, axis=0)
    # Linear: [B, 1, hidden_dim] @ [hidden_dim, output_dim] + b -> [B, 1, output_dim]
    output = jnp.dot(feat_course, W.T) + b
    return output

if __name__ == "__main__":
    import jax
    _d = setup_inputs()
    print(jax.jit(kernel)(*tuple(_d.values())))

</pallas_src>

<mosaic_0001>
#map = affine_map<(d0, d1) -> (0)>
#map1 = affine_map<(d0, d1) -> (0, 0)>
module attributes {stable_mosaic.version = 14 : i64} {
  func.func @_gather_body(%arg0: i32, %arg1: i32, %arg2: memref<16384xi32, #tpu.memory_space<hbm>>, %arg3: memref<64x1000000xf32, #tpu.memory_space<hbm>>, %arg4: memref<16448x64xf32, #tpu.memory_space<hbm>>, %arg5: memref<2048xi32, #tpu.memory_space<vmem>>, %arg6: memref<608xi32, #tpu.memory_space<vmem>>, %arg7: memref<64x128xf32, #tpu.memory_space<vmem>>, %arg8: memref<64x128xf32, #tpu.memory_space<vmem>>, %arg9: memref<64x128xf32, #tpu.memory_space<vmem>>, %arg10: memref<64x128xf32, #tpu.memory_space<vmem>>, %arg11: memref<64x128xf32, #tpu.memory_space<vmem>>, %arg12: memref<64x128xf32, #tpu.memory_space<vmem>>, %arg13: memref<576x64xf32, #tpu.memory_space<vmem>>, %arg14: memref<256xi32, #tpu.memory_space<smem>>, %arg15: memref<576xi32, #tpu.memory_space<smem>>, %arg16: memref<256xi32, #tpu.memory_space<smem>>, %arg17: memref<!tpu.dma_semaphore, #tpu.memory_space<semaphore_mem>>, %arg18: memref<!tpu.dma_semaphore, #tpu.memory_space<semaphore_mem>>, %arg19: memref<!tpu.dma_semaphore, #tpu.memory_space<semaphore_mem>>, %arg20: memref<!tpu.dma_semaphore, #tpu.memory_space<semaphore_mem>>, %arg21: memref<!tpu.dma_semaphore, #tpu.memory_space<semaphore_mem>>, %arg22: memref<!tpu.dma_semaphore, #tpu.memory_space<semaphore_mem>>, %arg23: memref<!tpu.dma_semaphore, #tpu.memory_space<semaphore_mem>>) attributes {dimension_semantics = [#tpu.dimension_semantics<core_parallel>, #tpu.dimension_semantics<subcore_parallel>], iteration_bounds = array<i64: 2, 16>, scalar_prefetch = 0 : i64, scratch_operands = 19 : i64, tpu.core_type = #tpu.core_type<sc_vector_subcore>, window_params = [{transform_indices = #map}, {transform_indices = #map1}, {transform_indices = #map1}]} {
    %mul3A = arith.constant 2 : i32
    %mul3A_0 = arith.muli %arg1, %mul3A : i32
    %add3A = arith.addi %mul3A_0, %arg0 : i32
    %mul3A_1 = arith.constant 7813 : i32
    %mul3A_2 = arith.muli %mul3A_1, %add3A : i32
    %jit3A = arith.constant 32 : i32
    %div3A = arith.divsi %mul3A_2, %jit3A : i32
    %sign3A = arith.constant 0 : i32
    %sign3A_3 = arith.cmpi sgt, %mul3A_2, %sign3A : i32
    %sign3A_4 = arith.extui %sign3A_3 : i1 to i32
    %sign3A_5 = arith.constant 0 : i32
    %sign3A_6 = arith.cmpi slt, %mul3A_2, %sign3A_5 : i32
    %sign3A_7 = arith.extui %sign3A_6 : i1 to i32
    %sign3A_8 = arith.subi %sign3A_4, %sign3A_7 : i32
    %sign3A_9 = arith.constant 0 : i32
    %sign3A_10 = arith.cmpi sgt, %jit3A, %sign3A_9 : i32
    %sign3A_11 = arith.extui %sign3A_10 : i1 to i32
    %sign3A_12 = arith.constant 0 : i32
    %sign3A_13 = arith.cmpi slt, %jit3A, %sign3A_12 : i32
    %sign3A_14 = arith.extui %sign3A_13 : i1 to i32
    %sign3A_15 = arith.subi %sign3A_11, %sign3A_14 : i32
    %ne3A = arith.cmpi ne, %sign3A_8, %sign3A_15 : i32
    %rem3A = arith.remsi %mul3A_2, %jit3A : i32
    %ne3A_16 = arith.constant 0 : i32
    %ne3A_17 = arith.cmpi ne, %rem3A, %ne3A_16 : i32
    %and3A = arith.andi %ne3A, %ne3A_17 : i1
    %sub3A = arith.constant 1 : i32
    %sub3A_18 = arith.subi %div3A, %sub3A : i32
    %select_n3A = arith.select %and3A, %sub3A_18, %div3A : i32
    %add3A_19 = arith.constant 1 : i32
    %add3A_20 = arith.addi %add3A, %add3A_19 : i32
    %mul3A_21 = arith.constant 7813 : i32
    %mul3A_22 = arith.muli %mul3A_21, %add3A_20 : i32
    %jit3A_23 = arith.constant 32 : i32
    %div3A_24 = arith.divsi %mul3A_22, %jit3A_23 : i32
    %sign3A_25 = arith.constant 0 : i32
    %sign3A_26 = arith.cmpi sgt, %mul3A_22, %sign3A_25 : i32
    %sign3A_27 = arith.extui %sign3A_26 : i1 to i32
    %sign3A_28 = arith.constant 0 : i32
    %sign3A_29 = arith.cmpi slt, %mul3A_22, %sign3A_28 : i32
    %sign3A_30 = arith.extui %sign3A_29 : i1 to i32
    %sign3A_31 = arith.subi %sign3A_27, %sign3A_30 : i32
    %sign3A_32 = arith.constant 0 : i32
    %sign3A_33 = arith.cmpi sgt, %jit3A_23, %sign3A_32 : i32
    %sign3A_34 = arith.extui %sign3A_33 : i1 to i32
    %sign3A_35 = arith.constant 0 : i32
    %sign3A_36 = arith.cmpi slt, %jit3A_23, %sign3A_35 : i32
    %sign3A_37 = arith.extui %sign3A_36 : i1 to i32
    %sign3A_38 = arith.subi %sign3A_34, %sign3A_37 : i32
    %ne3A_39 = arith.cmpi ne, %sign3A_31, %sign3A_38 : i32
    %rem3A_40 = arith.remsi %mul3A_22, %jit3A_23 : i32
    %ne3A_41 = arith.constant 0 : i32
    %ne3A_42 = arith.cmpi ne, %rem3A_40, %ne3A_41 : i32
    %and3A_43 = arith.andi %ne3A_39, %ne3A_42 : i1
    %sub3A_44 = arith.constant 1 : i32
    %sub3A_45 = arith.subi %div3A_24, %sub3A_44 : i32
    %select_n3A_46 = arith.select %and3A_43, %sub3A_45, %div3A_24 : i32
    %sub3A_47 = arith.subi %select_n3A_46, %select_n3A : i32
    %iota3A = tpu.iota {dimensions = array<i32: 0>} : vector<16xi32>
    %while3A = arith.constant 0 : i32
    %while3A_48 = arith.constant 1 : i32
    %while3A_49:2 = scf.while (%while3A_50 = %while3A, %while3A_51 = %while3A_48) : (i32, i32) -> (i32, i32) {
      %lt3A = arith.cmpi slt, %while3A_50, %while3A_51 : i32
      scf.condition(%lt3A) %while3A_50, %while3A_51 : i32, i32
    } do {
    ^bb0(%while3A_50: i32, %while3A_51: i32):
      %scan3A = arith.constant 0 : i32
      %scan3A_52 = arith.constant 0 : i32
      %scan3A_53 = arith.constant 36 : i32
      %scan3A_54 = arith.addi %scan3A_52, %scan3A_53 : i32
      %scan3A_55 = arith.constant 1 : i32
      %scan3A_56 = scf.for %scan3A_186 = %scan3A_52 to %scan3A_54 step %scan3A_55 iter_args(%scan3A_187 = %scan3A) -> (i32)  : i32 {
        %broadcast_in_dim3A = arith.constant 1048576000 : i32
        %broadcast_in_dim3A_188 = vector.broadcast %broadcast_in_dim3A : i32 to vector<16xi32>
        %mul3A_189 = arith.constant 16 : i32
        %mul3A_190 = arith.muli %scan3A_186, %mul3A_189 : i32
        %swap3A_191 = arith.index_cast %mul3A_190 : i32 to index
        %swap3A_192 = tpu.vector_load %arg6[%swap3A_191] {strides = array<i32>} : memref<608xi32, #tpu.memory_space<vmem>>, vector<16xi32>,
        tpu.vector_store %arg6[%swap3A_191], %broadcast_in_dim3A_188 {strides = array<i32>} : memref<608xi32, #tpu.memory_space<vmem>>, vector<16xi32>,
        %scan3A_193 = arith.constant 0 : i32
        scf.yield %scan3A_193 : i32
      }
      %scan3A_57 = arith.constant 36 : i32
      "tpu.region"() ({
        %run_scoped3A = tpu.sem_alloc : memref<!tpu.dma_semaphore, #tpu.memory_space<semaphore_mem>>
        %dma_start3A = arith.constant 0 : i32
        %dma_start3A_186 = tpu.memref_slice %arg2[%dma_start3A] : memref<16384xi32, #tpu.memory_space<hbm>> -> memref<2048xi32, #tpu.memory_space<hbm>>
        %dma_start3A_187 = arith.constant 0 : i32
        %dma_start3A_188 = tpu.memref_slice %arg2[%dma_start3A_187] : memref<16384xi32, #tpu.memory_space<hbm>> -> memref<2048xi32, #tpu.memory_space<hbm>>
        tpu.enqueue_dma source(%dma_start3A_188 : memref<2048xi32, #tpu.memory_space<hbm>>) target(%arg5 : memref<2048xi32, #tpu.memory_space<vmem>>) target_semaphore(%run_scoped3A : memref<!tpu.dma_semaphore, #tpu.memory_space<semaphore_mem>>)
        %dma_wait3A_189 = arith.constant 0 : i32
        %dma_wait3A_190 = tpu.memref_slice %arg2[%dma_wait3A_189] : memref<16384xi32, #tpu.memory_space<hbm>> -> memref<2048xi32, #tpu.memory_space<hbm>>
        %dma_wait3A_191 = arith.constant 0 : i32
        %dma_wait3A_192 = tpu.memref_slice %arg2[%dma_wait3A_191] : memref<16384xi32, #tpu.memory_space<hbm>> -> memref<2048xi32, #tpu.memory_space<hbm>>
        tpu.wait_dma2 semaphore(%run_scoped3A : memref<!tpu.dma_semaphore, #tpu.memory_space<semaphore_mem>>) src(%dma_wait3A_192 : memref<2048xi32, #tpu.memory_space<hbm>>) dst(%arg5 : memref<2048xi32, #tpu.memory_space<vmem>>)
        tpu.yield
      }) : () -> ()
      %scan3A_58 = arith.constant 0 : i32
      %scan3A_59 = arith.constant 0 : i32
      %scan3A_60 = arith.constant 128 : i32
      %scan3A_61 = arith.addi %scan3A_59, %scan3A_60 : i32
      %scan3A_62 = arith.constant 1 : i32
      %scan3A_63 = scf.for %scan3A_186 = %scan3A_59 to %scan3A_61 step %scan3A_62 iter_args(%scan3A_187 = %scan3A_58) -> (i32)  : i32 {
        %mul3A_188 = arith.constant 16 : i32
        %mul3A_189 = arith.muli %scan3A_186, %mul3A_188 : i32
        %get3A = arith.index_cast %mul3A_189 : i32 to index
        %get3A_190 = tpu.vector_load %arg5[%get3A] {strides = array<i32>} : memref<2048xi32, #tpu.memory_space<vmem>>, vector<16xi32>,
        %shift_right_arithmetic3A = arith.constant 7 : i32
        %shift_right_arithmetic3A_191 = vector.broadcast %shift_right_arithmetic3A : i32 to vector<16xi32>
        %shift_right_arithmetic3A_192 = arith.shrsi %get3A_190, %shift_right_arithmetic3A_191 : vector<16xi32>
        %broadcast_in_dim3A = vector.broadcast %select_n3A : i32 to vector<16xi32>
        %broadcast_in_dim3A_193 = vector.broadcast %select_n3A_46 : i32 to vector<16xi32>
        %broadcast_in_dim3A_194 = arith.constant 1 : i32
        %broadcast_in_dim3A_195 = vector.broadcast %broadcast_in_dim3A_194 : i32 to vector<16xi32>
        %sub3A_196 = arith.subi %shift_right_arithmetic3A_192, %broadcast_in_dim3A : vector<16xi32>
        %sub3A_197 = arith.subi %broadcast_in_dim3A_193, %broadcast_in_dim3A_195 : vector<16xi32>
        %sub3A_198 = arith.subi %sub3A_197, %shift_right_arithmetic3A_192 : vector<16xi32>
        %or3A = arith.ori %sub3A_196, %sub3A_198 : vector<16xi32>
        %shift_right_logical3A = arith.constant 31 : i32
        %shift_right_logical3A_199 = vector.broadcast %shift_right_logical3A : i32 to vector<16xi32>
        %shift_right_logical3A_200 = arith.shrui %or3A, %shift_right_logical3A_199 : vector<16xi32>
        %sub3A_201 = arith.subi %broadcast_in_dim3A_195, %shift_right_logical3A_200 : vector<16xi32>
        %broadcast_in_dim3A_202 = arith.constant true
        %broadcast_in_dim3A_203 = vector.broadcast %broadcast_in_dim3A_202 : i1 to vector<16xi1>
        %masked_cumsum3A = tpu.scan <sum>, %sub3A_201 masked %broadcast_in_dim3A_203 : vector<16xi32>, vector<16xi1> -> vector<16xi32>
        %broadcast_in_dim3A_204 = vector.broadcast %scan3A_187 : i32 to vector<16xi32>
        %add3A_205 = arith.addi %broadcast_in_dim3A_204, %masked_cumsum3A : vector<16xi32>
        %sub3A_206 = arith.subi %add3A_205, %broadcast_in_dim3A_195 : vector<16xi32>
        %broadcast_in_dim3A_207 = vector.broadcast %while3A_50 : i32 to vector<16xi32>
        %broadcast_in_dim3A_208 = arith.constant 576 : i32
        %broadcast_in_dim3A_209 = vector.broadcast %broadcast_in_dim3A_208 : i32 to vector<16xi32>
        %sub3A_210 = arith.subi %sub3A_206, %broadcast_in_dim3A_207 : vector<16xi32>
        %add3A_211 = arith.addi %broadcast_in_dim3A_207, %broadcast_in_dim3A_209 : vector<16xi32>
        %sub3A_212 = arith.subi %add3A_211, %broadcast_in_dim3A_195 : vector<16xi32>
        %sub3A_213 = arith.subi %sub3A_212, %sub3A_206 : vector<16xi32>
        %or3A_214 = arith.ori %sub3A_210, %sub3A_213 : vector<16xi32>
        %shift_right_logical3A_215 = arith.constant 31 : i32
        %shift_right_logical3A_216 = vector.broadcast %shift_right_logical3A_215 : i32 to vector<16xi32>
        %shift_right_logical3A_217 = arith.shrui %or3A_214, %shift_right_logical3A_216 : vector<16xi32>
        %sub3A_218 = arith.subi %broadcast_in_dim3A_195, %shift_right_logical3A_217 : vector<16xi32>
        %mul3A_219 = arith.muli %sub3A_201, %sub3A_218 : vector<16xi32>
        %sub3A_220 = arith.subi %shift_right_arithmetic3A_192, %broadcast_in_dim3A : vector<16xi32>
        %shift_left3A = arith.constant 21 : i32
        %shift_left3A_221 = vector.broadcast %shift_left3A : i32 to vector<16xi32>
        %shift_left3A_222 = arith.shli %sub3A_220, %shift_left3A_221 : vector<16xi32>
        %and3A_223 = arith.constant 127 : i32
        %and3A_224 = vector.broadcast %and3A_223 : i32 to vector<16xi32>
        %and3A_225 = arith.andi %get3A_190, %and3A_224 : vector<16xi32>
        %shift_left3A_226 = arith.constant 14 : i32
        %shift_left3A_227 = vector.broadcast %shift_left3A_226 : i32 to vector<16xi32>
        %shift_left3A_228 = arith.shli %and3A_225, %shift_left3A_227 : vector<16xi32>
        %or3A_229 = arith.ori %shift_left3A_222, %shift_left3A_228 : vector<16xi32>
        %mul3A_230 = arith.constant 16 : i32
        %mul3A_231 = arith.muli %scan3A_186, %mul3A_230 : i32
        %add3A_232 = arith.constant 0 : i32
        %add3A_233 = arith.addi %add3A_232, %mul3A_231 : i32
        %add3A_234 = vector.broadcast %add3A_233 : i32 to vector<16xi32>
        %add3A_235 = arith.addi %iota3A, %add3A_234 : vector<16xi32>
        %or3A_236 = arith.ori %or3A_229, %add3A_235 : vector<16xi32>
        %broadcast_in_dim3A_237 = arith.constant 584 : i32
        %broadcast_in_dim3A_238 = vector.broadcast %broadcast_in_dim3A_237 : i32 to vector<16xi32>
        %sub3A_239 = arith.subi %sub3A_206, %broadcast_in_dim3A_207 : vector<16xi32>
        %mul3A_240 = arith.muli %mul3A_219, %sub3A_239 : vector<16xi32>
        %sub3A_241 = arith.subi %broadcast_in_dim3A_195, %mul3A_219 : vector<16xi32>
        %mul3A_242 = arith.muli %sub3A_241, %broadcast_in_dim3A_238 : vector<16xi32>
        %add3A_243 = arith.addi %mul3A_240, %mul3A_242 : vector<16xi32>
        tpu.vector_store_idx %arg6[%add3A_243], %or3A_236 : memref<608xi32, #tpu.memory_space<vmem>>[vector<16xi32>], vector<16xi32>,
        %slice3A = vector.extract_strided_slice %masked_cumsum3A {offsets = [15], sizes = [1], strides = [1]} : vector<16xi32> to vector<1xi32>
        %squeeze3A = vector.extract %slice3A[0] : i32 from vector<1xi32>
        %add3A_244 = arith.addi %scan3A_187, %squeeze3A : i32
        scf.yield %add3A_244 : i32
      }
      %scan3A_64 = arith.constant 128 : i32
      "tpu.region"() ({
        %run_scoped3A = tpu.sem_alloc : memref<!tpu.dma_semaphore, #tpu.memory_space<semaphore_mem>>
        %dma_start3A = arith.constant 2048 : i32
        %dma_start3A_186 = tpu.memref_slice %arg2[%dma_start3A] : memref<16384xi32, #tpu.memory_space<hbm>> -> memref<2048xi32, #tpu.memory_space<hbm>>
        %dma_start3A_187 = arith.constant 2048 : i32
        %dma_start3A_188 = tpu.memref_slice %arg2[%dma_start3A_187] : memref<16384xi32, #tpu.memory_space<hbm>> -> memref<2048xi32, #tpu.memory_space<hbm>>
        tpu.enqueue_dma source(%dma_start3A_188 : memref<2048xi32, #tpu.memory_space<hbm>>) target(%arg5 : memref<2048xi32, #tpu.memory_space<vmem>>) target_semaphore(%run_scoped3A : memref<!tpu.dma_semaphore, #tpu.memory_space<semaphore_mem>>)
        %dma_wait3A_189 = arith.constant 2048 : i32
        %dma_wait3A_190 = tpu.memref_slice %arg2[%dma_wait3A_189] : memref<16384xi32, #tpu.memory_space<hbm>> -> memref<2048xi32, #tpu.memory_space<hbm>>
        %dma_wait3A_191 = arith.constant 2048 : i32
        %dma_wait3A_192 = tpu.memref_slice %arg2[%dma_wait3A_191] : memref<16384xi32, #tpu.memory_space<hbm>> -> memref<2048xi32, #tpu.memory_space<hbm>>
        tpu.wait_dma2 semaphore(%run_scoped3A : memref<!tpu.dma_semaphore, #tpu.memory_space<semaphore_mem>>) src(%dma_wait3A_192 : memref<2048xi32, #tpu.memory_space<hbm>>) dst(%arg5 : memref<2048xi32, #tpu.memory_space<vmem>>)
        tpu.yield
      }) : () -> ()
      %scan3A_65 = arith.constant 0 : i32
      %scan3A_66 = arith.constant 128 : i32
      %scan3A_67 = arith.addi %scan3A_65, %scan3A_66 : i32
      %scan3A_68 = arith.constant 1 : i32
      %scan3A_69 = scf.for %scan3A_186 = %scan3A_65 to %scan3A_67 step %scan3A_68 iter_args(%scan3A_187 = %scan3A_63) -> (i32)  : i32 {
        %mul3A_188 = arith.constant 16 : i32
        %mul3A_189 = arith.muli %scan3A_186, %mul3A_188 : i32
        %get3A = arith.index_cast %mul3A_189 : i32 to index
        %get3A_190 = tpu.vector_load %arg5[%get3A] {strides = array<i32>} : memref<2048xi32, #tpu.memory_space<vmem>>, vector<16xi32>,
        %shift_right_arithmetic3A = arith.constant 7 : i32
        %shift_right_arithmetic3A_191 = vector.broadcast %shift_right_arithmetic3A : i32 to vector<16xi32>
        %shift_right_arithmetic3A_192 = arith.shrsi %get3A_190, %shift_right_arithmetic3A_191 : vector<16xi32>
        %broadcast_in_dim3A = vector.broadcast %select_n3A : i32 to vector<16xi32>
        %broadcast_in_dim3A_193 = vector.broadcast %select_n3A_46 : i32 to vector<16xi32>
        %broadcast_in_dim3A_194 = arith.constant 1 : i32
        %broadcast_in_dim3A_195 = vector.broadcast %broadcast_in_dim3A_194 : i32 to vector<16xi32>
        %sub3A_196 = arith.subi %shift_right_arithmetic3A_192, %broadcast_in_dim3A : vector<16xi32>
        %sub3A_197 = arith.subi %broadcast_in_dim3A_193, %broadcast_in_dim3A_195 : vector<16xi32>
        %sub3A_198 = arith.subi %sub3A_197, %shift_right_arithmetic3A_192 : vector<16xi32>
        %or3A = arith.ori %sub3A_196, %sub3A_198 : vector<16xi32>
        %shift_right_logical3A = arith.constant 31 : i32
        %shift_right_logical3A_199 = vector.broadcast %shift_right_logical3A : i32 to vector<16xi32>
        %shift_right_logical3A_200 = arith.shrui %or3A, %shift_right_logical3A_199 : vector<16xi32>
        %sub3A_201 = arith.subi %broadcast_in_dim3A_195, %shift_right_logical3A_200 : vector<16xi32>
        %broadcast_in_dim3A_202 = arith.constant true
        %broadcast_in_dim3A_203 = vector.broadcast %broadcast_in_dim3A_202 : i1 to vector<16xi1>
        %masked_cumsum3A = tpu.scan <sum>, %sub3A_201 masked %broadcast_in_dim3A_203 : vector<16xi32>, vector<16xi1> -> vector<16xi32>
        %broadcast_in_dim3A_204 = vector.broadcast %scan3A_187 : i32 to vector<16xi32>
        %add3A_205 = arith.addi %broadcast_in_dim3A_204, %masked_cumsum3A : vector<16xi32>
        %sub3A_206 = arith.subi %add3A_205, %broadcast_in_dim3A_195 : vector<16xi32>
        %broadcast_in_dim3A_207 = vector.broadcast %while3A_50 : i32 to vector<16xi32>
        %broadcast_in_dim3A_208 = arith.constant 576 : i32
        %broadcast_in_dim3A_209 = vector.broadcast %broadcast_in_dim3A_208 : i32 to vector<16xi32>
        %sub3A_210 = arith.subi %sub3A_206, %broadcast_in_dim3A_207 : vector<16xi32>
        %add3A_211 = arith.addi %broadcast_in_dim3A_207, %broadcast_in_dim3A_209 : vector<16xi32>
        %sub3A_212 = arith.subi %add3A_211, %broadcast_in_dim3A_195 : vector<16xi32>
        %sub3A_213 = arith.subi %sub3A_212, %sub3A_206 : vector<16xi32>
        %or3A_214 = arith.ori %sub3A_210, %sub3A_213 : vector<16xi32>
        %shift_right_logical3A_215 = arith.constant 31 : i32
        %shift_right_logical3A_216 = vector.broadcast %shift_right_logical3A_215 : i32 to vector<16xi32>
        %shift_right_logical3A_217 = arith.shrui %or3A_214, %shift_right_logical3A_216 : vector<16xi32>
        %sub3A_218 = arith.subi %broadcast_in_dim3A_195, %shift_right_logical3A_217 : vector<16xi32>
        %mul3A_219 = arith.muli %sub3A_201, %sub3A_218 : vector<16xi32>
        %sub3A_220 = arith.subi %shift_right_arithmetic3A_192, %broadcast_in_dim3A : vector<16xi32>
        %shift_left3A = arith.constant 21 : i32
        %shift_left3A_221 = vector.broadcast %shift_left3A : i32 to vector<16xi32>
        %shift_left3A_222 = arith.shli %sub3A_220, %shift_left3A_221 : vector<16xi32>
        %and3A_223 = arith.constant 127 : i32
        %and3A_224 = vector.broadcast %and3A_223 : i32 to vector<16xi32>
        %and3A_225 = arith.andi %get3A_190, %and3A_224 : vector<16xi32>
        %shift_left3A_226 = arith.constant 14 : i32
        %shift_left3A_227 = vector.broadcast %shift_left3A_226 : i32 to vector<16xi32>
        %shift_left3A_228 = arith.shli %and3A_225, %shift_left3A_227 : vector<16xi32>
        %or3A_229 = arith.ori %shift_left3A_222, %shift_left3A_228 : vector<16xi32>
        %mul3A_230 = arith.constant 16 : i32
        %mul3A_231 = arith.muli %scan3A_186, %mul3A_230 : i32
        %add3A_232 = arith.constant 2048 : i32
        %add3A_233 = arith.addi %add3A_232, %mul3A_231 : i32
        %add3A_234 = vector.broadcast %add3A_233 : i32 to vector<16xi32>
        %add3A_235 = arith.addi %iota3A, %add3A_234 : vector<16xi32>
        %or3A_236 = arith.ori %or3A_229, %add3A_235 : vector<16xi32>
        %broadcast_in_dim3A_237 = arith.constant 584 : i32
        %broadcast_in_dim3A_238 = vector.broadcast %broadcast_in_dim3A_237 : i32 to vector<16xi32>
        %sub3A_239 = arith.subi %sub3A_206, %broadcast_in_dim3A_207 : vector<16xi32>
        %mul3A_240 = arith.muli %mul3A_219, %sub3A_239 : vector<16xi32>
        %sub3A_241 = arith.subi %broadcast_in_dim3A_195, %mul3A_219 : vector<16xi32>
        %mul3A_242 = arith.muli %sub3A_241, %broadcast_in_dim3A_238 : vector<16xi32>
        %add3A_243 = arith.addi %mul3A_240, %mul3A_242 : vector<16xi32>
        tpu.vector_store_idx %arg6[%add3A_243], %or3A_236 : memref<608xi32, #tpu.memory_space<vmem>>[vector<16xi32>], vector<16xi32>,
        %slice3A = vector.extract_strided_slice %masked_cumsum3A {offsets = [15], sizes = [1], strides = [1]} : vector<16xi32> to vector<1xi32>
        %squeeze3A = vector.extract %slice3A[0] : i32 from vector<1xi32>
        %add3A_244 = arith.addi %scan3A_187, %squeeze3A : i32
        scf.yield %add3A_244 : i32
      }
      %scan3A_70 = arith.constant 128 : i32
      "tpu.region"() ({
        %run_scoped3A = tpu.sem_alloc : memref<!tpu.dma_semaphore, #tpu.memory_space<semaphore_mem>>
        %dma_start3A = arith.constant 4096 : i32
        %dma_start3A_186 = tpu.memref_slice %arg2[%dma_start3A] : memref<16384xi32, #tpu.memory_space<hbm>> -> memref<2048xi32, #tpu.memory_space<hbm>>
        %dma_start3A_187 = arith.constant 4096 : i32
        %dma_start3A_188 = tpu.memref_slice %arg2[%dma_start3A_187] : memref<16384xi32, #tpu.memory_space<hbm>> -> memref<2048xi32, #tpu.memory_space<hbm>>
        tpu.enqueue_dma source(%dma_start3A_188 : memref<2048xi32, #tpu.memory_space<hbm>>) target(%arg5 : memref<2048xi32, #tpu.memory_space<vmem>>) target_semaphore(%run_scoped3A : memref<!tpu.dma_semaphore, #tpu.memory_space<semaphore_mem>>)
        %dma_wait3A_189 = arith.constant 4096 : i32
        %dma_wait3A_190 = tpu.memref_slice %arg2[%dma_wait3A_189] : memref<16384xi32, #tpu.memory_space<hbm>> -> memref<2048xi32, #tpu.memory_space<hbm>>
        %dma_wait3A_191 = arith.constant 4096 : i32
        %dma_wait3A_192 = tpu.memref_slice %arg2[%dma_wait3A_191] : memref<16384xi32, #tpu.memory_space<hbm>> -> memref<2048xi32, #tpu.memory_space<hbm>>
        tpu.wait_dma2 semaphore(%run_scoped3A : memref<!tpu.dma_semaphore, #tpu.memory_space<semaphore_mem>>) src(%dma_wait3A_192 : memref<2048xi32, #tpu.memory_space<hbm>>) dst(%arg5 : memref<2048xi32, #tpu.memory_space<vmem>>)
        tpu.yield
      }) : () -> ()
      %scan3A_71 = arith.constant 0 : i32
      %scan3A_72 = arith.constant 128 : i32
      %scan3A_73 = arith.addi %scan3A_71, %scan3A_72 : i32
      %scan3A_74 = arith.constant 1 : i32
      %scan3A_75 = scf.for %scan3A_186 = %scan3A_71 to %scan3A_73 step %scan3A_74 iter_args(%scan3A_187 = %scan3A_69) -> (i32)  : i32 {
        %mul3A_188 = arith.constant 16 : i32
        %mul3A_189 = arith.muli %scan3A_186, %mul3A_188 : i32
        %get3A = arith.index_cast %mul3A_189 : i32 to index
        %get3A_190 = tpu.vector_load %arg5[%get3A] {strides = array<i32>} : memref<2048xi32, #tpu.memory_space<vmem>>, vector<16xi32>,
        %shift_right_arithmetic3A = arith.constant 7 : i32
        %shift_right_arithmetic3A_191 = vector.broadcast %shift_right_arithmetic3A : i32 to vector<16xi32>
        %shift_right_arithmetic3A_192 = arith.shrsi %get3A_190, %shift_right_arithmetic3A_191 : vector<16xi32>
        %broadcast_in_dim3A = vector.broadcast %select_n3A : i32 to vector<16xi32>
        %broadcast_in_dim3A_193 = vector.broadcast %select_n3A_46 : i32 to vector<16xi32>
        %broadcast_in_dim3A_194 = arith.constant 1 : i32
        %broadcast_in_dim3A_195 = vector.broadcast %broadcast_in_dim3A_194 : i32 to vector<16xi32>
        %sub3A_196 = arith.subi %shift_right_arithmetic3A_192, %broadcast_in_dim3A : vector<16xi32>
        %sub3A_197 = arith.subi %broadcast_in_dim3A_193, %broadcast_in_dim3A_195 : vector<16xi32>
        %sub3A_198 = arith.subi %sub3A_197, %shift_right_arithmetic3A_192 : vector<16xi32>
        %or3A = arith.ori %sub3A_196, %sub3A_198 : vector<16xi32>
        %shift_right_logical3A = arith.constant 31 : i32
        %shift_right_logical3A_199 = vector.broadcast %shift_right_logical3A : i32 to vector<16xi32>
        %shift_right_logical3A_200 = arith.shrui %or3A, %shift_right_logical3A_199 : vector<16xi32>
        %sub3A_201 = arith.subi %broadcast_in_dim3A_195, %shift_right_logical3A_200 : vector<16xi32>
        %broadcast_in_dim3A_202 = arith.constant true
        %broadcast_in_dim3A_203 = vector.broadcast %broadcast_in_dim3A_202 : i1 to vector<16xi1>
        %masked_cumsum3A = tpu.scan <sum>, %sub3A_201 masked %broadcast_in_dim3A_203 : vector<16xi32>, vector<16xi1> -> vector<16xi32>
        %broadcast_in_dim3A_204 = vector.broadcast %scan3A_187 : i32 to vector<16xi32>
        %add3A_205 = arith.addi %broadcast_in_dim3A_204, %masked_cumsum3A : vector<16xi32>
        %sub3A_206 = arith.subi %add3A_205, %broadcast_in_dim3A_195 : vector<16xi32>
        %broadcast_in_dim3A_207 = vector.broadcast %while3A_50 : i32 to vector<16xi32>
        %broadcast_in_dim3A_208 = arith.constant 576 : i32
        %broadcast_in_dim3A_209 = vector.broadcast %broadcast_in_dim3A_208 : i32 to vector<16xi32>
        %sub3A_210 = arith.subi %sub3A_206, %broadcast_in_dim3A_207 : vector<16xi32>
        %add3A_211 = arith.addi %broadcast_in_dim3A_207, %broadcast_in_dim3A_209 : vector<16xi32>
        %sub3A_212 = arith.subi %add3A_211, %broadcast_in_dim3A_195 : vector<16xi32>
        %sub3A_213 = arith.subi %sub3A_212, %sub3A_206 : vector<16xi32>
        %or3A_214 = arith.ori %sub3A_210, %sub3A_213 : vector<16xi32>
        %shift_right_logical3A_215 = arith.constant 31 : i32
        %shift_right_logical3A_216 = vector.broadcast %shift_right_logical3A_215 : i32 to vector<16xi32>
        %shift_right_logical3A_217 = arith.shrui %or3A_214, %shift_right_logical3A_216 : vector<16xi32>
        %sub3A_218 = arith.subi %broadcast_in_dim3A_195, %shift_right_logical3A_217 : vector<16xi32>
        %mul3A_219 = arith.muli %sub3A_201, %sub3A_218 : vector<16xi32>
        %sub3A_220 = arith.subi %shift_right_arithmetic3A_192, %broadcast_in_dim3A : vector<16xi32>
        %shift_left3A = arith.constant 21 : i32
        %shift_left3A_221 = vector.broadcast %shift_left3A : i32 to vector<16xi32>
        %shift_left3A_222 = arith.shli %sub3A_220, %shift_left3A_221 : vector<16xi32>
        %and3A_223 = arith.constant 127 : i32
        %and3A_224 = vector.broadcast %and3A_223 : i32 to vector<16xi32>
        %and3A_225 = arith.andi %get3A_190, %and3A_224 : vector<16xi32>
        %shift_left3A_226 = arith.constant 14 : i32
        %shift_left3A_227 = vector.broadcast %shift_left3A_226 : i32 to vector<16xi32>
        %shift_left3A_228 = arith.shli %and3A_225, %shift_left3A_227 : vector<16xi32>
        %or3A_229 = arith.ori %shift_left3A_222, %shift_left3A_228 : vector<16xi32>
        %mul3A_230 = arith.constant 16 : i32
        %mul3A_231 = arith.muli %scan3A_186, %mul3A_230 : i32
        %add3A_232 = arith.constant 4096 : i32
        %add3A_233 = arith.addi %add3A_232, %mul3A_231 : i32
        %add3A_234 = vector.broadcast %add3A_233 : i32 to vector<16xi32>
        %add3A_235 = arith.addi %iota3A, %add3A_234 : vector<16xi32>
        %or3A_236 = arith.ori %or3A_229, %add3A_235 : vector<16xi32>
        %broadcast_in_dim3A_237 = arith.constant 584 : i32
        %broadcast_in_dim3A_238 = vector.broadcast %broadcast_in_dim3A_237 : i32 to vector<16xi32>
        %sub3A_239 = arith.subi %sub3A_206, %broadcast_in_dim3A_207 : vector<16xi32>
        %mul3A_240 = arith.muli %mul3A_219, %sub3A_239 : vector<16xi32>
        %sub3A_241 = arith.subi %broadcast_in_dim3A_195, %mul3A_219 : vector<16xi32>
        %mul3A_242 = arith.muli %sub3A_241, %broadcast_in_dim3A_238 : vector<16xi32>
        %add3A_243 = arith.addi %mul3A_240, %mul3A_242 : vector<16xi32>
        tpu.vector_store_idx %arg6[%add3A_243], %or3A_236 : memref<608xi32, #tpu.memory_space<vmem>>[vector<16xi32>], vector<16xi32>,
        %slice3A = vector.extract_strided_slice %masked_cumsum3A {offsets = [15], sizes = [1], strides = [1]} : vector<16xi32> to vector<1xi32>
        %squeeze3A = vector.extract %slice3A[0] : i32 from vector<1xi32>
        %add3A_244 = arith.addi %scan3A_187, %squeeze3A : i32
        scf.yield %add3A_244 : i32
      }
      %scan3A_76 = arith.constant 128 : i32
      "tpu.region"() ({
        %run_scoped3A = tpu.sem_alloc : memref<!tpu.dma_semaphore, #tpu.memory_space<semaphore_mem>>
        %dma_start3A = arith.constant 6144 : i32
        %dma_start3A_186 = tpu.memref_slice %arg2[%dma_start3A] : memref<16384xi32, #tpu.memory_space<hbm>> -> memref<2048xi32, #tpu.memory_space<hbm>>
        %dma_start3A_187 = arith.constant 6144 : i32
        %dma_start3A_188 = tpu.memref_slice %arg2[%dma_start3A_187] : memref<16384xi32, #tpu.memory_space<hbm>> -> memref<2048xi32, #tpu.memory_space<hbm>>
        tpu.enqueue_dma source(%dma_start3A_188 : memref<2048xi32, #tpu.memory_space<hbm>>) target(%arg5 : memref<2048xi32, #tpu.memory_space<vmem>>) target_semaphore(%run_scoped3A : memref<!tpu.dma_semaphore, #tpu.memory_space<semaphore_mem>>)
        %dma_wait3A_189 = arith.constant 6144 : i32
        %dma_wait3A_190 = tpu.memref_slice %arg2[%dma_wait3A_189] : memref<16384xi32, #tpu.memory_space<hbm>> -> memref<2048xi32, #tpu.memory_space<hbm>>
        %dma_wait3A_191 = arith.constant 6144 : i32
        %dma_wait3A_192 = tpu.memref_slice %arg2[%dma_wait3A_191] : memref<16384xi32, #tpu.memory_space<hbm>> -> memref<2048xi32, #tpu.memory_space<hbm>>
        tpu.wait_dma2 semaphore(%run_scoped3A : memref<!tpu.dma_semaphore, #tpu.memory_space<semaphore_mem>>) src(%dma_wait3A_192 : memref<2048xi32, #tpu.memory_space<hbm>>) dst(%arg5 : memref<2048xi32, #tpu.memory_space<vmem>>)
        tpu.yield
      }) : () -> ()
      %scan3A_77 = arith.constant 0 : i32
      %scan3A_78 = arith.constant 128 : i32
      %scan3A_79 = arith.addi %scan3A_77, %scan3A_78 : i32
      %scan3A_80 = arith.constant 1 : i32
      %scan3A_81 = scf.for %scan3A_186 = %scan3A_77 to %scan3A_79 step %scan3A_80 iter_args(%scan3A_187 = %scan3A_75) -> (i32)  : i32 {
        %mul3A_188 = arith.constant 16 : i32
        %mul3A_189 = arith.muli %scan3A_186, %mul3A_188 : i32
        %get3A = arith.index_cast %mul3A_189 : i32 to index
        %get3A_190 = tpu.vector_load %arg5[%get3A] {strides = array<i32>} : memref<2048xi32, #tpu.memory_space<vmem>>, vector<16xi32>,
        %shift_right_arithmetic3A = arith.constant 7 : i32
        %shift_right_arithmetic3A_191 = vector.broadcast %shift_right_arithmetic3A : i32 to vector<16xi32>
        %shift_right_arithmetic3A_192 = arith.shrsi %get3A_190, %shift_right_arithmetic3A_191 : vector<16xi32>
        %broadcast_in_dim3A = vector.broadcast %select_n3A : i32 to vector<16xi32>
        %broadcast_in_dim3A_193 = vector.broadcast %select_n3A_46 : i32 to vector<16xi32>
        %broadcast_in_dim3A_194 = arith.constant 1 : i32
        %broadcast_in_dim3A_195 = vector.broadcast %broadcast_in_dim3A_194 : i32 to vector<16xi32>
        %sub3A_196 = arith.subi %shift_right_arithmetic3A_192, %broadcast_in_dim3A : vector<16xi32>
        %sub3A_197 = arith.subi %broadcast_in_dim3A_193, %broadcast_in_dim3A_195 : vector<16xi32>
        %sub3A_198 = arith.subi %sub3A_197, %shift_right_arithmetic3A_192 : vector<16xi32>
        %or3A = arith.ori %sub3A_196, %sub3A_198 : vector<16xi32>
        %shift_right_logical3A = arith.constant 31 : i32
        %shift_right_logical3A_199 = vector.broadcast %shift_right_logical3A : i32 to vector<16xi32>
        %shift_right_logical3A_200 = arith.shrui %or3A, %shift_right_logical3A_199 : vector<16xi32>
        %sub3A_201 = arith.subi %broadcast_in_dim3A_195, %shift_right_logical3A_200 : vector<16xi32>
        %broadcast_in_dim3A_202 = arith.constant true
        %broadcast_in_dim3A_203 = vector.broadcast %broadcast_in_dim3A_202 : i1 to vector<16xi1>
        %masked_cumsum3A = tpu.scan <sum>, %sub3A_201 masked %broadcast_in_dim3A_203 : vector<16xi32>, vector<16xi1> -> vector<16xi32>
        %broadcast_in_dim3A_204 = vector.broadcast %scan3A_187 : i32 to vector<16xi32>
        %add3A_205 = arith.addi %broadcast_in_dim3A_204, %masked_cumsum3A : vector<16xi32>
        %sub3A_206 = arith.subi %add3A_205, %broadcast_in_dim3A_195 : vector<16xi32>
        %broadcast_in_dim3A_207 = vector.broadcast %while3A_50 : i32 to vector<16xi32>
        %broadcast_in_dim3A_208 = arith.constant 576 : i32
        %broadcast_in_dim3A_209 = vector.broadcast %broadcast_in_dim3A_208 : i32 to vector<16xi32>
        %sub3A_210 = arith.subi %sub3A_206, %broadcast_in_dim3A_207 : vector<16xi32>
        %add3A_211 = arith.addi %broadcast_in_dim3A_207, %broadcast_in_dim3A_209 : vector<16xi32>
        %sub3A_212 = arith.subi %add3A_211, %broadcast_in_dim3A_195 : vector<16xi32>
        %sub3A_213 = arith.subi %sub3A_212, %sub3A_206 : vector<16xi32>
        %or3A_214 = arith.ori %sub3A_210, %sub3A_213 : vector<16xi32>
        %shift_right_logical3A_215 = arith.constant 31 : i32
        %shift_right_logical3A_216 = vector.broadcast %shift_right_logical3A_215 : i32 to vector<16xi32>
        %shift_right_logical3A_217 = arith.shrui %or3A_214, %shift_right_logical3A_216 : vector<16xi32>
        %sub3A_218 = arith.subi %broadcast_in_dim3A_195, %shift_right_logical3A_217 : vector<16xi32>
        %mul3A_219 = arith.muli %sub3A_201, %sub3A_218 : vector<16xi32>
        %sub3A_220 = arith.subi %shift_right_arithmetic3A_192, %broadcast_in_dim3A : vector<16xi32>
        %shift_left3A = arith.constant 21 : i32
        %shift_left3A_221 = vector.broadcast %shift_left3A : i32 to vector<16xi32>
        %shift_left3A_222 = arith.shli %sub3A_220, %shift_left3A_221 : vector<16xi32>
        %and3A_223 = arith.constant 127 : i32
        %and3A_224 = vector.broadcast %and3A_223 : i32 to vector<16xi32>
        %and3A_225 = arith.andi %get3A_190, %and3A_224 : vector<16xi32>
        %shift_left3A_226 = arith.constant 14 : i32
        %shift_left3A_227 = vector.broadcast %shift_left3A_226 : i32 to vector<16xi32>
        %shift_left3A_228 = arith.shli %and3A_225, %shift_left3A_227 : vector<16xi32>
        %or3A_229 = arith.ori %shift_left3A_222, %shift_left3A_228 : vector<16xi32>
        %mul3A_230 = arith.constant 16 : i32
        %mul3A_231 = arith.muli %scan3A_186, %mul3A_230 : i32
        %add3A_232 = arith.constant 6144 : i32
        %add3A_233 = arith.addi %add3A_232, %mul3A_231 : i32
        %add3A_234 = vector.broadcast %add3A_233 : i32 to vector<16xi32>
        %add3A_235 = arith.addi %iota3A, %add3A_234 : vector<16xi32>
        %or3A_236 = arith.ori %or3A_229, %add3A_235 : vector<16xi32>
        %broadcast_in_dim3A_237 = arith.constant 584 : i32
        %broadcast_in_dim3A_238 = vector.broadcast %broadcast_in_dim3A_237 : i32 to vector<16xi32>
        %sub3A_239 = arith.subi %sub3A_206, %broadcast_in_dim3A_207 : vector<16xi32>
        %mul3A_240 = arith.muli %mul3A_219, %sub3A_239 : vector<16xi32>
        %sub3A_241 = arith.subi %broadcast_in_dim3A_195, %mul3A_219 : vector<16xi32>
        %mul3A_242 = arith.muli %sub3A_241, %broadcast_in_dim3A_238 : vector<16xi32>
        %add3A_243 = arith.addi %mul3A_240, %mul3A_242 : vector<16xi32>
        tpu.vector_store_idx %arg6[%add3A_243], %or3A_236 : memref<608xi32, #tpu.memory_space<vmem>>[vector<16xi32>], vector<16xi32>,
        %slice3A = vector.extract_strided_slice %masked_cumsum3A {offsets = [15], sizes = [1], strides = [1]} : vector<16xi32> to vector<1xi32>
        %squeeze3A = vector.extract %slice3A[0] : i32 from vector<1xi32>
        %add3A_244 = arith.addi %scan3A_187, %squeeze3A : i32
        scf.yield %add3A_244 : i32
      }
      %scan3A_82 = arith.constant 128 : i32
      "tpu.region"() ({
        %run_scoped3A = tpu.sem_alloc : memref<!tpu.dma_semaphore, #tpu.memory_space<semaphore_mem>>
        %dma_start3A = arith.constant 8192 : i32
        %dma_start3A_186 = tpu.memref_slice %arg2[%dma_start3A] : memref<16384xi32, #tpu.memory_space<hbm>> -> memref<2048xi32, #tpu.memory_space<hbm>>
        %dma_start3A_187 = arith.constant 8192 : i32
        %dma_start3A_188 = tpu.memref_slice %arg2[%dma_start3A_187] : memref<16384xi32, #tpu.memory_space<hbm>> -> memref<2048xi32, #tpu.memory_space<hbm>>
        tpu.enqueue_dma source(%dma_start3A_188 : memref<2048xi32, #tpu.memory_space<hbm>>) target(%arg5 : memref<2048xi32, #tpu.memory_space<vmem>>) target_semaphore(%run_scoped3A : memref<!tpu.dma_semaphore, #tpu.memory_space<semaphore_mem>>)
        %dma_wait3A_189 = arith.constant 8192 : i32
        %dma_wait3A_190 = tpu.memref_slice %arg2[%dma_wait3A_189] : memref<16384xi32, #tpu.memory_space<hbm>> -> memref<2048xi32, #tpu.memory_space<hbm>>
        %dma_wait3A_191 = arith.constant 8192 : i32
        %dma_wait3A_192 = tpu.memref_slice %arg2[%dma_wait3A_191] : memref<16384xi32, #tpu.memory_space<hbm>> -> memref<2048xi32, #tpu.memory_space<hbm>>
        tpu.wait_dma2 semaphore(%run_scoped3A : memref<!tpu.dma_semaphore, #tpu.memory_space<semaphore_mem>>) src(%dma_wait3A_192 : memref<2048xi32, #tpu.memory_space<hbm>>) dst(%arg5 : memref<2048xi32, #tpu.memory_space<vmem>>)
        tpu.yield
      }) : () -> ()
      %scan3A_83 = arith.constant 0 : i32
      %scan3A_84 = arith.constant 128 : i32
      %scan3A_85 = arith.addi %scan3A_83, %scan3A_84 : i32
      %scan3A_86 = arith.constant 1 : i32
      %scan3A_87 = scf.for %scan3A_186 = %scan3A_83 to %scan3A_85 step %scan3A_86 iter_args(%scan3A_187 = %scan3A_81) -> (i32)  : i32 {
        %mul3A_188 = arith.constant 16 : i32
        %mul3A_189 = arith.muli %scan3A_186, %mul3A_188 : i32
        %get3A = arith.index_cast %mul3A_189 : i32 to index
        %get3A_190 = tpu.vector_load %arg5[%get3A] {strides = array<i32>} : memref<2048xi32, #tpu.memory_space<vmem>>, vector<16xi32>,
        %shift_right_arithmetic3A = arith.constant 7 : i32
        %shift_right_arithmetic3A_191 = vector.broadcast %shift_right_arithmetic3A : i32 to vector<16xi32>
        %shift_right_arithmetic3A_192 = arith.shrsi %get3A_190, %shift_right_arithmetic3A_191 : vector<16xi32>
        %broadcast_in_dim3A = vector.broadcast %select_n3A : i32 to vector<16xi32>
        %broadcast_in_dim3A_193 = vector.broadcast %select_n3A_46 : i32 to vector<16xi32>
        %broadcast_in_dim3A_194 = arith.constant 1 : i32
        %broadcast_in_dim3A_195 = vector.broadcast %broadcast_in_dim3A_194 : i32 to vector<16xi32>
        %sub3A_196 = arith.subi %shift_right_arithmetic3A_192, %broadcast_in_dim3A : vector<16xi32>
        %sub3A_197 = arith.subi %broadcast_in_dim3A_193, %broadcast_in_dim3A_195 : vector<16xi32>
        %sub3A_198 = arith.subi %sub3A_197, %shift_right_arithmetic3A_192 : vector<16xi32>
        %or3A = arith.ori %sub3A_196, %sub3A_198 : vector<16xi32>
        %shift_right_logical3A = arith.constant 31 : i32
        %shift_right_logical3A_199 = vector.broadcast %shift_right_logical3A : i32 to vector<16xi32>
        %shift_right_logical3A_200 = arith.shrui %or3A, %shift_right_logical3A_199 : vector<16xi32>
        %sub3A_201 = arith.subi %broadcast_in_dim3A_195, %shift_right_logical3A_200 : vector<16xi32>
        %broadcast_in_dim3A_202 = arith.constant true
        %broadcast_in_dim3A_203 = vector.broadcast %broadcast_in_dim3A_202 : i1 to vector<16xi1>
        %masked_cumsum3A = tpu.scan <sum>, %sub3A_201 masked %broadcast_in_dim3A_203 : vector<16xi32>, vector<16xi1> -> vector<16xi32>
        %broadcast_in_dim3A_204 = vector.broadcast %scan3A_187 : i32 to vector<16xi32>
        %add3A_205 = arith.addi %broadcast_in_dim3A_204, %masked_cumsum3A : vector<16xi32>
        %sub3A_206 = arith.subi %add3A_205, %broadcast_in_dim3A_195 : vector<16xi32>
        %broadcast_in_dim3A_207 = vector.broadcast %while3A_50 : i32 to vector<16xi32>
        %broadcast_in_dim3A_208 = arith.constant 576 : i32
        %broadcast_in_dim3A_209 = vector.broadcast %broadcast_in_dim3A_208 : i32 to vector<16xi32>
        %sub3A_210 = arith.subi %sub3A_206, %broadcast_in_dim3A_207 : vector<16xi32>
        %add3A_211 = arith.addi %broadcast_in_dim3A_207, %broadcast_in_dim3A_209 : vector<16xi32>
        %sub3A_212 = arith.subi %add3A_211, %broadcast_in_dim3A_195 : vector<16xi32>
        %sub3A_213 = arith.subi %sub3A_212, %sub3A_206 : vector<16xi32>
        %or3A_214 = arith.ori %sub3A_210, %sub3A_213 : vector<16xi32>
        %shift_right_logical3A_215 = arith.constant 31 : i32
        %shift_right_logical3A_216 = vector.broadcast %shift_right_logical3A_215 : i32 to vector<16xi32>
        %shift_right_logical3A_217 = arith.shrui %or3A_214, %shift_right_logical3A_216 : vector<16xi32>
        %sub3A_218 = arith.subi %broadcast_in_dim3A_195, %shift_right_logical3A_217 : vector<16xi32>
        %mul3A_219 = arith.muli %sub3A_201, %sub3A_218 : vector<16xi32>
        %sub3A_220 = arith.subi %shift_right_arithmetic3A_192, %broadcast_in_dim3A : vector<16xi32>
        %shift_left3A = arith.constant 21 : i32
        %shift_left3A_221 = vector.broadcast %shift_left3A : i32 to vector<16xi32>
        %shift_left3A_222 = arith.shli %sub3A_220, %shift_left3A_221 : vector<16xi32>
        %and3A_223 = arith.constant 127 : i32
        %and3A_224 = vector.broadcast %and3A_223 : i32 to vector<16xi32>
        %and3A_225 = arith.andi %get3A_190, %and3A_224 : vector<16xi32>
        %shift_left3A_226 = arith.constant 14 : i32
        %shift_left3A_227 = vector.broadcast %shift_left3A_226 : i32 to vector<16xi32>
        %shift_left3A_228 = arith.shli %and3A_225, %shift_left3A_227 : vector<16xi32>
        %or3A_229 = arith.ori %shift_left3A_222, %shift_left3A_228 : vector<16xi32>
        %mul3A_230 = arith.constant 16 : i32
        %mul3A_231 = arith.muli %scan3A_186, %mul3A_230 : i32
        %add3A_232 = arith.constant 8192 : i32
        %add3A_233 = arith.addi %add3A_232, %mul3A_231 : i32
        %add3A_234 = vector.broadcast %add3A_233 : i32 to vector<16xi32>
        %add3A_235 = arith.addi %iota3A, %add3A_234 : vector<16xi32>
        %or3A_236 = arith.ori %or3A_229, %add3A_235 : vector<16xi32>
        %broadcast_in_dim3A_237 = arith.constant 584 : i32
        %broadcast_in_dim3A_238 = vector.broadcast %broadcast_in_dim3A_237 : i32 to vector<16xi32>
        %sub3A_239 = arith.subi %sub3A_206, %broadcast_in_dim3A_207 : vector<16xi32>
        %mul3A_240 = arith.muli %mul3A_219, %sub3A_239 : vector<16xi32>
        %sub3A_241 = arith.subi %broadcast_in_dim3A_195, %mul3A_219 : vector<16xi32>
        %mul3A_242 = arith.muli %sub3A_241, %broadcast_in_dim3A_238 : vector<16xi32>
        %add3A_243 = arith.addi %mul3A_240, %mul3A_242 : vector<16xi32>
        tpu.vector_store_idx %arg6[%add3A_243], %or3A_236 : memref<608xi32, #tpu.memory_space<vmem>>[vector<16xi32>], vector<16xi32>,
        %slice3A = vector.extract_strided_slice %masked_cumsum3A {offsets = [15], sizes = [1], strides = [1]} : vector<16xi32> to vector<1xi32>
        %squeeze3A = vector.extract %slice3A[0] : i32 from vector<1xi32>
        %add3A_244 = arith.addi %scan3A_187, %squeeze3A : i32
        scf.yield %add3A_244 : i32
      }
      %scan3A_88 = arith.constant 128 : i32
      "tpu.region"() ({
        %run_scoped3A = tpu.sem_alloc : memref<!tpu.dma_semaphore, #tpu.memory_space<semaphore_mem>>
        %dma_start3A = arith.constant 10240 : i32
        %dma_start3A_186 = tpu.memref_slice %arg2[%dma_start3A] : memref<16384xi32, #tpu.memory_space<hbm>> -> memref<2048xi32, #tpu.memory_space<hbm>>
        %dma_start3A_187 = arith.constant 10240 : i32
        %dma_start3A_188 = tpu.memref_slice %arg2[%dma_start3A_187] : memref<16384xi32, #tpu.memory_space<hbm>> -> memref<2048xi32, #tpu.memory_space<hbm>>
        tpu.enqueue_dma source(%dma_start3A_188 : memref<2048xi32, #tpu.memory_space<hbm>>) target(%arg5 : memref<2048xi32, #tpu.memory_space<vmem>>) target_semaphore(%run_scoped3A : memref<!tpu.dma_semaphore, #tpu.memory_space<semaphore_mem>>)
        %dma_wait3A_189 = arith.constant 10240 : i32
        %dma_wait3A_190 = tpu.memref_slice %arg2[%dma_wait3A_189] : memref<16384xi32, #tpu.memory_space<hbm>> -> memref<2048xi32, #tpu.memory_space<hbm>>
        %dma_wait3A_191 = arith.constant 10240 : i32
        %dma_wait3A_192 = tpu.memref_slice %arg2[%dma_wait3A_191] : memref<16384xi32, #tpu.memory_space<hbm>> -> memref<2048xi32, #tpu.memory_space<hbm>>
        tpu.wait_dma2 semaphore(%run_scoped3A : memref<!tpu.dma_semaphore, #tpu.memory_space<semaphore_mem>>) src(%dma_wait3A_192 : memref<2048xi32, #tpu.memory_space<hbm>>) dst(%arg5 : memref<2048xi32, #tpu.memory_space<vmem>>)
        tpu.yield
      }) : () -> ()
      %scan3A_89 = arith.constant 0 : i32
      %scan3A_90 = arith.constant 128 : i32
      %scan3A_91 = arith.addi %scan3A_89, %scan3A_90 : i32
      %scan3A_92 = arith.constant 1 : i32
      %scan3A_93 = scf.for %scan3A_186 = %scan3A_89 to %scan3A_91 step %scan3A_92 iter_args(%scan3A_187 = %scan3A_87) -> (i32)  : i32 {
        %mul3A_188 = arith.constant 16 : i32
        %mul3A_189 = arith.muli %scan3A_186, %mul3A_188 : i32
        %get3A = arith.index_cast %mul3A_189 : i32 to index
        %get3A_190 = tpu.vector_load %arg5[%get3A] {strides = array<i32>} : memref<2048xi32, #tpu.memory_space<vmem>>, vector<16xi32>,
        %shift_right_arithmetic3A = arith.constant 7 : i32
        %shift_right_arithmetic3A_191 = vector.broadcast %shift_right_arithmetic3A : i32 to vector<16xi32>
        %shift_right_arithmetic3A_192 = arith.shrsi %get3A_190, %shift_right_arithmetic3A_191 : vector<16xi32>
        %broadcast_in_dim3A = vector.broadcast %select_n3A : i32 to vector<16xi32>
        %broadcast_in_dim3A_193 = vector.broadcast %select_n3A_46 : i32 to vector<16xi32>
        %broadcast_in_dim3A_194 = arith.constant 1 : i32
        %broadcast_in_dim3A_195 = vector.broadcast %broadcast_in_dim3A_194 : i32 to vector<16xi32>
        %sub3A_196 = arith.subi %shift_right_arithmetic3A_192, %broadcast_in_dim3A : vector<16xi32>
        %sub3A_197 = arith.subi %broadcast_in_dim3A_193, %broadcast_in_dim3A_195 : vector<16xi32>
        %sub3A_198 = arith.subi %sub3A_197, %shift_right_arithmetic3A_192 : vector<16xi32>
        %or3A = arith.ori %sub3A_196, %sub3A_198 : vector<16xi32>
        %shift_right_logical3A = arith.constant 31 : i32
        %shift_right_logical3A_199 = vector.broadcast %shift_right_logical3A : i32 to vector<16xi32>
        %shift_right_logical3A_200 = arith.shrui %or3A, %shift_right_logical3A_199 : vector<16xi32>
        %sub3A_201 = arith.subi %broadcast_in_dim3A_195, %shift_right_logical3A_200 : vector<16xi32>
        %broadcast_in_dim3A_202 = arith.constant true
        %broadcast_in_dim3A_203 = vector.broadcast %broadcast_in_dim3A_202 : i1 to vector<16xi1>
        %masked_cumsum3A = tpu.scan <sum>, %sub3A_201 masked %broadcast_in_dim3A_203 : vector<16xi32>, vector<16xi1> -> vector<16xi32>
        %broadcast_in_dim3A_204 = vector.broadcast %scan3A_187 : i32 to vector<16xi32>
        %add3A_205 = arith.addi %broadcast_in_dim3A_204, %masked_cumsum3A : vector<16xi32>
        %sub3A_206 = arith.subi %add3A_205, %broadcast_in_dim3A_195 : vector<16xi32>
        %broadcast_in_dim3A_207 = vector.broadcast %while3A_50 : i32 to vector<16xi32>
        %broadcast_in_dim3A_208 = arith.constant 576 : i32
        %broadcast_in_dim3A_209 = vector.broadcast %broadcast_in_dim3A_208 : i32 to vector<16xi32>
        %sub3A_210 = arith.subi %sub3A_206, %broadcast_in_dim3A_207 : vector<16xi32>
        %add3A_211 = arith.addi %broadcast_in_dim3A_207, %broadcast_in_dim3A_209 : vector<16xi32>
        %sub3A_212 = arith.subi %add3A_211, %broadcast_in_dim3A_195 : vector<16xi32>
        %sub3A_213 = arith.subi %sub3A_212, %sub3A_206 : vector<16xi32>
        %or3A_214 = arith.ori %sub3A_210, %sub3A_213 : vector<16xi32>
        %shift_right_logical3A_215 = arith.constant 31 : i32
        %shift_right_logical3A_216 = vector.broadcast %shift_right_logical3A_215 : i32 to vector<16xi32>
        %shift_right_logical3A_217 = arith.shrui %or3A_214, %shift_right_logical3A_216 : vector<16xi32>
        %sub3A_218 = arith.subi %broadcast_in_dim3A_195, %shift_right_logical3A_217 : vector<16xi32>
        %mul3A_219 = arith.muli %sub3A_201, %sub3A_218 : vector<16xi32>
        %sub3A_220 = arith.subi %shift_right_arithmetic3A_192, %broadcast_in_dim3A : vector<16xi32>
        %shift_left3A = arith.constant 21 : i32
        %shift_left3A_221 = vector.broadcast %shift_left3A : i32 to vector<16xi32>
        %shift_left3A_222 = arith.shli %sub3A_220, %shift_left3A_221 : vector<16xi32>
        %and3A_223 = arith.constant 127 : i32
        %and3A_224 = vector.broadcast %and3A_223 : i32 to vector<16xi32>
        %and3A_225 = arith.andi %get3A_190, %and3A_224 : vector<16xi32>
        %shift_left3A_226 = arith.constant 14 : i32
        %shift_left3A_227 = vector.broadcast %shift_left3A_226 : i32 to vector<16xi32>
        %shift_left3A_228 = arith.shli %and3A_225, %shift_left3A_227 : vector<16xi32>
        %or3A_229 = arith.ori %shift_left3A_222, %shift_left3A_228 : vector<16xi32>
        %mul3A_230 = arith.constant 16 : i32
        %mul3A_231 = arith.muli %scan3A_186, %mul3A_230 : i32
        %add3A_232 = arith.constant 10240 : i32
        %add3A_233 = arith.addi %add3A_232, %mul3A_231 : i32
        %add3A_234 = vector.broadcast %add3A_233 : i32 to vector<16xi32>
        %add3A_235 = arith.addi %iota3A, %add3A_234 : vector<16xi32>
        %or3A_236 = arith.ori %or3A_229, %add3A_235 : vector<16xi32>
        %broadcast_in_dim3A_237 = arith.constant 584 : i32
        %broadcast_in_dim3A_238 = vector.broadcast %broadcast_in_dim3A_237 : i32 to vector<16xi32>
        %sub3A_239 = arith.subi %sub3A_206, %broadcast_in_dim3A_207 : vector<16xi32>
        %mul3A_240 = arith.muli %mul3A_219, %sub3A_239 : vector<16xi32>
        %sub3A_241 = arith.subi %broadcast_in_dim3A_195, %mul3A_219 : vector<16xi32>
        %mul3A_242 = arith.muli %sub3A_241, %broadcast_in_dim3A_238 : vector<16xi32>
        %add3A_243 = arith.addi %mul3A_240, %mul3A_242 : vector<16xi32>
        tpu.vector_store_idx %arg6[%add3A_243], %or3A_236 : memref<608xi32, #tpu.memory_space<vmem>>[vector<16xi32>], vector<16xi32>,
        %slice3A = vector.extract_strided_slice %masked_cumsum3A {offsets = [15], sizes = [1], strides = [1]} : vector<16xi32> to vector<1xi32>
        %squeeze3A = vector.extract %slice3A[0] : i32 from vector<1xi32>
        %add3A_244 = arith.addi %scan3A_187, %squeeze3A : i32
        scf.yield %add3A_244 : i32
      }
      %scan3A_94 = arith.constant 128 : i32
      "tpu.region"() ({
        %run_scoped3A = tpu.sem_alloc : memref<!tpu.dma_semaphore, #tpu.memory_space<semaphore_mem>>
        %dma_start3A = arith.constant 12288 : i32
        %dma_start3A_186 = tpu.memref_slice %arg2[%dma_start3A] : memref<16384xi32, #tpu.memory_space<hbm>> -> memref<2048xi32, #tpu.memory_space<hbm>>
        %dma_start3A_187 = arith.constant 12288 : i32
        %dma_start3A_188 = tpu.memref_slice %arg2[%dma_start3A_187] : memref<16384xi32, #tpu.memory_space<hbm>> -> memref<2048xi32, #tpu.memory_space<hbm>>
        tpu.enqueue_dma source(%dma_start3A_188 : memref<2048xi32, #tpu.memory_space<hbm>>) target(%arg5 : memref<2048xi32, #tpu.memory_space<vmem>>) target_semaphore(%run_scoped3A : memref<!tpu.dma_semaphore, #tpu.memory_space<semaphore_mem>>)
        %dma_wait3A_189 = arith.constant 12288 : i32
        %dma_wait3A_190 = tpu.memref_slice %arg2[%dma_wait3A_189] : memref<16384xi32, #tpu.memory_space<hbm>> -> memref<2048xi32, #tpu.memory_space<hbm>>
        %dma_wait3A_191 = arith.constant 12288 : i32
        %dma_wait3A_192 = tpu.memref_slice %arg2[%dma_wait3A_191] : memref<16384xi32, #tpu.memory_space<hbm>> -> memref<2048xi32, #tpu.memory_space<hbm>>
        tpu.wait_dma2 semaphore(%run_scoped3A : memref<!tpu.dma_semaphore, #tpu.memory_space<semaphore_mem>>) src(%dma_wait3A_192 : memref<2048xi32, #tpu.memory_space<hbm>>) dst(%arg5 : memref<2048xi32, #tpu.memory_space<vmem>>)
        tpu.yield
      }) : () -> ()
      %scan3A_95 = arith.constant 0 : i32
      %scan3A_96 = arith.constant 128 : i32
      %scan3A_97 = arith.addi %scan3A_95, %scan3A_96 : i32
      %scan3A_98 = arith.constant 1 : i32
      %scan3A_99 = scf.for %scan3A_186 = %scan3A_95 to %scan3A_97 step %scan3A_98 iter_args(%scan3A_187 = %scan3A_93) -> (i32)  : i32 {
        %mul3A_188 = arith.constant 16 : i32
        %mul3A_189 = arith.muli %scan3A_186, %mul3A_188 : i32
        %get3A = arith.index_cast %mul3A_189 : i32 to index
        %get3A_190 = tpu.vector_load %arg5[%get3A] {strides = array<i32>} : memref<2048xi32, #tpu.memory_space<vmem>>, vector<16xi32>,
        %shift_right_arithmetic3A = arith.constant 7 : i32
        %shift_right_arithmetic3A_191 = vector.broadcast %shift_right_arithmetic3A : i32 to vector<16xi32>
        %shift_right_arithmetic3A_192 = arith.shrsi %get3A_190, %shift_right_arithmetic3A_191 : vector<16xi32>
        %broadcast_in_dim3A = vector.broadcast %select_n3A : i32 to vector<16xi32>
        %broadcast_in_dim3A_193 = vector.broadcast %select_n3A_46 : i32 to vector<16xi32>
        %broadcast_in_dim3A_194 = arith.constant 1 : i32
        %broadcast_in_dim3A_195 = vector.broadcast %broadcast_in_dim3A_194 : i32 to vector<16xi32>
        %sub3A_196 = arith.subi %shift_right_arithmetic3A_192, %broadcast_in_dim3A : vector<16xi32>
        %sub3A_197 = arith.subi %broadcast_in_dim3A_193, %broadcast_in_dim3A_195 : vector<16xi32>
        %sub3A_198 = arith.subi %sub3A_197, %shift_right_arithmetic3A_192 : vector<16xi32>
        %or3A = arith.ori %sub3A_196, %sub3A_198 : vector<16xi32>
        %shift_right_logical3A = arith.constant 31 : i32
        %shift_right_logical3A_199 = vector.broadcast %shift_right_logical3A : i32 to vector<16xi32>
        %shift_right_logical3A_200 = arith.shrui %or3A, %shift_right_logical3A_199 : vector<16xi32>
        %sub3A_201 = arith.subi %broadcast_in_dim3A_195, %shift_right_logical3A_200 : vector<16xi32>
        %broadcast_in_dim3A_202 = arith.constant true
        %broadcast_in_dim3A_203 = vector.broadcast %broadcast_in_dim3A_202 : i1 to vector<16xi1>
        %masked_cumsum3A = tpu.scan <sum>, %sub3A_201 masked %broadcast_in_dim3A_203 : vector<16xi32>, vector<16xi1> -> vector<16xi32>
        %broadcast_in_dim3A_204 = vector.broadcast %scan3A_187 : i32 to vector<16xi32>
        %add3A_205 = arith.addi %broadcast_in_dim3A_204, %masked_cumsum3A : vector<16xi32>
        %sub3A_206 = arith.subi %add3A_205, %broadcast_in_dim3A_195 : vector<16xi32>
        %broadcast_in_dim3A_207 = vector.broadcast %while3A_50 : i32 to vector<16xi32>
        %broadcast_in_dim3A_208 = arith.constant 576 : i32
        %broadcast_in_dim3A_209 = vector.broadcast %broadcast_in_dim3A_208 : i32 to vector<16xi32>
        %sub3A_210 = arith.subi %sub3A_206, %broadcast_in_dim3A_207 : vector<16xi32>
        %add3A_211 = arith.addi %broadcast_in_dim3A_207, %broadcast_in_dim3A_209 : vector<16xi32>
        %sub3A_212 = arith.subi %add3A_211, %broadcast_in_dim3A_195 : vector<16xi32>
        %sub3A_213 = arith.subi %sub3A_212, %sub3A_206 : vector<16xi32>
        %or3A_214 = arith.ori %sub3A_210, %sub3A_213 : vector<16xi32>
        %shift_right_logical3A_215 = arith.constant 31 : i32
        %shift_right_logical3A_216 = vector.broadcast %shift_right_logical3A_215 : i32 to vector<16xi32>
        %shift_right_logical3A_217 = arith.shrui %or3A_214, %shift_right_logical3A_216 : vector<16xi32>
        %sub3A_218 = arith.subi %broadcast_in_dim3A_195, %shift_right_logical3A_217 : vector<16xi32>
        %mul3A_219 = arith.muli %sub3A_201, %sub3A_218 : vector<16xi32>
        %sub3A_220 = arith.subi %shift_right_arithmetic3A_192, %broadcast_in_dim3A : vector<16xi32>
        %shift_left3A = arith.constant 21 : i32
        %shift_left3A_221 = vector.broadcast %shift_left3A : i32 to vector<16xi32>
        %shift_left3A_222 = arith.shli %sub3A_220, %shift_left3A_221 : vector<16xi32>
        %and3A_223 = arith.constant 127 : i32
        %and3A_224 = vector.broadcast %and3A_223 : i32 to vector<16xi32>
        %and3A_225 = arith.andi %get3A_190, %and3A_224 : vector<16xi32>
        %shift_left3A_226 = arith.constant 14 : i32
        %shift_left3A_227 = vector.broadcast %shift_left3A_226 : i32 to vector<16xi32>
        %shift_left3A_228 = arith.shli %and3A_225, %shift_left3A_227 : vector<16xi32>
        %or3A_229 = arith.ori %shift_left3A_222, %shift_left3A_228 : vector<16xi32>
        %mul3A_230 = arith.constant 16 : i32
        %mul3A_231 = arith.muli %scan3A_186, %mul3A_230 : i32
        %add3A_232 = arith.constant 12288 : i32
        %add3A_233 = arith.addi %add3A_232, %mul3A_231 : i32
        %add3A_234 = vector.broadcast %add3A_233 : i32 to vector<16xi32>
        %add3A_235 = arith.addi %iota3A, %add3A_234 : vector<16xi32>
        %or3A_236 = arith.ori %or3A_229, %add3A_235 : vector<16xi32>
        %broadcast_in_dim3A_237 = arith.constant 584 : i32
        %broadcast_in_dim3A_238 = vector.broadcast %broadcast_in_dim3A_237 : i32 to vector<16xi32>
        %sub3A_239 = arith.subi %sub3A_206, %broadcast_in_dim3A_207 : vector<16xi32>
        %mul3A_240 = arith.muli %mul3A_219, %sub3A_239 : vector<16xi32>
        %sub3A_241 = arith.subi %broadcast_in_dim3A_195, %mul3A_219 : vector<16xi32>
        %mul3A_242 = arith.muli %sub3A_241, %broadcast_in_dim3A_238 : vector<16xi32>
        %add3A_243 = arith.addi %mul3A_240, %mul3A_242 : vector<16xi32>
        tpu.vector_store_idx %arg6[%add3A_243], %or3A_236 : memref<608xi32, #tpu.memory_space<vmem>>[vector<16xi32>], vector<16xi32>,
        %slice3A = vector.extract_strided_slice %masked_cumsum3A {offsets = [15], sizes = [1], strides = [1]} : vector<16xi32> to vector<1xi32>
        %squeeze3A = vector.extract %slice3A[0] : i32 from vector<1xi32>
        %add3A_244 = arith.addi %scan3A_187, %squeeze3A : i32
        scf.yield %add3A_244 : i32
      }
      %scan3A_100 = arith.constant 128 : i32
      "tpu.region"() ({
        %run_scoped3A = tpu.sem_alloc : memref<!tpu.dma_semaphore, #tpu.memory_space<semaphore_mem>>
        %dma_start3A = arith.constant 14336 : i32
        %dma_start3A_186 = tpu.memref_slice %arg2[%dma_start3A] : memref<16384xi32, #tpu.memory_space<hbm>> -> memref<2048xi32, #tpu.memory_space<hbm>>
        %dma_start3A_187 = arith.constant 14336 : i32
        %dma_start3A_188 = tpu.memref_slice %arg2[%dma_start3A_187] : memref<16384xi32, #tpu.memory_space<hbm>> -> memref<2048xi32, #tpu.memory_space<hbm>>
        tpu.enqueue_dma source(%dma_start3A_188 : memref<2048xi32, #tpu.memory_space<hbm>>) target(%arg5 : memref<2048xi32, #tpu.memory_space<vmem>>) target_semaphore(%run_scoped3A : memref<!tpu.dma_semaphore, #tpu.memory_space<semaphore_mem>>)
        %dma_wait3A_189 = arith.constant 14336 : i32
        %dma_wait3A_190 = tpu.memref_slice %arg2[%dma_wait3A_189] : memref<16384xi32, #tpu.memory_space<hbm>> -> memref<2048xi32, #tpu.memory_space<hbm>>
        %dma_wait3A_191 = arith.constant 14336 : i32
        %dma_wait3A_192 = tpu.memref_slice %arg2[%dma_wait3A_191] : memref<16384xi32, #tpu.memory_space<hbm>> -> memref<2048xi32, #tpu.memory_space<hbm>>
        tpu.wait_dma2 semaphore(%run_scoped3A : memref<!tpu.dma_semaphore, #tpu.memory_space<semaphore_mem>>) src(%dma_wait3A_192 : memref<2048xi32, #tpu.memory_space<hbm>>) dst(%arg5 : memref<2048xi32, #tpu.memory_space<vmem>>)
        tpu.yield
      }) : () -> ()
      %scan3A_101 = arith.constant 0 : i32
      %scan3A_102 = arith.constant 128 : i32
      %scan3A_103 = arith.addi %scan3A_101, %scan3A_102 : i32
      %scan3A_104 = arith.constant 1 : i32
      %scan3A_105 = scf.for %scan3A_186 = %scan3A_101 to %scan3A_103 step %scan3A_104 iter_args(%scan3A_187 = %scan3A_99) -> (i32)  : i32 {
        %mul3A_188 = arith.constant 16 : i32
        %mul3A_189 = arith.muli %scan3A_186, %mul3A_188 : i32
        %get3A = arith.index_cast %mul3A_189 : i32 to index
        %get3A_190 = tpu.vector_load %arg5[%get3A] {strides = array<i32>} : memref<2048xi32, #tpu.memory_space<vmem>>, vector<16xi32>,
        %shift_right_arithmetic3A = arith.constant 7 : i32
        %shift_right_arithmetic3A_191 = vector.broadcast %shift_right_arithmetic3A : i32 to vector<16xi32>
        %shift_right_arithmetic3A_192 = arith.shrsi %get3A_190, %shift_right_arithmetic3A_191 : vector<16xi32>
        %broadcast_in_dim3A = vector.broadcast %select_n3A : i32 to vector<16xi32>
        %broadcast_in_dim3A_193 = vector.broadcast %select_n3A_46 : i32 to vector<16xi32>
        %broadcast_in_dim3A_194 = arith.constant 1 : i32
        %broadcast_in_dim3A_195 = vector.broadcast %broadcast_in_dim3A_194 : i32 to vector<16xi32>
        %sub3A_196 = arith.subi %shift_right_arithmetic3A_192, %broadcast_in_dim3A : vector<16xi32>
        %sub3A_197 = arith.subi %broadcast_in_dim3A_193, %broadcast_in_dim3A_195 : vector<16xi32>
        %sub3A_198 = arith.subi %sub3A_197, %shift_right_arithmetic3A_192 : vector<16xi32>
        %or3A = arith.ori %sub3A_196, %sub3A_198 : vector<16xi32>
        %shift_right_logical3A = arith.constant 31 : i32
        %shift_right_logical3A_199 = vector.broadcast %shift_right_logical3A : i32 to vector<16xi32>
        %shift_right_logical3A_200 = arith.shrui %or3A, %shift_right_logical3A_199 : vector<16xi32>
        %sub3A_201 = arith.subi %broadcast_in_dim3A_195, %shift_right_logical3A_200 : vector<16xi32>
        %broadcast_in_dim3A_202 = arith.constant true
        %broadcast_in_dim3A_203 = vector.broadcast %broadcast_in_dim3A_202 : i1 to vector<16xi1>
        %masked_cumsum3A = tpu.scan <sum>, %sub3A_201 masked %broadcast_in_dim3A_203 : vector<16xi32>, vector<16xi1> -> vector<16xi32>
        %broadcast_in_dim3A_204 = vector.broadcast %scan3A_187 : i32 to vector<16xi32>
        %add3A_205 = arith.addi %broadcast_in_dim3A_204, %masked_cumsum3A : vector<16xi32>
        %sub3A_206 = arith.subi %add3A_205, %broadcast_in_dim3A_195 : vector<16xi32>
        %broadcast_in_dim3A_207 = vector.broadcast %while3A_50 : i32 to vector<16xi32>
        %broadcast_in_dim3A_208 = arith.constant 576 : i32
        %broadcast_in_dim3A_209 = vector.broadcast %broadcast_in_dim3A_208 : i32 to vector<16xi32>
        %sub3A_210 = arith.subi %sub3A_206, %broadcast_in_dim3A_207 : vector<16xi32>
        %add3A_211 = arith.addi %broadcast_in_dim3A_207, %broadcast_in_dim3A_209 : vector<16xi32>
        %sub3A_212 = arith.subi %add3A_211, %broadcast_in_dim3A_195 : vector<16xi32>
        %sub3A_213 = arith.subi %sub3A_212, %sub3A_206 : vector<16xi32>
        %or3A_214 = arith.ori %sub3A_210, %sub3A_213 : vector<16xi32>
        %shift_right_logical3A_215 = arith.constant 31 : i32
        %shift_right_logical3A_216 = vector.broadcast %shift_right_logical3A_215 : i32 to vector<16xi32>
        %shift_right_logical3A_217 = arith.shrui %or3A_214, %shift_right_logical3A_216 : vector<16xi32>
        %sub3A_218 = arith.subi %broadcast_in_dim3A_195, %shift_right_logical3A_217 : vector<16xi32>
        %mul3A_219 = arith.muli %sub3A_201, %sub3A_218 : vector<16xi32>
        %sub3A_220 = arith.subi %shift_right_arithmetic3A_192, %broadcast_in_dim3A : vector<16xi32>
        %shift_left3A = arith.constant 21 : i32
        %shift_left3A_221 = vector.broadcast %shift_left3A : i32 to vector<16xi32>
        %shift_left3A_222 = arith.shli %sub3A_220, %shift_left3A_221 : vector<16xi32>
        %and3A_223 = arith.constant 127 : i32
        %and3A_224 = vector.broadcast %and3A_223 : i32 to vector<16xi32>
        %and3A_225 = arith.andi %get3A_190, %and3A_224 : vector<16xi32>
        %shift_left3A_226 = arith.constant 14 : i32
        %shift_left3A_227 = vector.broadcast %shift_left3A_226 : i32 to vector<16xi32>
        %shift_left3A_228 = arith.shli %and3A_225, %shift_left3A_227 : vector<16xi32>
        %or3A_229 = arith.ori %shift_left3A_222, %shift_left3A_228 : vector<16xi32>
        %mul3A_230 = arith.constant 16 : i32
        %mul3A_231 = arith.muli %scan3A_186, %mul3A_230 : i32
        %add3A_232 = arith.constant 14336 : i32
        %add3A_233 = arith.addi %add3A_232, %mul3A_231 : i32
        %add3A_234 = vector.broadcast %add3A_233 : i32 to vector<16xi32>
        %add3A_235 = arith.addi %iota3A, %add3A_234 : vector<16xi32>
        %or3A_236 = arith.ori %or3A_229, %add3A_235 : vector<16xi32>
        %broadcast_in_dim3A_237 = arith.constant 584 : i32
        %broadcast_in_dim3A_238 = vector.broadcast %broadcast_in_dim3A_237 : i32 to vector<16xi32>
        %sub3A_239 = arith.subi %sub3A_206, %broadcast_in_dim3A_207 : vector<16xi32>
        %mul3A_240 = arith.muli %mul3A_219, %sub3A_239 : vector<16xi32>
        %sub3A_241 = arith.subi %broadcast_in_dim3A_195, %mul3A_219 : vector<16xi32>
        %mul3A_242 = arith.muli %sub3A_241, %broadcast_in_dim3A_238 : vector<16xi32>
        %add3A_243 = arith.addi %mul3A_240, %mul3A_242 : vector<16xi32>
        tpu.vector_store_idx %arg6[%add3A_243], %or3A_236 : memref<608xi32, #tpu.memory_space<vmem>>[vector<16xi32>], vector<16xi32>,
        %slice3A = vector.extract_strided_slice %masked_cumsum3A {offsets = [15], sizes = [1], strides = [1]} : vector<16xi32> to vector<1xi32>
        %squeeze3A = vector.extract %slice3A[0] : i32 from vector<1xi32>
        %add3A_244 = arith.addi %scan3A_187, %squeeze3A : i32
        scf.yield %add3A_244 : i32
      }
      %scan3A_106 = arith.constant 128 : i32
      %scan3A_107 = arith.constant 0 : i32
      %scan3A_108 = arith.constant 0 : i32
      %scan3A_109 = arith.constant 256 : i32
      %scan3A_110 = arith.addi %scan3A_108, %scan3A_109 : i32
      %scan3A_111 = arith.constant 1 : i32
      %scan3A_112 = scf.for %scan3A_186 = %scan3A_108 to %scan3A_110 step %scan3A_111 iter_args(%scan3A_187 = %scan3A_107) -> (i32)  : i32 {
        %swap3A_188 = arith.constant 0 : i32
        %swap3A_189 = arith.index_cast %scan3A_186 : i32 to index
        %swap3A_190 = memref.load %arg14[%swap3A_189] : memref<256xi32, #tpu.memory_space<smem>>
        memref.store %swap3A_188, %arg14[%swap3A_189] : memref<256xi32, #tpu.memory_space<smem>>
        %scan3A_191 = arith.constant 0 : i32
        scf.yield %scan3A_191 : i32
      }
      %scan3A_113 = arith.constant 256 : i32
      %scan3A_114 = arith.constant 0 : i32
      %scan3A_115 = arith.constant 0 : i32
      %scan3A_116 = arith.constant 36 : i32
      %scan3A_117 = arith.addi %scan3A_115, %scan3A_116 : i32
      %scan3A_118 = arith.constant 1 : i32
      %scan3A_119 = scf.for %scan3A_186 = %scan3A_115 to %scan3A_117 step %scan3A_118 iter_args(%scan3A_187 = %scan3A_114) -> (i32)  : i32 {
        %mul3A_188 = arith.constant 16 : i32
        %mul3A_189 = arith.muli %scan3A_186, %mul3A_188 : i32
        %get3A = arith.index_cast %mul3A_189 : i32 to index
        %get3A_190 = tpu.vector_load %arg6[%get3A] {strides = array<i32>} : memref<608xi32, #tpu.memory_space<vmem>>, vector<16xi32>,
        %slice3A = vector.extract_strided_slice %get3A_190 {offsets = [0], sizes = [1], strides = [1]} : vector<16xi32> to vector<1xi32>
        %squeeze3A = vector.extract %slice3A[0] : i32 from vector<1xi32>
        %shift_right_arithmetic3A = arith.constant 21 : i32
        %shift_right_arithmetic3A_191 = arith.shrsi %squeeze3A, %shift_right_arithmetic3A : i32
        %lt3A = arith.cmpi slt, %shift_right_arithmetic3A_191, %sub3A_47 : i32
        %jit3A_192 = arith.constant 255 : i32
        %select_n3A_193 = arith.select %lt3A, %shift_right_arithmetic3A_191, %jit3A_192 : i32
        %get3A_194 = arith.index_cast %select_n3A_193 : i32 to index
        %get3A_195 = memref.load %arg14[%get3A_194] : memref<256xi32, #tpu.memory_space<smem>>
        %add3A_196 = arith.constant 1 : i32
        %add3A_197 = arith.addi %get3A_195, %add3A_196 : i32
        %swap3A_198 = arith.index_cast %select_n3A_193 : i32 to index
        %swap3A_199 = memref.load %arg14[%swap3A_198] : memref<256xi32, #tpu.memory_space<smem>>
        memref.store %add3A_197, %arg14[%swap3A_198] : memref<256xi32, #tpu.memory_space<smem>>
        %slice3A_200 = vector.extract_strided_slice %get3A_190 {offsets = [1], sizes = [1], strides = [1]} : vector<16xi32> to vector<1xi32>
        %squeeze3A_201 = vector.extract %slice3A_200[0] : i32 from vector<1xi32>
        %shift_right_arithmetic3A_202 = arith.constant 21 : i32
        %shift_right_arithmetic3A_203 = arith.shrsi %squeeze3A_201, %shift_right_arithmetic3A_202 : i32
        %lt3A_204 = arith.cmpi slt, %shift_right_arithmetic3A_203, %sub3A_47 : i32
        %jit3A_205 = arith.constant 255 : i32
        %select_n3A_206 = arith.select %lt3A_204, %shift_right_arithmetic3A_203, %jit3A_205 : i32
        %get3A_207 = arith.index_cast %select_n3A_206 : i32 to index
        %get3A_208 = memref.load %arg14[%get3A_207] : memref<256xi32, #tpu.memory_space<smem>>
        %add3A_209 = arith.constant 1 : i32
        %add3A_210 = arith.addi %get3A_208, %add3A_209 : i32
        %swap3A_211 = arith.index_cast %select_n3A_206 : i32 to index
        %swap3A_212 = memref.load %arg14[%swap3A_211] : memref<256xi32, #tpu.memory_space<smem>>
        memref.store %add3A_210, %arg14[%swap3A_211] : memref<256xi32, #tpu.memory_space<smem>>
        %slice3A_213 = vector.extract_strided_slice %get3A_190 {offsets = [2], sizes = [1], strides = [1]} : vector<16xi32> to vector<1xi32>
        %squeeze3A_214 = vector.extract %slice3A_213[0] : i32 from vector<1xi32>
        %shift_right_arithmetic3A_215 = arith.constant 21 : i32
        %shift_right_arithmetic3A_216 = arith.shrsi %squeeze3A_214, %shift_right_arithmetic3A_215 : i32
        %lt3A_217 = arith.cmpi slt, %shift_right_arithmetic3A_216, %sub3A_47 : i32
        %jit3A_218 = arith.constant 255 : i32
        %select_n3A_219 = arith.select %lt3A_217, %shift_right_arithmetic3A_216, %jit3A_218 : i32
        %get3A_220 = arith.index_cast %select_n3A_219 : i32 to index
        %get3A_221 = memref.load %arg14[%get3A_220] : memref<256xi32, #tpu.memory_space<smem>>
        %add3A_222 = arith.constant 1 : i32
        %add3A_223 = arith.addi %get3A_221, %add3A_222 : i32
        %swap3A_224 = arith.index_cast %select_n3A_219 : i32 to index
        %swap3A_225 = memref.load %arg14[%swap3A_224] : memref<256xi32, #tpu.memory_space<smem>>
        memref.store %add3A_223, %arg14[%swap3A_224] : memref<256xi32, #tpu.memory_space<smem>>
        %slice3A_226 = vector.extract_strided_slice %get3A_190 {offsets = [3], sizes = [1], strides = [1]} : vector<16xi32> to vector<1xi32>
        %squeeze3A_227 = vector.extract %slice3A_226[0] : i32 from vector<1xi32>
        %shift_right_arithmetic3A_228 = arith.constant 21 : i32
        %shift_right_arithmetic3A_229 = arith.shrsi %squeeze3A_227, %shift_right_arithmetic3A_228 : i32
        %lt3A_230 = arith.cmpi slt, %shift_right_arithmetic3A_229, %sub3A_47 : i32
        %jit3A_231 = arith.constant 255 : i32
        %select_n3A_232 = arith.select %lt3A_230, %shift_right_arithmetic3A_229, %jit3A_231 : i32
        %get3A_233 = arith.index_cast %select_n3A_232 : i32 to index
        %get3A_234 = memref.load %arg14[%get3A_233] : memref<256xi32, #tpu.memory_space<smem>>
        %add3A_235 = arith.constant 1 : i32
        %add3A_236 = arith.addi %get3A_234, %add3A_235 : i32
        %swap3A_237 = arith.index_cast %select_n3A_232 : i32 to index
        %swap3A_238 = memref.load %arg14[%swap3A_237] : memref<256xi32, #tpu.memory_space<smem>>
        memref.store %add3A_236, %arg14[%swap3A_237] : memref<256xi32, #tpu.memory_space<smem>>
        %slice3A_239 = vector.extract_strided_slice %get3A_190 {offsets = [4], sizes = [1], strides = [1]} : vector<16xi32> to vector<1xi32>
        %squeeze3A_240 = vector.extract %slice3A_239[0] : i32 from vector<1xi32>
        %shift_right_arithmetic3A_241 = arith.constant 21 : i32
        %shift_right_arithmetic3A_242 = arith.shrsi %squeeze3A_240, %shift_right_arithmetic3A_241 : i32
        %lt3A_243 = arith.cmpi slt, %shift_right_arithmetic3A_242, %sub3A_47 : i32
        %jit3A_244 = arith.constant 255 : i32
        %select_n3A_245 = arith.select %lt3A_243, %shift_right_arithmetic3A_242, %jit3A_244 : i32
        %get3A_246 = arith.index_cast %select_n3A_245 : i32 to index
        %get3A_247 = memref.load %arg14[%get3A_246] : memref<256xi32, #tpu.memory_space<smem>>
        %add3A_248 = arith.constant 1 : i32
        %add3A_249 = arith.addi %get3A_247, %add3A_248 : i32
        %swap3A_250 = arith.index_cast %select_n3A_245 : i32 to index
        %swap3A_251 = memref.load %arg14[%swap3A_250] : memref<256xi32, #tpu.memory_space<smem>>
        memref.store %add3A_249, %arg14[%swap3A_250] : memref<256xi32, #tpu.memory_space<smem>>
        %slice3A_252 = vector.extract_strided_slice %get3A_190 {offsets = [5], sizes = [1], strides = [1]} : vector<16xi32> to vector<1xi32>
        %squeeze3A_253 = vector.extract %slice3A_252[0] : i32 from vector<1xi32>
        %shift_right_arithmetic3A_254 = arith.constant 21 : i32
        %shift_right_arithmetic3A_255 = arith.shrsi %squeeze3A_253, %shift_right_arithmetic3A_254 : i32
        %lt3A_256 = arith.cmpi slt, %shift_right_arithmetic3A_255, %sub3A_47 : i32
        %jit3A_257 = arith.constant 255 : i32
        %select_n3A_258 = arith.select %lt3A_256, %shift_right_arithmetic3A_255, %jit3A_257 : i32
        %get3A_259 = arith.index_cast %select_n3A_258 : i32 to index
        %get3A_260 = memref.load %arg14[%get3A_259] : memref<256xi32, #tpu.memory_space<smem>>
        %add3A_261 = arith.constant 1 : i32
        %add3A_262 = arith.addi %get3A_260, %add3A_261 : i32
        %swap3A_263 = arith.index_cast %select_n3A_258 : i32 to index
        %swap3A_264 = memref.load %arg14[%swap3A_263] : memref<256xi32, #tpu.memory_space<smem>>
        memref.store %add3A_262, %arg14[%swap3A_263] : memref<256xi32, #tpu.memory_space<smem>>
        %slice3A_265 = vector.extract_strided_slice %get3A_190 {offsets = [6], sizes = [1], strides = [1]} : vector<16xi32> to vector<1xi32>
        %squeeze3A_266 = vector.extract %slice3A_265[0] : i32 from vector<1xi32>
        %shift_right_arithmetic3A_267 = arith.constant 21 : i32
        %shift_right_arithmetic3A_268 = arith.shrsi %squeeze3A_266, %shift_right_arithmetic3A_267 : i32
        %lt3A_269 = arith.cmpi slt, %shift_right_arithmetic3A_268, %sub3A_47 : i32
        %jit3A_270 = arith.constant 255 : i32
        %select_n3A_271 = arith.select %lt3A_269, %shift_right_arithmetic3A_268, %jit3A_270 : i32
        %get3A_272 = arith.index_cast %select_n3A_271 : i32 to index
        %get3A_273 = memref.load %arg14[%get3A_272] : memref<256xi32, #tpu.memory_space<smem>>
        %add3A_274 = arith.constant 1 : i32
        %add3A_275 = arith.addi %get3A_273, %add3A_274 : i32
        %swap3A_276 = arith.index_cast %select_n3A_271 : i32 to index
        %swap3A_277 = memref.load %arg14[%swap3A_276] : memref<256xi32, #tpu.memory_space<smem>>
        memref.store %add3A_275, %arg14[%swap3A_276] : memref<256xi32, #tpu.memory_space<smem>>
        %slice3A_278 = vector.extract_strided_slice %get3A_190 {offsets = [7], sizes = [1], strides = [1]} : vector<16xi32> to vector<1xi32>
        %squeeze3A_279 = vector.extract %slice3A_278[0] : i32 from vector<1xi32>
        %shift_right_arithmetic3A_280 = arith.constant 21 : i32
        %shift_right_arithmetic3A_281 = arith.shrsi %squeeze3A_279, %shift_right_arithmetic3A_280 : i32
        %lt3A_282 = arith.cmpi slt, %shift_right_arithmetic3A_281, %sub3A_47 : i32
        %jit3A_283 = arith.constant 255 : i32
        %select_n3A_284 = arith.select %lt3A_282, %shift_right_arithmetic3A_281, %jit3A_283 : i32
        %get3A_285 = arith.index_cast %select_n3A_284 : i32 to index
        %get3A_286 = memref.load %arg14[%get3A_285] : memref<256xi32, #tpu.memory_space<smem>>
        %add3A_287 = arith.constant 1 : i32
        %add3A_288 = arith.addi %get3A_286, %add3A_287 : i32
        %swap3A_289 = arith.index_cast %select_n3A_284 : i32 to index
        %swap3A_290 = memref.load %arg14[%swap3A_289] : memref<256xi32, #tpu.memory_space<smem>>
        memref.store %add3A_288, %arg14[%swap3A_289] : memref<256xi32, #tpu.memory_space<smem>>
        %slice3A_291 = vector.extract_strided_slice %get3A_190 {offsets = [8], sizes = [1], strides = [1]} : vector<16xi32> to vector<1xi32>
        %squeeze3A_292 = vector.extract %slice3A_291[0] : i32 from vector<1xi32>
        %shift_right_arithmetic3A_293 = arith.constant 21 : i32
        %shift_right_arithmetic3A_294 = arith.shrsi %squeeze3A_292, %shift_right_arithmetic3A_293 : i32
        %lt3A_295 = arith.cmpi slt, %shift_right_arithmetic3A_294, %sub3A_47 : i32
        %jit3A_296 = arith.constant 255 : i32
        %select_n3A_297 = arith.select %lt3A_295, %shift_right_arithmetic3A_294, %jit3A_296 : i32
        %get3A_298 = arith.index_cast %select_n3A_297 : i32 to index
        %get3A_299 = memref.load %arg14[%get3A_298] : memref<256xi32, #tpu.memory_space<smem>>
        %add3A_300 = arith.constant 1 : i32
        %add3A_301 = arith.addi %get3A_299, %add3A_300 : i32
        %swap3A_302 = arith.index_cast %select_n3A_297 : i32 to index
        %swap3A_303 = memref.load %arg14[%swap3A_302] : memref<256xi32, #tpu.memory_space<smem>>
        memref.store %add3A_301, %arg14[%swap3A_302] : memref<256xi32, #tpu.memory_space<smem>>
        %slice3A_304 = vector.extract_strided_slice %get3A_190 {offsets = [9], sizes = [1], strides = [1]} : vector<16xi32> to vector<1xi32>
        %squeeze3A_305 = vector.extract %slice3A_304[0] : i32 from vector<1xi32>
        %shift_right_arithmetic3A_306 = arith.constant 21 : i32
        %shift_right_arithmetic3A_307 = arith.shrsi %squeeze3A_305, %shift_right_arithmetic3A_306 : i32
        %lt3A_308 = arith.cmpi slt, %shift_right_arithmetic3A_307, %sub3A_47 : i32
        %jit3A_309 = arith.constant 255 : i32
        %select_n3A_310 = arith.select %lt3A_308, %shift_right_arithmetic3A_307, %jit3A_309 : i32
        %get3A_311 = arith.index_cast %select_n3A_310 : i32 to index
        %get3A_312 = memref.load %arg14[%get3A_311] : memref<256xi32, #tpu.memory_space<smem>>
        %add3A_313 = arith.constant 1 : i32
        %add3A_314 = arith.addi %get3A_312, %add3A_313 : i32
        %swap3A_315 = arith.index_cast %select_n3A_310 : i32 to index
        %swap3A_316 = memref.load %arg14[%swap3A_315] : memref<256xi32, #tpu.memory_space<smem>>
        memref.store %add3A_314, %arg14[%swap3A_315] : memref<256xi32, #tpu.memory_space<smem>>
        %slice3A_317 = vector.extract_strided_slice %get3A_190 {offsets = [10], sizes = [1], strides = [1]} : vector<16xi32> to vector<1xi32>
        %squeeze3A_318 = vector.extract %slice3A_317[0] : i32 from vector<1xi32>
        %shift_right_arithmetic3A_319 = arith.constant 21 : i32
        %shift_right_arithmetic3A_320 = arith.shrsi %squeeze3A_318, %shift_right_arithmetic3A_319 : i32
        %lt3A_321 = arith.cmpi slt, %shift_right_arithmetic3A_320, %sub3A_47 : i32
        %jit3A_322 = arith.constant 255 : i32
        %select_n3A_323 = arith.select %lt3A_321, %shift_right_arithmetic3A_320, %jit3A_322 : i32
        %get3A_324 = arith.index_cast %select_n3A_323 : i32 to index
        %get3A_325 = memref.load %arg14[%get3A_324] : memref<256xi32, #tpu.memory_space<smem>>
        %add3A_326 = arith.constant 1 : i32
        %add3A_327 = arith.addi %get3A_325, %add3A_326 : i32
        %swap3A_328 = arith.index_cast %select_n3A_323 : i32 to index
        %swap3A_329 = memref.load %arg14[%swap3A_328] : memref<256xi32, #tpu.memory_space<smem>>
        memref.store %add3A_327, %arg14[%swap3A_328] : memref<256xi32, #tpu.memory_space<smem>>
        %slice3A_330 = vector.extract_strided_slice %get3A_190 {offsets = [11], sizes = [1], strides = [1]} : vector<16xi32> to vector<1xi32>
        %squeeze3A_331 = vector.extract %slice3A_330[0] : i32 from vector<1xi32>
        %shift_right_arithmetic3A_332 = arith.constant 21 : i32
        %shift_right_arithmetic3A_333 = arith.shrsi %squeeze3A_331, %shift_right_arithmetic3A_332 : i32
        %lt3A_334 = arith.cmpi slt, %shift_right_arithmetic3A_333, %sub3A_47 : i32
        %jit3A_335 = arith.constant 255 : i32
        %select_n3A_336 = arith.select %lt3A_334, %shift_right_arithmetic3A_333, %jit3A_335 : i32
        %get3A_337 = arith.index_cast %select_n3A_336 : i32 to index
        %get3A_338 = memref.load %arg14[%get3A_337] : memref<256xi32, #tpu.memory_space<smem>>
        %add3A_339 = arith.constant 1 : i32
        %add3A_340 = arith.addi %get3A_338, %add3A_339 : i32
        %swap3A_341 = arith.index_cast %select_n3A_336 : i32 to index
        %swap3A_342 = memref.load %arg14[%swap3A_341] : memref<256xi32, #tpu.memory_space<smem>>
        memref.store %add3A_340, %arg14[%swap3A_341] : memref<256xi32, #tpu.memory_space<smem>>
        %slice3A_343 = vector.extract_strided_slice %get3A_190 {offsets = [12], sizes = [1], strides = [1]} : vector<16xi32> to vector<1xi32>
        %squeeze3A_344 = vector.extract %slice3A_343[0] : i32 from vector<1xi32>
        %shift_right_arithmetic3A_345 = arith.constant 21 : i32
        %shift_right_arithmetic3A_346 = arith.shrsi %squeeze3A_344, %shift_right_arithmetic3A_345 : i32
        %lt3A_347 = arith.cmpi slt, %shift_right_arithmetic3A_346, %sub3A_47 : i32
        %jit3A_348 = arith.constant 255 : i32
        %select_n3A_349 = arith.select %lt3A_347, %shift_right_arithmetic3A_346, %jit3A_348 : i32
        %get3A_350 = arith.index_cast %select_n3A_349 : i32 to index
        %get3A_351 = memref.load %arg14[%get3A_350] : memref<256xi32, #tpu.memory_space<smem>>
        %add3A_352 = arith.constant 1 : i32
        %add3A_353 = arith.addi %get3A_351, %add3A_352 : i32
        %swap3A_354 = arith.index_cast %select_n3A_349 : i32 to index
        %swap3A_355 = memref.load %arg14[%swap3A_354] : memref<256xi32, #tpu.memory_space<smem>>
        memref.store %add3A_353, %arg14[%swap3A_354] : memref<256xi32, #tpu.memory_space<smem>>
        %slice3A_356 = vector.extract_strided_slice %get3A_190 {offsets = [13], sizes = [1], strides = [1]} : vector<16xi32> to vector<1xi32>
        %squeeze3A_357 = vector.extract %slice3A_356[0] : i32 from vector<1xi32>
        %shift_right_arithmetic3A_358 = arith.constant 21 : i32
        %shift_right_arithmetic3A_359 = arith.shrsi %squeeze3A_357, %shift_right_arithmetic3A_358 : i32
        %lt3A_360 = arith.cmpi slt, %shift_right_arithmetic3A_359, %sub3A_47 : i32
        %jit3A_361 = arith.constant 255 : i32
        %select_n3A_362 = arith.select %lt3A_360, %shift_right_arithmetic3A_359, %jit3A_361 : i32
        %get3A_363 = arith.index_cast %select_n3A_362 : i32 to index
        %get3A_364 = memref.load %arg14[%get3A_363] : memref<256xi32, #tpu.memory_space<smem>>
        %add3A_365 = arith.constant 1 : i32
        %add3A_366 = arith.addi %get3A_364, %add3A_365 : i32
        %swap3A_367 = arith.index_cast %select_n3A_362 : i32 to index
        %swap3A_368 = memref.load %arg14[%swap3A_367] : memref<256xi32, #tpu.memory_space<smem>>
        memref.store %add3A_366, %arg14[%swap3A_367] : memref<256xi32, #tpu.memory_space<smem>>
        %slice3A_369 = vector.extract_strided_slice %get3A_190 {offsets = [14], sizes = [1], strides = [1]} : vector<16xi32> to vector<1xi32>
        %squeeze3A_370 = vector.extract %slice3A_369[0] : i32 from vector<1xi32>
        %shift_right_arithmetic3A_371 = arith.constant 21 : i32
        %shift_right_arithmetic3A_372 = arith.shrsi %squeeze3A_370, %shift_right_arithmetic3A_371 : i32
        %lt3A_373 = arith.cmpi slt, %shift_right_arithmetic3A_372, %sub3A_47 : i32
        %jit3A_374 = arith.constant 255 : i32
        %select_n3A_375 = arith.select %lt3A_373, %shift_right_arithmetic3A_372, %jit3A_374 : i32
        %get3A_376 = arith.index_cast %select_n3A_375 : i32 to index
        %get3A_377 = memref.load %arg14[%get3A_376] : memref<256xi32, #tpu.memory_space<smem>>
        %add3A_378 = arith.constant 1 : i32
        %add3A_379 = arith.addi %get3A_377, %add3A_378 : i32
        %swap3A_380 = arith.index_cast %select_n3A_375 : i32 to index
        %swap3A_381 = memref.load %arg14[%swap3A_380] : memref<256xi32, #tpu.memory_space<smem>>
        memref.store %add3A_379, %arg14[%swap3A_380] : memref<256xi32, #tpu.memory_space<smem>>
        %slice3A_382 = vector.extract_strided_slice %get3A_190 {offsets = [15], sizes = [1], strides = [1]} : vector<16xi32> to vector<1xi32>
        %squeeze3A_383 = vector.extract %slice3A_382[0] : i32 from vector<1xi32>
        %shift_right_arithmetic3A_384 = arith.constant 21 : i32
        %shift_right_arithmetic3A_385 = arith.shrsi %squeeze3A_383, %shift_right_arithmetic3A_384 : i32
        %lt3A_386 = arith.cmpi slt, %shift_right_arithmetic3A_385, %sub3A_47 : i32
        %jit3A_387 = arith.constant 255 : i32
        %select_n3A_388 = arith.select %lt3A_386, %shift_right_arithmetic3A_385, %jit3A_387 : i32
        %get3A_389 = arith.index_cast %select_n3A_388 : i32 to index
        %get3A_390 = memref.load %arg14[%get3A_389] : memref<256xi32, #tpu.memory_space<smem>>
        %add3A_391 = arith.constant 1 : i32
        %add3A_392 = arith.addi %get3A_390, %add3A_391 : i32
        %swap3A_393 = arith.index_cast %select_n3A_388 : i32 to index
        %swap3A_394 = memref.load %arg14[%swap3A_393] : memref<256xi32, #tpu.memory_space<smem>>
        memref.store %add3A_392, %arg14[%swap3A_393] : memref<256xi32, #tpu.memory_space<smem>>
        %scan3A_395 = arith.constant 0 : i32
        scf.yield %scan3A_395 : i32
      }
      %scan3A_120 = arith.constant 36 : i32
      %scan3A_121 = arith.constant 0 : i32
      %scan3A_122 = arith.constant 0 : i32
      %scan3A_123 = arith.constant 0 : i32
      %scan3A_124 = arith.constant 246 : i32
      %scan3A_125 = arith.addi %scan3A_123, %scan3A_124 : i32
      %scan3A_126 = arith.constant 1 : i32
      %scan3A_127:2 = scf.for %scan3A_186 = %scan3A_123 to %scan3A_125 step %scan3A_126 iter_args(%scan3A_187 = %scan3A_121, %scan3A_188 = %scan3A_122) -> (i32, i32)  : i32 {
        %get3A = arith.index_cast %scan3A_186 : i32 to index
        %get3A_189 = memref.load %arg14[%get3A] : memref<256xi32, #tpu.memory_space<smem>>
        %lt3A = arith.cmpi slt, %scan3A_186, %sub3A_47 : i32
        %gt3A_190 = arith.constant 0 : i32
        %gt3A_191 = arith.cmpi sgt, %get3A_189, %gt3A_190 : i32
        %and3A_192 = arith.andi %lt3A, %gt3A_191 : i1
        %convert_element_type3A_193 = arith.extui %and3A_192 : i1 to i32
        %cond3A_194 = arith.constant 0 : i32
        %cond3A_195 = arith.cmpi ne, %convert_element_type3A_193, %cond3A_194 : i32
        scf.if %cond3A_195 {
          %swap3A_207 = arith.index_cast %scan3A_188 : i32 to index
          %swap3A_208 = memref.load %arg16[%swap3A_207] : memref<256xi32, #tpu.memory_space<smem>>
          memref.store %scan3A_186, %arg16[%swap3A_207] : memref<256xi32, #tpu.memory_space<smem>>
        } else {
        }
        %add3A_196 = arith.addi %scan3A_187, %get3A_189 : i32
        %select_n3A_197 = arith.select %lt3A, %add3A_196, %scan3A_187 : i32
        %gt3A_198 = arith.constant 0 : i32
        %gt3A_199 = arith.cmpi sgt, %get3A_189, %gt3A_198 : i32
        %and3A_200 = arith.andi %lt3A, %gt3A_199 : i1
        %add3A_201 = arith.constant 1 : i32
        %add3A_202 = arith.addi %scan3A_188, %add3A_201 : i32
        %select_n3A_203 = arith.select %and3A_200, %add3A_202, %scan3A_188 : i32
        %convert_element_type3A_204 = arith.extui %lt3A : i1 to i32
        %cond3A_205 = arith.constant 0 : i32
        %cond3A_206 = arith.cmpi ne, %convert_element_type3A_204, %cond3A_205 : i32
        scf.if %cond3A_206 {
          %swap3A_207 = arith.index_cast %scan3A_186 : i32 to index
          %swap3A_208 = memref.load %arg14[%swap3A_207] : memref<256xi32, #tpu.memory_space<smem>>
          memref.store %select_n3A_197, %arg14[%swap3A_207] : memref<256xi32, #tpu.memory_space<smem>>
        } else {
        }
        scf.yield %select_n3A_197, %select_n3A_203 : i32, i32
      }
      %scan3A_128 = arith.constant 246 : i32
      %swap3A = arith.constant 246 : i32
      %swap3A_129 = arith.index_cast %swap3A : i32 to index
      %swap3A_130 = memref.load %arg14[%swap3A_129] : memref<256xi32, #tpu.memory_space<smem>>
      memref.store %scan3A_127#0, %arg14[%swap3A_129] : memref<256xi32, #tpu.memory_space<smem>>
      %scan3A_131 = arith.constant 0 : i32
      %scan3A_132 = arith.constant 0 : i32
      %scan3A_133 = arith.constant 36 : i32
      %scan3A_134 = arith.addi %scan3A_132, %scan3A_133 : i32
      %scan3A_135 = arith.constant 1 : i32
      %scan3A_136 = scf.for %scan3A_186 = %scan3A_132 to %scan3A_134 step %scan3A_135 iter_args(%scan3A_187 = %scan3A_131) -> (i32)  : i32 {
        %sub3A_188 = arith.constant 35 : i32
        %sub3A_189 = arith.subi %sub3A_188, %scan3A_186 : i32
        %mul3A_190 = arith.constant 16 : i32
        %mul3A_191 = arith.muli %sub3A_189, %mul3A_190 : i32
        %get3A = arith.index_cast %mul3A_191 : i32 to index
        %get3A_192 = tpu.vector_load %arg6[%get3A] {strides = array<i32>} : memref<608xi32, #tpu.memory_space<vmem>>, vector<16xi32>,
        %slice3A = vector.extract_strided_slice %get3A_192 {offsets = [15], sizes = [1], strides = [1]} : vector<16xi32> to vector<1xi32>
        %squeeze3A = vector.extract %slice3A[0] : i32 from vector<1xi32>
        %shift_right_arithmetic3A = arith.constant 21 : i32
        %shift_right_arithmetic3A_193 = arith.shrsi %squeeze3A, %shift_right_arithmetic3A : i32
        %lt3A = arith.cmpi slt, %shift_right_arithmetic3A_193, %sub3A_47 : i32
        %convert_element_type3A_194 = arith.extui %lt3A : i1 to i32
        %cond3A_195 = arith.constant 0 : i32
        %cond3A_196 = arith.cmpi ne, %convert_element_type3A_194, %cond3A_195 : i32
        scf.if %cond3A_196 {
          %get3A_318 = arith.index_cast %shift_right_arithmetic3A_193 : i32 to index
          %get3A_319 = memref.load %arg14[%get3A_318] : memref<256xi32, #tpu.memory_space<smem>>
          %sub3A_320 = arith.constant 1 : i32
          %sub3A_321 = arith.subi %get3A_319, %sub3A_320 : i32
          %swap3A_322 = arith.index_cast %shift_right_arithmetic3A_193 : i32 to index
          %swap3A_323 = memref.load %arg14[%swap3A_322] : memref<256xi32, #tpu.memory_space<smem>>
          memref.store %sub3A_321, %arg14[%swap3A_322] : memref<256xi32, #tpu.memory_space<smem>>
          %swap3A_324 = arith.index_cast %sub3A_321 : i32 to index
          %swap3A_325 = memref.load %arg15[%swap3A_324] : memref<576xi32, #tpu.memory_space<smem>>
          memref.store %squeeze3A, %arg15[%swap3A_324] : memref<576xi32, #tpu.memory_space<smem>>
        } else {
        }
        %slice3A_197 = vector.extract_strided_slice %get3A_192 {offsets = [14], sizes = [1], strides = [1]} : vector<16xi32> to vector<1xi32>
        %squeeze3A_198 = vector.extract %slice3A_197[0] : i32 from vector<1xi32>
        %shift_right_arithmetic3A_199 = arith.constant 21 : i32
        %shift_right_arithmetic3A_200 = arith.shrsi %squeeze3A_198, %shift_right_arithmetic3A_199 : i32
        %lt3A_201 = arith.cmpi slt, %shift_right_arithmetic3A_200, %sub3A_47 : i32
        %convert_element_type3A_202 = arith.extui %lt3A_201 : i1 to i32
        %cond3A_203 = arith.constant 0 : i32
        %cond3A_204 = arith.cmpi ne, %convert_element_type3A_202, %cond3A_203 : i32
        scf.if %cond3A_204 {
          %get3A_318 = arith.index_cast %shift_right_arithmetic3A_200 : i32 to index
          %get3A_319 = memref.load %arg14[%get3A_318] : memref<256xi32, #tpu.memory_space<smem>>
          %sub3A_320 = arith.constant 1 : i32
          %sub3A_321 = arith.subi %get3A_319, %sub3A_320 : i32
          %swap3A_322 = arith.index_cast %shift_right_arithmetic3A_200 : i32 to index
          %swap3A_323 = memref.load %arg14[%swap3A_322] : memref<256xi32, #tpu.memory_space<smem>>
          memref.store %sub3A_321, %arg14[%swap3A_322] : memref<256xi32, #tpu.memory_space<smem>>
          %swap3A_324 = arith.index_cast %sub3A_321 : i32 to index
          %swap3A_325 = memref.load %arg15[%swap3A_324] : memref<576xi32, #tpu.memory_space<smem>>
          memref.store %squeeze3A_198, %arg15[%swap3A_324] : memref<576xi32, #tpu.memory_space<smem>>
        } else {
        }
        %slice3A_205 = vector.extract_strided_slice %get3A_192 {offsets = [13], sizes = [1], strides = [1]} : vector<16xi32> to vector<1xi32>
        %squeeze3A_206 = vector.extract %slice3A_205[0] : i32 from vector<1xi32>
        %shift_right_arithmetic3A_207 = arith.constant 21 : i32
        %shift_right_arithmetic3A_208 = arith.shrsi %squeeze3A_206, %shift_right_arithmetic3A_207 : i32
        %lt3A_209 = arith.cmpi slt, %shift_right_arithmetic3A_208, %sub3A_47 : i32
        %convert_element_type3A_210 = arith.extui %lt3A_209 : i1 to i32
        %cond3A_211 = arith.constant 0 : i32
        %cond3A_212 = arith.cmpi ne, %convert_element_type3A_210, %cond3A_211 : i32
        scf.if %cond3A_212 {
          %get3A_318 = arith.index_cast %shift_right_arithmetic3A_208 : i32 to index
          %get3A_319 = memref.load %arg14[%get3A_318] : memref<256xi32, #tpu.memory_space<smem>>
          %sub3A_320 = arith.constant 1 : i32
          %sub3A_321 = arith.subi %get3A_319, %sub3A_320 : i32
          %swap3A_322 = arith.index_cast %shift_right_arithmetic3A_208 : i32 to index
          %swap3A_323 = memref.load %arg14[%swap3A_322] : memref<256xi32, #tpu.memory_space<smem>>
          memref.store %sub3A_321, %arg14[%swap3A_322] : memref<256xi32, #tpu.memory_space<smem>>
          %swap3A_324 = arith.index_cast %sub3A_321 : i32 to index
          %swap3A_325 = memref.load %arg15[%swap3A_324] : memref<576xi32, #tpu.memory_space<smem>>
          memref.store %squeeze3A_206, %arg15[%swap3A_324] : memref<576xi32, #tpu.memory_space<smem>>
        } else {
        }
        %slice3A_213 = vector.extract_strided_slice %get3A_192 {offsets = [12], sizes = [1], strides = [1]} : vector<16xi32> to vector<1xi32>
        %squeeze3A_214 = vector.extract %slice3A_213[0] : i32 from vector<1xi32>
        %shift_right_arithmetic3A_215 = arith.constant 21 : i32
        %shift_right_arithmetic3A_216 = arith.shrsi %squeeze3A_214, %shift_right_arithmetic3A_215 : i32
        %lt3A_217 = arith.cmpi slt, %shift_right_arithmetic3A_216, %sub3A_47 : i32
        %convert_element_type3A_218 = arith.extui %lt3A_217 : i1 to i32
        %cond3A_219 = arith.constant 0 : i32
        %cond3A_220 = arith.cmpi ne, %convert_element_type3A_218, %cond3A_219 : i32
        scf.if %cond3A_220 {
          %get3A_318 = arith.index_cast %shift_right_arithmetic3A_216 : i32 to index
          %get3A_319 = memref.load %arg14[%get3A_318] : memref<256xi32, #tpu.memory_space<smem>>
          %sub3A_320 = arith.constant 1 : i32
          %sub3A_321 = arith.subi %get3A_319, %sub3A_320 : i32
          %swap3A_322 = arith.index_cast %shift_right_arithmetic3A_216 : i32 to index
          %swap3A_323 = memref.load %arg14[%swap3A_322] : memref<256xi32, #tpu.memory_space<smem>>
          memref.store %sub3A_321, %arg14[%swap3A_322] : memref<256xi32, #tpu.memory_space<smem>>
          %swap3A_324 = arith.index_cast %sub3A_321 : i32 to index
          %swap3A_325 = memref.load %arg15[%swap3A_324] : memref<576xi32, #tpu.memory_space<smem>>
          memref.store %squeeze3A_214, %arg15[%swap3A_324] : memref<576xi32, #tpu.memory_space<smem>>
        } else {
        }
        %slice3A_221 = vector.extract_strided_slice %get3A_192 {offsets = [11], sizes = [1], strides = [1]} : vector<16xi32> to vector<1xi32>
        %squeeze3A_222 = vector.extract %slice3A_221[0] : i32 from vector<1xi32>
        %shift_right_arithmetic3A_223 = arith.constant 21 : i32
        %shift_right_arithmetic3A_224 = arith.shrsi %squeeze3A_222, %shift_right_arithmetic3A_223 : i32
        %lt3A_225 = arith.cmpi slt, %shift_right_arithmetic3A_224, %sub3A_47 : i32
        %convert_element_type3A_226 = arith.extui %lt3A_225 : i1 to i32
        %cond3A_227 = arith.constant 0 : i32
        %cond3A_228 = arith.cmpi ne, %convert_element_type3A_226, %cond3A_227 : i32
        scf.if %cond3A_228 {
          %get3A_318 = arith.index_cast %shift_right_arithmetic3A_224 : i32 to index
          %get3A_319 = memref.load %arg14[%get3A_318] : memref<256xi32, #tpu.memory_space<smem>>
          %sub3A_320 = arith.constant 1 : i32
          %sub3A_321 = arith.subi %get3A_319, %sub3A_320 : i32
          %swap3A_322 = arith.index_cast %shift_right_arithmetic3A_224 : i32 to index
          %swap3A_323 = memref.load %arg14[%swap3A_322] : memref<256xi32, #tpu.memory_space<smem>>
          memref.store %sub3A_321, %arg14[%swap3A_322] : memref<256xi32, #tpu.memory_space<smem>>
          %swap3A_324 = arith.index_cast %sub3A_321 : i32 to index
          %swap3A_325 = memref.load %arg15[%swap3A_324] : memref<576xi32, #tpu.memory_space<smem>>
          memref.store %squeeze3A_222, %arg15[%swap3A_324] : memref<576xi32, #tpu.memory_space<smem>>
        } else {
        }
        %slice3A_229 = vector.extract_strided_slice %get3A_192 {offsets = [10], sizes = [1], strides = [1]} : vector<16xi32> to vector<1xi32>
        %squeeze3A_230 = vector.extract %slice3A_229[0] : i32 from vector<1xi32>
        %shift_right_arithmetic3A_231 = arith.constant 21 : i32
        %shift_right_arithmetic3A_232 = arith.shrsi %squeeze3A_230, %shift_right_arithmetic3A_231 : i32
        %lt3A_233 = arith.cmpi slt, %shift_right_arithmetic3A_232, %sub3A_47 : i32
        %convert_element_type3A_234 = arith.extui %lt3A_233 : i1 to i32
        %cond3A_235 = arith.constant 0 : i32
        %cond3A_236 = arith.cmpi ne, %convert_element_type3A_234, %cond3A_235 : i32
        scf.if %cond3A_236 {
          %get3A_318 = arith.index_cast %shift_right_arithmetic3A_232 : i32 to index
          %get3A_319 = memref.load %arg14[%get3A_318] : memref<256xi32, #tpu.memory_space<smem>>
          %sub3A_320 = arith.constant 1 : i32
          %sub3A_321 = arith.subi %get3A_319, %sub3A_320 : i32
          %swap3A_322 = arith.index_cast %shift_right_arithmetic3A_232 : i32 to index
          %swap3A_323 = memref.load %arg14[%swap3A_322] : memref<256xi32, #tpu.memory_space<smem>>
          memref.store %sub3A_321, %arg14[%swap3A_322] : memref<256xi32, #tpu.memory_space<smem>>
          %swap3A_324 = arith.index_cast %sub3A_321 : i32 to index
          %swap3A_325 = memref.load %arg15[%swap3A_324] : memref<576xi32, #tpu.memory_space<smem>>
          memref.store %squeeze3A_230, %arg15[%swap3A_324] : memref<576xi32, #tpu.memory_space<smem>>
        } else {
        }
        %slice3A_237 = vector.extract_strided_slice %get3A_192 {offsets = [9], sizes = [1], strides = [1]} : vector<16xi32> to vector<1xi32>
        %squeeze3A_238 = vector.extract %slice3A_237[0] : i32 from vector<1xi32>
        %shift_right_arithmetic3A_239 = arith.constant 21 : i32
        %shift_right_arithmetic3A_240 = arith.shrsi %squeeze3A_238, %shift_right_arithmetic3A_239 : i32
        %lt3A_241 = arith.cmpi slt, %shift_right_arithmetic3A_240, %sub3A_47 : i32
        %convert_element_type3A_242 = arith.extui %lt3A_241 : i1 to i32
        %cond3A_243 = arith.constant 0 : i32
        %cond3A_244 = arith.cmpi ne, %convert_element_type3A_242, %cond3A_243 : i32
        scf.if %cond3A_244 {
          %get3A_318 = arith.index_cast %shift_right_arithmetic3A_240 : i32 to index
          %get3A_319 = memref.load %arg14[%get3A_318] : memref<256xi32, #tpu.memory_space<smem>>
          %sub3A_320 = arith.constant 1 : i32
          %sub3A_321 = arith.subi %get3A_319, %sub3A_320 : i32
          %swap3A_322 = arith.index_cast %shift_right_arithmetic3A_240 : i32 to index
          %swap3A_323 = memref.load %arg14[%swap3A_322] : memref<256xi32, #tpu.memory_space<smem>>
          memref.store %sub3A_321, %arg14[%swap3A_322] : memref<256xi32, #tpu.memory_space<smem>>
          %swap3A_324 = arith.index_cast %sub3A_321 : i32 to index
          %swap3A_325 = memref.load %arg15[%swap3A_324] : memref<576xi32, #tpu.memory_space<smem>>
          memref.store %squeeze3A_238, %arg15[%swap3A_324] : memref<576xi32, #tpu.memory_space<smem>>
        } else {
        }
        %slice3A_245 = vector.extract_strided_slice %get3A_192 {offsets = [8], sizes = [1], strides = [1]} : vector<16xi32> to vector<1xi32>
        %squeeze3A_246 = vector.extract %slice3A_245[0] : i32 from vector<1xi32>
        %shift_right_arithmetic3A_247 = arith.constant 21 : i32
        %shift_right_arithmetic3A_248 = arith.shrsi %squeeze3A_246, %shift_right_arithmetic3A_247 : i32
        %lt3A_249 = arith.cmpi slt, %shift_right_arithmetic3A_248, %sub3A_47 : i32
        %convert_element_type3A_250 = arith.extui %lt3A_249 : i1 to i32
        %cond3A_251 = arith.constant 0 : i32
        %cond3A_252 = arith.cmpi ne, %convert_element_type3A_250, %cond3A_251 : i32
        scf.if %cond3A_252 {
          %get3A_318 = arith.index_cast %shift_right_arithmetic3A_248 : i32 to index
          %get3A_319 = memref.load %arg14[%get3A_318] : memref<256xi32, #tpu.memory_space<smem>>
          %sub3A_320 = arith.constant 1 : i32
          %sub3A_321 = arith.subi %get3A_319, %sub3A_320 : i32
          %swap3A_322 = arith.index_cast %shift_right_arithmetic3A_248 : i32 to index
          %swap3A_323 = memref.load %arg14[%swap3A_322] : memref<256xi32, #tpu.memory_space<smem>>
          memref.store %sub3A_321, %arg14[%swap3A_322] : memref<256xi32, #tpu.memory_space<smem>>
          %swap3A_324 = arith.index_cast %sub3A_321 : i32 to index
          %swap3A_325 = memref.load %arg15[%swap3A_324] : memref<576xi32, #tpu.memory_space<smem>>
          memref.store %squeeze3A_246, %arg15[%swap3A_324] : memref<576xi32, #tpu.memory_space<smem>>
        } else {
        }
        %slice3A_253 = vector.extract_strided_slice %get3A_192 {offsets = [7], sizes = [1], strides = [1]} : vector<16xi32> to vector<1xi32>
        %squeeze3A_254 = vector.extract %slice3A_253[0] : i32 from vector<1xi32>
        %shift_right_arithmetic3A_255 = arith.constant 21 : i32
        %shift_right_arithmetic3A_256 = arith.shrsi %squeeze3A_254, %shift_right_arithmetic3A_255 : i32
        %lt3A_257 = arith.cmpi slt, %shift_right_arithmetic3A_256, %sub3A_47 : i32
        %convert_element_type3A_258 = arith.extui %lt3A_257 : i1 to i32
        %cond3A_259 = arith.constant 0 : i32
        %cond3A_260 = arith.cmpi ne, %convert_element_type3A_258, %cond3A_259 : i32
        scf.if %cond3A_260 {
          %get3A_318 = arith.index_cast %shift_right_arithmetic3A_256 : i32 to index
          %get3A_319 = memref.load %arg14[%get3A_318] : memref<256xi32, #tpu.memory_space<smem>>
          %sub3A_320 = arith.constant 1 : i32
          %sub3A_321 = arith.subi %get3A_319, %sub3A_320 : i32
          %swap3A_322 = arith.index_cast %shift_right_arithmetic3A_256 : i32 to index
          %swap3A_323 = memref.load %arg14[%swap3A_322] : memref<256xi32, #tpu.memory_space<smem>>
          memref.store %sub3A_321, %arg14[%swap3A_322] : memref<256xi32, #tpu.memory_space<smem>>
          %swap3A_324 = arith.index_cast %sub3A_321 : i32 to index
          %swap3A_325 = memref.load %arg15[%swap3A_324] : memref<576xi32, #tpu.memory_space<smem>>
          memref.store %squeeze3A_254, %arg15[%swap3A_324] : memref<576xi32, #tpu.memory_space<smem>>
        } else {
        }
        %slice3A_261 = vector.extract_strided_slice %get3A_192 {offsets = [6], sizes = [1], strides = [1]} : vector<16xi32> to vector<1xi32>
        %squeeze3A_262 = vector.extract %slice3A_261[0] : i32 from vector<1xi32>
        %shift_right_arithmetic3A_263 = arith.constant 21 : i32
        %shift_right_arithmetic3A_264 = arith.shrsi %squeeze3A_262, %shift_right_arithmetic3A_263 : i32
        %lt3A_265 = arith.cmpi slt, %shift_right_arithmetic3A_264, %sub3A_47 : i32
        %convert_element_type3A_266 = arith.extui %lt3A_265 : i1 to i32
        %cond3A_267 = arith.constant 0 : i32
        %cond3A_268 = arith.cmpi ne, %convert_element_type3A_266, %cond3A_267 : i32
        scf.if %cond3A_268 {
          %get3A_318 = arith.index_cast %shift_right_arithmetic3A_264 : i32 to index
          %get3A_319 = memref.load %arg14[%get3A_318] : memref<256xi32, #tpu.memory_space<smem>>
          %sub3A_320 = arith.constant 1 : i32
          %sub3A_321 = arith.subi %get3A_319, %sub3A_320 : i32
          %swap3A_322 = arith.index_cast %shift_right_arithmetic3A_264 : i32 to index
          %swap3A_323 = memref.load %arg14[%swap3A_322] : memref<256xi32, #tpu.memory_space<smem>>
          memref.store %sub3A_321, %arg14[%swap3A_322] : memref<256xi32, #tpu.memory_space<smem>>
          %swap3A_324 = arith.index_cast %sub3A_321 : i32 to index
          %swap3A_325 = memref.load %arg15[%swap3A_324] : memref<576xi32, #tpu.memory_space<smem>>
          memref.store %squeeze3A_262, %arg15[%swap3A_324] : memref<576xi32, #tpu.memory_space<smem>>
        } else {
        }
        %slice3A_269 = vector.extract_strided_slice %get3A_192 {offsets = [5], sizes = [1], strides = [1]} : vector<16xi32> to vector<1xi32>
        %squeeze3A_270 = vector.extract %slice3A_269[0] : i32 from vector<1xi32>
        %shift_right_arithmetic3A_271 = arith.constant 21 : i32
        %shift_right_arithmetic3A_272 = arith.shrsi %squeeze3A_270, %shift_right_arithmetic3A_271 : i32
        %lt3A_273 = arith.cmpi slt, %shift_right_arithmetic3A_272, %sub3A_47 : i32
        %convert_element_type3A_274 = arith.extui %lt3A_273 : i1 to i32
        %cond3A_275 = arith.constant 0 : i32
        %cond3A_276 = arith.cmpi ne, %convert_element_type3A_274, %cond3A_275 : i32
        scf.if %cond3A_276 {
          %get3A_318 = arith.index_cast %shift_right_arithmetic3A_272 : i32 to index
          %get3A_319 = memref.load %arg14[%get3A_318] : memref<256xi32, #tpu.memory_space<smem>>
          %sub3A_320 = arith.constant 1 : i32
          %sub3A_321 = arith.subi %get3A_319, %sub3A_320 : i32
          %swap3A_322 = arith.index_cast %shift_right_arithmetic3A_272 : i32 to index
          %swap3A_323 = memref.load %arg14[%swap3A_322] : memref<256xi32, #tpu.memory_space<smem>>
          memref.store %sub3A_321, %arg14[%swap3A_322] : memref<256xi32, #tpu.memory_space<smem>>
          %swap3A_324 = arith.index_cast %sub3A_321 : i32 to index
          %swap3A_325 = memref.load %arg15[%swap3A_324] : memref<576xi32, #tpu.memory_space<smem>>
          memref.store %squeeze3A_270, %arg15[%swap3A_324] : memref<576xi32, #tpu.memory_space<smem>>
        } else {
        }
        %slice3A_277 = vector.extract_strided_slice %get3A_192 {offsets = [4], sizes = [1], strides = [1]} : vector<16xi32> to vector<1xi32>
        %squeeze3A_278 = vector.extract %slice3A_277[0] : i32 from vector<1xi32>
        %shift_right_arithmetic3A_279 = arith.constant 21 : i32
        %shift_right_arithmetic3A_280 = arith.shrsi %squeeze3A_278, %shift_right_arithmetic3A_279 : i32
        %lt3A_281 = arith.cmpi slt, %shift_right_arithmetic3A_280, %sub3A_47 : i32
        %convert_element_type3A_282 = arith.extui %lt3A_281 : i1 to i32
        %cond3A_283 = arith.constant 0 : i32
        %cond3A_284 = arith.cmpi ne, %convert_element_type3A_282, %cond3A_283 : i32
        scf.if %cond3A_284 {
          %get3A_318 = arith.index_cast %shift_right_arithmetic3A_280 : i32 to index
          %get3A_319 = memref.load %arg14[%get3A_318] : memref<256xi32, #tpu.memory_space<smem>>
          %sub3A_320 = arith.constant 1 : i32
          %sub3A_321 = arith.subi %get3A_319, %sub3A_320 : i32
          %swap3A_322 = arith.index_cast %shift_right_arithmetic3A_280 : i32 to index
          %swap3A_323 = memref.load %arg14[%swap3A_322] : memref<256xi32, #tpu.memory_space<smem>>
          memref.store %sub3A_321, %arg14[%swap3A_322] : memref<256xi32, #tpu.memory_space<smem>>
          %swap3A_324 = arith.index_cast %sub3A_321 : i32 to index
          %swap3A_325 = memref.load %arg15[%swap3A_324] : memref<576xi32, #tpu.memory_space<smem>>
          memref.store %squeeze3A_278, %arg15[%swap3A_324] : memref<576xi32, #tpu.memory_space<smem>>
        } else {
        }
        %slice3A_285 = vector.extract_strided_slice %get3A_192 {offsets = [3], sizes = [1], strides = [1]} : vector<16xi32> to vector<1xi32>
        %squeeze3A_286 = vector.extract %slice3A_285[0] : i32 from vector<1xi32>
        %shift_right_arithmetic3A_287 = arith.constant 21 : i32
        %shift_right_arithmetic3A_288 = arith.shrsi %squeeze3A_286, %shift_right_arithmetic3A_287 : i32
        %lt3A_289 = arith.cmpi slt, %shift_right_arithmetic3A_288, %sub3A_47 : i32
        %convert_element_type3A_290 = arith.extui %lt3A_289 : i1 to i32
        %cond3A_291 = arith.constant 0 : i32
        %cond3A_292 = arith.cmpi ne, %convert_element_type3A_290, %cond3A_291 : i32
        scf.if %cond3A_292 {
          %get3A_318 = arith.index_cast %shift_right_arithmetic3A_288 : i32 to index
          %get3A_319 = memref.load %arg14[%get3A_318] : memref<256xi32, #tpu.memory_space<smem>>
          %sub3A_320 = arith.constant 1 : i32
          %sub3A_321 = arith.subi %get3A_319, %sub3A_320 : i32
          %swap3A_322 = arith.index_cast %shift_right_arithmetic3A_288 : i32 to index
          %swap3A_323 = memref.load %arg14[%swap3A_322] : memref<256xi32, #tpu.memory_space<smem>>
          memref.store %sub3A_321, %arg14[%swap3A_322] : memref<256xi32, #tpu.memory_space<smem>>
          %swap3A_324 = arith.index_cast %sub3A_321 : i32 to index
          %swap3A_325 = memref.load %arg15[%swap3A_324] : memref<576xi32, #tpu.memory_space<smem>>
          memref.store %squeeze3A_286, %arg15[%swap3A_324] : memref<576xi32, #tpu.memory_space<smem>>
        } else {
        }
        %slice3A_293 = vector.extract_strided_slice %get3A_192 {offsets = [2], sizes = [1], strides = [1]} : vector<16xi32> to vector<1xi32>
        %squeeze3A_294 = vector.extract %slice3A_293[0] : i32 from vector<1xi32>
        %shift_right_arithmetic3A_295 = arith.constant 21 : i32
        %shift_right_arithmetic3A_296 = arith.shrsi %squeeze3A_294, %shift_right_arithmetic3A_295 : i32
        %lt3A_297 = arith.cmpi slt, %shift_right_arithmetic3A_296, %sub3A_47 : i32
        %convert_element_type3A_298 = arith.extui %lt3A_297 : i1 to i32
        %cond3A_299 = arith.constant 0 : i32
        %cond3A_300 = arith.cmpi ne, %convert_element_type3A_298, %cond3A_299 : i32
        scf.if %cond3A_300 {
          %get3A_318 = arith.index_cast %shift_right_arithmetic3A_296 : i32 to index
          %get3A_319 = memref.load %arg14[%get3A_318] : memref<256xi32, #tpu.memory_space<smem>>
          %sub3A_320 = arith.constant 1 : i32
          %sub3A_321 = arith.subi %get3A_319, %sub3A_320 : i32
          %swap3A_322 = arith.index_cast %shift_right_arithmetic3A_296 : i32 to index
          %swap3A_323 = memref.load %arg14[%swap3A_322] : memref<256xi32, #tpu.memory_space<smem>>
          memref.store %sub3A_321, %arg14[%swap3A_322] : memref<256xi32, #tpu.memory_space<smem>>
          %swap3A_324 = arith.index_cast %sub3A_321 : i32 to index
          %swap3A_325 = memref.load %arg15[%swap3A_324] : memref<576xi32, #tpu.memory_space<smem>>
          memref.store %squeeze3A_294, %arg15[%swap3A_324] : memref<576xi32, #tpu.memory_space<smem>>
        } else {
        }
        %slice3A_301 = vector.extract_strided_slice %get3A_192 {offsets = [1], sizes = [1], strides = [1]} : vector<16xi32> to vector<1xi32>
        %squeeze3A_302 = vector.extract %slice3A_301[0] : i32 from vector<1xi32>
        %shift_right_arithmetic3A_303 = arith.constant 21 : i32
        %shift_right_arithmetic3A_304 = arith.shrsi %squeeze3A_302, %shift_right_arithmetic3A_303 : i32
        %lt3A_305 = arith.cmpi slt, %shift_right_arithmetic3A_304, %sub3A_47 : i32
        %convert_element_type3A_306 = arith.extui %lt3A_305 : i1 to i32
        %cond3A_307 = arith.constant 0 : i32
        %cond3A_308 = arith.cmpi ne, %convert_element_type3A_306, %cond3A_307 : i32
        scf.if %cond3A_308 {
          %get3A_318 = arith.index_cast %shift_right_arithmetic3A_304 : i32 to index
          %get3A_319 = memref.load %arg14[%get3A_318] : memref<256xi32, #tpu.memory_space<smem>>
          %sub3A_320 = arith.constant 1 : i32
          %sub3A_321 = arith.subi %get3A_319, %sub3A_320 : i32
          %swap3A_322 = arith.index_cast %shift_right_arithmetic3A_304 : i32 to index
          %swap3A_323 = memref.load %arg14[%swap3A_322] : memref<256xi32, #tpu.memory_space<smem>>
          memref.store %sub3A_321, %arg14[%swap3A_322] : memref<256xi32, #tpu.memory_space<smem>>
          %swap3A_324 = arith.index_cast %sub3A_321 : i32 to index
          %swap3A_325 = memref.load %arg15[%swap3A_324] : memref<576xi32, #tpu.memory_space<smem>>
          memref.store %squeeze3A_302, %arg15[%swap3A_324] : memref<576xi32, #tpu.memory_space<smem>>
        } else {
        }
        %slice3A_309 = vector.extract_strided_slice %get3A_192 {offsets = [0], sizes = [1], strides = [1]} : vector<16xi32> to vector<1xi32>
        %squeeze3A_310 = vector.extract %slice3A_309[0] : i32 from vector<1xi32>
        %shift_right_arithmetic3A_311 = arith.constant 21 : i32
        %shift_right_arithmetic3A_312 = arith.shrsi %squeeze3A_310, %shift_right_arithmetic3A_311 : i32
        %lt3A_313 = arith.cmpi slt, %shift_right_arithmetic3A_312, %sub3A_47 : i32
        %convert_element_type3A_314 = arith.extui %lt3A_313 : i1 to i32
        %cond3A_315 = arith.constant 0 : i32
        %cond3A_316 = arith.cmpi ne, %convert_element_type3A_314, %cond3A_315 : i32
        scf.if %cond3A_316 {
          %get3A_318 = arith.index_cast %shift_right_arithmetic3A_312 : i32 to index
          %get3A_319 = memref.load %arg14[%get3A_318] : memref<256xi32, #tpu.memory_space<smem>>
          %sub3A_320 = arith.constant 1 : i32
          %sub3A_321 = arith.subi %get3A_319, %sub3A_320 : i32
          %swap3A_322 = arith.index_cast %shift_right_arithmetic3A_312 : i32 to index
          %swap3A_323 = memref.load %arg14[%swap3A_322] : memref<256xi32, #tpu.memory_space<smem>>
          memref.store %sub3A_321, %arg14[%swap3A_322] : memref<256xi32, #tpu.memory_space<smem>>
          %swap3A_324 = arith.index_cast %sub3A_321 : i32 to index
          %swap3A_325 = memref.load %arg15[%swap3A_324] : memref<576xi32, #tpu.memory_space<smem>>
          memref.store %squeeze3A_310, %arg15[%swap3A_324] : memref<576xi32, #tpu.memory_space<smem>>
        } else {
        }
        %scan3A_317 = arith.constant 0 : i32
        scf.yield %scan3A_317 : i32
      }
      %scan3A_137 = arith.constant 36 : i32
      %gt3A = arith.constant 0 : i32
      %gt3A_138 = arith.cmpi sgt, %scan3A_127#1, %gt3A : i32
      %convert_element_type3A = arith.extui %gt3A_138 : i1 to i32
      %cond3A = arith.constant 0 : i32
      %cond3A_139 = arith.cmpi ne, %convert_element_type3A, %cond3A : i32
      scf.if %cond3A_139 {
        %get3A = arith.constant 0 : i32
        %get3A_186 = arith.index_cast %get3A : i32 to index
        %get3A_187 = memref.load %arg16[%get3A_186] : memref<256xi32, #tpu.memory_space<smem>>
        %add3A_188 = arith.addi %select_n3A, %get3A_187 : i32
        %mul3A_189 = arith.constant 128 : i32
        %mul3A_190 = arith.muli %add3A_188, %mul3A_189 : i32
        %dma_start3A = arith.constant 0 : i32
        %dma_start3A_191 = tpu.memref_slice %arg3[%dma_start3A, %mul3A_190] : memref<64x1000000xf32, #tpu.memory_space<hbm>> -> memref<64x128xf32, #tpu.memory_space<hbm>>
        %dma_start3A_192 = arith.constant 0 : i32
        %dma_start3A_193 = tpu.memref_slice %arg3[%dma_start3A_192, %mul3A_190] : memref<64x1000000xf32, #tpu.memory_space<hbm>> -> memref<64x128xf32, #tpu.memory_space<hbm>>
        tpu.enqueue_dma source(%dma_start3A_193 : memref<64x128xf32, #tpu.memory_space<hbm>>) target(%arg7 : memref<64x128xf32, #tpu.memory_space<vmem>>) target_semaphore(%arg17 : memref<!tpu.dma_semaphore, #tpu.memory_space<semaphore_mem>>)
      } else {
      }
      %gt3A_140 = arith.constant 1 : i32
      %gt3A_141 = arith.cmpi sgt, %scan3A_127#1, %gt3A_140 : i32
      %convert_element_type3A_142 = arith.extui %gt3A_141 : i1 to i32
      %cond3A_143 = arith.constant 0 : i32
      %cond3A_144 = arith.cmpi ne, %convert_element_type3A_142, %cond3A_143 : i32
      scf.if %cond3A_144 {
        %get3A = arith.constant 1 : i32
        %get3A_186 = arith.index_cast %get3A : i32 to index
        %get3A_187 = memref.load %arg16[%get3A_186] : memref<256xi32, #tpu.memory_space<smem>>
        %add3A_188 = arith.addi %select_n3A, %get3A_187 : i32
        %mul3A_189 = arith.constant 128 : i32
        %mul3A_190 = arith.muli %add3A_188, %mul3A_189 : i32
        %dma_start3A = arith.constant 0 : i32
        %dma_start3A_191 = tpu.memref_slice %arg3[%dma_start3A, %mul3A_190] : memref<64x1000000xf32, #tpu.memory_space<hbm>> -> memref<64x128xf32, #tpu.memory_space<hbm>>
        %dma_start3A_192 = arith.constant 0 : i32
        %dma_start3A_193 = tpu.memref_slice %arg3[%dma_start3A_192, %mul3A_190] : memref<64x1000000xf32, #tpu.memory_space<hbm>> -> memref<64x128xf32, #tpu.memory_space<hbm>>
        tpu.enqueue_dma source(%dma_start3A_193 : memref<64x128xf32, #tpu.memory_space<hbm>>) target(%arg8 : memref<64x128xf32, #tpu.memory_space<vmem>>) target_semaphore(%arg18 : memref<!tpu.dma_semaphore, #tpu.memory_space<semaphore_mem>>)
      } else {
      }
      %gt3A_145 = arith.constant 2 : i32
      %gt3A_146 = arith.cmpi sgt, %scan3A_127#1, %gt3A_145 : i32
      %convert_element_type3A_147 = arith.extui %gt3A_146 : i1 to i32
      %cond3A_148 = arith.constant 0 : i32
      %cond3A_149 = arith.cmpi ne, %convert_element_type3A_147, %cond3A_148 : i32
      scf.if %cond3A_149 {
        %get3A = arith.constant 2 : i32
        %get3A_186 = arith.index_cast %get3A : i32 to index
        %get3A_187 = memref.load %arg16[%get3A_186] : memref<256xi32, #tpu.memory_space<smem>>
        %add3A_188 = arith.addi %select_n3A, %get3A_187 : i32
        %mul3A_189 = arith.constant 128 : i32
        %mul3A_190 = arith.muli %add3A_188, %mul3A_189 : i32
        %dma_start3A = arith.constant 0 : i32
        %dma_start3A_191 = tpu.memref_slice %arg3[%dma_start3A, %mul3A_190] : memref<64x1000000xf32, #tpu.memory_space<hbm>> -> memref<64x128xf32, #tpu.memory_space<hbm>>
        %dma_start3A_192 = arith.constant 0 : i32
        %dma_start3A_193 = tpu.memref_slice %arg3[%dma_start3A_192, %mul3A_190] : memref<64x1000000xf32, #tpu.memory_space<hbm>> -> memref<64x128xf32, #tpu.memory_space<hbm>>
        tpu.enqueue_dma source(%dma_start3A_193 : memref<64x128xf32, #tpu.memory_space<hbm>>) target(%arg9 : memref<64x128xf32, #tpu.memory_space<vmem>>) target_semaphore(%arg19 : memref<!tpu.dma_semaphore, #tpu.memory_space<semaphore_mem>>)
      } else {
      }
      %gt3A_150 = arith.constant 3 : i32
      %gt3A_151 = arith.cmpi sgt, %scan3A_127#1, %gt3A_150 : i32
      %convert_element_type3A_152 = arith.extui %gt3A_151 : i1 to i32
      %cond3A_153 = arith.constant 0 : i32
      %cond3A_154 = arith.cmpi ne, %convert_element_type3A_152, %cond3A_153 : i32
      scf.if %cond3A_154 {
        %get3A = arith.constant 3 : i32
        %get3A_186 = arith.index_cast %get3A : i32 to index
        %get3A_187 = memref.load %arg16[%get3A_186] : memref<256xi32, #tpu.memory_space<smem>>
        %add3A_188 = arith.addi %select_n3A, %get3A_187 : i32
        %mul3A_189 = arith.constant 128 : i32
        %mul3A_190 = arith.muli %add3A_188, %mul3A_189 : i32
        %dma_start3A = arith.constant 0 : i32
        %dma_start3A_191 = tpu.memref_slice %arg3[%dma_start3A, %mul3A_190] : memref<64x1000000xf32, #tpu.memory_space<hbm>> -> memref<64x128xf32, #tpu.memory_space<hbm>>
        %dma_start3A_192 = arith.constant 0 : i32
        %dma_start3A_193 = tpu.memref_slice %arg3[%dma_start3A_192, %mul3A_190] : memref<64x1000000xf32, #tpu.memory_space<hbm>> -> memref<64x128xf32, #tpu.memory_space<hbm>>
        tpu.enqueue_dma source(%dma_start3A_193 : memref<64x128xf32, #tpu.memory_space<hbm>>) target(%arg10 : memref<64x128xf32, #tpu.memory_space<vmem>>) target_semaphore(%arg20 : memref<!tpu.dma_semaphore, #tpu.memory_space<semaphore_mem>>)
      } else {
      }
      %gt3A_155 = arith.constant 4 : i32
      %gt3A_156 = arith.cmpi sgt, %scan3A_127#1, %gt3A_155 : i32
      %convert_element_type3A_157 = arith.extui %gt3A_156 : i1 to i32
      %cond3A_158 = arith.constant 0 : i32
      %cond3A_159 = arith.cmpi ne, %convert_element_type3A_157, %cond3A_158 : i32
      scf.if %cond3A_159 {
        %get3A = arith.constant 4 : i32
        %get3A_186 = arith.index_cast %get3A : i32 to index
        %get3A_187 = memref.load %arg16[%get3A_186] : memref<256xi32, #tpu.memory_space<smem>>
        %add3A_188 = arith.addi %select_n3A, %get3A_187 : i32
        %mul3A_189 = arith.constant 128 : i32
        %mul3A_190 = arith.muli %add3A_188, %mul3A_189 : i32
        %dma_start3A = arith.constant 0 : i32
        %dma_start3A_191 = tpu.memref_slice %arg3[%dma_start3A, %mul3A_190] : memref<64x1000000xf32, #tpu.memory_space<hbm>> -> memref<64x128xf32, #tpu.memory_space<hbm>>
        %dma_start3A_192 = arith.constant 0 : i32
        %dma_start3A_193 = tpu.memref_slice %arg3[%dma_start3A_192, %mul3A_190] : memref<64x1000000xf32, #tpu.memory_space<hbm>> -> memref<64x128xf32, #tpu.memory_space<hbm>>
        tpu.enqueue_dma source(%dma_start3A_193 : memref<64x128xf32, #tpu.memory_space<hbm>>) target(%arg11 : memref<64x128xf32, #tpu.memory_space<vmem>>) target_semaphore(%arg21 : memref<!tpu.dma_semaphore, #tpu.memory_space<semaphore_mem>>)
      } else {
      }
      %gt3A_160 = arith.constant 5 : i32
      %gt3A_161 = arith.cmpi sgt, %scan3A_127#1, %gt3A_160 : i32
      %convert_element_type3A_162 = arith.extui %gt3A_161 : i1 to i32
      %cond3A_163 = arith.constant 0 : i32
      %cond3A_164 = arith.cmpi ne, %convert_element_type3A_162, %cond3A_163 : i32
      scf.if %cond3A_164 {
        %get3A = arith.constant 5 : i32
        %get3A_186 = arith.index_cast %get3A : i32 to index
        %get3A_187 = memref.load %arg16[%get3A_186] : memref<256xi32, #tpu.memory_space<smem>>
        %add3A_188 = arith.addi %select_n3A, %get3A_187 : i32
        %mul3A_189 = arith.constant 128 : i32
        %mul3A_190 = arith.muli %add3A_188, %mul3A_189 : i32
        %dma_start3A = arith.constant 0 : i32
        %dma_start3A_191 = tpu.memref_slice %arg3[%dma_start3A, %mul3A_190] : memref<64x1000000xf32, #tpu.memory_space<hbm>> -> memref<64x128xf32, #tpu.memory_space<hbm>>
        %dma_start3A_192 = arith.constant 0 : i32
        %dma_start3A_193 = tpu.memref_slice %arg3[%dma_start3A_192, %mul3A_190] : memref<64x1000000xf32, #tpu.memory_space<hbm>> -> memref<64x128xf32, #tpu.memory_space<hbm>>
        tpu.enqueue_dma source(%dma_start3A_193 : memref<64x128xf32, #tpu.memory_space<hbm>>) target(%arg12 : memref<64x128xf32, #tpu.memory_space<vmem>>) target_semaphore(%arg22 : memref<!tpu.dma_semaphore, #tpu.memory_space<semaphore_mem>>)
      } else {
      }
      %scan3A_165 = arith.constant 0 : i32
      %scan3A_166 = arith.constant 0 : i32
      %scan3A_167 = arith.constant 41 : i32
      %scan3A_168 = arith.addi %scan3A_166, %scan3A_167 : i32
      %scan3A_169 = arith.constant 1 : i32
      %scan3A_170 = scf.for %scan3A_186 = %scan3A_166 to %scan3A_168 step %scan3A_169 iter_args(%scan3A_187 = %scan3A_165) -> (i32)  : i32 {
        %mul3A_188 = arith.constant 6 : i32
        %mul3A_189 = arith.muli %mul3A_188, %scan3A_186 : i32
        %add3A_190 = arith.constant 0 : i32
        %add3A_191 = arith.addi %mul3A_189, %add3A_190 : i32
        %lt3A = arith.cmpi slt, %add3A_191, %scan3A_127#1 : i32
        %convert_element_type3A_192 = arith.extui %lt3A : i1 to i32
        %cond3A_193 = arith.constant 0 : i32
        %cond3A_194 = arith.cmpi ne, %convert_element_type3A_192, %cond3A_193 : i32
        scf.if %cond3A_194 {
          %dma_wait3A_236 = arith.constant 0 : i32
          %dma_wait3A_237 = arith.constant 0 : i32
          %dma_wait3A_238 = tpu.memref_slice %arg3[%dma_wait3A_236, %dma_wait3A_237] : memref<64x1000000xf32, #tpu.memory_space<hbm>> -> memref<64x128xf32, #tpu.memory_space<hbm>>
          %dma_wait3A_239 = arith.constant 0 : i32
          %dma_wait3A_240 = arith.constant 0 : i32
          %dma_wait3A_241 = tpu.memref_slice %arg3[%dma_wait3A_239, %dma_wait3A_240] : memref<64x1000000xf32, #tpu.memory_space<hbm>> -> memref<64x128xf32, #tpu.memory_space<hbm>>
          tpu.wait_dma2 semaphore(%arg17 : memref<!tpu.dma_semaphore, #tpu.memory_space<semaphore_mem>>) src(%dma_wait3A_241 : memref<64x128xf32, #tpu.memory_space<hbm>>) dst(%arg7 : memref<64x128xf32, #tpu.memory_space<vmem>>)
          %get3A = arith.index_cast %add3A_191 : i32 to index
          %get3A_242 = memref.load %arg16[%get3A] : memref<256xi32, #tpu.memory_space<smem>>
          %get3A_243 = arith.index_cast %get3A_242 : i32 to index
          %get3A_244 = memref.load %arg14[%get3A_243] : memref<256xi32, #tpu.memory_space<smem>>
          %add3A_245 = arith.constant 1 : i32
          %add3A_246 = arith.addi %get3A_242, %add3A_245 : i32
          %lt3A_247 = arith.cmpi slt, %add3A_246, %sub3A_47 : i32
          %add3A_248 = arith.constant 1 : i32
          %add3A_249 = arith.addi %get3A_242, %add3A_248 : i32
          %jit3A_250 = arith.constant 246 : i32
          %select_n3A_251 = arith.select %lt3A_247, %add3A_249, %jit3A_250 : i32
          %get3A_252 = arith.index_cast %select_n3A_251 : i32 to index
          %get3A_253 = memref.load %arg14[%get3A_252] : memref<256xi32, #tpu.memory_space<smem>>
          %add3A_254 = arith.constant 1 : i32
          %add3A_255 = arith.addi %get3A_242, %add3A_254 : i32
          %lt3A_256 = arith.cmpi slt, %add3A_255, %sub3A_47 : i32
          %select_n3A_257 = arith.select %lt3A_256, %get3A_253, %scan3A_127#0 : i32
          %while3A_258 = arith.constant 0 : i32
          %while3A_259 = arith.subi %select_n3A_257, %get3A_244 : i32
          %while3A_260 = arith.addi %get3A_244, %while3A_259 : i32
          %while3A_261 = arith.constant 1 : i32
          %while3A_262 = arith.divsi %while3A_259, %while3A_261 : i32
          %while3A_263 = arith.muli %while3A_262, %while3A_261 : i32
          %while3A_264 = arith.addi %get3A_244, %while3A_263 : i32
          %while3A_265 = arith.constant 1 : i32
          %while3A_266 = scf.for %while3A_275 = %get3A_244 to %while3A_264 step %while3A_265 iter_args(%while3A_276 = %while3A_258) -> (i32)  : i32 {
            %get3A_277 = arith.index_cast %while3A_275 : i32 to index
            %get3A_278 = memref.load %arg15[%get3A_277] : memref<576xi32, #tpu.memory_space<smem>>
            %shift_right_arithmetic3A = arith.constant 14 : i32
            %shift_right_arithmetic3A_279 = arith.shrsi %get3A_278, %shift_right_arithmetic3A : i32
            %and3A_280 = arith.constant 127 : i32
            %and3A_281 = arith.andi %shift_right_arithmetic3A_279, %and3A_280 : i32
            %add3A_282 = arith.constant 0 : i32
            %add3A_283 = vector.broadcast %add3A_282 : i32 to vector<16xi32>
            %add3A_284 = arith.addi %iota3A, %add3A_283 : vector<16xi32>
            %broadcast_in_dim3A = vector.broadcast %and3A_281 : i32 to vector<16xi32>
            %gather3A = tpu.vector_load_idx %arg7[%add3A_284, %broadcast_in_dim3A] : memref<64x128xf32, #tpu.memory_space<vmem>>[vector<16xi32>, vector<16xi32>], vector<16xf32>,
            %broadcast_in_dim3A_285 = vector.broadcast %while3A_275 : i32 to vector<16xi32>
            %add3A_286 = arith.constant 0 : i32
            %add3A_287 = vector.broadcast %add3A_286 : i32 to vector<16xi32>
            %add3A_288 = arith.addi %iota3A, %add3A_287 : vector<16xi32>
            tpu.vector_store_idx %arg13[%broadcast_in_dim3A_285, %add3A_288], %gather3A : memref<576x64xf32, #tpu.memory_space<vmem>>[vector<16xi32>, vector<16xi32>], vector<16xf32>,
            %add3A_289 = arith.constant 16 : i32
            %add3A_290 = vector.broadcast %add3A_289 : i32 to vector<16xi32>
            %add3A_291 = arith.addi %iota3A, %add3A_290 : vector<16xi32>
            %broadcast_in_dim3A_292 = vector.broadcast %and3A_281 : i32 to vector<16xi32>
            %gather3A_293 = tpu.vector_load_idx %arg7[%add3A_291, %broadcast_in_dim3A_292] : memref<64x128xf32, #tpu.memory_space<vmem>>[vector<16xi32>, vector<16xi32>], vector<16xf32>,
            %broadcast_in_dim3A_294 = vector.broadcast %while3A_275 : i32 to vector<16xi32>
            %add3A_295 = arith.constant 16 : i32
            %add3A_296 = vector.broadcast %add3A_295 : i32 to vector<16xi32>
            %add3A_297 = arith.addi %iota3A, %add3A_296 : vector<16xi32>
            tpu.vector_store_idx %arg13[%broadcast_in_dim3A_294, %add3A_297], %gather3A_293 : memref<576x64xf32, #tpu.memory_space<vmem>>[vector<16xi32>, vector<16xi32>], vector<16xf32>,
            %add3A_298 = arith.constant 32 : i32
            %add3A_299 = vector.broadcast %add3A_298 : i32 to vector<16xi32>
            %add3A_300 = arith.addi %iota3A, %add3A_299 : vector<16xi32>
            %broadcast_in_dim3A_301 = vector.broadcast %and3A_281 : i32 to vector<16xi32>
            %gather3A_302 = tpu.vector_load_idx %arg7[%add3A_300, %broadcast_in_dim3A_301] : memref<64x128xf32, #tpu.memory_space<vmem>>[vector<16xi32>, vector<16xi32>], vector<16xf32>,
            %broadcast_in_dim3A_303 = vector.broadcast %while3A_275 : i32 to vector<16xi32>
            %add3A_304 = arith.constant 32 : i32
            %add3A_305 = vector.broadcast %add3A_304 : i32 to vector<16xi32>
            %add3A_306 = arith.addi %iota3A, %add3A_305 : vector<16xi32>
            tpu.vector_store_idx %arg13[%broadcast_in_dim3A_303, %add3A_306], %gather3A_302 : memref<576x64xf32, #tpu.memory_space<vmem>>[vector<16xi32>, vector<16xi32>], vector<16xf32>,
            %add3A_307 = arith.constant 48 : i32
            %add3A_308 = vector.broadcast %add3A_307 : i32 to vector<16xi32>
            %add3A_309 = arith.addi %iota3A, %add3A_308 : vector<16xi32>
            %broadcast_in_dim3A_310 = vector.broadcast %and3A_281 : i32 to vector<16xi32>
            %gather3A_311 = tpu.vector_load_idx %arg7[%add3A_309, %broadcast_in_dim3A_310] : memref<64x128xf32, #tpu.memory_space<vmem>>[vector<16xi32>, vector<16xi32>], vector<16xf32>,
            %broadcast_in_dim3A_312 = vector.broadcast %while3A_275 : i32 to vector<16xi32>
            %add3A_313 = arith.constant 48 : i32
            %add3A_314 = vector.broadcast %add3A_313 : i32 to vector<16xi32>
            %add3A_315 = arith.addi %iota3A, %add3A_314 : vector<16xi32>
            tpu.vector_store_idx %arg13[%broadcast_in_dim3A_312, %add3A_315], %gather3A_311 : memref<576x64xf32, #tpu.memory_space<vmem>>[vector<16xi32>, vector<16xi32>], vector<16xf32>,
            %while3A_316 = arith.constant 0 : i32
            scf.yield %while3A_316 : i32
          }
          %while3A_267 = arith.constant 1 : i32
          %while3A_268 = scf.for %while3A_275 = %while3A_264 to %while3A_260 step %while3A_267 iter_args(%while3A_276 = %while3A_266) -> (i32)  : i32 {
            %get3A_277 = arith.index_cast %while3A_275 : i32 to index
            %get3A_278 = memref.load %arg15[%get3A_277] : memref<576xi32, #tpu.memory_space<smem>>
            %shift_right_arithmetic3A = arith.constant 14 : i32
            %shift_right_arithmetic3A_279 = arith.shrsi %get3A_278, %shift_right_arithmetic3A : i32
            %and3A_280 = arith.constant 127 : i32
            %and3A_281 = arith.andi %shift_right_arithmetic3A_279, %and3A_280 : i32
            %add3A_282 = arith.constant 0 : i32
            %add3A_283 = vector.broadcast %add3A_282 : i32 to vector<16xi32>
            %add3A_284 = arith.addi %iota3A, %add3A_283 : vector<16xi32>
            %broadcast_in_dim3A = vector.broadcast %and3A_281 : i32 to vector<16xi32>
            %gather3A = tpu.vector_load_idx %arg7[%add3A_284, %broadcast_in_dim3A] : memref<64x128xf32, #tpu.memory_space<vmem>>[vector<16xi32>, vector<16xi32>], vector<16xf32>,
            %broadcast_in_dim3A_285 = vector.broadcast %while3A_275 : i32 to vector<16xi32>
            %add3A_286 = arith.constant 0 : i32
            %add3A_287 = vector.broadcast %add3A_286 : i32 to vector<16xi32>
            %add3A_288 = arith.addi %iota3A, %add3A_287 : vector<16xi32>
            tpu.vector_store_idx %arg13[%broadcast_in_dim3A_285, %add3A_288], %gather3A : memref<576x64xf32, #tpu.memory_space<vmem>>[vector<16xi32>, vector<16xi32>], vector<16xf32>,
            %add3A_289 = arith.constant 16 : i32
            %add3A_290 = vector.broadcast %add3A_289 : i32 to vector<16xi32>
            %add3A_291 = arith.addi %iota3A, %add3A_290 : vector<16xi32>
            %broadcast_in_dim3A_292 = vector.broadcast %and3A_281 : i32 to vector<16xi32>
            %gather3A_293 = tpu.vector_load_idx %arg7[%add3A_291, %broadcast_in_dim3A_292] : memref<64x128xf32, #tpu.memory_space<vmem>>[vector<16xi32>, vector<16xi32>], vector<16xf32>,
            %broadcast_in_dim3A_294 = vector.broadcast %while3A_275 : i32 to vector<16xi32>
            %add3A_295 = arith.constant 16 : i32
            %add3A_296 = vector.broadcast %add3A_295 : i32 to vector<16xi32>
            %add3A_297 = arith.addi %iota3A, %add3A_296 : vector<16xi32>
            tpu.vector_store_idx %arg13[%broadcast_in_dim3A_294, %add3A_297], %gather3A_293 : memref<576x64xf32, #tpu.memory_space<vmem>>[vector<16xi32>, vector<16xi32>], vector<16xf32>,
            %add3A_298 = arith.constant 32 : i32
            %add3A_299 = vector.broadcast %add3A_298 : i32 to vector<16xi32>
            %add3A_300 = arith.addi %iota3A, %add3A_299 : vector<16xi32>
            %broadcast_in_dim3A_301 = vector.broadcast %and3A_281 : i32 to vector<16xi32>
            %gather3A_302 = tpu.vector_load_idx %arg7[%add3A_300, %broadcast_in_dim3A_301] : memref<64x128xf32, #tpu.memory_space<vmem>>[vector<16xi32>, vector<16xi32>], vector<16xf32>,
            %broadcast_in_dim3A_303 = vector.broadcast %while3A_275 : i32 to vector<16xi32>
            %add3A_304 = arith.constant 32 : i32
            %add3A_305 = vector.broadcast %add3A_304 : i32 to vector<16xi32>
            %add3A_306 = arith.addi %iota3A, %add3A_305 : vector<16xi32>
            tpu.vector_store_idx %arg13[%broadcast_in_dim3A_303, %add3A_306], %gather3A_302 : memref<576x64xf32, #tpu.memory_space<vmem>>[vector<16xi32>, vector<16xi32>], vector<16xf32>,
            %add3A_307 = arith.constant 48 : i32
            %add3A_308 = vector.broadcast %add3A_307 : i32 to vector<16xi32>
            %add3A_309 = arith.addi %iota3A, %add3A_308 : vector<16xi32>
            %broadcast_in_dim3A_310 = vector.broadcast %and3A_281 : i32 to vector<16xi32>
            %gather3A_311 = tpu.vector_load_idx %arg7[%add3A_309, %broadcast_in_dim3A_310] : memref<64x128xf32, #tpu.memory_space<vmem>>[vector<16xi32>, vector<16xi32>], vector<16xf32>,
            %broadcast_in_dim3A_312 = vector.broadcast %while3A_275 : i32 to vector<16xi32>
            %add3A_313 = arith.constant 48 : i32
            %add3A_314 = vector.broadcast %add3A_313 : i32 to vector<16xi32>
            %add3A_315 = arith.addi %iota3A, %add3A_314 : vector<16xi32>
            tpu.vector_store_idx %arg13[%broadcast_in_dim3A_312, %add3A_315], %gather3A_311 : memref<576x64xf32, #tpu.memory_space<vmem>>[vector<16xi32>, vector<16xi32>], vector<16xf32>,
            %while3A_316 = arith.constant 0 : i32
            scf.yield %while3A_316 : i32
          }
          %add3A_269 = arith.constant 6 : i32
          %add3A_270 = arith.addi %add3A_191, %add3A_269 : i32
          %lt3A_271 = arith.cmpi slt, %add3A_270, %scan3A_127#1 : i32
          %convert_element_type3A_272 = arith.extui %lt3A_271 : i1 to i32
          %cond3A_273 = arith.constant 0 : i32
          %cond3A_274 = arith.cmpi ne, %convert_element_type3A_272, %cond3A_273 : i32
          scf.if %cond3A_274 {
            %add3A_275 = arith.constant 6 : i32
            %add3A_276 = arith.addi %add3A_191, %add3A_275 : i32
            %get3A_277 = arith.index_cast %add3A_276 : i32 to index
            %get3A_278 = memref.load %arg16[%get3A_277] : memref<256xi32, #tpu.memory_space<smem>>
            %add3A_279 = arith.addi %select_n3A, %get3A_278 : i32
            %mul3A_280 = arith.constant 128 : i32
            %mul3A_281 = arith.muli %add3A_279, %mul3A_280 : i32
            %dma_start3A = arith.constant 0 : i32
            %dma_start3A_282 = tpu.memref_slice %arg3[%dma_start3A, %mul3A_281] : memref<64x1000000xf32, #tpu.memory_space<hbm>> -> memref<64x128xf32, #tpu.memory_space<hbm>>
            %dma_start3A_283 = arith.constant 0 : i32
            %dma_start3A_284 = tpu.memref_slice %arg3[%dma_start3A_283, %mul3A_281] : memref<64x1000000xf32, #tpu.memory_space<hbm>> -> memref<64x128xf32, #tpu.memory_space<hbm>>
            tpu.enqueue_dma source(%dma_start3A_284 : memref<64x128xf32, #tpu.memory_space<hbm>>) target(%arg7 : memref<64x128xf32, #tpu.memory_space<vmem>>) target_semaphore(%arg17 : memref<!tpu.dma_semaphore, #tpu.memory_space<semaphore_mem>>)
          } else {
          }
        } else {
        }
        %mul3A_195 = arith.constant 6 : i32
        %mul3A_196 = arith.muli %mul3A_195, %scan3A_186 : i32
        %add3A_197 = arith.constant 1 : i32
        %add3A_198 = arith.addi %mul3A_196, %add3A_197 : i32
        %lt3A_199 = arith.cmpi slt, %add3A_198, %scan3A_127#1 : i32
        %convert_element_type3A_200 = arith.extui %lt3A_199 : i1 to i32
        %cond3A_201 = arith.constant 0 : i32
        %cond3A_202 = arith.cmpi ne, %convert_element_type3A_200, %cond3A_201 : i32
        scf.if %cond3A_202 {
          %dma_wait3A_236 = arith.constant 0 : i32
          %dma_wait3A_237 = arith.constant 0 : i32
          %dma_wait3A_238 = tpu.memref_slice %arg3[%dma_wait3A_236, %dma_wait3A_237] : memref<64x1000000xf32, #tpu.memory_space<hbm>> -> memref<64x128xf32, #tpu.memory_space<hbm>>
          %dma_wait3A_239 = arith.constant 0 : i32
          %dma_wait3A_240 = arith.constant 0 : i32
          %dma_wait3A_241 = tpu.memref_slice %arg3[%dma_wait3A_239, %dma_wait3A_240] : memref<64x1000000xf32, #tpu.memory_space<hbm>> -> memref<64x128xf32, #tpu.memory_space<hbm>>
          tpu.wait_dma2 semaphore(%arg18 : memref<!tpu.dma_semaphore, #tpu.memory_space<semaphore_mem>>) src(%dma_wait3A_241 : memref<64x128xf32, #tpu.memory_space<hbm>>) dst(%arg8 : memref<64x128xf32, #tpu.memory_space<vmem>>)
          %get3A = arith.index_cast %add3A_198 : i32 to index
          %get3A_242 = memref.load %arg16[%get3A] : memref<256xi32, #tpu.memory_space<smem>>
          %get3A_243 = arith.index_cast %get3A_242 : i32 to index
          %get3A_244 = memref.load %arg14[%get3A_243] : memref<256xi32, #tpu.memory_space<smem>>
          %add3A_245 = arith.constant 1 : i32
          %add3A_246 = arith.addi %get3A_242, %add3A_245 : i32
          %lt3A_247 = arith.cmpi slt, %add3A_246, %sub3A_47 : i32
          %add3A_248 = arith.constant 1 : i32
          %add3A_249 = arith.addi %get3A_242, %add3A_248 : i32
          %jit3A_250 = arith.constant 246 : i32
          %select_n3A_251 = arith.select %lt3A_247, %add3A_249, %jit3A_250 : i32
          %get3A_252 = arith.index_cast %select_n3A_251 : i32 to index
          %get3A_253 = memref.load %arg14[%get3A_252] : memref<256xi32, #tpu.memory_space<smem>>
          %add3A_254 = arith.constant 1 : i32
          %add3A_255 = arith.addi %get3A_242, %add3A_254 : i32
          %lt3A_256 = arith.cmpi slt, %add3A_255, %sub3A_47 : i32
          %select_n3A_257 = arith.select %lt3A_256, %get3A_253, %scan3A_127#0 : i32
          %while3A_258 = arith.constant 0 : i32
          %while3A_259 = arith.subi %select_n3A_257, %get3A_244 : i32
          %while3A_260 = arith.addi %get3A_244, %while3A_259 : i32
          %while3A_261 = arith.constant 1 : i32
          %while3A_262 = arith.divsi %while3A_259, %while3A_261 : i32
          %while3A_263 = arith.muli %while3A_262, %while3A_261 : i32
          %while3A_264 = arith.addi %get3A_244, %while3A_263 : i32
          %while3A_265 = arith.constant 1 : i32
          %while3A_266 = scf.for %while3A_275 = %get3A_244 to %while3A_264 step %while3A_265 iter_args(%while3A_276 = %while3A_258) -> (i32)  : i32 {
            %get3A_277 = arith.index_cast %while3A_275 : i32 to index
            %get3A_278 = memref.load %arg15[%get3A_277] : memref<576xi32, #tpu.memory_space<smem>>
            %shift_right_arithmetic3A = arith.constant 14 : i32
            %shift_right_arithmetic3A_279 = arith.shrsi %get3A_278, %shift_right_arithmetic3A : i32
            %and3A_280 = arith.constant 127 : i32
            %and3A_281 = arith.andi %shift_right_arithmetic3A_279, %and3A_280 : i32
            %add3A_282 = arith.constant 0 : i32
            %add3A_283 = vector.broadcast %add3A_282 : i32 to vector<16xi32>
            %add3A_284 = arith.addi %iota3A, %add3A_283 : vector<16xi32>
            %broadcast_in_dim3A = vector.broadcast %and3A_281 : i32 to vector<16xi32>
            %gather3A = tpu.vector_load_idx %arg8[%add3A_284, %broadcast_in_dim3A] : memref<64x128xf32, #tpu.memory_space<vmem>>[vector<16xi32>, vector<16xi32>], vector<16xf32>,
            %broadcast_in_dim3A_285 = vector.broadcast %while3A_275 : i32 to vector<16xi32>
            %add3A_286 = arith.constant 0 : i32
            %add3A_287 = vector.broadcast %add3A_286 : i32 to vector<16xi32>
            %add3A_288 = arith.addi %iota3A, %add3A_287 : vector<16xi32>
            tpu.vector_store_idx %arg13[%broadcast_in_dim3A_285, %add3A_288], %gather3A : memref<576x64xf32, #tpu.memory_space<vmem>>[vector<16xi32>, vector<16xi32>], vector<16xf32>,
            %add3A_289 = arith.constant 16 : i32
            %add3A_290 = vector.broadcast %add3A_289 : i32 to vector<16xi32>
            %add3A_291 = arith.addi %iota3A, %add3A_290 : vector<16xi32>
            %broadcast_in_dim3A_292 = vector.broadcast %and3A_281 : i32 to vector<16xi32>
            %gather3A_293 = tpu.vector_load_idx %arg8[%add3A_291, %broadcast_in_dim3A_292] : memref<64x128xf32, #tpu.memory_space<vmem>>[vector<16xi32>, vector<16xi32>], vector<16xf32>,
            %broadcast_in_dim3A_294 = vector.broadcast %while3A_275 : i32 to vector<16xi32>
            %add3A_295 = arith.constant 16 : i32
            %add3A_296 = vector.broadcast %add3A_295 : i32 to vector<16xi32>
            %add3A_297 = arith.addi %iota3A, %add3A_296 : vector<16xi32>
            tpu.vector_store_idx %arg13[%broadcast_in_dim3A_294, %add3A_297], %gather3A_293 : memref<576x64xf32, #tpu.memory_space<vmem>>[vector<16xi32>, vector<16xi32>], vector<16xf32>,
            %add3A_298 = arith.constant 32 : i32
            %add3A_299 = vector.broadcast %add3A_298 : i32 to vector<16xi32>
            %add3A_300 = arith.addi %iota3A, %add3A_299 : vector<16xi32>
            %broadcast_in_dim3A_301 = vector.broadcast %and3A_281 : i32 to vector<16xi32>
            %gather3A_302 = tpu.vector_load_idx %arg8[%add3A_300, %broadcast_in_dim3A_301] : memref<64x128xf32, #tpu.memory_space<vmem>>[vector<16xi32>, vector<16xi32>], vector<16xf32>,
            %broadcast_in_dim3A_303 = vector.broadcast %while3A_275 : i32 to vector<16xi32>
            %add3A_304 = arith.constant 32 : i32
            %add3A_305 = vector.broadcast %add3A_304 : i32 to vector<16xi32>
            %add3A_306 = arith.addi %iota3A, %add3A_305 : vector<16xi32>
            tpu.vector_store_idx %arg13[%broadcast_in_dim3A_303, %add3A_306], %gather3A_302 : memref<576x64xf32, #tpu.memory_space<vmem>>[vector<16xi32>, vector<16xi32>], vector<16xf32>,
            %add3A_307 = arith.constant 48 : i32
            %add3A_308 = vector.broadcast %add3A_307 : i32 to vector<16xi32>
            %add3A_309 = arith.addi %iota3A, %add3A_308 : vector<16xi32>
            %broadcast_in_dim3A_310 = vector.broadcast %and3A_281 : i32 to vector<16xi32>
            %gather3A_311 = tpu.vector_load_idx %arg8[%add3A_309, %broadcast_in_dim3A_310] : memref<64x128xf32, #tpu.memory_space<vmem>>[vector<16xi32>, vector<16xi32>], vector<16xf32>,
            %broadcast_in_dim3A_312 = vector.broadcast %while3A_275 : i32 to vector<16xi32>
            %add3A_313 = arith.constant 48 : i32
            %add3A_314 = vector.broadcast %add3A_313 : i32 to vector<16xi32>
            %add3A_315 = arith.addi %iota3A, %add3A_314 : vector<16xi32>
            tpu.vector_store_idx %arg13[%broadcast_in_dim3A_312, %add3A_315], %gather3A_311 : memref<576x64xf32, #tpu.memory_space<vmem>>[vector<16xi32>, vector<16xi32>], vector<16xf32>,
            %while3A_316 = arith.constant 0 : i32
            scf.yield %while3A_316 : i32
          }
          %while3A_267 = arith.constant 1 : i32
          %while3A_268 = scf.for %while3A_275 = %while3A_264 to %while3A_260 step %while3A_267 iter_args(%while3A_276 = %while3A_266) -> (i32)  : i32 {
            %get3A_277 = arith.index_cast %while3A_275 : i32 to index
            %get3A_278 = memref.load %arg15[%get3A_277] : memref<576xi32, #tpu.memory_space<smem>>
            %shift_right_arithmetic3A = arith.constant 14 : i32
            %shift_right_arithmetic3A_279 = arith.shrsi %get3A_278, %shift_right_arithmetic3A : i32
            %and3A_280 = arith.constant 127 : i32
            %and3A_281 = arith.andi %shift_right_arithmetic3A_279, %and3A_280 : i32
            %add3A_282 = arith.constant 0 : i32
            %add3A_283 = vector.broadcast %add3A_282 : i32 to vector<16xi32>
            %add3A_284 = arith.addi %iota3A, %add3A_283 : vector<16xi32>
            %broadcast_in_dim3A = vector.broadcast %and3A_281 : i32 to vector<16xi32>
            %gather3A = tpu.vector_load_idx %arg8[%add3A_284, %broadcast_in_dim3A] : memref<64x128xf32, #tpu.memory_space<vmem>>[vector<16xi32>, vector<16xi32>], vector<16xf32>,
            %broadcast_in_dim3A_285 = vector.broadcast %while3A_275 : i32 to vector<16xi32>
            %add3A_286 = arith.constant 0 : i32
            %add3A_287 = vector.broadcast %add3A_286 : i32 to vector<16xi32>
            %add3A_288 = arith.addi %iota3A, %add3A_287 : vector<16xi32>
            tpu.vector_store_idx %arg13[%broadcast_in_dim3A_285, %add3A_288], %gather3A : memref<576x64xf32, #tpu.memory_space<vmem>>[vector<16xi32>, vector<16xi32>], vector<16xf32>,
            %add3A_289 = arith.constant 16 : i32
            %add3A_290 = vector.broadcast %add3A_289 : i32 to vector<16xi32>
            %add3A_291 = arith.addi %iota3A, %add3A_290 : vector<16xi32>
            %broadcast_in_dim3A_292 = vector.broadcast %and3A_281 : i32 to vector<16xi32>
            %gather3A_293 = tpu.vector_load_idx %arg8[%add3A_291, %broadcast_in_dim3A_292] : memref<64x128xf32, #tpu.memory_space<vmem>>[vector<16xi32>, vector<16xi32>], vector<16xf32>,
            %broadcast_in_dim3A_294 = vector.broadcast %while3A_275 : i32 to vector<16xi32>
            %add3A_295 = arith.constant 16 : i32
            %add3A_296 = vector.broadcast %add3A_295 : i32 to vector<16xi32>
            %add3A_297 = arith.addi %iota3A, %add3A_296 : vector<16xi32>
            tpu.vector_store_idx %arg13[%broadcast_in_dim3A_294, %add3A_297], %gather3A_293 : memref<576x64xf32, #tpu.memory_space<vmem>>[vector<16xi32>, vector<16xi32>], vector<16xf32>,
            %add3A_298 = arith.constant 32 : i32
            %add3A_299 = vector.broadcast %add3A_298 : i32 to vector<16xi32>
            %add3A_300 = arith.addi %iota3A, %add3A_299 : vector<16xi32>
            %broadcast_in_dim3A_301 = vector.broadcast %and3A_281 : i32 to vector<16xi32>
            %gather3A_302 = tpu.vector_load_idx %arg8[%add3A_300, %broadcast_in_dim3A_301] : memref<64x128xf32, #tpu.memory_space<vmem>>[vector<16xi32>, vector<16xi32>], vector<16xf32>,
            %broadcast_in_dim3A_303 = vector.broadcast %while3A_275 : i32 to vector<16xi32>
            %add3A_304 = arith.constant 32 : i32
            %add3A_305 = vector.broadcast %add3A_304 : i32 to vector<16xi32>
            %add3A_306 = arith.addi %iota3A, %add3A_305 : vector<16xi32>
            tpu.vector_store_idx %arg13[%broadcast_in_dim3A_303, %add3A_306], %gather3A_302 : memref<576x64xf32, #tpu.memory_space<vmem>>[vector<16xi32>, vector<16xi32>], vector<16xf32>,
            %add3A_307 = arith.constant 48 : i32
            %add3A_308 = vector.broadcast %add3A_307 : i32 to vector<16xi32>
            %add3A_309 = arith.addi %iota3A, %add3A_308 : vector<16xi32>
            %broadcast_in_dim3A_310 = vector.broadcast %and3A_281 : i32 to vector<16xi32>
            %gather3A_311 = tpu.vector_load_idx %arg8[%add3A_309, %broadcast_in_dim3A_310] : memref<64x128xf32, #tpu.memory_space<vmem>>[vector<16xi32>, vector<16xi32>], vector<16xf32>,
            %broadcast_in_dim3A_312 = vector.broadcast %while3A_275 : i32 to vector<16xi32>
            %add3A_313 = arith.constant 48 : i32
            %add3A_314 = vector.broadcast %add3A_313 : i32 to vector<16xi32>
            %add3A_315 = arith.addi %iota3A, %add3A_314 : vector<16xi32>
            tpu.vector_store_idx %arg13[%broadcast_in_dim3A_312, %add3A_315], %gather3A_311 : memref<576x64xf32, #tpu.memory_space<vmem>>[vector<16xi32>, vector<16xi32>], vector<16xf32>,
            %while3A_316 = arith.constant 0 : i32
            scf.yield %while3A_316 : i32
          }
          %add3A_269 = arith.constant 6 : i32
          %add3A_270 = arith.addi %add3A_198, %add3A_269 : i32
          %lt3A_271 = arith.cmpi slt, %add3A_270, %scan3A_127#1 : i32
          %convert_element_type3A_272 = arith.extui %lt3A_271 : i1 to i32
          %cond3A_273 = arith.constant 0 : i32
          %cond3A_274 = arith.cmpi ne, %convert_element_type3A_272, %cond3A_273 : i32
          scf.if %cond3A_274 {
            %add3A_275 = arith.constant 6 : i32
            %add3A_276 = arith.addi %add3A_198, %add3A_275 : i32
            %get3A_277 = arith.index_cast %add3A_276 : i32 to index
            %get3A_278 = memref.load %arg16[%get3A_277] : memref<256xi32, #tpu.memory_space<smem>>
            %add3A_279 = arith.addi %select_n3A, %get3A_278 : i32
            %mul3A_280 = arith.constant 128 : i32
            %mul3A_281 = arith.muli %add3A_279, %mul3A_280 : i32
            %dma_start3A = arith.constant 0 : i32
            %dma_start3A_282 = tpu.memref_slice %arg3[%dma_start3A, %mul3A_281] : memref<64x1000000xf32, #tpu.memory_space<hbm>> -> memref<64x128xf32, #tpu.memory_space<hbm>>
            %dma_start3A_283 = arith.constant 0 : i32
            %dma_start3A_284 = tpu.memref_slice %arg3[%dma_start3A_283, %mul3A_281] : memref<64x1000000xf32, #tpu.memory_space<hbm>> -> memref<64x128xf32, #tpu.memory_space<hbm>>
            tpu.enqueue_dma source(%dma_start3A_284 : memref<64x128xf32, #tpu.memory_space<hbm>>) target(%arg8 : memref<64x128xf32, #tpu.memory_space<vmem>>) target_semaphore(%arg18 : memref<!tpu.dma_semaphore, #tpu.memory_space<semaphore_mem>>)
          } else {
          }
        } else {
        }
        %mul3A_203 = arith.constant 6 : i32
        %mul3A_204 = arith.muli %mul3A_203, %scan3A_186 : i32
        %add3A_205 = arith.constant 2 : i32
        %add3A_206 = arith.addi %mul3A_204, %add3A_205 : i32
        %lt3A_207 = arith.cmpi slt, %add3A_206, %scan3A_127#1 : i32
        %convert_element_type3A_208 = arith.extui %lt3A_207 : i1 to i32
        %cond3A_209 = arith.constant 0 : i32
        %cond3A_210 = arith.cmpi ne, %convert_element_type3A_208, %cond3A_209 : i32
        scf.if %cond3A_210 {
          %dma_wait3A_236 = arith.constant 0 : i32
          %dma_wait3A_237 = arith.constant 0 : i32
          %dma_wait3A_238 = tpu.memref_slice %arg3[%dma_wait3A_236, %dma_wait3A_237] : memref<64x1000000xf32, #tpu.memory_space<hbm>> -> memref<64x128xf32, #tpu.memory_space<hbm>>
          %dma_wait3A_239 = arith.constant 0 : i32
          %dma_wait3A_240 = arith.constant 0 : i32
          %dma_wait3A_241 = tpu.memref_slice %arg3[%dma_wait3A_239, %dma_wait3A_240] : memref<64x1000000xf32, #tpu.memory_space<hbm>> -> memref<64x128xf32, #tpu.memory_space<hbm>>
          tpu.wait_dma2 semaphore(%arg19 : memref<!tpu.dma_semaphore, #tpu.memory_space<semaphore_mem>>) src(%dma_wait3A_241 : memref<64x128xf32, #tpu.memory_space<hbm>>) dst(%arg9 : memref<64x128xf32, #tpu.memory_space<vmem>>)
          %get3A = arith.index_cast %add3A_206 : i32 to index
          %get3A_242 = memref.load %arg16[%get3A] : memref<256xi32, #tpu.memory_space<smem>>
          %get3A_243 = arith.index_cast %get3A_242 : i32 to index
          %get3A_244 = memref.load %arg14[%get3A_243] : memref<256xi32, #tpu.memory_space<smem>>
          %add3A_245 = arith.constant 1 : i32
          %add3A_246 = arith.addi %get3A_242, %add3A_245 : i32
          %lt3A_247 = arith.cmpi slt, %add3A_246, %sub3A_47 : i32
          %add3A_248 = arith.constant 1 : i32
          %add3A_249 = arith.addi %get3A_242, %add3A_248 : i32
          %jit3A_250 = arith.constant 246 : i32
          %select_n3A_251 = arith.select %lt3A_247, %add3A_249, %jit3A_250 : i32
          %get3A_252 = arith.index_cast %select_n3A_251 : i32 to index
          %get3A_253 = memref.load %arg14[%get3A_252] : memref<256xi32, #tpu.memory_space<smem>>
          %add3A_254 = arith.constant 1 : i32
          %add3A_255 = arith.addi %get3A_242, %add3A_254 : i32
          %lt3A_256 = arith.cmpi slt, %add3A_255, %sub3A_47 : i32
          %select_n3A_257 = arith.select %lt3A_256, %get3A_253, %scan3A_127#0 : i32
          %while3A_258 = arith.constant 0 : i32
          %while3A_259 = arith.subi %select_n3A_257, %get3A_244 : i32
          %while3A_260 = arith.addi %get3A_244, %while3A_259 : i32
          %while3A_261 = arith.constant 1 : i32
          %while3A_262 = arith.divsi %while3A_259, %while3A_261 : i32
          %while3A_263 = arith.muli %while3A_262, %while3A_261 : i32
          %while3A_264 = arith.addi %get3A_244, %while3A_263 : i32
          %while3A_265 = arith.constant 1 : i32
          %while3A_266 = scf.for %while3A_275 = %get3A_244 to %while3A_264 step %while3A_265 iter_args(%while3A_276 = %while3A_258) -> (i32)  : i32 {
            %get3A_277 = arith.index_cast %while3A_275 : i32 to index
            %get3A_278 = memref.load %arg15[%get3A_277] : memref<576xi32, #tpu.memory_space<smem>>
            %shift_right_arithmetic3A = arith.constant 14 : i32
            %shift_right_arithmetic3A_279 = arith.shrsi %get3A_278, %shift_right_arithmetic3A : i32
            %and3A_280 = arith.constant 127 : i32
            %and3A_281 = arith.andi %shift_right_arithmetic3A_279, %and3A_280 : i32
            %add3A_282 = arith.constant 0 : i32
            %add3A_283 = vector.broadcast %add3A_282 : i32 to vector<16xi32>
            %add3A_284 = arith.addi %iota3A, %add3A_283 : vector<16xi32>
            %broadcast_in_dim3A = vector.broadcast %and3A_281 : i32 to vector<16xi32>
            %gather3A = tpu.vector_load_idx %arg9[%add3A_284, %broadcast_in_dim3A] : memref<64x128xf32, #tpu.memory_space<vmem>>[vector<16xi32>, vector<16xi32>], vector<16xf32>,
            %broadcast_in_dim3A_285 = vector.broadcast %while3A_275 : i32 to vector<16xi32>
            %add3A_286 = arith.constant 0 : i32
            %add3A_287 = vector.broadcast %add3A_286 : i32 to vector<16xi32>
            %add3A_288 = arith.addi %iota3A, %add3A_287 : vector<16xi32>
            tpu.vector_store_idx %arg13[%broadcast_in_dim3A_285, %add3A_288], %gather3A : memref<576x64xf32, #tpu.memory_space<vmem>>[vector<16xi32>, vector<16xi32>], vector<16xf32>,
            %add3A_289 = arith.constant 16 : i32
            %add3A_290 = vector.broadcast %add3A_289 : i32 to vector<16xi32>
            %add3A_291 = arith.addi %iota3A, %add3A_290 : vector<16xi32>
            %broadcast_in_dim3A_292 = vector.broadcast %and3A_281 : i32 to vector<16xi32>
            %gather3A_293 = tpu.vector_load_idx %arg9[%add3A_291, %broadcast_in_dim3A_292] : memref<64x128xf32, #tpu.memory_space<vmem>>[vector<16xi32>, vector<16xi32>], vector<16xf32>,
            %broadcast_in_dim3A_294 = vector.broadcast %while3A_275 : i32 to vector<16xi32>
            %add3A_295 = arith.constant 16 : i32
            %add3A_296 = vector.broadcast %add3A_295 : i32 to vector<16xi32>
            %add3A_297 = arith.addi %iota3A, %add3A_296 : vector<16xi32>
            tpu.vector_store_idx %arg13[%broadcast_in_dim3A_294, %add3A_297], %gather3A_293 : memref<576x64xf32, #tpu.memory_space<vmem>>[vector<16xi32>, vector<16xi32>], vector<16xf32>,
            %add3A_298 = arith.constant 32 : i32
            %add3A_299 = vector.broadcast %add3A_298 : i32 to vector<16xi32>
            %add3A_300 = arith.addi %iota3A, %add3A_299 : vector<16xi32>
            %broadcast_in_dim3A_301 = vector.broadcast %and3A_281 : i32 to vector<16xi32>
            %gather3A_302 = tpu.vector_load_idx %arg9[%add3A_300, %broadcast_in_dim3A_301] : memref<64x128xf32, #tpu.memory_space<vmem>>[vector<16xi32>, vector<16xi32>], vector<16xf32>,
            %broadcast_in_dim3A_303 = vector.broadcast %while3A_275 : i32 to vector<16xi32>
            %add3A_304 = arith.constant 32 : i32
            %add3A_305 = vector.broadcast %add3A_304 : i32 to vector<16xi32>
            %add3A_306 = arith.addi %iota3A, %add3A_305 : vector<16xi32>
            tpu.vector_store_idx %arg13[%broadcast_in_dim3A_303, %add3A_306], %gather3A_302 : memref<576x64xf32, #tpu.memory_space<vmem>>[vector<16xi32>, vector<16xi32>], vector<16xf32>,
            %add3A_307 = arith.constant 48 : i32
            %add3A_308 = vector.broadcast %add3A_307 : i32 to vector<16xi32>
            %add3A_309 = arith.addi %iota3A, %add3A_308 : vector<16xi32>
            %broadcast_in_dim3A_310 = vector.broadcast %and3A_281 : i32 to vector<16xi32>
            %gather3A_311 = tpu.vector_load_idx %arg9[%add3A_309, %broadcast_in_dim3A_310] : memref<64x128xf32, #tpu.memory_space<vmem>>[vector<16xi32>, vector<16xi32>], vector<16xf32>,
            %broadcast_in_dim3A_312 = vector.broadcast %while3A_275 : i32 to vector<16xi32>
            %add3A_313 = arith.constant 48 : i32
            %add3A_314 = vector.broadcast %add3A_313 : i32 to vector<16xi32>
            %add3A_315 = arith.addi %iota3A, %add3A_314 : vector<16xi32>
            tpu.vector_store_idx %arg13[%broadcast_in_dim3A_312, %add3A_315], %gather3A_311 : memref<576x64xf32, #tpu.memory_space<vmem>>[vector<16xi32>, vector<16xi32>], vector<16xf32>,
            %while3A_316 = arith.constant 0 : i32
            scf.yield %while3A_316 : i32
          }
          %while3A_267 = arith.constant 1 : i32
          %while3A_268 = scf.for %while3A_275 = %while3A_264 to %while3A_260 step %while3A_267 iter_args(%while3A_276 = %while3A_266) -> (i32)  : i32 {
            %get3A_277 = arith.index_cast %while3A_275 : i32 to index
            %get3A_278 = memref.load %arg15[%get3A_277] : memref<576xi32, #tpu.memory_space<smem>>
            %shift_right_arithmetic3A = arith.constant 14 : i32
            %shift_right_arithmetic3A_279 = arith.shrsi %get3A_278, %shift_right_arithmetic3A : i32
            %and3A_280 = arith.constant 127 : i32
            %and3A_281 = arith.andi %shift_right_arithmetic3A_279, %and3A_280 : i32
            %add3A_282 = arith.constant 0 : i32
            %add3A_283 = vector.broadcast %add3A_282 : i32 to vector<16xi32>
            %add3A_284 = arith.addi %iota3A, %add3A_283 : vector<16xi32>
            %broadcast_in_dim3A = vector.broadcast %and3A_281 : i32 to vector<16xi32>
            %gather3A = tpu.vector_load_idx %arg9[%add3A_284, %broadcast_in_dim3A] : memref<64x128xf32, #tpu.memory_space<vmem>>[vector<16xi32>, vector<16xi32>], vector<16xf32>,
            %broadcast_in_dim3A_285 = vector.broadcast %while3A_275 : i32 to vector<16xi32>
            %add3A_286 = arith.constant 0 : i32
            %add3A_287 = vector.broadcast %add3A_286 : i32 to vector<16xi32>
            %add3A_288 = arith.addi %iota3A, %add3A_287 : vector<16xi32>
            tpu.vector_store_idx %arg13[%broadcast_in_dim3A_285, %add3A_288], %gather3A : memref<576x64xf32, #tpu.memory_space<vmem>>[vector<16xi32>, vector<16xi32>], vector<16xf32>,
            %add3A_289 = arith.constant 16 : i32
            %add3A_290 = vector.broadcast %add3A_289 : i32 to vector<16xi32>
            %add3A_291 = arith.addi %iota3A, %add3A_290 : vector<16xi32>
            %broadcast_in_dim3A_292 = vector.broadcast %and3A_281 : i32 to vector<16xi32>
            %gather3A_293 = tpu.vector_load_idx %arg9[%add3A_291, %broadcast_in_dim3A_292] : memref<64x128xf32, #tpu.memory_space<vmem>>[vector<16xi32>, vector<16xi32>], vector<16xf32>,
            %broadcast_in_dim3A_294 = vector.broadcast %while3A_275 : i32 to vector<16xi32>
            %add3A_295 = arith.constant 16 : i32
            %add3A_296 = vector.broadcast %add3A_295 : i32 to vector<16xi32>
            %add3A_297 = arith.addi %iota3A, %add3A_296 : vector<16xi32>
            tpu.vector_store_idx %arg13[%broadcast_in_dim3A_294, %add3A_297], %gather3A_293 : memref<576x64xf32, #tpu.memory_space<vmem>>[vector<16xi32>, vector<16xi32>], vector<16xf32>,
            %add3A_298 = arith.constant 32 : i32
            %add3A_299 = vector.broadcast %add3A_298 : i32 to vector<16xi32>
            %add3A_300 = arith.addi %iota3A, %add3A_299 : vector<16xi32>
            %broadcast_in_dim3A_301 = vector.broadcast %and3A_281 : i32 to vector<16xi32>
            %gather3A_302 = tpu.vector_load_idx %arg9[%add3A_300, %broadcast_in_dim3A_301] : memref<64x128xf32, #tpu.memory_space<vmem>>[vector<16xi32>, vector<16xi32>], vector<16xf32>,
            %broadcast_in_dim3A_303 = vector.broadcast %while3A_275 : i32 to vector<16xi32>
            %add3A_304 = arith.constant 32 : i32
            %add3A_305 = vector.broadcast %add3A_304 : i32 to vector<16xi32>
            %add3A_306 = arith.addi %iota3A, %add3A_305 : vector<16xi32>
            tpu.vector_store_idx %arg13[%broadcast_in_dim3A_303, %add3A_306], %gather3A_302 : memref<576x64xf32, #tpu.memory_space<vmem>>[vector<16xi32>, vector<16xi32>], vector<16xf32>,
            %add3A_307 = arith.constant 48 : i32
            %add3A_308 = vector.broadcast %add3A_307 : i32 to vector<16xi32>
            %add3A_309 = arith.addi %iota3A, %add3A_308 : vector<16xi32>
            %broadcast_in_dim3A_310 = vector.broadcast %and3A_281 : i32 to vector<16xi32>
            %gather3A_311 = tpu.vector_load_idx %arg9[%add3A_309, %broadcast_in_dim3A_310] : memref<64x128xf32, #tpu.memory_space<vmem>>[vector<16xi32>, vector<16xi32>], vector<16xf32>,
            %broadcast_in_dim3A_312 = vector.broadcast %while3A_275 : i32 to vector<16xi32>
            %add3A_313 = arith.constant 48 : i32
            %add3A_314 = vector.broadcast %add3A_313 : i32 to vector<16xi32>
            %add3A_315 = arith.addi %iota3A, %add3A_314 : vector<16xi32>
            tpu.vector_store_idx %arg13[%broadcast_in_dim3A_312, %add3A_315], %gather3A_311 : memref<576x64xf32, #tpu.memory_space<vmem>>[vector<16xi32>, vector<16xi32>], vector<16xf32>,
            %while3A_316 = arith.constant 0 : i32
            scf.yield %while3A_316 : i32
          }
          %add3A_269 = arith.constant 6 : i32
          %add3A_270 = arith.addi %add3A_206, %add3A_269 : i32
          %lt3A_271 = arith.cmpi slt, %add3A_270, %scan3A_127#1 : i32
          %convert_element_type3A_272 = arith.extui %lt3A_271 : i1 to i32
          %cond3A_273 = arith.constant 0 : i32
          %cond3A_274 = arith.cmpi ne, %convert_element_type3A_272, %cond3A_273 : i32
          scf.if %cond3A_274 {
            %add3A_275 = arith.constant 6 : i32
            %add3A_276 = arith.addi %add3A_206, %add3A_275 : i32
            %get3A_277 = arith.index_cast %add3A_276 : i32 to index
            %get3A_278 = memref.load %arg16[%get3A_277] : memref<256xi32, #tpu.memory_space<smem>>
            %add3A_279 = arith.addi %select_n3A, %get3A_278 : i32
            %mul3A_280 = arith.constant 128 : i32
            %mul3A_281 = arith.muli %add3A_279, %mul3A_280 : i32
            %dma_start3A = arith.constant 0 : i32
            %dma_start3A_282 = tpu.memref_slice %arg3[%dma_start3A, %mul3A_281] : memref<64x1000000xf32, #tpu.memory_space<hbm>> -> memref<64x128xf32, #tpu.memory_space<hbm>>
            %dma_start3A_283 = arith.constant 0 : i32
            %dma_start3A_284 = tpu.memref_slice %arg3[%dma_start3A_283, %mul3A_281] : memref<64x1000000xf32, #tpu.memory_space<hbm>> -> memref<64x128xf32, #tpu.memory_space<hbm>>
            tpu.enqueue_dma source(%dma_start3A_284 : memref<64x128xf32, #tpu.memory_space<hbm>>) target(%arg9 : memref<64x128xf32, #tpu.memory_space<vmem>>) target_semaphore(%arg19 : memref<!tpu.dma_semaphore, #tpu.memory_space<semaphore_mem>>)
          } else {
          }
        } else {
        }
        %mul3A_211 = arith.constant 6 : i32
        %mul3A_212 = arith.muli %mul3A_211, %scan3A_186 : i32
        %add3A_213 = arith.constant 3 : i32
        %add3A_214 = arith.addi %mul3A_212, %add3A_213 : i32
        %lt3A_215 = arith.cmpi slt, %add3A_214, %scan3A_127#1 : i32
        %convert_element_type3A_216 = arith.extui %lt3A_215 : i1 to i32
        %cond3A_217 = arith.constant 0 : i32
        %cond3A_218 = arith.cmpi ne, %convert_element_type3A_216, %cond3A_217 : i32
        scf.if %cond3A_218 {
          %dma_wait3A_236 = arith.constant 0 : i32
          %dma_wait3A_237 = arith.constant 0 : i32
          %dma_wait3A_238 = tpu.memref_slice %arg3[%dma_wait3A_236, %dma_wait3A_237] : memref<64x1000000xf32, #tpu.memory_space<hbm>> -> memref<64x128xf32, #tpu.memory_space<hbm>>
          %dma_wait3A_239 = arith.constant 0 : i32
          %dma_wait3A_240 = arith.constant 0 : i32
          %dma_wait3A_241 = tpu.memref_slice %arg3[%dma_wait3A_239, %dma_wait3A_240] : memref<64x1000000xf32, #tpu.memory_space<hbm>> -> memref<64x128xf32, #tpu.memory_space<hbm>>
          tpu.wait_dma2 semaphore(%arg20 : memref<!tpu.dma_semaphore, #tpu.memory_space<semaphore_mem>>) src(%dma_wait3A_241 : memref<64x128xf32, #tpu.memory_space<hbm>>) dst(%arg10 : memref<64x128xf32, #tpu.memory_space<vmem>>)
          %get3A = arith.index_cast %add3A_214 : i32 to index
          %get3A_242 = memref.load %arg16[%get3A] : memref<256xi32, #tpu.memory_space<smem>>
          %get3A_243 = arith.index_cast %get3A_242 : i32 to index
          %get3A_244 = memref.load %arg14[%get3A_243] : memref<256xi32, #tpu.memory_space<smem>>
          %add3A_245 = arith.constant 1 : i32
          %add3A_246 = arith.addi %get3A_242, %add3A_245 : i32
          %lt3A_247 = arith.cmpi slt, %add3A_246, %sub3A_47 : i32
          %add3A_248 = arith.constant 1 : i32
          %add3A_249 = arith.addi %get3A_242, %add3A_248 : i32
          %jit3A_250 = arith.constant 246 : i32
          %select_n3A_251 = arith.select %lt3A_247, %add3A_249, %jit3A_250 : i32
          %get3A_252 = arith.index_cast %select_n3A_251 : i32 to index
          %get3A_253 = memref.load %arg14[%get3A_252] : memref<256xi32, #tpu.memory_space<smem>>
          %add3A_254 = arith.constant 1 : i32
          %add3A_255 = arith.addi %get3A_242, %add3A_254 : i32
          %lt3A_256 = arith.cmpi slt, %add3A_255, %sub3A_47 : i32
          %select_n3A_257 = arith.select %lt3A_256, %get3A_253, %scan3A_127#0 : i32
          %while3A_258 = arith.constant 0 : i32
          %while3A_259 = arith.subi %select_n3A_257, %get3A_244 : i32
          %while3A_260 = arith.addi %get3A_244, %while3A_259 : i32
          %while3A_261 = arith.constant 1 : i32
          %while3A_262 = arith.divsi %while3A_259, %while3A_261 : i32
          %while3A_263 = arith.muli %while3A_262, %while3A_261 : i32
          %while3A_264 = arith.addi %get3A_244, %while3A_263 : i32
          %while3A_265 = arith.constant 1 : i32
          %while3A_266 = scf.for %while3A_275 = %get3A_244 to %while3A_264 step %while3A_265 iter_args(%while3A_276 = %while3A_258) -> (i32)  : i32 {
            %get3A_277 = arith.index_cast %while3A_275 : i32 to index
            %get3A_278 = memref.load %arg15[%get3A_277] : memref<576xi32, #tpu.memory_space<smem>>
            %shift_right_arithmetic3A = arith.constant 14 : i32
            %shift_right_arithmetic3A_279 = arith.shrsi %get3A_278, %shift_right_arithmetic3A : i32
            %and3A_280 = arith.constant 127 : i32
            %and3A_281 = arith.andi %shift_right_arithmetic3A_279, %and3A_280 : i32
            %add3A_282 = arith.constant 0 : i32
            %add3A_283 = vector.broadcast %add3A_282 : i32 to vector<16xi32>
            %add3A_284 = arith.addi %iota3A, %add3A_283 : vector<16xi32>
            %broadcast_in_dim3A = vector.broadcast %and3A_281 : i32 to vector<16xi32>
            %gather3A = tpu.vector_load_idx %arg10[%add3A_284, %broadcast_in_dim3A] : memref<64x128xf32, #tpu.memory_space<vmem>>[vector<16xi32>, vector<16xi32>], vector<16xf32>,
            %broadcast_in_dim3A_285 = vector.broadcast %while3A_275 : i32 to vector<16xi32>
            %add3A_286 = arith.constant 0 : i32
            %add3A_287 = vector.broadcast %add3A_286 : i32 to vector<16xi32>
            %add3A_288 = arith.addi %iota3A, %add3A_287 : vector<16xi32>
            tpu.vector_store_idx %arg13[%broadcast_in_dim3A_285, %add3A_288], %gather3A : memref<576x64xf32, #tpu.memory_space<vmem>>[vector<16xi32>, vector<16xi32>], vector<16xf32>,
            %add3A_289 = arith.constant 16 : i32
            %add3A_290 = vector.broadcast %add3A_289 : i32 to vector<16xi32>
            %add3A_291 = arith.addi %iota3A, %add3A_290 : vector<16xi32>
            %broadcast_in_dim3A_292 = vector.broadcast %and3A_281 : i32 to vector<16xi32>
            %gather3A_293 = tpu.vector_load_idx %arg10[%add3A_291, %broadcast_in_dim3A_292] : memref<64x128xf32, #tpu.memory_space<vmem>>[vector<16xi32>, vector<16xi32>], vector<16xf32>,
            %broadcast_in_dim3A_294 = vector.broadcast %while3A_275 : i32 to vector<16xi32>
            %add3A_295 = arith.constant 16 : i32
            %add3A_296 = vector.broadcast %add3A_295 : i32 to vector<16xi32>
            %add3A_297 = arith.addi %iota3A, %add3A_296 : vector<16xi32>
            tpu.vector_store_idx %arg13[%broadcast_in_dim3A_294, %add3A_297], %gather3A_293 : memref<576x64xf32, #tpu.memory_space<vmem>>[vector<16xi32>, vector<16xi32>], vector<16xf32>,
            %add3A_298 = arith.constant 32 : i32
            %add3A_299 = vector.broadcast %add3A_298 : i32 to vector<16xi32>
            %add3A_300 = arith.addi %iota3A, %add3A_299 : vector<16xi32>
            %broadcast_in_dim3A_301 = vector.broadcast %and3A_281 : i32 to vector<16xi32>
            %gather3A_302 = tpu.vector_load_idx %arg10[%add3A_300, %broadcast_in_dim3A_301] : memref<64x128xf32, #tpu.memory_space<vmem>>[vector<16xi32>, vector<16xi32>], vector<16xf32>,
            %broadcast_in_dim3A_303 = vector.broadcast %while3A_275 : i32 to vector<16xi32>
            %add3A_304 = arith.constant 32 : i32
            %add3A_305 = vector.broadcast %add3A_304 : i32 to vector<16xi32>
            %add3A_306 = arith.addi %iota3A, %add3A_305 : vector<16xi32>
            tpu.vector_store_idx %arg13[%broadcast_in_dim3A_303, %add3A_306], %gather3A_302 : memref<576x64xf32, #tpu.memory_space<vmem>>[vector<16xi32>, vector<16xi32>], vector<16xf32>,
            %add3A_307 = arith.constant 48 : i32
            %add3A_308 = vector.broadcast %add3A_307 : i32 to vector<16xi32>
            %add3A_309 = arith.addi %iota3A, %add3A_308 : vector<16xi32>
            %broadcast_in_dim3A_310 = vector.broadcast %and3A_281 : i32 to vector<16xi32>
            %gather3A_311 = tpu.vector_load_idx %arg10[%add3A_309, %broadcast_in_dim3A_310] : memref<64x128xf32, #tpu.memory_space<vmem>>[vector<16xi32>, vector<16xi32>], vector<16xf32>,
            %broadcast_in_dim3A_312 = vector.broadcast %while3A_275 : i32 to vector<16xi32>
            %add3A_313 = arith.constant 48 : i32
            %add3A_314 = vector.broadcast %add3A_313 : i32 to vector<16xi32>
            %add3A_315 = arith.addi %iota3A, %add3A_314 : vector<16xi32>
            tpu.vector_store_idx %arg13[%broadcast_in_dim3A_312, %add3A_315], %gather3A_311 : memref<576x64xf32, #tpu.memory_space<vmem>>[vector<16xi32>, vector<16xi32>], vector<16xf32>,
            %while3A_316 = arith.constant 0 : i32
            scf.yield %while3A_316 : i32
          }
          %while3A_267 = arith.constant 1 : i32
          %while3A_268 = scf.for %while3A_275 = %while3A_264 to %while3A_260 step %while3A_267 iter_args(%while3A_276 = %while3A_266) -> (i32)  : i32 {
            %get3A_277 = arith.index_cast %while3A_275 : i32 to index
            %get3A_278 = memref.load %arg15[%get3A_277] : memref<576xi32, #tpu.memory_space<smem>>
            %shift_right_arithmetic3A = arith.constant 14 : i32
            %shift_right_arithmetic3A_279 = arith.shrsi %get3A_278, %shift_right_arithmetic3A : i32
            %and3A_280 = arith.constant 127 : i32
            %and3A_281 = arith.andi %shift_right_arithmetic3A_279, %and3A_280 : i32
            %add3A_282 = arith.constant 0 : i32
            %add3A_283 = vector.broadcast %add3A_282 : i32 to vector<16xi32>
            %add3A_284 = arith.addi %iota3A, %add3A_283 : vector<16xi32>
            %broadcast_in_dim3A = vector.broadcast %and3A_281 : i32 to vector<16xi32>
            %gather3A = tpu.vector_load_idx %arg10[%add3A_284, %broadcast_in_dim3A] : memref<64x128xf32, #tpu.memory_space<vmem>>[vector<16xi32>, vector<16xi32>], vector<16xf32>,
            %broadcast_in_dim3A_285 = vector.broadcast %while3A_275 : i32 to vector<16xi32>
            %add3A_286 = arith.constant 0 : i32
            %add3A_287 = vector.broadcast %add3A_286 : i32 to vector<16xi32>
            %add3A_288 = arith.addi %iota3A, %add3A_287 : vector<16xi32>
            tpu.vector_store_idx %arg13[%broadcast_in_dim3A_285, %add3A_288], %gather3A : memref<576x64xf32, #tpu.memory_space<vmem>>[vector<16xi32>, vector<16xi32>], vector<16xf32>,
            %add3A_289 = arith.constant 16 : i32
            %add3A_290 = vector.broadcast %add3A_289 : i32 to vector<16xi32>
            %add3A_291 = arith.addi %iota3A, %add3A_290 : vector<16xi32>
            %broadcast_in_dim3A_292 = vector.broadcast %and3A_281 : i32 to vector<16xi32>
            %gather3A_293 = tpu.vector_load_idx %arg10[%add3A_291, %broadcast_in_dim3A_292] : memref<64x128xf32, #tpu.memory_space<vmem>>[vector<16xi32>, vector<16xi32>], vector<16xf32>,
            %broadcast_in_dim3A_294 = vector.broadcast %while3A_275 : i32 to vector<16xi32>
            %add3A_295 = arith.constant 16 : i32
            %add3A_296 = vector.broadcast %add3A_295 : i32 to vector<16xi32>
            %add3A_297 = arith.addi %iota3A, %add3A_296 : vector<16xi32>
            tpu.vector_store_idx %arg13[%broadcast_in_dim3A_294, %add3A_297], %gather3A_293 : memref<576x64xf32, #tpu.memory_space<vmem>>[vector<16xi32>, vector<16xi32>], vector<16xf32>,
            %add3A_298 = arith.constant 32 : i32
            %add3A_299 = vector.broadcast %add3A_298 : i32 to vector<16xi32>
            %add3A_300 = arith.addi %iota3A, %add3A_299 : vector<16xi32>
            %broadcast_in_dim3A_301 = vector.broadcast %and3A_281 : i32 to vector<16xi32>
            %gather3A_302 = tpu.vector_load_idx %arg10[%add3A_300, %broadcast_in_dim3A_301] : memref<64x128xf32, #tpu.memory_space<vmem>>[vector<16xi32>, vector<16xi32>], vector<16xf32>,
            %broadcast_in_dim3A_303 = vector.broadcast %while3A_275 : i32 to vector<16xi32>
            %add3A_304 = arith.constant 32 : i32
            %add3A_305 = vector.broadcast %add3A_304 : i32 to vector<16xi32>
            %add3A_306 = arith.addi %iota3A, %add3A_305 : vector<16xi32>
            tpu.vector_store_idx %arg13[%broadcast_in_dim3A_303, %add3A_306], %gather3A_302 : memref<576x64xf32, #tpu.memory_space<vmem>>[vector<16xi32>, vector<16xi32>], vector<16xf32>,
            %add3A_307 = arith.constant 48 : i32
            %add3A_308 = vector.broadcast %add3A_307 : i32 to vector<16xi32>
            %add3A_309 = arith.addi %iota3A, %add3A_308 : vector<16xi32>
            %broadcast_in_dim3A_310 = vector.broadcast %and3A_281 : i32 to vector<16xi32>
            %gather3A_311 = tpu.vector_load_idx %arg10[%add3A_309, %broadcast_in_dim3A_310] : memref<64x128xf32, #tpu.memory_space<vmem>>[vector<16xi32>, vector<16xi32>], vector<16xf32>,
            %broadcast_in_dim3A_312 = vector.broadcast %while3A_275 : i32 to vector<16xi32>
            %add3A_313 = arith.constant 48 : i32
            %add3A_314 = vector.broadcast %add3A_313 : i32 to vector<16xi32>
            %add3A_315 = arith.addi %iota3A, %add3A_314 : vector<16xi32>
            tpu.vector_store_idx %arg13[%broadcast_in_dim3A_312, %add3A_315], %gather3A_311 : memref<576x64xf32, #tpu.memory_space<vmem>>[vector<16xi32>, vector<16xi32>], vector<16xf32>,
            %while3A_316 = arith.constant 0 : i32
            scf.yield %while3A_316 : i32
          }
          %add3A_269 = arith.constant 6 : i32
          %add3A_270 = arith.addi %add3A_214, %add3A_269 : i32
          %lt3A_271 = arith.cmpi slt, %add3A_270, %scan3A_127#1 : i32
          %convert_element_type3A_272 = arith.extui %lt3A_271 : i1 to i32
          %cond3A_273 = arith.constant 0 : i32
          %cond3A_274 = arith.cmpi ne, %convert_element_type3A_272, %cond3A_273 : i32
          scf.if %cond3A_274 {
            %add3A_275 = arith.constant 6 : i32
            %add3A_276 = arith.addi %add3A_214, %add3A_275 : i32
            %get3A_277 = arith.index_cast %add3A_276 : i32 to index
            %get3A_278 = memref.load %arg16[%get3A_277] : memref<256xi32, #tpu.memory_space<smem>>
            %add3A_279 = arith.addi %select_n3A, %get3A_278 : i32
            %mul3A_280 = arith.constant 128 : i32
            %mul3A_281 = arith.muli %add3A_279, %mul3A_280 : i32
            %dma_start3A = arith.constant 0 : i32
            %dma_start3A_282 = tpu.memref_slice %arg3[%dma_start3A, %mul3A_281] : memref<64x1000000xf32, #tpu.memory_space<hbm>> -> memref<64x128xf32, #tpu.memory_space<hbm>>
            %dma_start3A_283 = arith.constant 0 : i32
            %dma_start3A_284 = tpu.memref_slice %arg3[%dma_start3A_283, %mul3A_281] : memref<64x1000000xf32, #tpu.memory_space<hbm>> -> memref<64x128xf32, #tpu.memory_space<hbm>>
            tpu.enqueue_dma source(%dma_start3A_284 : memref<64x128xf32, #tpu.memory_space<hbm>>) target(%arg10 : memref<64x128xf32, #tpu.memory_space<vmem>>) target_semaphore(%arg20 : memref<!tpu.dma_semaphore, #tpu.memory_space<semaphore_mem>>)
          } else {
          }
        } else {
        }
        %mul3A_219 = arith.constant 6 : i32
        %mul3A_220 = arith.muli %mul3A_219, %scan3A_186 : i32
        %add3A_221 = arith.constant 4 : i32
        %add3A_222 = arith.addi %mul3A_220, %add3A_221 : i32
        %lt3A_223 = arith.cmpi slt, %add3A_222, %scan3A_127#1 : i32
        %convert_element_type3A_224 = arith.extui %lt3A_223 : i1 to i32
        %cond3A_225 = arith.constant 0 : i32
        %cond3A_226 = arith.cmpi ne, %convert_element_type3A_224, %cond3A_225 : i32
        scf.if %cond3A_226 {
          %dma_wait3A_236 = arith.constant 0 : i32
          %dma_wait3A_237 = arith.constant 0 : i32
          %dma_wait3A_238 = tpu.memref_slice %arg3[%dma_wait3A_236, %dma_wait3A_237] : memref<64x1000000xf32, #tpu.memory_space<hbm>> -> memref<64x128xf32, #tpu.memory_space<hbm>>
          %dma_wait3A_239 = arith.constant 0 : i32
          %dma_wait3A_240 = arith.constant 0 : i32
          %dma_wait3A_241 = tpu.memref_slice %arg3[%dma_wait3A_239, %dma_wait3A_240] : memref<64x1000000xf32, #tpu.memory_space<hbm>> -> memref<64x128xf32, #tpu.memory_space<hbm>>
          tpu.wait_dma2 semaphore(%arg21 : memref<!tpu.dma_semaphore, #tpu.memory_space<semaphore_mem>>) src(%dma_wait3A_241 : memref<64x128xf32, #tpu.memory_space<hbm>>) dst(%arg11 : memref<64x128xf32, #tpu.memory_space<vmem>>)
          %get3A = arith.index_cast %add3A_222 : i32 to index
          %get3A_242 = memref.load %arg16[%get3A] : memref<256xi32, #tpu.memory_space<smem>>
          %get3A_243 = arith.index_cast %get3A_242 : i32 to index
          %get3A_244 = memref.load %arg14[%get3A_243] : memref<256xi32, #tpu.memory_space<smem>>
          %add3A_245 = arith.constant 1 : i32
          %add3A_246 = arith.addi %get3A_242, %add3A_245 : i32
          %lt3A_247 = arith.cmpi slt, %add3A_246, %sub3A_47 : i32
          %add3A_248 = arith.constant 1 : i32
          %add3A_249 = arith.addi %get3A_242, %add3A_248 : i32
          %jit3A_250 = arith.constant 246 : i32
          %select_n3A_251 = arith.select %lt3A_247, %add3A_249, %jit3A_250 : i32
          %get3A_252 = arith.index_cast %select_n3A_251 : i32 to index
          %get3A_253 = memref.load %arg14[%get3A_252] : memref<256xi32, #tpu.memory_space<smem>>
          %add3A_254 = arith.constant 1 : i32
          %add3A_255 = arith.addi %get3A_242, %add3A_254 : i32
          %lt3A_256 = arith.cmpi slt, %add3A_255, %sub3A_47 : i32
          %select_n3A_257 = arith.select %lt3A_256, %get3A_253, %scan3A_127#0 : i32
          %while3A_258 = arith.constant 0 : i32
          %while3A_259 = arith.subi %select_n3A_257, %get3A_244 : i32
          %while3A_260 = arith.addi %get3A_244, %while3A_259 : i32
          %while3A_261 = arith.constant 1 : i32
          %while3A_262 = arith.divsi %while3A_259, %while3A_261 : i32
          %while3A_263 = arith.muli %while3A_262, %while3A_261 : i32
          %while3A_264 = arith.addi %get3A_244, %while3A_263 : i32
          %while3A_265 = arith.constant 1 : i32
          %while3A_266 = scf.for %while3A_275 = %get3A_244 to %while3A_264 step %while3A_265 iter_args(%while3A_276 = %while3A_258) -> (i32)  : i32 {
            %get3A_277 = arith.index_cast %while3A_275 : i32 to index
            %get3A_278 = memref.load %arg15[%get3A_277] : memref<576xi32, #tpu.memory_space<smem>>
            %shift_right_arithmetic3A = arith.constant 14 : i32
            %shift_right_arithmetic3A_279 = arith.shrsi %get3A_278, %shift_right_arithmetic3A : i32
            %and3A_280 = arith.constant 127 : i32
            %and3A_281 = arith.andi %shift_right_arithmetic3A_279, %and3A_280 : i32
            %add3A_282 = arith.constant 0 : i32
            %add3A_283 = vector.broadcast %add3A_282 : i32 to vector<16xi32>
            %add3A_284 = arith.addi %iota3A, %add3A_283 : vector<16xi32>
            %broadcast_in_dim3A = vector.broadcast %and3A_281 : i32 to vector<16xi32>
            %gather3A = tpu.vector_load_idx %arg11[%add3A_284, %broadcast_in_dim3A] : memref<64x128xf32, #tpu.memory_space<vmem>>[vector<16xi32>, vector<16xi32>], vector<16xf32>,
            %broadcast_in_dim3A_285 = vector.broadcast %while3A_275 : i32 to vector<16xi32>
            %add3A_286 = arith.constant 0 : i32
            %add3A_287 = vector.broadcast %add3A_286 : i32 to vector<16xi32>
            %add3A_288 = arith.addi %iota3A, %add3A_287 : vector<16xi32>
            tpu.vector_store_idx %arg13[%broadcast_in_dim3A_285, %add3A_288], %gather3A : memref<576x64xf32, #tpu.memory_space<vmem>>[vector<16xi32>, vector<16xi32>], vector<16xf32>,
            %add3A_289 = arith.constant 16 : i32
            %add3A_290 = vector.broadcast %add3A_289 : i32 to vector<16xi32>
            %add3A_291 = arith.addi %iota3A, %add3A_290 : vector<16xi32>
            %broadcast_in_dim3A_292 = vector.broadcast %and3A_281 : i32 to vector<16xi32>
            %gather3A_293 = tpu.vector_load_idx %arg11[%add3A_291, %broadcast_in_dim3A_292] : memref<64x128xf32, #tpu.memory_space<vmem>>[vector<16xi32>, vector<16xi32>], vector<16xf32>,
            %broadcast_in_dim3A_294 = vector.broadcast %while3A_275 : i32 to vector<16xi32>
            %add3A_295 = arith.constant 16 : i32
            %add3A_296 = vector.broadcast %add3A_295 : i32 to vector<16xi32>
            %add3A_297 = arith.addi %iota3A, %add3A_296 : vector<16xi32>
            tpu.vector_store_idx %arg13[%broadcast_in_dim3A_294, %add3A_297], %gather3A_293 : memref<576x64xf32, #tpu.memory_space<vmem>>[vector<16xi32>, vector<16xi32>], vector<16xf32>,
            %add3A_298 = arith.constant 32 : i32
            %add3A_299 = vector.broadcast %add3A_298 : i32 to vector<16xi32>
            %add3A_300 = arith.addi %iota3A, %add3A_299 : vector<16xi32>
            %broadcast_in_dim3A_301 = vector.broadcast %and3A_281 : i32 to vector<16xi32>
            %gather3A_302 = tpu.vector_load_idx %arg11[%add3A_300, %broadcast_in_dim3A_301] : memref<64x128xf32, #tpu.memory_space<vmem>>[vector<16xi32>, vector<16xi32>], vector<16xf32>,
            %broadcast_in_dim3A_303 = vector.broadcast %while3A_275 : i32 to vector<16xi32>
            %add3A_304 = arith.constant 32 : i32
            %add3A_305 = vector.broadcast %add3A_304 : i32 to vector<16xi32>
            %add3A_306 = arith.addi %iota3A, %add3A_305 : vector<16xi32>
            tpu.vector_store_idx %arg13[%broadcast_in_dim3A_303, %add3A_306], %gather3A_302 : memref<576x64xf32, #tpu.memory_space<vmem>>[vector<16xi32>, vector<16xi32>], vector<16xf32>,
            %add3A_307 = arith.constant 48 : i32
            %add3A_308 = vector.broadcast %add3A_307 : i32 to vector<16xi32>
            %add3A_309 = arith.addi %iota3A, %add3A_308 : vector<16xi32>
            %broadcast_in_dim3A_310 = vector.broadcast %and3A_281 : i32 to vector<16xi32>
            %gather3A_311 = tpu.vector_load_idx %arg11[%add3A_309, %broadcast_in_dim3A_310] : memref<64x128xf32, #tpu.memory_space<vmem>>[vector<16xi32>, vector<16xi32>], vector<16xf32>,
            %broadcast_in_dim3A_312 = vector.broadcast %while3A_275 : i32 to vector<16xi32>
            %add3A_313 = arith.constant 48 : i32
            %add3A_314 = vector.broadcast %add3A_313 : i32 to vector<16xi32>
            %add3A_315 = arith.addi %iota3A, %add3A_314 : vector<16xi32>
            tpu.vector_store_idx %arg13[%broadcast_in_dim3A_312, %add3A_315], %gather3A_311 : memref<576x64xf32, #tpu.memory_space<vmem>>[vector<16xi32>, vector<16xi32>], vector<16xf32>,
            %while3A_316 = arith.constant 0 : i32
            scf.yield %while3A_316 : i32
          }
          %while3A_267 = arith.constant 1 : i32
          %while3A_268 = scf.for %while3A_275 = %while3A_264 to %while3A_260 step %while3A_267 iter_args(%while3A_276 = %while3A_266) -> (i32)  : i32 {
            %get3A_277 = arith.index_cast %while3A_275 : i32 to index
            %get3A_278 = memref.load %arg15[%get3A_277] : memref<576xi32, #tpu.memory_space<smem>>
            %shift_right_arithmetic3A = arith.constant 14 : i32
            %shift_right_arithmetic3A_279 = arith.shrsi %get3A_278, %shift_right_arithmetic3A : i32
            %and3A_280 = arith.constant 127 : i32
            %and3A_281 = arith.andi %shift_right_arithmetic3A_279, %and3A_280 : i32
            %add3A_282 = arith.constant 0 : i32
            %add3A_283 = vector.broadcast %add3A_282 : i32 to vector<16xi32>
            %add3A_284 = arith.addi %iota3A, %add3A_283 : vector<16xi32>
            %broadcast_in_dim3A = vector.broadcast %and3A_281 : i32 to vector<16xi32>
            %gather3A = tpu.vector_load_idx %arg11[%add3A_284, %broadcast_in_dim3A] : memref<64x128xf32, #tpu.memory_space<vmem>>[vector<16xi32>, vector<16xi32>], vector<16xf32>,
            %broadcast_in_dim3A_285 = vector.broadcast %while3A_275 : i32 to vector<16xi32>
            %add3A_286 = arith.constant 0 : i32
            %add3A_287 = vector.broadcast %add3A_286 : i32 to vector<16xi32>
            %add3A_288 = arith.addi %iota3A, %add3A_287 : vector<16xi32>
            tpu.vector_store_idx %arg13[%broadcast_in_dim3A_285, %add3A_288], %gather3A : memref<576x64xf32, #tpu.memory_space<vmem>>[vector<16xi32>, vector<16xi32>], vector<16xf32>,
            %add3A_289 = arith.constant 16 : i32
            %add3A_290 = vector.broadcast %add3A_289 : i32 to vector<16xi32>
            %add3A_291 = arith.addi %iota3A, %add3A_290 : vector<16xi32>
            %broadcast_in_dim3A_292 = vector.broadcast %and3A_281 : i32 to vector<16xi32>
            %gather3A_293 = tpu.vector_load_idx %arg11[%add3A_291, %broadcast_in_dim3A_292] : memref<64x128xf32, #tpu.memory_space<vmem>>[vector<16xi32>, vector<16xi32>], vector<16xf32>,
            %broadcast_in_dim3A_294 = vector.broadcast %while3A_275 : i32 to vector<16xi32>
            %add3A_295 = arith.constant 16 : i32
            %add3A_296 = vector.broadcast %add3A_295 : i32 to vector<16xi32>
            %add3A_297 = arith.addi %iota3A, %add3A_296 : vector<16xi32>
            tpu.vector_store_idx %arg13[%broadcast_in_dim3A_294, %add3A_297], %gather3A_293 : memref<576x64xf32, #tpu.memory_space<vmem>>[vector<16xi32>, vector<16xi32>], vector<16xf32>,
            %add3A_298 = arith.constant 32 : i32
            %add3A_299 = vector.broadcast %add3A_298 : i32 to vector<16xi32>
            %add3A_300 = arith.addi %iota3A, %add3A_299 : vector<16xi32>
            %broadcast_in_dim3A_301 = vector.broadcast %and3A_281 : i32 to vector<16xi32>
            %gather3A_302 = tpu.vector_load_idx %arg11[%add3A_300, %broadcast_in_dim3A_301] : memref<64x128xf32, #tpu.memory_space<vmem>>[vector<16xi32>, vector<16xi32>], vector<16xf32>,
            %broadcast_in_dim3A_303 = vector.broadcast %while3A_275 : i32 to vector<16xi32>
            %add3A_304 = arith.constant 32 : i32
            %add3A_305 = vector.broadcast %add3A_304 : i32 to vector<16xi32>
            %add3A_306 = arith.addi %iota3A, %add3A_305 : vector<16xi32>
            tpu.vector_store_idx %arg13[%broadcast_in_dim3A_303, %add3A_306], %gather3A_302 : memref<576x64xf32, #tpu.memory_space<vmem>>[vector<16xi32>, vector<16xi32>], vector<16xf32>,
            %add3A_307 = arith.constant 48 : i32
            %add3A_308 = vector.broadcast %add3A_307 : i32 to vector<16xi32>
            %add3A_309 = arith.addi %iota3A, %add3A_308 : vector<16xi32>
            %broadcast_in_dim3A_310 = vector.broadcast %and3A_281 : i32 to vector<16xi32>
            %gather3A_311 = tpu.vector_load_idx %arg11[%add3A_309, %broadcast_in_dim3A_310] : memref<64x128xf32, #tpu.memory_space<vmem>>[vector<16xi32>, vector<16xi32>], vector<16xf32>,
            %broadcast_in_dim3A_312 = vector.broadcast %while3A_275 : i32 to vector<16xi32>
            %add3A_313 = arith.constant 48 : i32
            %add3A_314 = vector.broadcast %add3A_313 : i32 to vector<16xi32>
            %add3A_315 = arith.addi %iota3A, %add3A_314 : vector<16xi32>
            tpu.vector_store_idx %arg13[%broadcast_in_dim3A_312, %add3A_315], %gather3A_311 : memref<576x64xf32, #tpu.memory_space<vmem>>[vector<16xi32>, vector<16xi32>], vector<16xf32>,
            %while3A_316 = arith.constant 0 : i32
            scf.yield %while3A_316 : i32
          }
          %add3A_269 = arith.constant 6 : i32
          %add3A_270 = arith.addi %add3A_222, %add3A_269 : i32
          %lt3A_271 = arith.cmpi slt, %add3A_270, %scan3A_127#1 : i32
          %convert_element_type3A_272 = arith.extui %lt3A_271 : i1 to i32
          %cond3A_273 = arith.constant 0 : i32
          %cond3A_274 = arith.cmpi ne, %convert_element_type3A_272, %cond3A_273 : i32
          scf.if %cond3A_274 {
            %add3A_275 = arith.constant 6 : i32
            %add3A_276 = arith.addi %add3A_222, %add3A_275 : i32
            %get3A_277 = arith.index_cast %add3A_276 : i32 to index
            %get3A_278 = memref.load %arg16[%get3A_277] : memref<256xi32, #tpu.memory_space<smem>>
            %add3A_279 = arith.addi %select_n3A, %get3A_278 : i32
            %mul3A_280 = arith.constant 128 : i32
            %mul3A_281 = arith.muli %add3A_279, %mul3A_280 : i32
            %dma_start3A = arith.constant 0 : i32
            %dma_start3A_282 = tpu.memref_slice %arg3[%dma_start3A, %mul3A_281] : memref<64x1000000xf32, #tpu.memory_space<hbm>> -> memref<64x128xf32, #tpu.memory_space<hbm>>
            %dma_start3A_283 = arith.constant 0 : i32
            %dma_start3A_284 = tpu.memref_slice %arg3[%dma_start3A_283, %mul3A_281] : memref<64x1000000xf32, #tpu.memory_space<hbm>> -> memref<64x128xf32, #tpu.memory_space<hbm>>
            tpu.enqueue_dma source(%dma_start3A_284 : memref<64x128xf32, #tpu.memory_space<hbm>>) target(%arg11 : memref<64x128xf32, #tpu.memory_space<vmem>>) target_semaphore(%arg21 : memref<!tpu.dma_semaphore, #tpu.memory_space<semaphore_mem>>)
          } else {
          }
        } else {
        }
        %mul3A_227 = arith.constant 6 : i32
        %mul3A_228 = arith.muli %mul3A_227, %scan3A_186 : i32
        %add3A_229 = arith.constant 5 : i32
        %add3A_230 = arith.addi %mul3A_228, %add3A_229 : i32
        %lt3A_231 = arith.cmpi slt, %add3A_230, %scan3A_127#1 : i32
        %convert_element_type3A_232 = arith.extui %lt3A_231 : i1 to i32
        %cond3A_233 = arith.constant 0 : i32
        %cond3A_234 = arith.cmpi ne, %convert_element_type3A_232, %cond3A_233 : i32
        scf.if %cond3A_234 {
          %dma_wait3A_236 = arith.constant 0 : i32
          %dma_wait3A_237 = arith.constant 0 : i32
          %dma_wait3A_238 = tpu.memref_slice %arg3[%dma_wait3A_236, %dma_wait3A_237] : memref<64x1000000xf32, #tpu.memory_space<hbm>> -> memref<64x128xf32, #tpu.memory_space<hbm>>
          %dma_wait3A_239 = arith.constant 0 : i32
          %dma_wait3A_240 = arith.constant 0 : i32
          %dma_wait3A_241 = tpu.memref_slice %arg3[%dma_wait3A_239, %dma_wait3A_240] : memref<64x1000000xf32, #tpu.memory_space<hbm>> -> memref<64x128xf32, #tpu.memory_space<hbm>>
          tpu.wait_dma2 semaphore(%arg22 : memref<!tpu.dma_semaphore, #tpu.memory_space<semaphore_mem>>) src(%dma_wait3A_241 : memref<64x128xf32, #tpu.memory_space<hbm>>) dst(%arg12 : memref<64x128xf32, #tpu.memory_space<vmem>>)
          %get3A = arith.index_cast %add3A_230 : i32 to index
          %get3A_242 = memref.load %arg16[%get3A] : memref<256xi32, #tpu.memory_space<smem>>
          %get3A_243 = arith.index_cast %get3A_242 : i32 to index
          %get3A_244 = memref.load %arg14[%get3A_243] : memref<256xi32, #tpu.memory_space<smem>>
          %add3A_245 = arith.constant 1 : i32
          %add3A_246 = arith.addi %get3A_242, %add3A_245 : i32
          %lt3A_247 = arith.cmpi slt, %add3A_246, %sub3A_47 : i32
          %add3A_248 = arith.constant 1 : i32
          %add3A_249 = arith.addi %get3A_242, %add3A_248 : i32
          %jit3A_250 = arith.constant 246 : i32
          %select_n3A_251 = arith.select %lt3A_247, %add3A_249, %jit3A_250 : i32
          %get3A_252 = arith.index_cast %select_n3A_251 : i32 to index
          %get3A_253 = memref.load %arg14[%get3A_252] : memref<256xi32, #tpu.memory_space<smem>>
          %add3A_254 = arith.constant 1 : i32
          %add3A_255 = arith.addi %get3A_242, %add3A_254 : i32
          %lt3A_256 = arith.cmpi slt, %add3A_255, %sub3A_47 : i32
          %select_n3A_257 = arith.select %lt3A_256, %get3A_253, %scan3A_127#0 : i32
          %while3A_258 = arith.constant 0 : i32
          %while3A_259 = arith.subi %select_n3A_257, %get3A_244 : i32
          %while3A_260 = arith.addi %get3A_244, %while3A_259 : i32
          %while3A_261 = arith.constant 1 : i32
          %while3A_262 = arith.divsi %while3A_259, %while3A_261 : i32
          %while3A_263 = arith.muli %while3A_262, %while3A_261 : i32
          %while3A_264 = arith.addi %get3A_244, %while3A_263 : i32
          %while3A_265 = arith.constant 1 : i32
          %while3A_266 = scf.for %while3A_275 = %get3A_244 to %while3A_264 step %while3A_265 iter_args(%while3A_276 = %while3A_258) -> (i32)  : i32 {
            %get3A_277 = arith.index_cast %while3A_275 : i32 to index
            %get3A_278 = memref.load %arg15[%get3A_277] : memref<576xi32, #tpu.memory_space<smem>>
            %shift_right_arithmetic3A = arith.constant 14 : i32
            %shift_right_arithmetic3A_279 = arith.shrsi %get3A_278, %shift_right_arithmetic3A : i32
            %and3A_280 = arith.constant 127 : i32
            %and3A_281 = arith.andi %shift_right_arithmetic3A_279, %and3A_280 : i32
            %add3A_282 = arith.constant 0 : i32
            %add3A_283 = vector.broadcast %add3A_282 : i32 to vector<16xi32>
            %add3A_284 = arith.addi %iota3A, %add3A_283 : vector<16xi32>
            %broadcast_in_dim3A = vector.broadcast %and3A_281 : i32 to vector<16xi32>
            %gather3A = tpu.vector_load_idx %arg12[%add3A_284, %broadcast_in_dim3A] : memref<64x128xf32, #tpu.memory_space<vmem>>[vector<16xi32>, vector<16xi32>], vector<16xf32>,
            %broadcast_in_dim3A_285 = vector.broadcast %while3A_275 : i32 to vector<16xi32>
            %add3A_286 = arith.constant 0 : i32
            %add3A_287 = vector.broadcast %add3A_286 : i32 to vector<16xi32>
            %add3A_288 = arith.addi %iota3A, %add3A_287 : vector<16xi32>
            tpu.vector_store_idx %arg13[%broadcast_in_dim3A_285, %add3A_288], %gather3A : memref<576x64xf32, #tpu.memory_space<vmem>>[vector<16xi32>, vector<16xi32>], vector<16xf32>,
            %add3A_289 = arith.constant 16 : i32
            %add3A_290 = vector.broadcast %add3A_289 : i32 to vector<16xi32>
            %add3A_291 = arith.addi %iota3A, %add3A_290 : vector<16xi32>
            %broadcast_in_dim3A_292 = vector.broadcast %and3A_281 : i32 to vector<16xi32>
            %gather3A_293 = tpu.vector_load_idx %arg12[%add3A_291, %broadcast_in_dim3A_292] : memref<64x128xf32, #tpu.memory_space<vmem>>[vector<16xi32>, vector<16xi32>], vector<16xf32>,
            %broadcast_in_dim3A_294 = vector.broadcast %while3A_275 : i32 to vector<16xi32>
            %add3A_295 = arith.constant 16 : i32
            %add3A_296 = vector.broadcast %add3A_295 : i32 to vector<16xi32>
            %add3A_297 = arith.addi %iota3A, %add3A_296 : vector<16xi32>
            tpu.vector_store_idx %arg13[%broadcast_in_dim3A_294, %add3A_297], %gather3A_293 : memref<576x64xf32, #tpu.memory_space<vmem>>[vector<16xi32>, vector<16xi32>], vector<16xf32>,
            %add3A_298 = arith.constant 32 : i32
            %add3A_299 = vector.broadcast %add3A_298 : i32 to vector<16xi32>
            %add3A_300 = arith.addi %iota3A, %add3A_299 : vector<16xi32>
            %broadcast_in_dim3A_301 = vector.broadcast %and3A_281 : i32 to vector<16xi32>
            %gather3A_302 = tpu.vector_load_idx %arg12[%add3A_300, %broadcast_in_dim3A_301] : memref<64x128xf32, #tpu.memory_space<vmem>>[vector<16xi32>, vector<16xi32>], vector<16xf32>,
            %broadcast_in_dim3A_303 = vector.broadcast %while3A_275 : i32 to vector<16xi32>
            %add3A_304 = arith.constant 32 : i32
            %add3A_305 = vector.broadcast %add3A_304 : i32 to vector<16xi32>
            %add3A_306 = arith.addi %iota3A, %add3A_305 : vector<16xi32>
            tpu.vector_store_idx %arg13[%broadcast_in_dim3A_303, %add3A_306], %gather3A_302 : memref<576x64xf32, #tpu.memory_space<vmem>>[vector<16xi32>, vector<16xi32>], vector<16xf32>,
            %add3A_307 = arith.constant 48 : i32
            %add3A_308 = vector.broadcast %add3A_307 : i32 to vector<16xi32>
            %add3A_309 = arith.addi %iota3A, %add3A_308 : vector<16xi32>
            %broadcast_in_dim3A_310 = vector.broadcast %and3A_281 : i32 to vector<16xi32>
            %gather3A_311 = tpu.vector_load_idx %arg12[%add3A_309, %broadcast_in_dim3A_310] : memref<64x128xf32, #tpu.memory_space<vmem>>[vector<16xi32>, vector<16xi32>], vector<16xf32>,
            %broadcast_in_dim3A_312 = vector.broadcast %while3A_275 : i32 to vector<16xi32>
            %add3A_313 = arith.constant 48 : i32
            %add3A_314 = vector.broadcast %add3A_313 : i32 to vector<16xi32>
            %add3A_315 = arith.addi %iota3A, %add3A_314 : vector<16xi32>
            tpu.vector_store_idx %arg13[%broadcast_in_dim3A_312, %add3A_315], %gather3A_311 : memref<576x64xf32, #tpu.memory_space<vmem>>[vector<16xi32>, vector<16xi32>], vector<16xf32>,
            %while3A_316 = arith.constant 0 : i32
            scf.yield %while3A_316 : i32
          }
          %while3A_267 = arith.constant 1 : i32
          %while3A_268 = scf.for %while3A_275 = %while3A_264 to %while3A_260 step %while3A_267 iter_args(%while3A_276 = %while3A_266) -> (i32)  : i32 {
            %get3A_277 = arith.index_cast %while3A_275 : i32 to index
            %get3A_278 = memref.load %arg15[%get3A_277] : memref<576xi32, #tpu.memory_space<smem>>
            %shift_right_arithmetic3A = arith.constant 14 : i32
            %shift_right_arithmetic3A_279 = arith.shrsi %get3A_278, %shift_right_arithmetic3A : i32
            %and3A_280 = arith.constant 127 : i32
            %and3A_281 = arith.andi %shift_right_arithmetic3A_279, %and3A_280 : i32
            %add3A_282 = arith.constant 0 : i32
            %add3A_283 = vector.broadcast %add3A_282 : i32 to vector<16xi32>
            %add3A_284 = arith.addi %iota3A, %add3A_283 : vector<16xi32>
            %broadcast_in_dim3A = vector.broadcast %and3A_281 : i32 to vector<16xi32>
            %gather3A = tpu.vector_load_idx %arg12[%add3A_284, %broadcast_in_dim3A] : memref<64x128xf32, #tpu.memory_space<vmem>>[vector<16xi32>, vector<16xi32>], vector<16xf32>,
            %broadcast_in_dim3A_285 = vector.broadcast %while3A_275 : i32 to vector<16xi32>
            %add3A_286 = arith.constant 0 : i32
            %add3A_287 = vector.broadcast %add3A_286 : i32 to vector<16xi32>
            %add3A_288 = arith.addi %iota3A, %add3A_287 : vector<16xi32>
            tpu.vector_store_idx %arg13[%broadcast_in_dim3A_285, %add3A_288], %gather3A : memref<576x64xf32, #tpu.memory_space<vmem>>[vector<16xi32>, vector<16xi32>], vector<16xf32>,
            %add3A_289 = arith.constant 16 : i32
            %add3A_290 = vector.broadcast %add3A_289 : i32 to vector<16xi32>
            %add3A_291 = arith.addi %iota3A, %add3A_290 : vector<16xi32>
            %broadcast_in_dim3A_292 = vector.broadcast %and3A_281 : i32 to vector<16xi32>
            %gather3A_293 = tpu.vector_load_idx %arg12[%add3A_291, %broadcast_in_dim3A_292] : memref<64x128xf32, #tpu.memory_space<vmem>>[vector<16xi32>, vector<16xi32>], vector<16xf32>,
            %broadcast_in_dim3A_294 = vector.broadcast %while3A_275 : i32 to vector<16xi32>
            %add3A_295 = arith.constant 16 : i32
            %add3A_296 = vector.broadcast %add3A_295 : i32 to vector<16xi32>
            %add3A_297 = arith.addi %iota3A, %add3A_296 : vector<16xi32>
            tpu.vector_store_idx %arg13[%broadcast_in_dim3A_294, %add3A_297], %gather3A_293 : memref<576x64xf32, #tpu.memory_space<vmem>>[vector<16xi32>, vector<16xi32>], vector<16xf32>,
            %add3A_298 = arith.constant 32 : i32
            %add3A_299 = vector.broadcast %add3A_298 : i32 to vector<16xi32>
            %add3A_300 = arith.addi %iota3A, %add3A_299 : vector<16xi32>
            %broadcast_in_dim3A_301 = vector.broadcast %and3A_281 : i32 to vector<16xi32>
            %gather3A_302 = tpu.vector_load_idx %arg12[%add3A_300, %broadcast_in_dim3A_301] : memref<64x128xf32, #tpu.memory_space<vmem>>[vector<16xi32>, vector<16xi32>], vector<16xf32>,
            %broadcast_in_dim3A_303 = vector.broadcast %while3A_275 : i32 to vector<16xi32>
            %add3A_304 = arith.constant 32 : i32
            %add3A_305 = vector.broadcast %add3A_304 : i32 to vector<16xi32>
            %add3A_306 = arith.addi %iota3A, %add3A_305 : vector<16xi32>
            tpu.vector_store_idx %arg13[%broadcast_in_dim3A_303, %add3A_306], %gather3A_302 : memref<576x64xf32, #tpu.memory_space<vmem>>[vector<16xi32>, vector<16xi32>], vector<16xf32>,
            %add3A_307 = arith.constant 48 : i32
            %add3A_308 = vector.broadcast %add3A_307 : i32 to vector<16xi32>
            %add3A_309 = arith.addi %iota3A, %add3A_308 : vector<16xi32>
            %broadcast_in_dim3A_310 = vector.broadcast %and3A_281 : i32 to vector<16xi32>
            %gather3A_311 = tpu.vector_load_idx %arg12[%add3A_309, %broadcast_in_dim3A_310] : memref<64x128xf32, #tpu.memory_space<vmem>>[vector<16xi32>, vector<16xi32>], vector<16xf32>,
            %broadcast_in_dim3A_312 = vector.broadcast %while3A_275 : i32 to vector<16xi32>
            %add3A_313 = arith.constant 48 : i32
            %add3A_314 = vector.broadcast %add3A_313 : i32 to vector<16xi32>
            %add3A_315 = arith.addi %iota3A, %add3A_314 : vector<16xi32>
            tpu.vector_store_idx %arg13[%broadcast_in_dim3A_312, %add3A_315], %gather3A_311 : memref<576x64xf32, #tpu.memory_space<vmem>>[vector<16xi32>, vector<16xi32>], vector<16xf32>,
            %while3A_316 = arith.constant 0 : i32
            scf.yield %while3A_316 : i32
          }
          %add3A_269 = arith.constant 6 : i32
          %add3A_270 = arith.addi %add3A_230, %add3A_269 : i32
          %lt3A_271 = arith.cmpi slt, %add3A_270, %scan3A_127#1 : i32
          %convert_element_type3A_272 = arith.extui %lt3A_271 : i1 to i32
          %cond3A_273 = arith.constant 0 : i32
          %cond3A_274 = arith.cmpi ne, %convert_element_type3A_272, %cond3A_273 : i32
          scf.if %cond3A_274 {
            %add3A_275 = arith.constant 6 : i32
            %add3A_276 = arith.addi %add3A_230, %add3A_275 : i32
            %get3A_277 = arith.index_cast %add3A_276 : i32 to index
            %get3A_278 = memref.load %arg16[%get3A_277] : memref<256xi32, #tpu.memory_space<smem>>
            %add3A_279 = arith.addi %select_n3A, %get3A_278 : i32
            %mul3A_280 = arith.constant 128 : i32
            %mul3A_281 = arith.muli %add3A_279, %mul3A_280 : i32
            %dma_start3A = arith.constant 0 : i32
            %dma_start3A_282 = tpu.memref_slice %arg3[%dma_start3A, %mul3A_281] : memref<64x1000000xf32, #tpu.memory_space<hbm>> -> memref<64x128xf32, #tpu.memory_space<hbm>>
            %dma_start3A_283 = arith.constant 0 : i32
            %dma_start3A_284 = tpu.memref_slice %arg3[%dma_start3A_283, %mul3A_281] : memref<64x1000000xf32, #tpu.memory_space<hbm>> -> memref<64x128xf32, #tpu.memory_space<hbm>>
            tpu.enqueue_dma source(%dma_start3A_284 : memref<64x128xf32, #tpu.memory_space<hbm>>) target(%arg12 : memref<64x128xf32, #tpu.memory_space<vmem>>) target_semaphore(%arg22 : memref<!tpu.dma_semaphore, #tpu.memory_space<semaphore_mem>>)
          } else {
          }
        } else {
        }
        %scan3A_235 = arith.constant 0 : i32
        scf.yield %scan3A_235 : i32
      }
      %scan3A_171 = arith.constant 41 : i32
      %scan3A_172 = arith.constant 0 : i32
      %scan3A_173 = arith.constant 0 : i32
      %scan3A_174 = arith.constant 36 : i32
      %scan3A_175 = arith.addi %scan3A_173, %scan3A_174 : i32
      %scan3A_176 = arith.constant 1 : i32
      %scan3A_177 = scf.for %scan3A_186 = %scan3A_173 to %scan3A_175 step %scan3A_176 iter_args(%scan3A_187 = %scan3A_172) -> (i32)  : i32 {
        %mul3A_188 = arith.constant 16 : i32
        %mul3A_189 = arith.muli %scan3A_186, %mul3A_188 : i32
        %add3A_190 = arith.constant 0 : i32
        %add3A_191 = arith.addi %mul3A_189, %add3A_190 : i32
        %lt3A = arith.cmpi slt, %add3A_191, %scan3A_127#0 : i32
        %jit3A_192 = arith.constant 0 : i32
        %select_n3A_193 = arith.select %lt3A, %add3A_191, %jit3A_192 : i32
        %get3A = arith.index_cast %select_n3A_193 : i32 to index
        %get3A_194 = memref.load %arg15[%get3A] : memref<576xi32, #tpu.memory_space<smem>>
        %and3A_195 = arith.constant 16383 : i32
        %and3A_196 = arith.andi %get3A_194, %and3A_195 : i32
        %add3A_197 = arith.constant 16384 : i32
        %add3A_198 = arith.addi %add3A_197, %add3A : i32
        %select_n3A_199 = arith.select %lt3A, %and3A_196, %add3A_198 : i32
        %dma_start3A = arith.constant 0 : i32
        %dma_start3A_200 = tpu.memref_slice %arg13[%add3A_191, %dma_start3A] : memref<576x64xf32, #tpu.memory_space<vmem>> -> memref<1x64xf32, #tpu.memory_space<vmem>>
        %dma_start3A_201 = tpu.memref_squeeze %dma_start3A_200 : memref<1x64xf32, #tpu.memory_space<vmem>> -> memref<64xf32, #tpu.memory_space<vmem>>
        %dma_start3A_202 = arith.constant 0 : i32
        %dma_start3A_203 = tpu.memref_slice %arg4[%select_n3A_199, %dma_start3A_202] : memref<16448x64xf32, #tpu.memory_space<hbm>> -> memref<1x64xf32, #tpu.memory_space<hbm>>
        %dma_start3A_204 = tpu.memref_squeeze %dma_start3A_203 : memref<1x64xf32, #tpu.memory_space<hbm>> -> memref<64xf32, #tpu.memory_space<hbm>>
        %dma_start3A_205 = arith.constant 0 : i32
        %dma_start3A_206 = tpu.memref_slice %arg4[%select_n3A_199, %dma_start3A_205] : memref<16448x64xf32, #tpu.memory_space<hbm>> -> memref<1x64xf32, #tpu.memory_space<hbm>>
        %dma_start3A_207 = tpu.memref_squeeze %dma_start3A_206 : memref<1x64xf32, #tpu.memory_space<hbm>> -> memref<64xf32, #tpu.memory_space<hbm>>
        %dma_start3A_208 = arith.constant 0 : i32
        %dma_start3A_209 = tpu.memref_slice %arg13[%add3A_191, %dma_start3A_208] : memref<576x64xf32, #tpu.memory_space<vmem>> -> memref<1x64xf32, #tpu.memory_space<vmem>>
        %dma_start3A_210 = tpu.memref_squeeze %dma_start3A_209 : memref<1x64xf32, #tpu.memory_space<vmem>> -> memref<64xf32, #tpu.memory_space<vmem>>
        tpu.enqueue_dma source(%dma_start3A_210 : memref<64xf32, #tpu.memory_space<vmem>>) target(%dma_start3A_207 : memref<64xf32, #tpu.memory_space<hbm>>) target_semaphore(%arg23 : memref<!tpu.dma_semaphore, #tpu.memory_space<semaphore_mem>>)
        %mul3A_211 = arith.constant 16 : i32
        %mul3A_212 = arith.muli %scan3A_186, %mul3A_211 : i32
        %add3A_213 = arith.constant 1 : i32
        %add3A_214 = arith.addi %mul3A_212, %add3A_213 : i32
        %lt3A_215 = arith.cmpi slt, %add3A_214, %scan3A_127#0 : i32
        %jit3A_216 = arith.constant 0 : i32
        %select_n3A_217 = arith.select %lt3A_215, %add3A_214, %jit3A_216 : i32
        %get3A_218 = arith.index_cast %select_n3A_217 : i32 to index
        %get3A_219 = memref.load %arg15[%get3A_218] : memref<576xi32, #tpu.memory_space<smem>>
        %and3A_220 = arith.constant 16383 : i32
        %and3A_221 = arith.andi %get3A_219, %and3A_220 : i32
        %add3A_222 = arith.constant 16384 : i32
        %add3A_223 = arith.addi %add3A_222, %add3A : i32
        %select_n3A_224 = arith.select %lt3A_215, %and3A_221, %add3A_223 : i32
        %dma_start3A_225 = arith.constant 0 : i32
        %dma_start3A_226 = tpu.memref_slice %arg13[%add3A_214, %dma_start3A_225] : memref<576x64xf32, #tpu.memory_space<vmem>> -> memref<1x64xf32, #tpu.memory_space<vmem>>
        %dma_start3A_227 = tpu.memref_squeeze %dma_start3A_226 : memref<1x64xf32, #tpu.memory_space<vmem>> -> memref<64xf32, #tpu.memory_space<vmem>>
        %dma_start3A_228 = arith.constant 0 : i32
        %dma_start3A_229 = tpu.memref_slice %arg4[%select_n3A_224, %dma_start3A_228] : memref<16448x64xf32, #tpu.memory_space<hbm>> -> memref<1x64xf32, #tpu.memory_space<hbm>>
        %dma_start3A_230 = tpu.memref_squeeze %dma_start3A_229 : memref<1x64xf32, #tpu.memory_space<hbm>> -> memref<64xf32, #tpu.memory_space<hbm>>
        %dma_start3A_231 = arith.constant 0 : i32
        %dma_start3A_232 = tpu.memref_slice %arg4[%select_n3A_224, %dma_start3A_231] : memref<16448x64xf32, #tpu.memory_space<hbm>> -> memref<1x64xf32, #tpu.memory_space<hbm>>
        %dma_start3A_233 = tpu.memref_squeeze %dma_start3A_232 : memref<1x64xf32, #tpu.memory_space<hbm>> -> memref<64xf32, #tpu.memory_space<hbm>>
        %dma_start3A_234 = arith.constant 0 : i32
        %dma_start3A_235 = tpu.memref_slice %arg13[%add3A_214, %dma_start3A_234] : memref<576x64xf32, #tpu.memory_space<vmem>> -> memref<1x64xf32, #tpu.memory_space<vmem>>
        %dma_start3A_236 = tpu.memref_squeeze %dma_start3A_235 : memref<1x64xf32, #tpu.memory_space<vmem>> -> memref<64xf32, #tpu.memory_space<vmem>>
        tpu.enqueue_dma source(%dma_start3A_236 : memref<64xf32, #tpu.memory_space<vmem>>) target(%dma_start3A_233 : memref<64xf32, #tpu.memory_space<hbm>>) target_semaphore(%arg23 : memref<!tpu.dma_semaphore, #tpu.memory_space<semaphore_mem>>)
        %mul3A_237 = arith.constant 16 : i32
        %mul3A_238 = arith.muli %scan3A_186, %mul3A_237 : i32
        %add3A_239 = arith.constant 2 : i32
        %add3A_240 = arith.addi %mul3A_238, %add3A_239 : i32
        %lt3A_241 = arith.cmpi slt, %add3A_240, %scan3A_127#0 : i32
        %jit3A_242 = arith.constant 0 : i32
        %select_n3A_243 = arith.select %lt3A_241, %add3A_240, %jit3A_242 : i32
        %get3A_244 = arith.index_cast %select_n3A_243 : i32 to index
        %get3A_245 = memref.load %arg15[%get3A_244] : memref<576xi32, #tpu.memory_space<smem>>
        %and3A_246 = arith.constant 16383 : i32
        %and3A_247 = arith.andi %get3A_245, %and3A_246 : i32
        %add3A_248 = arith.constant 16384 : i32
        %add3A_249 = arith.addi %add3A_248, %add3A : i32
        %select_n3A_250 = arith.select %lt3A_241, %and3A_247, %add3A_249 : i32
        %dma_start3A_251 = arith.constant 0 : i32
        %dma_start3A_252 = tpu.memref_slice %arg13[%add3A_240, %dma_start3A_251] : memref<576x64xf32, #tpu.memory_space<vmem>> -> memref<1x64xf32, #tpu.memory_space<vmem>>
        %dma_start3A_253 = tpu.memref_squeeze %dma_start3A_252 : memref<1x64xf32, #tpu.memory_space<vmem>> -> memref<64xf32, #tpu.memory_space<vmem>>
        %dma_start3A_254 = arith.constant 0 : i32
        %dma_start3A_255 = tpu.memref_slice %arg4[%select_n3A_250, %dma_start3A_254] : memref<16448x64xf32, #tpu.memory_space<hbm>> -> memref<1x64xf32, #tpu.memory_space<hbm>>
        %dma_start3A_256 = tpu.memref_squeeze %dma_start3A_255 : memref<1x64xf32, #tpu.memory_space<hbm>> -> memref<64xf32, #tpu.memory_space<hbm>>
        %dma_start3A_257 = arith.constant 0 : i32
        %dma_start3A_258 = tpu.memref_slice %arg4[%select_n3A_250, %dma_start3A_257] : memref<16448x64xf32, #tpu.memory_space<hbm>> -> memref<1x64xf32, #tpu.memory_space<hbm>>
        %dma_start3A_259 = tpu.memref_squeeze %dma_start3A_258 : memref<1x64xf32, #tpu.memory_space<hbm>> -> memref<64xf32, #tpu.memory_space<hbm>>
        %dma_start3A_260 = arith.constant 0 : i32
        %dma_start3A_261 = tpu.memref_slice %arg13[%add3A_240, %dma_start3A_260] : memref<576x64xf32, #tpu.memory_space<vmem>> -> memref<1x64xf32, #tpu.memory_space<vmem>>
        %dma_start3A_262 = tpu.memref_squeeze %dma_start3A_261 : memref<1x64xf32, #tpu.memory_space<vmem>> -> memref<64xf32, #tpu.memory_space<vmem>>
        tpu.enqueue_dma source(%dma_start3A_262 : memref<64xf32, #tpu.memory_space<vmem>>) target(%dma_start3A_259 : memref<64xf32, #tpu.memory_space<hbm>>) target_semaphore(%arg23 : memref<!tpu.dma_semaphore, #tpu.memory_space<semaphore_mem>>)
        %mul3A_263 = arith.constant 16 : i32
        %mul3A_264 = arith.muli %scan3A_186, %mul3A_263 : i32
        %add3A_265 = arith.constant 3 : i32
        %add3A_266 = arith.addi %mul3A_264, %add3A_265 : i32
        %lt3A_267 = arith.cmpi slt, %add3A_266, %scan3A_127#0 : i32
        %jit3A_268 = arith.constant 0 : i32
        %select_n3A_269 = arith.select %lt3A_267, %add3A_266, %jit3A_268 : i32
        %get3A_270 = arith.index_cast %select_n3A_269 : i32 to index
        %get3A_271 = memref.load %arg15[%get3A_270] : memref<576xi32, #tpu.memory_space<smem>>
        %and3A_272 = arith.constant 16383 : i32
        %and3A_273 = arith.andi %get3A_271, %and3A_272 : i32
        %add3A_274 = arith.constant 16384 : i32
        %add3A_275 = arith.addi %add3A_274, %add3A : i32
        %select_n3A_276 = arith.select %lt3A_267, %and3A_273, %add3A_275 : i32
        %dma_start3A_277 = arith.constant 0 : i32
        %dma_start3A_278 = tpu.memref_slice %arg13[%add3A_266, %dma_start3A_277] : memref<576x64xf32, #tpu.memory_space<vmem>> -> memref<1x64xf32, #tpu.memory_space<vmem>>
        %dma_start3A_279 = tpu.memref_squeeze %dma_start3A_278 : memref<1x64xf32, #tpu.memory_space<vmem>> -> memref<64xf32, #tpu.memory_space<vmem>>
        %dma_start3A_280 = arith.constant 0 : i32
        %dma_start3A_281 = tpu.memref_slice %arg4[%select_n3A_276, %dma_start3A_280] : memref<16448x64xf32, #tpu.memory_space<hbm>> -> memref<1x64xf32, #tpu.memory_space<hbm>>
        %dma_start3A_282 = tpu.memref_squeeze %dma_start3A_281 : memref<1x64xf32, #tpu.memory_space<hbm>> -> memref<64xf32, #tpu.memory_space<hbm>>
        %dma_start3A_283 = arith.constant 0 : i32
        %dma_start3A_284 = tpu.memref_slice %arg4[%select_n3A_276, %dma_start3A_283] : memref<16448x64xf32, #tpu.memory_space<hbm>> -> memref<1x64xf32, #tpu.memory_space<hbm>>
        %dma_start3A_285 = tpu.memref_squeeze %dma_start3A_284 : memref<1x64xf32, #tpu.memory_space<hbm>> -> memref<64xf32, #tpu.memory_space<hbm>>
        %dma_start3A_286 = arith.constant 0 : i32
        %dma_start3A_287 = tpu.memref_slice %arg13[%add3A_266, %dma_start3A_286] : memref<576x64xf32, #tpu.memory_space<vmem>> -> memref<1x64xf32, #tpu.memory_space<vmem>>
        %dma_start3A_288 = tpu.memref_squeeze %dma_start3A_287 : memref<1x64xf32, #tpu.memory_space<vmem>> -> memref<64xf32, #tpu.memory_space<vmem>>
        tpu.enqueue_dma source(%dma_start3A_288 : memref<64xf32, #tpu.memory_space<vmem>>) target(%dma_start3A_285 : memref<64xf32, #tpu.memory_space<hbm>>) target_semaphore(%arg23 : memref<!tpu.dma_semaphore, #tpu.memory_space<semaphore_mem>>)
        %mul3A_289 = arith.constant 16 : i32
        %mul3A_290 = arith.muli %scan3A_186, %mul3A_289 : i32
        %add3A_291 = arith.constant 4 : i32
        %add3A_292 = arith.addi %mul3A_290, %add3A_291 : i32
        %lt3A_293 = arith.cmpi slt, %add3A_292, %scan3A_127#0 : i32
        %jit3A_294 = arith.constant 0 : i32
        %select_n3A_295 = arith.select %lt3A_293, %add3A_292, %jit3A_294 : i32
        %get3A_296 = arith.index_cast %select_n3A_295 : i32 to index
        %get3A_297 = memref.load %arg15[%get3A_296] : memref<576xi32, #tpu.memory_space<smem>>
        %and3A_298 = arith.constant 16383 : i32
        %and3A_299 = arith.andi %get3A_297, %and3A_298 : i32
        %add3A_300 = arith.constant 16384 : i32
        %add3A_301 = arith.addi %add3A_300, %add3A : i32
        %select_n3A_302 = arith.select %lt3A_293, %and3A_299, %add3A_301 : i32
        %dma_start3A_303 = arith.constant 0 : i32
        %dma_start3A_304 = tpu.memref_slice %arg13[%add3A_292, %dma_start3A_303] : memref<576x64xf32, #tpu.memory_space<vmem>> -> memref<1x64xf32, #tpu.memory_space<vmem>>
        %dma_start3A_305 = tpu.memref_squeeze %dma_start3A_304 : memref<1x64xf32, #tpu.memory_space<vmem>> -> memref<64xf32, #tpu.memory_space<vmem>>
        %dma_start3A_306 = arith.constant 0 : i32
        %dma_start3A_307 = tpu.memref_slice %arg4[%select_n3A_302, %dma_start3A_306] : memref<16448x64xf32, #tpu.memory_space<hbm>> -> memref<1x64xf32, #tpu.memory_space<hbm>>
        %dma_start3A_308 = tpu.memref_squeeze %dma_start3A_307 : memref<1x64xf32, #tpu.memory_space<hbm>> -> memref<64xf32, #tpu.memory_space<hbm>>
        %dma_start3A_309 = arith.constant 0 : i32
        %dma_start3A_310 = tpu.memref_slice %arg4[%select_n3A_302, %dma_start3A_309] : memref<16448x64xf32, #tpu.memory_space<hbm>> -> memref<1x64xf32, #tpu.memory_space<hbm>>
        %dma_start3A_311 = tpu.memref_squeeze %dma_start3A_310 : memref<1x64xf32, #tpu.memory_space<hbm>> -> memref<64xf32, #tpu.memory_space<hbm>>
        %dma_start3A_312 = arith.constant 0 : i32
        %dma_start3A_313 = tpu.memref_slice %arg13[%add3A_292, %dma_start3A_312] : memref<576x64xf32, #tpu.memory_space<vmem>> -> memref<1x64xf32, #tpu.memory_space<vmem>>
        %dma_start3A_314 = tpu.memref_squeeze %dma_start3A_313 : memref<1x64xf32, #tpu.memory_space<vmem>> -> memref<64xf32, #tpu.memory_space<vmem>>
        tpu.enqueue_dma source(%dma_start3A_314 : memref<64xf32, #tpu.memory_space<vmem>>) target(%dma_start3A_311 : memref<64xf32, #tpu.memory_space<hbm>>) target_semaphore(%arg23 : memref<!tpu.dma_semaphore, #tpu.memory_space<semaphore_mem>>)
        %mul3A_315 = arith.constant 16 : i32
        %mul3A_316 = arith.muli %scan3A_186, %mul3A_315 : i32
        %add3A_317 = arith.constant 5 : i32
        %add3A_318 = arith.addi %mul3A_316, %add3A_317 : i32
        %lt3A_319 = arith.cmpi slt, %add3A_318, %scan3A_127#0 : i32
        %jit3A_320 = arith.constant 0 : i32
        %select_n3A_321 = arith.select %lt3A_319, %add3A_318, %jit3A_320 : i32
        %get3A_322 = arith.index_cast %select_n3A_321 : i32 to index
        %get3A_323 = memref.load %arg15[%get3A_322] : memref<576xi32, #tpu.memory_space<smem>>
        %and3A_324 = arith.constant 16383 : i32
        %and3A_325 = arith.andi %get3A_323, %and3A_324 : i32
        %add3A_326 = arith.constant 16384 : i32
        %add3A_327 = arith.addi %add3A_326, %add3A : i32
        %select_n3A_328 = arith.select %lt3A_319, %and3A_325, %add3A_327 : i32
        %dma_start3A_329 = arith.constant 0 : i32
        %dma_start3A_330 = tpu.memref_slice %arg13[%add3A_318, %dma_start3A_329] : memref<576x64xf32, #tpu.memory_space<vmem>> -> memref<1x64xf32, #tpu.memory_space<vmem>>
        %dma_start3A_331 = tpu.memref_squeeze %dma_start3A_330 : memref<1x64xf32, #tpu.memory_space<vmem>> -> memref<64xf32, #tpu.memory_space<vmem>>
        %dma_start3A_332 = arith.constant 0 : i32
        %dma_start3A_333 = tpu.memref_slice %arg4[%select_n3A_328, %dma_start3A_332] : memref<16448x64xf32, #tpu.memory_space<hbm>> -> memref<1x64xf32, #tpu.memory_space<hbm>>
        %dma_start3A_334 = tpu.memref_squeeze %dma_start3A_333 : memref<1x64xf32, #tpu.memory_space<hbm>> -> memref<64xf32, #tpu.memory_space<hbm>>
        %dma_start3A_335 = arith.constant 0 : i32
        %dma_start3A_336 = tpu.memref_slice %arg4[%select_n3A_328, %dma_start3A_335] : memref<16448x64xf32, #tpu.memory_space<hbm>> -> memref<1x64xf32, #tpu.memory_space<hbm>>
        %dma_start3A_337 = tpu.memref_squeeze %dma_start3A_336 : memref<1x64xf32, #tpu.memory_space<hbm>> -> memref<64xf32, #tpu.memory_space<hbm>>
        %dma_start3A_338 = arith.constant 0 : i32
        %dma_start3A_339 = tpu.memref_slice %arg13[%add3A_318, %dma_start3A_338] : memref<576x64xf32, #tpu.memory_space<vmem>> -> memref<1x64xf32, #tpu.memory_space<vmem>>
        %dma_start3A_340 = tpu.memref_squeeze %dma_start3A_339 : memref<1x64xf32, #tpu.memory_space<vmem>> -> memref<64xf32, #tpu.memory_space<vmem>>
        tpu.enqueue_dma source(%dma_start3A_340 : memref<64xf32, #tpu.memory_space<vmem>>) target(%dma_start3A_337 : memref<64xf32, #tpu.memory_space<hbm>>) target_semaphore(%arg23 : memref<!tpu.dma_semaphore, #tpu.memory_space<semaphore_mem>>)
        %mul3A_341 = arith.constant 16 : i32
        %mul3A_342 = arith.muli %scan3A_186, %mul3A_341 : i32
        %add3A_343 = arith.constant 6 : i32
        %add3A_344 = arith.addi %mul3A_342, %add3A_343 : i32
        %lt3A_345 = arith.cmpi slt, %add3A_344, %scan3A_127#0 : i32
        %jit3A_346 = arith.constant 0 : i32
        %select_n3A_347 = arith.select %lt3A_345, %add3A_344, %jit3A_346 : i32
        %get3A_348 = arith.index_cast %select_n3A_347 : i32 to index
        %get3A_349 = memref.load %arg15[%get3A_348] : memref<576xi32, #tpu.memory_space<smem>>
        %and3A_350 = arith.constant 16383 : i32
        %and3A_351 = arith.andi %get3A_349, %and3A_350 : i32
        %add3A_352 = arith.constant 16384 : i32
        %add3A_353 = arith.addi %add3A_352, %add3A : i32
        %select_n3A_354 = arith.select %lt3A_345, %and3A_351, %add3A_353 : i32
        %dma_start3A_355 = arith.constant 0 : i32
        %dma_start3A_356 = tpu.memref_slice %arg13[%add3A_344, %dma_start3A_355] : memref<576x64xf32, #tpu.memory_space<vmem>> -> memref<1x64xf32, #tpu.memory_space<vmem>>
        %dma_start3A_357 = tpu.memref_squeeze %dma_start3A_356 : memref<1x64xf32, #tpu.memory_space<vmem>> -> memref<64xf32, #tpu.memory_space<vmem>>
        %dma_start3A_358 = arith.constant 0 : i32
        %dma_start3A_359 = tpu.memref_slice %arg4[%select_n3A_354, %dma_start3A_358] : memref<16448x64xf32, #tpu.memory_space<hbm>> -> memref<1x64xf32, #tpu.memory_space<hbm>>
        %dma_start3A_360 = tpu.memref_squeeze %dma_start3A_359 : memref<1x64xf32, #tpu.memory_space<hbm>> -> memref<64xf32, #tpu.memory_space<hbm>>
        %dma_start3A_361 = arith.constant 0 : i32
        %dma_start3A_362 = tpu.memref_slice %arg4[%select_n3A_354, %dma_start3A_361] : memref<16448x64xf32, #tpu.memory_space<hbm>> -> memref<1x64xf32, #tpu.memory_space<hbm>>
        %dma_start3A_363 = tpu.memref_squeeze %dma_start3A_362 : memref<1x64xf32, #tpu.memory_space<hbm>> -> memref<64xf32, #tpu.memory_space<hbm>>
        %dma_start3A_364 = arith.constant 0 : i32
        %dma_start3A_365 = tpu.memref_slice %arg13[%add3A_344, %dma_start3A_364] : memref<576x64xf32, #tpu.memory_space<vmem>> -> memref<1x64xf32, #tpu.memory_space<vmem>>
        %dma_start3A_366 = tpu.memref_squeeze %dma_start3A_365 : memref<1x64xf32, #tpu.memory_space<vmem>> -> memref<64xf32, #tpu.memory_space<vmem>>
        tpu.enqueue_dma source(%dma_start3A_366 : memref<64xf32, #tpu.memory_space<vmem>>) target(%dma_start3A_363 : memref<64xf32, #tpu.memory_space<hbm>>) target_semaphore(%arg23 : memref<!tpu.dma_semaphore, #tpu.memory_space<semaphore_mem>>)
        %mul3A_367 = arith.constant 16 : i32
        %mul3A_368 = arith.muli %scan3A_186, %mul3A_367 : i32
        %add3A_369 = arith.constant 7 : i32
        %add3A_370 = arith.addi %mul3A_368, %add3A_369 : i32
        %lt3A_371 = arith.cmpi slt, %add3A_370, %scan3A_127#0 : i32
        %jit3A_372 = arith.constant 0 : i32
        %select_n3A_373 = arith.select %lt3A_371, %add3A_370, %jit3A_372 : i32
        %get3A_374 = arith.index_cast %select_n3A_373 : i32 to index
        %get3A_375 = memref.load %arg15[%get3A_374] : memref<576xi32, #tpu.memory_space<smem>>
        %and3A_376 = arith.constant 16383 : i32
        %and3A_377 = arith.andi %get3A_375, %and3A_376 : i32
        %add3A_378 = arith.constant 16384 : i32
        %add3A_379 = arith.addi %add3A_378, %add3A : i32
        %select_n3A_380 = arith.select %lt3A_371, %and3A_377, %add3A_379 : i32
        %dma_start3A_381 = arith.constant 0 : i32
        %dma_start3A_382 = tpu.memref_slice %arg13[%add3A_370, %dma_start3A_381] : memref<576x64xf32, #tpu.memory_space<vmem>> -> memref<1x64xf32, #tpu.memory_space<vmem>>
        %dma_start3A_383 = tpu.memref_squeeze %dma_start3A_382 : memref<1x64xf32, #tpu.memory_space<vmem>> -> memref<64xf32, #tpu.memory_space<vmem>>
        %dma_start3A_384 = arith.constant 0 : i32
        %dma_start3A_385 = tpu.memref_slice %arg4[%select_n3A_380, %dma_start3A_384] : memref<16448x64xf32, #tpu.memory_space<hbm>> -> memref<1x64xf32, #tpu.memory_space<hbm>>
        %dma_start3A_386 = tpu.memref_squeeze %dma_start3A_385 : memref<1x64xf32, #tpu.memory_space<hbm>> -> memref<64xf32, #tpu.memory_space<hbm>>
        %dma_start3A_387 = arith.constant 0 : i32
        %dma_start3A_388 = tpu.memref_slice %arg4[%select_n3A_380, %dma_start3A_387] : memref<16448x64xf32, #tpu.memory_space<hbm>> -> memref<1x64xf32, #tpu.memory_space<hbm>>
        %dma_start3A_389 = tpu.memref_squeeze %dma_start3A_388 : memref<1x64xf32, #tpu.memory_space<hbm>> -> memref<64xf32, #tpu.memory_space<hbm>>
        %dma_start3A_390 = arith.constant 0 : i32
        %dma_start3A_391 = tpu.memref_slice %arg13[%add3A_370, %dma_start3A_390] : memref<576x64xf32, #tpu.memory_space<vmem>> -> memref<1x64xf32, #tpu.memory_space<vmem>>
        %dma_start3A_392 = tpu.memref_squeeze %dma_start3A_391 : memref<1x64xf32, #tpu.memory_space<vmem>> -> memref<64xf32, #tpu.memory_space<vmem>>
        tpu.enqueue_dma source(%dma_start3A_392 : memref<64xf32, #tpu.memory_space<vmem>>) target(%dma_start3A_389 : memref<64xf32, #tpu.memory_space<hbm>>) target_semaphore(%arg23 : memref<!tpu.dma_semaphore, #tpu.memory_space<semaphore_mem>>)
        %mul3A_393 = arith.constant 16 : i32
        %mul3A_394 = arith.muli %scan3A_186, %mul3A_393 : i32
        %add3A_395 = arith.constant 8 : i32
        %add3A_396 = arith.addi %mul3A_394, %add3A_395 : i32
        %lt3A_397 = arith.cmpi slt, %add3A_396, %scan3A_127#0 : i32
        %jit3A_398 = arith.constant 0 : i32
        %select_n3A_399 = arith.select %lt3A_397, %add3A_396, %jit3A_398 : i32
        %get3A_400 = arith.index_cast %select_n3A_399 : i32 to index
        %get3A_401 = memref.load %arg15[%get3A_400] : memref<576xi32, #tpu.memory_space<smem>>
        %and3A_402 = arith.constant 16383 : i32
        %and3A_403 = arith.andi %get3A_401, %and3A_402 : i32
        %add3A_404 = arith.constant 16384 : i32
        %add3A_405 = arith.addi %add3A_404, %add3A : i32
        %select_n3A_406 = arith.select %lt3A_397, %and3A_403, %add3A_405 : i32
        %dma_start3A_407 = arith.constant 0 : i32
        %dma_start3A_408 = tpu.memref_slice %arg13[%add3A_396, %dma_start3A_407] : memref<576x64xf32, #tpu.memory_space<vmem>> -> memref<1x64xf32, #tpu.memory_space<vmem>>
        %dma_start3A_409 = tpu.memref_squeeze %dma_start3A_408 : memref<1x64xf32, #tpu.memory_space<vmem>> -> memref<64xf32, #tpu.memory_space<vmem>>
        %dma_start3A_410 = arith.constant 0 : i32
        %dma_start3A_411 = tpu.memref_slice %arg4[%select_n3A_406, %dma_start3A_410] : memref<16448x64xf32, #tpu.memory_space<hbm>> -> memref<1x64xf32, #tpu.memory_space<hbm>>
        %dma_start3A_412 = tpu.memref_squeeze %dma_start3A_411 : memref<1x64xf32, #tpu.memory_space<hbm>> -> memref<64xf32, #tpu.memory_space<hbm>>
        %dma_start3A_413 = arith.constant 0 : i32
        %dma_start3A_414 = tpu.memref_slice %arg4[%select_n3A_406, %dma_start3A_413] : memref<16448x64xf32, #tpu.memory_space<hbm>> -> memref<1x64xf32, #tpu.memory_space<hbm>>
        %dma_start3A_415 = tpu.memref_squeeze %dma_start3A_414 : memref<1x64xf32, #tpu.memory_space<hbm>> -> memref<64xf32, #tpu.memory_space<hbm>>
        %dma_start3A_416 = arith.constant 0 : i32
        %dma_start3A_417 = tpu.memref_slice %arg13[%add3A_396, %dma_start3A_416] : memref<576x64xf32, #tpu.memory_space<vmem>> -> memref<1x64xf32, #tpu.memory_space<vmem>>
        %dma_start3A_418 = tpu.memref_squeeze %dma_start3A_417 : memref<1x64xf32, #tpu.memory_space<vmem>> -> memref<64xf32, #tpu.memory_space<vmem>>
        tpu.enqueue_dma source(%dma_start3A_418 : memref<64xf32, #tpu.memory_space<vmem>>) target(%dma_start3A_415 : memref<64xf32, #tpu.memory_space<hbm>>) target_semaphore(%arg23 : memref<!tpu.dma_semaphore, #tpu.memory_space<semaphore_mem>>)
        %mul3A_419 = arith.constant 16 : i32
        %mul3A_420 = arith.muli %scan3A_186, %mul3A_419 : i32
        %add3A_421 = arith.constant 9 : i32
        %add3A_422 = arith.addi %mul3A_420, %add3A_421 : i32
        %lt3A_423 = arith.cmpi slt, %add3A_422, %scan3A_127#0 : i32
        %jit3A_424 = arith.constant 0 : i32
        %select_n3A_425 = arith.select %lt3A_423, %add3A_422, %jit3A_424 : i32
        %get3A_426 = arith.index_cast %select_n3A_425 : i32 to index
        %get3A_427 = memref.load %arg15[%get3A_426] : memref<576xi32, #tpu.memory_space<smem>>
        %and3A_428 = arith.constant 16383 : i32
        %and3A_429 = arith.andi %get3A_427, %and3A_428 : i32
        %add3A_430 = arith.constant 16384 : i32
        %add3A_431 = arith.addi %add3A_430, %add3A : i32
        %select_n3A_432 = arith.select %lt3A_423, %and3A_429, %add3A_431 : i32
        %dma_start3A_433 = arith.constant 0 : i32
        %dma_start3A_434 = tpu.memref_slice %arg13[%add3A_422, %dma_start3A_433] : memref<576x64xf32, #tpu.memory_space<vmem>> -> memref<1x64xf32, #tpu.memory_space<vmem>>
        %dma_start3A_435 = tpu.memref_squeeze %dma_start3A_434 : memref<1x64xf32, #tpu.memory_space<vmem>> -> memref<64xf32, #tpu.memory_space<vmem>>
        %dma_start3A_436 = arith.constant 0 : i32
        %dma_start3A_437 = tpu.memref_slice %arg4[%select_n3A_432, %dma_start3A_436] : memref<16448x64xf32, #tpu.memory_space<hbm>> -> memref<1x64xf32, #tpu.memory_space<hbm>>
        %dma_start3A_438 = tpu.memref_squeeze %dma_start3A_437 : memref<1x64xf32, #tpu.memory_space<hbm>> -> memref<64xf32, #tpu.memory_space<hbm>>
        %dma_start3A_439 = arith.constant 0 : i32
        %dma_start3A_440 = tpu.memref_slice %arg4[%select_n3A_432, %dma_start3A_439] : memref<16448x64xf32, #tpu.memory_space<hbm>> -> memref<1x64xf32, #tpu.memory_space<hbm>>
        %dma_start3A_441 = tpu.memref_squeeze %dma_start3A_440 : memref<1x64xf32, #tpu.memory_space<hbm>> -> memref<64xf32, #tpu.memory_space<hbm>>
        %dma_start3A_442 = arith.constant 0 : i32
        %dma_start3A_443 = tpu.memref_slice %arg13[%add3A_422, %dma_start3A_442] : memref<576x64xf32, #tpu.memory_space<vmem>> -> memref<1x64xf32, #tpu.memory_space<vmem>>
        %dma_start3A_444 = tpu.memref_squeeze %dma_start3A_443 : memref<1x64xf32, #tpu.memory_space<vmem>> -> memref<64xf32, #tpu.memory_space<vmem>>
        tpu.enqueue_dma source(%dma_start3A_444 : memref<64xf32, #tpu.memory_space<vmem>>) target(%dma_start3A_441 : memref<64xf32, #tpu.memory_space<hbm>>) target_semaphore(%arg23 : memref<!tpu.dma_semaphore, #tpu.memory_space<semaphore_mem>>)
        %mul3A_445 = arith.constant 16 : i32
        %mul3A_446 = arith.muli %scan3A_186, %mul3A_445 : i32
        %add3A_447 = arith.constant 10 : i32
        %add3A_448 = arith.addi %mul3A_446, %add3A_447 : i32
        %lt3A_449 = arith.cmpi slt, %add3A_448, %scan3A_127#0 : i32
        %jit3A_450 = arith.constant 0 : i32
        %select_n3A_451 = arith.select %lt3A_449, %add3A_448, %jit3A_450 : i32
        %get3A_452 = arith.index_cast %select_n3A_451 : i32 to index
        %get3A_453 = memref.load %arg15[%get3A_452] : memref<576xi32, #tpu.memory_space<smem>>
        %and3A_454 = arith.constant 16383 : i32
        %and3A_455 = arith.andi %get3A_453, %and3A_454 : i32
        %add3A_456 = arith.constant 16384 : i32
        %add3A_457 = arith.addi %add3A_456, %add3A : i32
        %select_n3A_458 = arith.select %lt3A_449, %and3A_455, %add3A_457 : i32
        %dma_start3A_459 = arith.constant 0 : i32
        %dma_start3A_460 = tpu.memref_slice %arg13[%add3A_448, %dma_start3A_459] : memref<576x64xf32, #tpu.memory_space<vmem>> -> memref<1x64xf32, #tpu.memory_space<vmem>>
        %dma_start3A_461 = tpu.memref_squeeze %dma_start3A_460 : memref<1x64xf32, #tpu.memory_space<vmem>> -> memref<64xf32, #tpu.memory_space<vmem>>
        %dma_start3A_462 = arith.constant 0 : i32
        %dma_start3A_463 = tpu.memref_slice %arg4[%select_n3A_458, %dma_start3A_462] : memref<16448x64xf32, #tpu.memory_space<hbm>> -> memref<1x64xf32, #tpu.memory_space<hbm>>
        %dma_start3A_464 = tpu.memref_squeeze %dma_start3A_463 : memref<1x64xf32, #tpu.memory_space<hbm>> -> memref<64xf32, #tpu.memory_space<hbm>>
        %dma_start3A_465 = arith.constant 0 : i32
        %dma_start3A_466 = tpu.memref_slice %arg4[%select_n3A_458, %dma_start3A_465] : memref<16448x64xf32, #tpu.memory_space<hbm>> -> memref<1x64xf32, #tpu.memory_space<hbm>>
        %dma_start3A_467 = tpu.memref_squeeze %dma_start3A_466 : memref<1x64xf32, #tpu.memory_space<hbm>> -> memref<64xf32, #tpu.memory_space<hbm>>
        %dma_start3A_468 = arith.constant 0 : i32
        %dma_start3A_469 = tpu.memref_slice %arg13[%add3A_448, %dma_start3A_468] : memref<576x64xf32, #tpu.memory_space<vmem>> -> memref<1x64xf32, #tpu.memory_space<vmem>>
        %dma_start3A_470 = tpu.memref_squeeze %dma_start3A_469 : memref<1x64xf32, #tpu.memory_space<vmem>> -> memref<64xf32, #tpu.memory_space<vmem>>
        tpu.enqueue_dma source(%dma_start3A_470 : memref<64xf32, #tpu.memory_space<vmem>>) target(%dma_start3A_467 : memref<64xf32, #tpu.memory_space<hbm>>) target_semaphore(%arg23 : memref<!tpu.dma_semaphore, #tpu.memory_space<semaphore_mem>>)
        %mul3A_471 = arith.constant 16 : i32
        %mul3A_472 = arith.muli %scan3A_186, %mul3A_471 : i32
        %add3A_473 = arith.constant 11 : i32
        %add3A_474 = arith.addi %mul3A_472, %add3A_473 : i32
        %lt3A_475 = arith.cmpi slt, %add3A_474, %scan3A_127#0 : i32
        %jit3A_476 = arith.constant 0 : i32
        %select_n3A_477 = arith.select %lt3A_475, %add3A_474, %jit3A_476 : i32
        %get3A_478 = arith.index_cast %select_n3A_477 : i32 to index
        %get3A_479 = memref.load %arg15[%get3A_478] : memref<576xi32, #tpu.memory_space<smem>>
        %and3A_480 = arith.constant 16383 : i32
        %and3A_481 = arith.andi %get3A_479, %and3A_480 : i32
        %add3A_482 = arith.constant 16384 : i32
        %add3A_483 = arith.addi %add3A_482, %add3A : i32
        %select_n3A_484 = arith.select %lt3A_475, %and3A_481, %add3A_483 : i32
        %dma_start3A_485 = arith.constant 0 : i32
        %dma_start3A_486 = tpu.memref_slice %arg13[%add3A_474, %dma_start3A_485] : memref<576x64xf32, #tpu.memory_space<vmem>> -> memref<1x64xf32, #tpu.memory_space<vmem>>
        %dma_start3A_487 = tpu.memref_squeeze %dma_start3A_486 : memref<1x64xf32, #tpu.memory_space<vmem>> -> memref<64xf32, #tpu.memory_space<vmem>>
        %dma_start3A_488 = arith.constant 0 : i32
        %dma_start3A_489 = tpu.memref_slice %arg4[%select_n3A_484, %dma_start3A_488] : memref<16448x64xf32, #tpu.memory_space<hbm>> -> memref<1x64xf32, #tpu.memory_space<hbm>>
        %dma_start3A_490 = tpu.memref_squeeze %dma_start3A_489 : memref<1x64xf32, #tpu.memory_space<hbm>> -> memref<64xf32, #tpu.memory_space<hbm>>
        %dma_start3A_491 = arith.constant 0 : i32
        %dma_start3A_492 = tpu.memref_slice %arg4[%select_n3A_484, %dma_start3A_491] : memref<16448x64xf32, #tpu.memory_space<hbm>> -> memref<1x64xf32, #tpu.memory_space<hbm>>
        %dma_start3A_493 = tpu.memref_squeeze %dma_start3A_492 : memref<1x64xf32, #tpu.memory_space<hbm>> -> memref<64xf32, #tpu.memory_space<hbm>>
        %dma_start3A_494 = arith.constant 0 : i32
        %dma_start3A_495 = tpu.memref_slice %arg13[%add3A_474, %dma_start3A_494] : memref<576x64xf32, #tpu.memory_space<vmem>> -> memref<1x64xf32, #tpu.memory_space<vmem>>
        %dma_start3A_496 = tpu.memref_squeeze %dma_start3A_495 : memref<1x64xf32, #tpu.memory_space<vmem>> -> memref<64xf32, #tpu.memory_space<vmem>>
        tpu.enqueue_dma source(%dma_start3A_496 : memref<64xf32, #tpu.memory_space<vmem>>) target(%dma_start3A_493 : memref<64xf32, #tpu.memory_space<hbm>>) target_semaphore(%arg23 : memref<!tpu.dma_semaphore, #tpu.memory_space<semaphore_mem>>)
        %mul3A_497 = arith.constant 16 : i32
        %mul3A_498 = arith.muli %scan3A_186, %mul3A_497 : i32
        %add3A_499 = arith.constant 12 : i32
        %add3A_500 = arith.addi %mul3A_498, %add3A_499 : i32
        %lt3A_501 = arith.cmpi slt, %add3A_500, %scan3A_127#0 : i32
        %jit3A_502 = arith.constant 0 : i32
        %select_n3A_503 = arith.select %lt3A_501, %add3A_500, %jit3A_502 : i32
        %get3A_504 = arith.index_cast %select_n3A_503 : i32 to index
        %get3A_505 = memref.load %arg15[%get3A_504] : memref<576xi32, #tpu.memory_space<smem>>
        %and3A_506 = arith.constant 16383 : i32
        %and3A_507 = arith.andi %get3A_505, %and3A_506 : i32
        %add3A_508 = arith.constant 16384 : i32
        %add3A_509 = arith.addi %add3A_508, %add3A : i32
        %select_n3A_510 = arith.select %lt3A_501, %and3A_507, %add3A_509 : i32
        %dma_start3A_511 = arith.constant 0 : i32
        %dma_start3A_512 = tpu.memref_slice %arg13[%add3A_500, %dma_start3A_511] : memref<576x64xf32, #tpu.memory_space<vmem>> -> memref<1x64xf32, #tpu.memory_space<vmem>>
        %dma_start3A_513 = tpu.memref_squeeze %dma_start3A_512 : memref<1x64xf32, #tpu.memory_space<vmem>> -> memref<64xf32, #tpu.memory_space<vmem>>
        %dma_start3A_514 = arith.constant 0 : i32
        %dma_start3A_515 = tpu.memref_slice %arg4[%select_n3A_510, %dma_start3A_514] : memref<16448x64xf32, #tpu.memory_space<hbm>> -> memref<1x64xf32, #tpu.memory_space<hbm>>
        %dma_start3A_516 = tpu.memref_squeeze %dma_start3A_515 : memref<1x64xf32, #tpu.memory_space<hbm>> -> memref<64xf32, #tpu.memory_space<hbm>>
        %dma_start3A_517 = arith.constant 0 : i32
        %dma_start3A_518 = tpu.memref_slice %arg4[%select_n3A_510, %dma_start3A_517] : memref<16448x64xf32, #tpu.memory_space<hbm>> -> memref<1x64xf32, #tpu.memory_space<hbm>>
        %dma_start3A_519 = tpu.memref_squeeze %dma_start3A_518 : memref<1x64xf32, #tpu.memory_space<hbm>> -> memref<64xf32, #tpu.memory_space<hbm>>
        %dma_start3A_520 = arith.constant 0 : i32
        %dma_start3A_521 = tpu.memref_slice %arg13[%add3A_500, %dma_start3A_520] : memref<576x64xf32, #tpu.memory_space<vmem>> -> memref<1x64xf32, #tpu.memory_space<vmem>>
        %dma_start3A_522 = tpu.memref_squeeze %dma_start3A_521 : memref<1x64xf32, #tpu.memory_space<vmem>> -> memref<64xf32, #tpu.memory_space<vmem>>
        tpu.enqueue_dma source(%dma_start3A_522 : memref<64xf32, #tpu.memory_space<vmem>>) target(%dma_start3A_519 : memref<64xf32, #tpu.memory_space<hbm>>) target_semaphore(%arg23 : memref<!tpu.dma_semaphore, #tpu.memory_space<semaphore_mem>>)
        %mul3A_523 = arith.constant 16 : i32
        %mul3A_524 = arith.muli %scan3A_186, %mul3A_523 : i32
        %add3A_525 = arith.constant 13 : i32
        %add3A_526 = arith.addi %mul3A_524, %add3A_525 : i32
        %lt3A_527 = arith.cmpi slt, %add3A_526, %scan3A_127#0 : i32
        %jit3A_528 = arith.constant 0 : i32
        %select_n3A_529 = arith.select %lt3A_527, %add3A_526, %jit3A_528 : i32
        %get3A_530 = arith.index_cast %select_n3A_529 : i32 to index
        %get3A_531 = memref.load %arg15[%get3A_530] : memref<576xi32, #tpu.memory_space<smem>>
        %and3A_532 = arith.constant 16383 : i32
        %and3A_533 = arith.andi %get3A_531, %and3A_532 : i32
        %add3A_534 = arith.constant 16384 : i32
        %add3A_535 = arith.addi %add3A_534, %add3A : i32
        %select_n3A_536 = arith.select %lt3A_527, %and3A_533, %add3A_535 : i32
        %dma_start3A_537 = arith.constant 0 : i32
        %dma_start3A_538 = tpu.memref_slice %arg13[%add3A_526, %dma_start3A_537] : memref<576x64xf32, #tpu.memory_space<vmem>> -> memref<1x64xf32, #tpu.memory_space<vmem>>
        %dma_start3A_539 = tpu.memref_squeeze %dma_start3A_538 : memref<1x64xf32, #tpu.memory_space<vmem>> -> memref<64xf32, #tpu.memory_space<vmem>>
        %dma_start3A_540 = arith.constant 0 : i32
        %dma_start3A_541 = tpu.memref_slice %arg4[%select_n3A_536, %dma_start3A_540] : memref<16448x64xf32, #tpu.memory_space<hbm>> -> memref<1x64xf32, #tpu.memory_space<hbm>>
        %dma_start3A_542 = tpu.memref_squeeze %dma_start3A_541 : memref<1x64xf32, #tpu.memory_space<hbm>> -> memref<64xf32, #tpu.memory_space<hbm>>
        %dma_start3A_543 = arith.constant 0 : i32
        %dma_start3A_544 = tpu.memref_slice %arg4[%select_n3A_536, %dma_start3A_543] : memref<16448x64xf32, #tpu.memory_space<hbm>> -> memref<1x64xf32, #tpu.memory_space<hbm>>
        %dma_start3A_545 = tpu.memref_squeeze %dma_start3A_544 : memref<1x64xf32, #tpu.memory_space<hbm>> -> memref<64xf32, #tpu.memory_space<hbm>>
        %dma_start3A_546 = arith.constant 0 : i32
        %dma_start3A_547 = tpu.memref_slice %arg13[%add3A_526, %dma_start3A_546] : memref<576x64xf32, #tpu.memory_space<vmem>> -> memref<1x64xf32, #tpu.memory_space<vmem>>
        %dma_start3A_548 = tpu.memref_squeeze %dma_start3A_547 : memref<1x64xf32, #tpu.memory_space<vmem>> -> memref<64xf32, #tpu.memory_space<vmem>>
        tpu.enqueue_dma source(%dma_start3A_548 : memref<64xf32, #tpu.memory_space<vmem>>) target(%dma_start3A_545 : memref<64xf32, #tpu.memory_space<hbm>>) target_semaphore(%arg23 : memref<!tpu.dma_semaphore, #tpu.memory_space<semaphore_mem>>)
        %mul3A_549 = arith.constant 16 : i32
        %mul3A_550 = arith.muli %scan3A_186, %mul3A_549 : i32
        %add3A_551 = arith.constant 14 : i32
        %add3A_552 = arith.addi %mul3A_550, %add3A_551 : i32
        %lt3A_553 = arith.cmpi slt, %add3A_552, %scan3A_127#0 : i32
        %jit3A_554 = arith.constant 0 : i32
        %select_n3A_555 = arith.select %lt3A_553, %add3A_552, %jit3A_554 : i32
        %get3A_556 = arith.index_cast %select_n3A_555 : i32 to index
        %get3A_557 = memref.load %arg15[%get3A_556] : memref<576xi32, #tpu.memory_space<smem>>
        %and3A_558 = arith.constant 16383 : i32
        %and3A_559 = arith.andi %get3A_557, %and3A_558 : i32
        %add3A_560 = arith.constant 16384 : i32
        %add3A_561 = arith.addi %add3A_560, %add3A : i32
        %select_n3A_562 = arith.select %lt3A_553, %and3A_559, %add3A_561 : i32
        %dma_start3A_563 = arith.constant 0 : i32
        %dma_start3A_564 = tpu.memref_slice %arg13[%add3A_552, %dma_start3A_563] : memref<576x64xf32, #tpu.memory_space<vmem>> -> memref<1x64xf32, #tpu.memory_space<vmem>>
        %dma_start3A_565 = tpu.memref_squeeze %dma_start3A_564 : memref<1x64xf32, #tpu.memory_space<vmem>> -> memref<64xf32, #tpu.memory_space<vmem>>
        %dma_start3A_566 = arith.constant 0 : i32
        %dma_start3A_567 = tpu.memref_slice %arg4[%select_n3A_562, %dma_start3A_566] : memref<16448x64xf32, #tpu.memory_space<hbm>> -> memref<1x64xf32, #tpu.memory_space<hbm>>
        %dma_start3A_568 = tpu.memref_squeeze %dma_start3A_567 : memref<1x64xf32, #tpu.memory_space<hbm>> -> memref<64xf32, #tpu.memory_space<hbm>>
        %dma_start3A_569 = arith.constant 0 : i32
        %dma_start3A_570 = tpu.memref_slice %arg4[%select_n3A_562, %dma_start3A_569] : memref<16448x64xf32, #tpu.memory_space<hbm>> -> memref<1x64xf32, #tpu.memory_space<hbm>>
        %dma_start3A_571 = tpu.memref_squeeze %dma_start3A_570 : memref<1x64xf32, #tpu.memory_space<hbm>> -> memref<64xf32, #tpu.memory_space<hbm>>
        %dma_start3A_572 = arith.constant 0 : i32
        %dma_start3A_573 = tpu.memref_slice %arg13[%add3A_552, %dma_start3A_572] : memref<576x64xf32, #tpu.memory_space<vmem>> -> memref<1x64xf32, #tpu.memory_space<vmem>>
        %dma_start3A_574 = tpu.memref_squeeze %dma_start3A_573 : memref<1x64xf32, #tpu.memory_space<vmem>> -> memref<64xf32, #tpu.memory_space<vmem>>
        tpu.enqueue_dma source(%dma_start3A_574 : memref<64xf32, #tpu.memory_space<vmem>>) target(%dma_start3A_571 : memref<64xf32, #tpu.memory_space<hbm>>) target_semaphore(%arg23 : memref<!tpu.dma_semaphore, #tpu.memory_space<semaphore_mem>>)
        %mul3A_575 = arith.constant 16 : i32
        %mul3A_576 = arith.muli %scan3A_186, %mul3A_575 : i32
        %add3A_577 = arith.constant 15 : i32
        %add3A_578 = arith.addi %mul3A_576, %add3A_577 : i32
        %lt3A_579 = arith.cmpi slt, %add3A_578, %scan3A_127#0 : i32
        %jit3A_580 = arith.constant 0 : i32
        %select_n3A_581 = arith.select %lt3A_579, %add3A_578, %jit3A_580 : i32
        %get3A_582 = arith.index_cast %select_n3A_581 : i32 to index
        %get3A_583 = memref.load %arg15[%get3A_582] : memref<576xi32, #tpu.memory_space<smem>>
        %and3A_584 = arith.constant 16383 : i32
        %and3A_585 = arith.andi %get3A_583, %and3A_584 : i32
        %add3A_586 = arith.constant 16384 : i32
        %add3A_587 = arith.addi %add3A_586, %add3A : i32
        %select_n3A_588 = arith.select %lt3A_579, %and3A_585, %add3A_587 : i32
        %dma_start3A_589 = arith.constant 0 : i32
        %dma_start3A_590 = tpu.memref_slice %arg13[%add3A_578, %dma_start3A_589] : memref<576x64xf32, #tpu.memory_space<vmem>> -> memref<1x64xf32, #tpu.memory_space<vmem>>
        %dma_start3A_591 = tpu.memref_squeeze %dma_start3A_590 : memref<1x64xf32, #tpu.memory_space<vmem>> -> memref<64xf32, #tpu.memory_space<vmem>>
        %dma_start3A_592 = arith.constant 0 : i32
        %dma_start3A_593 = tpu.memref_slice %arg4[%select_n3A_588, %dma_start3A_592] : memref<16448x64xf32, #tpu.memory_space<hbm>> -> memref<1x64xf32, #tpu.memory_space<hbm>>
        %dma_start3A_594 = tpu.memref_squeeze %dma_start3A_593 : memref<1x64xf32, #tpu.memory_space<hbm>> -> memref<64xf32, #tpu.memory_space<hbm>>
        %dma_start3A_595 = arith.constant 0 : i32
        %dma_start3A_596 = tpu.memref_slice %arg4[%select_n3A_588, %dma_start3A_595] : memref<16448x64xf32, #tpu.memory_space<hbm>> -> memref<1x64xf32, #tpu.memory_space<hbm>>
        %dma_start3A_597 = tpu.memref_squeeze %dma_start3A_596 : memref<1x64xf32, #tpu.memory_space<hbm>> -> memref<64xf32, #tpu.memory_space<hbm>>
        %dma_start3A_598 = arith.constant 0 : i32
        %dma_start3A_599 = tpu.memref_slice %arg13[%add3A_578, %dma_start3A_598] : memref<576x64xf32, #tpu.memory_space<vmem>> -> memref<1x64xf32, #tpu.memory_space<vmem>>
        %dma_start3A_600 = tpu.memref_squeeze %dma_start3A_599 : memref<1x64xf32, #tpu.memory_space<vmem>> -> memref<64xf32, #tpu.memory_space<vmem>>
        tpu.enqueue_dma source(%dma_start3A_600 : memref<64xf32, #tpu.memory_space<vmem>>) target(%dma_start3A_597 : memref<64xf32, #tpu.memory_space<hbm>>) target_semaphore(%arg23 : memref<!tpu.dma_semaphore, #tpu.memory_space<semaphore_mem>>)
        %scan3A_601 = arith.constant 0 : i32
        scf.yield %scan3A_601 : i32
      }
      %scan3A_178 = arith.constant 36 : i32
      %dma_wait3A = arith.constant 0 : i32
      %dma_wait3A_179 = arith.constant 0 : i32
      %dma_wait3A_180 = tpu.memref_slice %arg4[%dma_wait3A, %dma_wait3A_179] : memref<16448x64xf32, #tpu.memory_space<hbm>> -> memref<576x64xf32, #tpu.memory_space<hbm>>
      %dma_wait3A_181 = arith.constant 0 : i32
      %dma_wait3A_182 = arith.constant 0 : i32
      %dma_wait3A_183 = tpu.memref_slice %arg4[%dma_wait3A_181, %dma_wait3A_182] : memref<16448x64xf32, #tpu.memory_space<hbm>> -> memref<576x64xf32, #tpu.memory_space<hbm>>
      tpu.wait_dma2 semaphore(%arg23 : memref<!tpu.dma_semaphore, #tpu.memory_space<semaphore_mem>>) src(%dma_wait3A_183 : memref<576x64xf32, #tpu.memory_space<hbm>>) dst(%arg13 : memref<576x64xf32, #tpu.memory_space<vmem>>)
      %add3A_184 = arith.constant 576 : i32
      %add3A_185 = arith.addi %while3A_50, %add3A_184 : i32
      scf.yield %add3A_185, %scan3A_105 : i32, i32
    }
    return
  }
}

module attributes {stable_mosaic.version = 14 : i64} {
  func.func @_proj_body(%arg0: i32, %arg1: memref<2048x64xf32, #tpu.memory_space<vmem>>, %arg2: memref<64x64xf32, #tpu.memory_space<vmem>>, %arg3: memref<64x1xf32, #tpu.memory_space<vmem>>, %arg4: memref<64x2048xf32, #tpu.memory_space<vmem>>) attributes {dimension_semantics = [#tpu.dimension_semantics<arbitrary>], iteration_bounds = array<i64: 8>, scalar_prefetch = 0 : i64, scratch_operands = 0 : i64, tpu.core_type = #tpu.core_type<tc>, window_params = [{transform_indices = @transform_0, window_bounds = array<i64: 2048, 64>}, {pipeline_mode = #tpu.pipeline_mode<synchronous>, transform_indices = @transform_1, window_bounds = array<i64: 64, 64>}, {pipeline_mode = #tpu.pipeline_mode<synchronous>, transform_indices = @transform_2, window_bounds = array<i64: 64, 1>}, {transform_indices = @transform_3, window_bounds = array<i64: 64, 2048>}]} {
    %get3A = arith.constant 0 : index
    %get3A_0 = arith.constant 0 : index
    %get3A_1 = vector.load %arg2[%get3A, %get3A_0] : memref<64x64xf32, #tpu.memory_space<vmem>>, vector<64x64xf32>
    %get3A_2 = arith.constant 0 : index
    %get3A_3 = arith.constant 0 : index
    %get3A_4 = vector.load %arg1[%get3A_2, %get3A_3] : memref<2048x64xf32, #tpu.memory_space<vmem>>, vector<2048x64xf32>
    %dot_general3A = arith.constant dense<0.000000e+00> : vector<64x2048xf32>
    %dot_general3A_5 = tpu.matmul %get3A_1, %get3A_4, %dot_general3A {dimension_numbers = #tpu.dot_dimension_numbers<[1], [1], [0], [0], [0, 0, 1, 0], [], []>, transpose_lhs_hint = false} : vector<64x64xf32>, vector<2048x64xf32>, vector<64x2048xf32> -> vector<64x2048xf32>
    %get3A_6 = arith.constant 0 : index
    %get3A_7 = arith.constant 0 : index
    %get3A_8 = vector.load %arg3[%get3A_6, %get3A_7] : memref<64x1xf32, #tpu.memory_space<vmem>>, vector<64x1xf32>
    %add3A = vector.broadcast %get3A_8 : vector<64x1xf32> to vector<64x2048xf32>
    %add3A_9 = arith.addf %dot_general3A_5, %add3A : vector<64x2048xf32>
    %swap3A = arith.constant 0 : index
    %swap3A_10 = arith.constant 0 : index
    %swap3A_11 = vector.load %arg4[%swap3A, %swap3A_10] : memref<64x2048xf32, #tpu.memory_space<vmem>>, vector<64x2048xf32>
    tpu.vector_store %arg4[%swap3A, %swap3A_10], %add3A_9 {strides = array<i32>} : memref<64x2048xf32, #tpu.memory_space<vmem>>, vector<64x2048xf32>,
    return
  }
  func.func @transform_0(%arg0: i32) -> (i32, i32) {
    %c0_i32 = arith.constant 0 : i32
    %c0_i32_0 = arith.constant 0 : i32
    return %arg0, %c0_i32 : i32, i32
  }
  func.func @transform_1(%arg0: i32) -> (i32, i32) {
    %c0_i32 = arith.constant 0 : i32
    %c0_i32_0 = arith.constant 0 : i32
    %c0_i32_1 = arith.constant 0 : i32
    return %c0_i32, %c0_i32_0 : i32, i32
  }
  func.func @transform_2(%arg0: i32) -> (i32, i32) {
    %c0_i32 = arith.constant 0 : i32
    %c0_i32_0 = arith.constant 0 : i32
    %c0_i32_1 = arith.constant 0 : i32
    return %c0_i32, %c0_i32_0 : i32, i32
  }
  func.func @transform_3(%arg0: i32) -> (i32, i32) {
    %c0_i32 = arith.constant 0 : i32
    %c0_i32_0 = arith.constant 0 : i32
    return %c0_i32, %arg0 : i32, i32
  }
}

</mosaic_0001>

<sc_bundles>
// kernel: kernel.4.cloned.1.call-start
scs
__scs_entry_jumppad:
0x0: {  	(pc) =	sbr.rel $0x88, $3  }
0x1: {  	(tag) =	ssettag $0x0;
	lr =	simm.s32 $0x1  }
0x2: {  	[smem:$0x3F9D] =	sst lr;
	_ =	strace $0xD0000000  }
0x3: {  	_ = 	snop  }
0x4: {  	_ = 	snop  }
0x5: {  	_ = 	snop  }
0x6: {  	_ = 	snop  }
0x7: {  	_ = 	snop  }
__scs_overlays_trampoline_lowered:
0x8: {  	[smem:$0x3FAC] =	sst s0  }
0x9: {  	[smem:$0x3FAD] =	sst s1  }
0xa: {  	[smem:$0x3FAE] =	sst s2  }
0xb: {  	[smem:$0x3FAF] =	sst s3  }
0xc: {  	[smem:$0x3FB0] =	sst s4  }
0xd: {  	[smem:$0x3FB1] =	sst s5  }
0xe: {  	[smem:$0x3FB2] =	sst s6  }
0xf: {  	[smem:$0x3FB3] =	sst s7  }
0x10: {  	[smem:$0x3FB4] =	sst s8  }
0x11: {  	[smem:$0x3FB5] =	sst s9;
	s0 =	simm.s32 @!p0 $0x0  }
0x12: {  	s1 =	sld [smem:$0x3F9B];
	s0 =	simm.s32 @p0 $0x1  }
0x13: {  	[smem:$0x3FB6] =	sst s0;
	s0 =	simm.s32 @!p1 $0x0  }
0x14: {  	s2 =	sld [smem:$0x3F9A];
	s0 =	simm.s32 @p1 $0x1  }
0x15: {  	[smem:$0x3FB7] =	sst s0;
	s0 =	simm.s32 @!p2 $0x0  }
0x16: {  	s3 =	sld [smem:$0x3FDB];
	s0 =	simm.s32 @p2 $0x1  }
0x17: {  	s4 =	simm.s32 $0x1BF5;
	[smem:$0x3FB9] =	sst s0  }
0x18: {  	s0 =	sld [smem:$0x3F9C];
	_ =	swait.ge [sflag:s4], $0x0  }
0x19: {  	s7 =	sld [smem:$0x3F9D]  }
0x1a: {  	s8 =	sadd.s32 $0xFFFFE003, lr  }
0x1b: {  	s9 =	sadd.s32 $0xFFFFFEF7, lr;
	s5 =	simm.s32 $0xFFFFFFFF;
	p2 =	slt.u32 s8, $0xFFFFF086  }
0x1c: {  	p1 =	slt.u32 s9, $0xF7A;
	s5 =	simm.s32 @!p2 $0x0  }
0x1d: {  	s5 =	simm.s32 @p1 $0x1;
	p0 =	seq.s32 s7, s2  }
0x1e: {  	s7 =	smul.u32 @!p0 $0xF7A, s2;
	p2 =	seq.s32 @!p0 s5, $0x0  }
0x1f: {  	s9 =	smul.u32 $0xF7A, s1;
	s8 =	simm.s32 @!p0 $0x1BF5;
	p2 =	por !p2, p0  }
0x20: {  	[sflag:s8] =	ssyncset.s32 @!p0 $0xFFFFF086;
	s6 =	sadd.s32 @!p0 s3, s7;
	s7 =	simm.s32 @!p0 $0x108  }
0x21: {  	s3 =	sadd.s32 s3, s9;
	s6 =	sadd.s32 @!p0 $0x88, s6;
	s7 =	simm.s32 @p2 $0x1082  }
0x22: {  	[simem:s7], [sflag:s8] =	dma.local @!p0 [hbm:s6], $0xF7A  }
0x23: {  	s9 =	sor.u32 $0xD0000000, s2;
	s6 =	simm.s32 $0x108;
	_ =	swait.ge @!p0 [sflag:s8], $0x0  }
0x24: {  	s3 =	sadd.s32 $0x88, s3;
	s6 =	simm.s32 @!p1 $0x1082;
	[sflag:s4] =	ssyncset.s32 $0xFFFFF086  }
0x25: {  	[simem:s6], [sflag:s4] =	dma.local [hbm:s3], $0xF7A  }
0x26: {  	[smem:$0x3F9D] =	sst s1;
	(tag) =	ssettag s2;
	_ =	strace s9  }
0x27: {  	s1 =	sld [smem:$0x3FAD]  }
0x28: {  	s2 =	sld [smem:$0x3FAE]  }
0x29: {  	s4 =	sld [smem:$0x3FB0]  }
0x2a: {  	p0 =	seq.s32 s5, $0x0;
	s5 =	sld [smem:$0x3FB1]  }
0x2b: {  	s6 =	sld [smem:$0x3FB2]  }
0x2c: {  	s7 =	sld [smem:$0x3FB3]  }
0x2d: {  	s3 =	simm.s32 $0x108;
	s8 =	sld [smem:$0x3FB4]  }
0x2e: {  	s3 =	simm.s32 @!p0 $0x1082;
	s9 =	sld [smem:$0x3FB5]  }
0x2f: {  	lr =	sadd.s32 s0, s3;
	s0 =	sld [smem:$0x3FAC]  }
0x30: {  	s3 =	sld [smem:$0x3FAF]  }
0x31: {  	[smem:$0x3FB8] =	sst s10  }
0x32: {  	s10 =	sld [smem:$0x3FB6];
	_ =	sdelay $0x3  }
0x33: {  	p0 =	seq.s32 s10, $0x1;
	s10 =	sld [smem:$0x3FB8];
	_ =	sdelay $0x3  }
0x34: {  	[smem:$0x3FB8] =	sst s10  }
0x35: {  	s10 =	sld [smem:$0x3FB7];
	_ =	sdelay $0x3  }
0x36: {  	p1 =	seq.s32 s10, $0x1;
	s10 =	sld [smem:$0x3FB8];
	_ =	sdelay $0x3  }
0x37: {  	[smem:$0x3FB8] =	sst s10  }
0x38: {  	s10 =	sld [smem:$0x3FB9]  }
0x39: {  	_ = 	snop;
	(pc) =	sbr.ind lr, $3  }
0x3a: {  	_ = 	snop  }
0x3b: {  	_ = 	snop  }
0x3c: {  	p2 =	seq.s32 s10, $0x1;
	s10 =	sld [smem:$0x3FB8]  }
0x3d: {  	_ =	shalt  }
0x3e: {  	_ =	shalt  }
0x3f: {  	_ =	shalt  }
0x40: {  	_ =	shalt  }
0x41: {  	_ =	shalt  }
0x42: {  	_ =	shalt  }
0x43: {  	_ =	shalt  }
0x44: {  	_ =	shalt  }
0x45: {  	_ =	shalt  }
0x46: {  	_ =	shalt  }
0x47: {  	_ =	shalt  }
0x48: {  	_ =	shalt  }
0x49: {  	_ =	shalt  }
0x4a: {  	_ =	shalt  }
0x4b: {  	_ =	shalt  }
0x4c: {  	_ =	shalt  }
0x4d: {  	_ =	shalt  }
0x4e: {  	_ =	shalt  }
0x4f: {  	_ =	shalt  }
0x50: {  	_ =	shalt  }
0x51: {  	_ =	shalt  }
0x52: {  	_ =	shalt  }
0x53: {  	_ =	shalt  }
0x54: {  	_ =	shalt  }
0x55: {  	_ =	shalt  }
0x56: {  	_ =	shalt  }
0x57: {  	_ =	shalt  }
0x58: {  	_ =	shalt  }
0x59: {  	_ =	shalt  }
0x5a: {  	_ =	shalt  }
0x5b: {  	_ =	shalt  }
0x5c: {  	_ =	shalt  }
0x5d: {  	_ =	shalt  }
0x5e: {  	_ =	shalt  }
0x5f: {  	_ =	shalt  }
0x60: {  	_ =	shalt  }
0x61: {  	_ =	shalt  }
0x62: {  	_ =	shalt  }
0x63: {  	_ =	shalt  }
0x64: {  	_ =	shalt  }
0x65: {  	_ =	shalt  }
0x66: {  	_ =	shalt  }
0x67: {  	_ =	shalt  }
0x68: {  	_ =	shalt  }
0x69: {  	_ =	shalt  }
0x6a: {  	_ =	shalt  }
0x6b: {  	_ =	shalt  }
0x6c: {  	_ =	shalt  }
0x6d: {  	_ =	shalt  }
0x6e: {  	_ =	shalt  }
0x6f: {  	_ =	shalt  }
0x70: {  	_ =	shalt  }
0x71: {  	_ =	shalt  }
0x72: {  	_ =	shalt  }
0x73: {  	_ =	shalt  }
0x74: {  	_ =	shalt  }
0x75: {  	_ =	shalt  }
0x76: {  	_ =	shalt  }
0x77: {  	_ =	shalt  }
0x78: {  	_ =	shalt  }
0x79: {  	_ =	shalt  }
0x7a: {  	_ =	shalt  }
0x7b: {  	_ =	shalt  }
0x7c: {  	_ =	shalt  }
0x7d: {  	_ =	shalt  }
0x7e: {  	_ =	shalt  }
0x7f: {  	_ =	shalt  }
0x80: {  	_ =	shalt  }
0x81: {  	_ =	shalt  }
0x82: {  	_ =	shalt  }
0x83: {  	_ =	shalt  }
0x84: {  	_ =	shalt  }
0x85: {  	_ =	shalt  }
0x86: {  	_ =	shalt  }
0x87: {  	_ =	shalt  }
.Lfunc_end0:
.L_simem_size_0:
called_computation_lowered:
.L_overlay_start_0:
0x88: {  	s2 =	sld [smem:$0x3FD9]  }
0x89: {  	s3 =	sld [smem:$0x3FFE];
	_ =	sdelay $0x1  }
0x8a: {  	s1 =	srdreg.scid  }
0x8b: {  	s0 =	sand.u32 $0x1, s1  }
0x8c: {  	s17 =	sshll.u32 s0, $0xA;
	s2 =	sadd.s32 s3, s2  }
0x8d: {  	s2 =	sadd.s32 s2, s17  }
0x8e: {  	[smem:$0x3FC4] =	sst s2  }
0x8f: {  	_ = 	snop  }
0x90: {  	s2 =	sld [smem:$0x3FC9]  }
0x91: {  	s18 =	sld [smem:$0x3FC8];
	(tm) =	ssettm $0x1  }
0x92: {  	s4 =	sld [smem:$0x3FFB];
	_ =	sdelay $0x3  }
0x93: {  	_ =	strace s4  }
0x94: {  	s4 =	sld [smem:$0x3FFC];
	_ =	sdelay $0x3  }
0x95: {  	_ =	strace s4  }
0x96: {  	s4 =	sld [smem:$0x3FFD];
	_ =	sdelay $0x3  }
0x97: {  	_ =	strace s4  }
0x98: {  	_ =	strace $0x8FFFFFFF  }
0x99: {  	s19 =	sld [smem:$0x3FDB];
	_ =	sdelay $0x1  }
0x9a: {  	s5 =	simm.s32 $_scs_section_size  }
0x9b: {  	s6 =	simm.s32 $_size__tile_overlayer_lowered;
	s7 =	simm.s32 $_tile_overlayer_lowered  }
0x9c: {  	s22 =	simm.s32 $0x1BFF;
	s21 =	sshll.u32 s7, $0x1;
	s4 =	sadd.s32 s5, s19  }
0x9d: {  	s8 =	simm.s32 $0x0;
	s20 =	sshll.u32 s6, $0x1;
	s6 =	sadd.s32 s21, s4  }
0x9e: {  	[timem:s8], [sflag:s22] =	dma.local [hbm:s6], s20  }
0x9f: {  	_ =	swait.ge [sflag:s22], s20  }
0xa0: {  	s5 =	ssub.s32 $0x0, s20;
	[sflag:s22] =	ssyncset.done $0x0  }
0xa1: {  	[sflag:s22] =	ssyncadd.s32 s5;
	_ =	sdelay $0x1  }
0xa2: {  	s23 =	simm.s32 $0x1B8B  }
0xa3: {  	_ =	swait.ge [sflag:s23], $0x1  }
0xa4: {  	[sflag:s23] =	ssyncset.done $0x0  }
0xa5: {  	s25 =	simm.s32 $0x1B8E;
	s24 =	sld [smem:$0x3FFE];
	[sflag:s23] =	ssyncadd.s32 $0xFFFFFFFF  }
0xa6: {  	s26 =	simm.s32 $execute0_lowered;
	[smem:$0x3FD2] =	sst s25  }
0xa7: {  	s6 =	sshll.u32 s26, $0x1;
	_ =	strace $0x80000046;
	[dreg:$0x1] =	wrdreg $0xFFFFFFFF  }
0xa8: {  	s28 =	simm.s32 $_size_execute0_lowered;
	s4 =	sadd.s32 s4, s6;
	[dreg:$0x0] =	wrdreg $0x0  }
0xa9: {  	s6 =	sshll.u32 s28, $0x1;
	[dreg:$0x2] =	wrdreg s4  }
0xaa: {  	[dreg:$0x3] =	wrdreg s6  }
0xab: {  	[dreg:$0x4] =	wrdreg $0xC0  }
0xac: {  	_ =	task [dreg:s8], $0x5FFFF  }
0xad: {  	[dreg:$0x1] =	wrdreg $0xFFFFFFFF  }
0xae: {  	[dreg:$0x0] =	wrdreg $0x60  }
0xaf: {  	[dreg:$0x2] =	wrdreg s2  }
0xb0: {  	[dreg:$0x3] =	wrdreg s18  }
0xb1: {  	[dreg:$0x4] =	wrdreg s24  }
0xb2: {  	[dreg:$0x5] =	wrdreg $0x9  }
0xb3: {  	_ =	task.clear_ibuf [dreg:s8], $0x6FFFF;
	_ =	strace $0x90000046  }
0xb4: {  	s29 =	simm.s32 $0x9;
	_ =	strace $0x80000048  }
0xb5: {  	_ =	swait.ge [sflag:s29], $0x1  }
0xb6: {  	[sflag:s29] =	ssyncadd.s32 $0xFFFFFFFF  }
0xb7: {  	_ =	strace $0x90000048  }
0xb8: {  	_ =	sfence  }
0xb9: {  	s30 =	sld [smem:$0x0];
	_ =	sdelay $0x2  }
0xba: {  	s31 =	sshll.u32 s1, $0xD;
	s1 =	sshrl.u32 s1, $0x2  }
0xbb: {  	s3 =	sand.u32 $0x4000, s31;
	s1 =	sadd.s32 s1, s30  }
0xbc: {  	s0 =	sor.u32 s3, s0;
	s1 =	sshll.u32 s1, $0x11  }
0xbd: {  	s0 =	sor.u32 s1, s0  }
0xbe: {  	s0 =	sadd.s32 $0x8F2B, s0  }
0xbf: {  	[sflag:s0] =	ssyncadd.remote.s32 $0x1  }
0xc0: {  	_ =	sfence.sel $0xFFFF  }
0xc1: {  	[dreg:$0x0] =	wrdreg $0xFFFFFFFF;
	(pc) =	sbr.abs _section_cstart, $3  }
0xc2: {  	[dreg:$0x1] =	wrdreg $0xFFFFFFFF  }
0xc3: {  	_ =	task.clear_ibuf [dreg:s8], $0x2FFFF;
	_ =	strace $0x9FFFFFFF  }
0xc4: {  	(tm) =	ssettm $0x7FFFFFFF  }
0xc5: {  	_ =	shalt  }
tec
execute0_lowered:
.L_overlay_start_1:
0x0: {  	(tag) =	ssettag $0x1  }
0x1: {  	s3 =	rddreg [dreg:$0x0]  }
0x2: {  	s4 =	rddreg [dreg:$0x1];
	s0 =	srdreg.scid  }
0x3: {  	s2 =	stileid.u32;
	s1 =	rddreg [dreg:$0x2]  }
0x4: {  	s15 =	simm.s32 $0x0;
	s30 =	simm.s32 $0x6A80;
	s16 =	simm.s32 $0xAA80  }
0x5: {  	s0 =	sand.u32 $0x1, s0;
	[smem:$0x7FF] =	sst s15;
	s24 =	sadd.s32 $0x100, s3  }
0x6: {  	s25 =	sadd.s32 $0x200, s3;
	_ =	strace $0x80000047;
	[dreg:$0x5] =	wrdreg s24  }
0x7: {  	s2 =	sshll.u32 s2, $0x1;
	s26 =	sadd.s32 $0x300, s3;
	[dreg:$0x6] =	wrdreg s25  }
0x8: {  	s18 =	sadd.s32 $0xA00, s1;
	s28 =	sadd.s32 $0x400, s3;
	[dreg:$0x7] =	wrdreg s26  }
0x9: {  	s29 =	sadd.s32 $0x500, s3;
	s31 =	sadd.s32 $0x600, s3;
	[dreg:$0x8] =	wrdreg s28  }
0xa: {  	s3 =	sadd.s32 $0x700, s3;
	s2 =	sor.u32 s0, s2;
	[dreg:$0x9] =	wrdreg s29  }
0xb: {  	s0 =	ssub.s32 $0x2, s0;
	[dreg:$0xa] =	wrdreg s31;
	s6 =	smul.u32 $0x1E85, s2  }
0xc: {  	[dreg:$0xb] =	wrdreg s3;
	s3 =	simm.s32 $0x8;
	s26 =	simm.s32 $0x4A80  }
0xd: {  	s24 =	simm.s32 $0xCA80;
	s7 =	sshrl.u32 s0, $0x1;
	s23 =	sadd.s32 $0x1E85, s6  }
0xe: {  	s22 =	sor.u32 $0x4000, s2;
	s0 =	ssub.s32 s0, s7;
	s1 =	sshrl.u32 s23, $0x5  }
0xf: {  	s2 =	simm.s32 $0x8A80;
	s5 =	sshrl.u32 s6, $0x5;
	s0 =	smax.u32 s0, $0x1;
	v0 =	vmov s1  }
0x10: {  	v2 =	vimm.s32 $0x3E800000;
	v3 =	vimm.s32 $0x0;
	s6 =	simm.s32 $0x800;
	[dreg:$0xc] =	wrdreg s0;
	s23 =	simm.s32 $0x1;
	v1 =	vadd.s32 $0xFFFFFFFF, v0  }
0x11: {  	v4 =	vlaneseq.u32;
	[dreg:$0x4] =	wrdreg s5;
	s7 =	ssub.s32 s1, s5;
	s1 =	simm.s32 $0x0;
	v0 =	vmov s5;
	v1 =	vbroadcast v1, $0x0  }
.LBB2_1:
0x12: {  	[dreg:$0xd] =	wrdreg s1;
	s1 =	simm.s32 $0x0  }
.LBB2_2:
0x13: {  	[tilespmem:$0x800] =	vst v2  }
0x14: {  	[tilespmem:$0x810] =	vst v2  }
0x15: {  	[tilespmem:$0x820] =	vst v2  }
0x16: {  	[tilespmem:$0x830] =	vst v2  }
0x17: {  	[tilespmem:$0x840] =	vst v2  }
0x18: {  	[tilespmem:$0x850] =	vst v2  }
0x19: {  	[tilespmem:$0x860] =	vst v2  }
0x1a: {  	[tilespmem:$0x870] =	vst v2  }
0x1b: {  	[tilespmem:$0x880] =	vst v2  }
0x1c: {  	[tilespmem:$0x890] =	vst v2  }
0x1d: {  	[tilespmem:$0x8A0] =	vst v2  }
0x1e: {  	[tilespmem:$0x8B0] =	vst v2  }
0x1f: {  	[tilespmem:$0x8C0] =	vst v2  }
0x20: {  	[tilespmem:$0x8D0] =	vst v2  }
0x21: {  	[tilespmem:$0x8E0] =	vst v2  }
0x22: {  	[tilespmem:$0x8F0] =	vst v2  }
0x23: {  	[tilespmem:$0x900] =	vst v2  }
0x24: {  	[tilespmem:$0x910] =	vst v2  }
0x25: {  	[tilespmem:$0x920] =	vst v2  }
0x26: {  	[tilespmem:$0x930] =	vst v2  }
0x27: {  	[tilespmem:$0x940] =	vst v2  }
0x28: {  	[tilespmem:$0x950] =	vst v2  }
0x29: {  	[tilespmem:$0x960] =	vst v2  }
0x2a: {  	[tilespmem:$0x970] =	vst v2  }
0x2b: {  	[tilespmem:$0x980] =	vst v2  }
0x2c: {  	[tilespmem:$0x990] =	vst v2  }
0x2d: {  	[tilespmem:$0x9A0] =	vst v2  }
0x2e: {  	[tilespmem:$0x9B0] =	vst v2  }
0x2f: {  	[tilespmem:$0x9C0] =	vst v2  }
0x30: {  	[tilespmem:$0x9D0] =	vst v2  }
0x31: {  	[tilespmem:$0x9E0] =	vst v2  }
0x32: {  	[tilespmem:$0x9F0] =	vst v2  }
0x33: {  	[tilespmem:$0xA00] =	vst v2  }
0x34: {  	[tilespmem:$0xA10] =	vst v2  }
0x35: {  	[tilespmem:$0xA20] =	vst v2  }
0x36: {  	[tilespmem:$0xA30] =	vst v2;
	s8 =	simm.s32 $0x0;
	s0 =	rddreg [dreg:$0x0]  }
0x37: {  	[tilespmem:s8], [sflag:$0x8] =	stream.linear.gather [hbm4b:s0+s8], $0x800, $0x38;
	[tilespmem:$0x1EA80] =	vst v63  }
0x38: {  	_ =	swait.ge [sflag:s3], $0x800  }
0x39: {  	[sflag:s3] =	ssyncset.done $0x0  }
0x3a: {  	[sflag:s3] =	ssyncadd.s32 $0xFFFFF800  }
0x3b: {  	v8 =	vld [tilespmem:s8+$0x0];
	_ =	sdelay $0x4  }
0x3c: {  	v5 =	vshra.s32 v8, $0x7  }
0x3d: {  	v7 =	vsub.s32 v5, v0;
	v5 =	vsub.s32 v1, v5  }
0x3e: {  	v9 =	vor.u32 v5, v7  }
0x3f: {  	vm0 =	vgt.s32 v9, $0xFFFFFFFF  }
0x40: {  	v5 =	vsel vm0, $0x1, v3  }
0x41: {  	(xrf0) =	vadd.scan.msk.s32 $0xffff, v5;
	_ =	sdelay $0x2  }
0x42: {  	v5 =	vmov s8  }
0x43: {  	v5 =	vadd.s32 $0xFFFFFFFF, v5  }
0x44: {  	v10 =	vbroadcast v5, $0x0  }
0x45: {  	v5 =	vmov s1;
	v11, _, _ =	vpop (xrf0)  }
0x46: {  	v6 =	vadd.s32 $0x23F, v5;
	v10 =	vadd.s32 v11, v10;
	(v2sf) =	vpush v11, $0xF  }
0x47: {  	v12 =	vsub.s32 v6, v10  }
0x48: {  	v10 =	vsub.s32 v10, v5;
	v9 =	vor.u32 v9, v12  }
0x49: {  	v9 =	vor.u32 v10, v9  }
0x4a: {  	s11 =	simm.s32 $0x20;
	s10 =	simm.s32 $0x0;
	vm15 =	vlt.s32 v9, $0x0  }
0x4b: {  	s9 =	simm.s32 $0x0;
	[dreg:$0xe] =	wrdreg s1;
	s1 =	simm.s32 $0x10;
	v9 =	vshll.u32 v8, $0xE;
	v8 =	vsel vm15, $0x248, v10  }
.LBB2_3:
0x4c: {  	p0 =	sne.s32 s11, $0x7F0;
	v7 =	vshll.u32 v7, $0x15;
	v9 =	vand.u32 $0x1FC000, v9  }
0x4d: {  	v7 =	vor.u32 v9, v7  }
0x4e: {  	v7 =	vadd.s32 s8, v7;
	s8 =	smov.u32 s1;
	s1 =	smov.u32 s11  }
0x4f: {  	v7 =	vadd.s32 v4, v7  }
0x50: {  	s10 =	sadd.s32 $0x10, s10;
	[tilespmem:v8+s6+$0x0] =	vst.idx.msk $0xffff, v7  }
0x51: {  	v8 =	vld [tilespmem:s10+$0x0];
	_ =	sdelay $0x3  }
0x52: {  	s12 =	spop (v2sf)  }
0x53: {  	v9 =	vshra.s32 v8, $0x7;
	s9 =	sadd.s32 s9, s12  }
0x54: {  	v7 =	vsub.s32 v9, v0;
	v9 =	vsub.s32 v1, v9  }
0x55: {  	v9 =	vor.u32 v9, v7  }
0x56: {  	vm0 =	vgt.s32 v9, $0xFFFFFFFF  }
0x57: {  	v10 =	vsel vm0, $0x1, v3  }
0x58: {  	(xrf0) =	vadd.scan.msk.s32 $0xffff, v10;
	_ =	sdelay $0x2  }
0x59: {  	v10 =	vmov s9  }
0x5a: {  	v10 =	vadd.s32 $0xFFFFFFFF, v10  }
0x5b: {  	v10 =	vbroadcast v10, $0x0  }
0x5c: {  	v11, _, _ =	vpop (xrf0)  }
0x5d: {  	v10 =	vadd.s32 v11, v10;
	(v2sf) =	vpush v11, $0xF  }
.Ltmp0:
0x5e: {  	v11 =	vsub.s32 v6, v10;
	(pc) =	sbr.rel @p0 .LBB2_3-.Ltmp0, $4  }
0x5f: {  	v10 =	vsub.s32 v10, v5;
	v9 =	vor.u32 v9, v11  }
0x60: {  	v9 =	vor.u32 v10, v9  }
0x61: {  	vm0 =	vlt.s32 v9, $0x0  }
0x62: {  	s11 =	sadd.s32 $0x10, s11;
	v9 =	vshll.u32 v8, $0xE;
	v8 =	vsel vm0, $0x248, v10  }
0x63: {  	v7 =	vshll.u32 v7, $0x15;
	v9 =	vand.u32 $0x1FC000, v9  }
0x64: {  	v7 =	vor.u32 v9, v7  }
0x65: {  	v7 =	vadd.s32 s8, v7  }
0x66: {  	v7 =	vadd.s32 v4, v7  }
0x67: {  	s28 =	sadd.s32 $0x10, s10;
	[tilespmem:v8+s6+$0x0] =	vst.idx.msk $0xffff, v7  }
0x68: {  	v7 =	vld [tilespmem:s28+$0x0];
	_ =	sdelay $0x4  }
0x69: {  	v8 =	vshra.s32 v7, $0x7  }
0x6a: {  	v9 =	vsub.s32 v8, v0;
	v8 =	vsub.s32 v1, v8  }
0x6b: {  	v8 =	vor.u32 v8, v9  }
0x6c: {  	vm0 =	vgt.s32 v8, $0xFFFFFFFF  }
0x6d: {  	v10 =	vsel vm0, $0x1, v3  }
0x6e: {  	(xrf0) =	vadd.scan.msk.s32 $0xffff, v10;
	_ =	sdelay $0x3  }
0x6f: {  	s29 =	spop (v2sf)  }
0x70: {  	s9 =	sadd.s32 s9, s29  }
0x71: {  	v11 =	vmov s9;
	v10, _, _ =	vpop (xrf0)  }
0x72: {  	v11 =	vadd.s32 $0xFFFFFFFF, v11;
	(v2sf) =	vpush v10, $0xF  }
0x73: {  	v11 =	vbroadcast v11, $0x0;
	_ =	sdelay $0x1  }
0x74: {  	v10 =	vadd.s32 v10, v11  }
0x75: {  	v11 =	vsub.s32 v6, v10  }
0x76: {  	v10 =	vsub.s32 v10, v5;
	v8 =	vor.u32 v8, v11  }
0x77: {  	v8 =	vor.u32 v10, v8  }
0x78: {  	vm13 =	vlt.s32 v8, $0x0  }
0x79: {  	v7 =	vshll.u32 v7, $0xE;
	v8 =	vsel vm13, $0x248, v10  }
0x7a: {  	v7 =	vand.u32 $0x1FC000, v7;
	v9 =	vshll.u32 v9, $0x15  }
0x7b: {  	v7 =	vor.u32 v7, v9  }
0x7c: {  	v7 =	vadd.s32 s1, v7  }
0x7d: {  	v7 =	vadd.s32 v4, v7  }
0x7e: {  	s0 =	rddreg [dreg:$0x5];
	s8 =	simm.s32 $0x0;
	[tilespmem:v8+s6+$0x0] =	vst.idx.msk $0xffff, v7  }
0x7f: {  	[tilespmem:s8], [sflag:$0x8] =	stream.linear.gather [hbm4b:s0+s8], $0x800, $0x38;
	[tilespmem:$0x1EA80] =	vst v63  }
0x80: {  	s31 =	spop (v2sf)  }
0x81: {  	_ =	swait.ge [sflag:s3], $0x800  }
0x82: {  	[sflag:s3] =	ssyncset.done $0x0  }
0x83: {  	[sflag:s3] =	ssyncadd.s32 $0xFFFFF800  }
0x84: {  	v8 =	vld [tilespmem:s8+$0x0];
	_ =	sdelay $0x4  }
0x85: {  	v9 =	vshra.s32 v8, $0x7  }
0x86: {  	v7 =	vsub.s32 v9, v0;
	v9 =	vsub.s32 v1, v9  }
0x87: {  	v9 =	vor.u32 v9, v7  }
0x88: {  	vm14 =	vgt.s32 v9, $0xFFFFFFFF  }
0x89: {  	v10 =	vsel vm14, $0x1, v3  }
0x8a: {  	(xrf0) =	vadd.scan.msk.s32 $0xffff, v10;
	_ =	sdelay $0x1  }
0x8b: {  	s9 =	sadd.s32 s9, s31  }
0x8c: {  	v10 =	vmov s9  }
0x8d: {  	v10 =	vadd.s32 $0xFFFFFFFF, v10  }
0x8e: {  	v10 =	vbroadcast v10, $0x0  }
0x8f: {  	v11, _, _ =	vpop (xrf0)  }
0x90: {  	v10 =	vadd.s32 v11, v10;
	(v2sf) =	vpush v11, $0xF  }
0x91: {  	v12 =	vsub.s32 v6, v10  }
0x92: {  	v10 =	vsub.s32 v10, v5;
	v9 =	vor.u32 v9, v12  }
0x93: {  	v9 =	vor.u32 v10, v9  }
0x94: {  	vm15 =	vlt.s32 v9, $0x0  }
0x95: {  	s10 =	simm.s32 $0x800;
	s11 =	simm.s32 $0x820;
	s1 =	simm.s32 $0x810;
	v9 =	vshll.u32 v8, $0xE;
	v8 =	vsel vm15, $0x248, v10  }
.LBB2_5:
0x96: {  	p0 =	sne.s32 s11, $0xFF0;
	v7 =	vshll.u32 v7, $0x15;
	v9 =	vand.u32 $0x1FC000, v9  }
0x97: {  	v7 =	vor.u32 v9, v7  }
0x98: {  	v7 =	vadd.s32 s10, v7;
	s10 =	smov.u32 s1;
	s1 =	smov.u32 s11  }
0x99: {  	v7 =	vadd.s32 v4, v7  }
0x9a: {  	s8 =	sadd.s32 $0x10, s8;
	[tilespmem:v8+s6+$0x0] =	vst.idx.msk $0xffff, v7  }
0x9b: {  	v8 =	vld [tilespmem:s8+$0x0];
	_ =	sdelay $0x3  }
0x9c: {  	s12 =	spop (v2sf)  }
0x9d: {  	v9 =	vshra.s32 v8, $0x7;
	s9 =	sadd.s32 s9, s12  }
0x9e: {  	v7 =	vsub.s32 v9, v0;
	v9 =	vsub.s32 v1, v9  }
0x9f: {  	v9 =	vor.u32 v9, v7  }
0xa0: {  	vm0 =	vgt.s32 v9, $0xFFFFFFFF  }
0xa1: {  	v10 =	vsel vm0, $0x1, v3  }
0xa2: {  	(xrf0) =	vadd.scan.msk.s32 $0xffff, v10;
	_ =	sdelay $0x2  }
0xa3: {  	v10 =	vmov s9  }
0xa4: {  	v10 =	vadd.s32 $0xFFFFFFFF, v10  }
0xa5: {  	v10 =	vbroadcast v10, $0x0  }
0xa6: {  	v11, _, _ =	vpop (xrf0)  }
0xa7: {  	v10 =	vadd.s32 v11, v10;
	(v2sf) =	vpush v11, $0xF  }
.Ltmp1:
0xa8: {  	v11 =	vsub.s32 v6, v10;
	(pc) =	sbr.rel @p0 .LBB2_5-.Ltmp1, $4  }
0xa9: {  	v10 =	vsub.s32 v10, v5;
	v9 =	vor.u32 v9, v11  }
0xaa: {  	v9 =	vor.u32 v10, v9  }
0xab: {  	vm0 =	vlt.s32 v9, $0x0  }
0xac: {  	s11 =	sadd.s32 $0x10, s11;
	v9 =	vshll.u32 v8, $0xE;
	v8 =	vsel vm0, $0x248, v10  }
0xad: {  	v7 =	vshll.u32 v7, $0x15;
	v9 =	vand.u32 $0x1FC000, v9  }
0xae: {  	v7 =	vor.u32 v9, v7  }
0xaf: {  	v7 =	vadd.s32 s10, v7  }
0xb0: {  	v7 =	vadd.s32 v4, v7  }
0xb1: {  	s8 =	sadd.s32 $0x10, s8;
	[tilespmem:v8+s6+$0x0] =	vst.idx.msk $0xffff, v7  }
0xb2: {  	v7 =	vld [tilespmem:s8+$0x0];
	_ =	sdelay $0x4  }
0xb3: {  	v8 =	vshra.s32 v7, $0x7  }
0xb4: {  	v9 =	vsub.s32 v8, v0;
	v8 =	vsub.s32 v1, v8  }
0xb5: {  	v8 =	vor.u32 v8, v9  }
0xb6: {  	vm0 =	vgt.s32 v8, $0xFFFFFFFF  }
0xb7: {  	v10 =	vsel vm0, $0x1, v3  }
0xb8: {  	(xrf0) =	vadd.scan.msk.s32 $0xffff, v10;
	_ =	sdelay $0x3  }
0xb9: {  	s29 =	spop (v2sf)  }
0xba: {  	s9 =	sadd.s32 s9, s29  }
0xbb: {  	v11 =	vmov s9;
	v10, _, _ =	vpop (xrf0)  }
0xbc: {  	v11 =	vadd.s32 $0xFFFFFFFF, v11;
	(v2sf) =	vpush v10, $0xF  }
0xbd: {  	v11 =	vbroadcast v11, $0x0;
	_ =	sdelay $0x1  }
0xbe: {  	v10 =	vadd.s32 v10, v11  }
0xbf: {  	v11 =	vsub.s32 v6, v10  }
0xc0: {  	v10 =	vsub.s32 v10, v5;
	v8 =	vor.u32 v8, v11  }
0xc1: {  	v8 =	vor.u32 v10, v8  }
0xc2: {  	vm13 =	vlt.s32 v8, $0x0  }
0xc3: {  	v7 =	vshll.u32 v7, $0xE;
	v8 =	vsel vm13, $0x248, v10  }
0xc4: {  	v7 =	vand.u32 $0x1FC000, v7;
	v9 =	vshll.u32 v9, $0x15  }
0xc5: {  	v7 =	vor.u32 v7, v9  }
0xc6: {  	v7 =	vadd.s32 s1, v7  }
0xc7: {  	v7 =	vadd.s32 v4, v7  }
0xc8: {  	s0 =	rddreg [dreg:$0x6];
	s8 =	simm.s32 $0x0;
	[tilespmem:v8+s6+$0x0] =	vst.idx.msk $0xffff, v7  }
0xc9: {  	[tilespmem:s8], [sflag:$0x8] =	stream.linear.gather [hbm4b:s0+s8], $0x800, $0x38;
	[tilespmem:$0x1EA80] =	vst v63  }
0xca: {  	s31 =	spop (v2sf)  }
0xcb: {  	_ =	swait.ge [sflag:s3], $0x800  }
0xcc: {  	[sflag:s3] =	ssyncset.done $0x0  }
0xcd: {  	[sflag:s3] =	ssyncadd.s32 $0xFFFFF800  }
0xce: {  	v8 =	vld [tilespmem:s8+$0x0];
	_ =	sdelay $0x4  }
0xcf: {  	v9 =	vshra.s32 v8, $0x7  }
0xd0: {  	v7 =	vsub.s32 v9, v0;
	v9 =	vsub.s32 v1, v9  }
0xd1: {  	v9 =	vor.u32 v9, v7  }
0xd2: {  	vm14 =	vgt.s32 v9, $0xFFFFFFFF  }
0xd3: {  	v10 =	vsel vm14, $0x1, v3  }
0xd4: {  	(xrf0) =	vadd.scan.msk.s32 $0xffff, v10;
	_ =	sdelay $0x1  }
0xd5: {  	s9 =	sadd.s32 s9, s31  }
0xd6: {  	v10 =	vmov s9  }
0xd7: {  	v10 =	vadd.s32 $0xFFFFFFFF, v10  }
0xd8: {  	v10 =	vbroadcast v10, $0x0  }
0xd9: {  	v11, _, _ =	vpop (xrf0)  }
0xda: {  	v10 =	vadd.s32 v11, v10;
	(v2sf) =	vpush v11, $0xF  }
0xdb: {  	v12 =	vsub.s32 v6, v10  }
0xdc: {  	v10 =	vsub.s32 v10, v5;
	v9 =	vor.u32 v9, v12  }
0xdd: {  	v9 =	vor.u32 v10, v9  }
0xde: {  	vm15 =	vlt.s32 v9, $0x0  }
0xdf: {  	s11 =	simm.s32 $0x1020;
	s10 =	simm.s32 $0x1000;
	s1 =	simm.s32 $0x1010;
	v9 =	vshll.u32 v8, $0xE;
	v8 =	vsel vm15, $0x248, v10  }
.LBB2_7:
0xe0: {  	p0 =	sne.s32 s11, $0x17F0;
	v7 =	vshll.u32 v7, $0x15;
	v9 =	vand.u32 $0x1FC000, v9  }
0xe1: {  	v7 =	vor.u32 v9, v7  }
0xe2: {  	v7 =	vadd.s32 s10, v7;
	s10 =	smov.u32 s1;
	s1 =	smov.u32 s11  }
0xe3: {  	v7 =	vadd.s32 v4, v7  }
0xe4: {  	s8 =	sadd.s32 $0x10, s8;
	[tilespmem:v8+s6+$0x0] =	vst.idx.msk $0xffff, v7  }
0xe5: {  	v8 =	vld [tilespmem:s8+$0x0];
	_ =	sdelay $0x3  }
0xe6: {  	s12 =	spop (v2sf)  }
0xe7: {  	v9 =	vshra.s32 v8, $0x7;
	s9 =	sadd.s32 s9, s12  }
0xe8: {  	v7 =	vsub.s32 v9, v0;
	v9 =	vsub.s32 v1, v9  }
0xe9: {  	v9 =	vor.u32 v9, v7  }
0xea: {  	vm0 =	vgt.s32 v9, $0xFFFFFFFF  }
0xeb: {  	v10 =	vsel vm0, $0x1, v3  }
0xec: {  	(xrf0) =	vadd.scan.msk.s32 $0xffff, v10;
	_ =	sdelay $0x2  }
0xed: {  	v10 =	vmov s9  }
0xee: {  	v10 =	vadd.s32 $0xFFFFFFFF, v10  }
0xef: {  	v10 =	vbroadcast v10, $0x0  }
0xf0: {  	v11, _, _ =	vpop (xrf0)  }
0xf1: {  	v10 =	vadd.s32 v11, v10;
	(v2sf) =	vpush v11, $0xF  }
.Ltmp2:
0xf2: {  	v11 =	vsub.s32 v6, v10;
	(pc) =	sbr.rel @p0 .LBB2_7-.Ltmp2, $4  }
0xf3: {  	v10 =	vsub.s32 v10, v5;
	v9 =	vor.u32 v9, v11  }
0xf4: {  	v9 =	vor.u32 v10, v9  }
0xf5: {  	vm0 =	vlt.s32 v9, $0x0  }
0xf6: {  	s11 =	sadd.s32 $0x10, s11;
	v9 =	vshll.u32 v8, $0xE;
	v8 =	vsel vm0, $0x248, v10  }
0xf7: {  	v7 =	vshll.u32 v7, $0x15;
	v9 =	vand.u32 $0x1FC000, v9  }
0xf8: {  	v7 =	vor.u32 v9, v7  }
0xf9: {  	v7 =	vadd.s32 s10, v7  }
0xfa: {  	v7 =	vadd.s32 v4, v7  }
0xfb: {  	s8 =	sadd.s32 $0x10, s8;
	[tilespmem:v8+s6+$0x0] =	vst.idx.msk $0xffff, v7  }
0xfc: {  	v7 =	vld [tilespmem:s8+$0x0];
	_ =	sdelay $0x4  }
0xfd: {  	v8 =	vshra.s32 v7, $0x7  }
0xfe: {  	v9 =	vsub.s32 v8, v0;
	v8 =	vsub.s32 v1, v8  }
0xff: {  	v8 =	vor.u32 v8, v9  }
0x100: {  	vm0 =	vgt.s32 v8, $0xFFFFFFFF  }
0x101: {  	v10 =	vsel vm0, $0x1, v3  }
0x102: {  	(xrf0) =	vadd.scan.msk.s32 $0xffff, v10;
	_ =	sdelay $0x3  }
0x103: {  	s29 =	spop (v2sf)  }
0x104: {  	s9 =	sadd.s32 s9, s29  }
0x105: {  	v11 =	vmov s9;
	v10, _, _ =	vpop (xrf0)  }
0x106: {  	v11 =	vadd.s32 $0xFFFFFFFF, v11;
	(v2sf) =	vpush v10, $0xF  }
0x107: {  	v11 =	vbroadcast v11, $0x0;
	_ =	sdelay $0x1  }
0x108: {  	v10 =	vadd.s32 v10, v11  }
0x109: {  	v11 =	vsub.s32 v6, v10  }
0x10a: {  	v10 =	vsub.s32 v10, v5;
	v8 =	vor.u32 v8, v11  }
0x10b: {  	v8 =	vor.u32 v10, v8  }
0x10c: {  	vm13 =	vlt.s32 v8, $0x0  }
0x10d: {  	v7 =	vshll.u32 v7, $0xE;
	v8 =	vsel vm13, $0x248, v10  }
0x10e: {  	v7 =	vand.u32 $0x1FC000, v7;
	v9 =	vshll.u32 v9, $0x15  }
0x10f: {  	v7 =	vor.u32 v7, v9  }
0x110: {  	v7 =	vadd.s32 s1, v7  }
0x111: {  	v7 =	vadd.s32 v4, v7  }
0x112: {  	s0 =	rddreg [dreg:$0x7];
	s8 =	simm.s32 $0x0;
	[tilespmem:v8+s6+$0x0] =	vst.idx.msk $0xffff, v7  }
0x113: {  	[tilespmem:s8], [sflag:$0x8] =	stream.linear.gather [hbm4b:s0+s8], $0x800, $0x38;
	[tilespmem:$0x1EA80] =	vst v63  }
0x114: {  	s31 =	spop (v2sf)  }
0x115: {  	_ =	swait.ge [sflag:s3], $0x800  }
0x116: {  	[sflag:s3] =	ssyncset.done $0x0  }
0x117: {  	[sflag:s3] =	ssyncadd.s32 $0xFFFFF800  }
0x118: {  	v8 =	vld [tilespmem:s8+$0x0];
	_ =	sdelay $0x4  }
0x119: {  	v9 =	vshra.s32 v8, $0x7  }
0x11a: {  	v7 =	vsub.s32 v9, v0;
	v9 =	vsub.s32 v1, v9  }
0x11b: {  	v9 =	vor.u32 v9, v7  }
0x11c: {  	vm14 =	vgt.s32 v9, $0xFFFFFFFF  }
0x11d: {  	v10 =	vsel vm14, $0x1, v3  }
0x11e: {  	(xrf0) =	vadd.scan.msk.s32 $0xffff, v10;
	_ =	sdelay $0x1  }
0x11f: {  	s9 =	sadd.s32 s9, s31  }
0x120: {  	v10 =	vmov s9  }
0x121: {  	v10 =	vadd.s32 $0xFFFFFFFF, v10  }
0x122: {  	v10 =	vbroadcast v10, $0x0  }
0x123: {  	v11, _, _ =	vpop (xrf0)  }
0x124: {  	v10 =	vadd.s32 v11, v10;
	(v2sf) =	vpush v11, $0xF  }
0x125: {  	v12 =	vsub.s32 v6, v10  }
0x126: {  	v10 =	vsub.s32 v10, v5;
	v9 =	vor.u32 v9, v12  }
0x127: {  	v9 =	vor.u32 v10, v9  }
0x128: {  	vm15 =	vlt.s32 v9, $0x0  }
0x129: {  	s11 =	simm.s32 $0x1820;
	s10 =	simm.s32 $0x1800;
	s1 =	simm.s32 $0x1810;
	v9 =	vshll.u32 v8, $0xE;
	v8 =	vsel vm15, $0x248, v10  }
.LBB2_9:
0x12a: {  	p0 =	sne.s32 s11, $0x1FF0;
	v7 =	vshll.u32 v7, $0x15;
	v9 =	vand.u32 $0x1FC000, v9  }
0x12b: {  	v7 =	vor.u32 v9, v7  }
0x12c: {  	v7 =	vadd.s32 s10, v7;
	s10 =	smov.u32 s1;
	s1 =	smov.u32 s11  }
0x12d: {  	v7 =	vadd.s32 v4, v7  }
0x12e: {  	s8 =	sadd.s32 $0x10, s8;
	[tilespmem:v8+s6+$0x0] =	vst.idx.msk $0xffff, v7  }
0x12f: {  	v8 =	vld [tilespmem:s8+$0x0];
	_ =	sdelay $0x3  }
0x130: {  	s12 =	spop (v2sf)  }
0x131: {  	v9 =	vshra.s32 v8, $0x7;
	s9 =	sadd.s32 s9, s12  }
0x132: {  	v7 =	vsub.s32 v9, v0;
	v9 =	vsub.s32 v1, v9  }
0x133: {  	v9 =	vor.u32 v9, v7  }
0x134: {  	vm0 =	vgt.s32 v9, $0xFFFFFFFF  }
0x135: {  	v10 =	vsel vm0, $0x1, v3  }
0x136: {  	(xrf0) =	vadd.scan.msk.s32 $0xffff, v10;
	_ =	sdelay $0x2  }
0x137: {  	v10 =	vmov s9  }
0x138: {  	v10 =	vadd.s32 $0xFFFFFFFF, v10  }
0x139: {  	v10 =	vbroadcast v10, $0x0  }
0x13a: {  	v11, _, _ =	vpop (xrf0)  }
0x13b: {  	v10 =	vadd.s32 v11, v10;
	(v2sf) =	vpush v11, $0xF  }
.Ltmp3:
0x13c: {  	v11 =	vsub.s32 v6, v10;
	(pc) =	sbr.rel @p0 .LBB2_9-.Ltmp3, $4  }
0x13d: {  	v10 =	vsub.s32 v10, v5;
	v9 =	vor.u32 v9, v11  }
0x13e: {  	v9 =	vor.u32 v10, v9  }
0x13f: {  	vm0 =	vlt.s32 v9, $0x0  }
0x140: {  	s11 =	sadd.s32 $0x10, s11;
	v9 =	vshll.u32 v8, $0xE;
	v8 =	vsel vm0, $0x248, v10  }
0x141: {  	v7 =	vshll.u32 v7, $0x15;
	v9 =	vand.u32 $0x1FC000, v9  }
0x142: {  	v7 =	vor.u32 v9, v7  }
0x143: {  	v7 =	vadd.s32 s10, v7  }
0x144: {  	v7 =	vadd.s32 v4, v7  }
0x145: {  	s8 =	sadd.s32 $0x10, s8;
	[tilespmem:v8+s6+$0x0] =	vst.idx.msk $0xffff, v7  }
0x146: {  	v7 =	vld [tilespmem:s8+$0x0];
	_ =	sdelay $0x4  }
0x147: {  	v8 =	vshra.s32 v7, $0x7  }
0x148: {  	v9 =	vsub.s32 v8, v0;
	v8 =	vsub.s32 v1, v8  }
0x149: {  	v8 =	vor.u32 v8, v9  }
0x14a: {  	vm0 =	vgt.s32 v8, $0xFFFFFFFF  }
0x14b: {  	v10 =	vsel vm0, $0x1, v3  }
0x14c: {  	(xrf0) =	vadd.scan.msk.s32 $0xffff, v10;
	_ =	sdelay $0x3  }
0x14d: {  	s29 =	spop (v2sf)  }
0x14e: {  	s9 =	sadd.s32 s9, s29  }
0x14f: {  	v11 =	vmov s9;
	v10, _, _ =	vpop (xrf0)  }
0x150: {  	v11 =	vadd.s32 $0xFFFFFFFF, v11;
	(v2sf) =	vpush v10, $0xF  }
0x151: {  	v11 =	vbroadcast v11, $0x0;
	_ =	sdelay $0x1  }
0x152: {  	v10 =	vadd.s32 v10, v11  }
0x153: {  	v11 =	vsub.s32 v6, v10  }
0x154: {  	v10 =	vsub.s32 v10, v5;
	v8 =	vor.u32 v8, v11  }
0x155: {  	v8 =	vor.u32 v10, v8  }
0x156: {  	vm13 =	vlt.s32 v8, $0x0  }
0x157: {  	v7 =	vshll.u32 v7, $0xE;
	v8 =	vsel vm13, $0x248, v10  }
0x158: {  	v7 =	vand.u32 $0x1FC000, v7;
	v9 =	vshll.u32 v9, $0x15  }
0x159: {  	v7 =	vor.u32 v7, v9  }
0x15a: {  	v7 =	vadd.s32 s1, v7  }
0x15b: {  	v7 =	vadd.s32 v4, v7  }
0x15c: {  	s0 =	rddreg [dreg:$0x8];
	s8 =	simm.s32 $0x0;
	[tilespmem:v8+s6+$0x0] =	vst.idx.msk $0xffff, v7  }
0x15d: {  	[tilespmem:s8], [sflag:$0x8] =	stream.linear.gather [hbm4b:s0+s8], $0x800, $0x38;
	[tilespmem:$0x1EA80] =	vst v63  }
0x15e: {  	s31 =	spop (v2sf)  }
0x15f: {  	_ =	swait.ge [sflag:s3], $0x800  }
0x160: {  	[sflag:s3] =	ssyncset.done $0x0  }
0x161: {  	[sflag:s3] =	ssyncadd.s32 $0xFFFFF800  }
0x162: {  	v8 =	vld [tilespmem:s8+$0x0];
	_ =	sdelay $0x4  }
0x163: {  	v9 =	vshra.s32 v8, $0x7  }
0x164: {  	v7 =	vsub.s32 v9, v0;
	v9 =	vsub.s32 v1, v9  }
0x165: {  	v9 =	vor.u32 v9, v7  }
0x166: {  	vm14 =	vgt.s32 v9, $0xFFFFFFFF  }
0x167: {  	v10 =	vsel vm14, $0x1, v3  }
0x168: {  	(xrf0) =	vadd.scan.msk.s32 $0xffff, v10;
	_ =	sdelay $0x1  }
0x169: {  	s9 =	sadd.s32 s9, s31  }
0x16a: {  	v10 =	vmov s9  }
0x16b: {  	v10 =	vadd.s32 $0xFFFFFFFF, v10  }
0x16c: {  	v10 =	vbroadcast v10, $0x0  }
0x16d: {  	v11, _, _ =	vpop (xrf0)  }
0x16e: {  	v10 =	vadd.s32 v11, v10;
	(v2sf) =	vpush v11, $0xF  }
0x16f: {  	v12 =	vsub.s32 v6, v10  }
0x170: {  	v10 =	vsub.s32 v10, v5;
	v9 =	vor.u32 v9, v12  }
0x171: {  	v9 =	vor.u32 v10, v9  }
0x172: {  	vm15 =	vlt.s32 v9, $0x0  }
0x173: {  	s11 =	simm.s32 $0x2020;
	s10 =	simm.s32 $0x2000;
	s1 =	simm.s32 $0x2010;
	v9 =	vshll.u32 v8, $0xE;
	v8 =	vsel vm15, $0x248, v10  }
.LBB2_11:
0x174: {  	p0 =	sne.s32 s11, $0x27F0;
	v7 =	vshll.u32 v7, $0x15;
	v9 =	vand.u32 $0x1FC000, v9  }
0x175: {  	v7 =	vor.u32 v9, v7  }
0x176: {  	v7 =	vadd.s32 s10, v7;
	s10 =	smov.u32 s1;
	s1 =	smov.u32 s11  }
0x177: {  	v7 =	vadd.s32 v4, v7  }
0x178: {  	s8 =	sadd.s32 $0x10, s8;
	[tilespmem:v8+s6+$0x0] =	vst.idx.msk $0xffff, v7  }
0x179: {  	v8 =	vld [tilespmem:s8+$0x0];
	_ =	sdelay $0x3  }
0x17a: {  	s12 =	spop (v2sf)  }
0x17b: {  	v9 =	vshra.s32 v8, $0x7;
	s9 =	sadd.s32 s9, s12  }
0x17c: {  	v7 =	vsub.s32 v9, v0;
	v9 =	vsub.s32 v1, v9  }
0x17d: {  	v9 =	vor.u32 v9, v7  }
0x17e: {  	vm0 =	vgt.s32 v9, $0xFFFFFFFF  }
0x17f: {  	v10 =	vsel vm0, $0x1, v3  }
0x180: {  	(xrf0) =	vadd.scan.msk.s32 $0xffff, v10;
	_ =	sdelay $0x2  }
0x181: {  	v10 =	vmov s9  }
0x182: {  	v10 =	vadd.s32 $0xFFFFFFFF, v10  }
0x183: {  	v10 =	vbroadcast v10, $0x0  }
0x184: {  	v11, _, _ =	vpop (xrf0)  }
0x185: {  	v10 =	vadd.s32 v11, v10;
	(v2sf) =	vpush v11, $0xF  }
.Ltmp4:
0x186: {  	v11 =	vsub.s32 v6, v10;
	(pc) =	sbr.rel @p0 .LBB2_11-.Ltmp4, $4  }
0x187: {  	v10 =	vsub.s32 v10, v5;
	v9 =	vor.u32 v9, v11  }
0x188: {  	v9 =	vor.u32 v10, v9  }
0x189: {  	vm0 =	vlt.s32 v9, $0x0  }
0x18a: {  	s11 =	sadd.s32 $0x10, s11;
	v9 =	vshll.u32 v8, $0xE;
	v8 =	vsel vm0, $0x248, v10  }
0x18b: {  	v7 =	vshll.u32 v7, $0x15;
	v9 =	vand.u32 $0x1FC000, v9  }
0x18c: {  	v7 =	vor.u32 v9, v7  }
0x18d: {  	v7 =	vadd.s32 s10, v7  }
0x18e: {  	v7 =	vadd.s32 v4, v7  }
0x18f: {  	s8 =	sadd.s32 $0x10, s8;
	[tilespmem:v8+s6+$0x0] =	vst.idx.msk $0xffff, v7  }
0x190: {  	v7 =	vld [tilespmem:s8+$0x0];
	_ =	sdelay $0x4  }
0x191: {  	v8 =	vshra.s32 v7, $0x7  }
0x192: {  	v9 =	vsub.s32 v8, v0;
	v8 =	vsub.s32 v1, v8  }
0x193: {  	v8 =	vor.u32 v8, v9  }
0x194: {  	vm0 =	vgt.s32 v8, $0xFFFFFFFF  }
0x195: {  	v10 =	vsel vm0, $0x1, v3  }
0x196: {  	(xrf0) =	vadd.scan.msk.s32 $0xffff, v10;
	_ =	sdelay $0x3  }
0x197: {  	s29 =	spop (v2sf)  }
0x198: {  	s9 =	sadd.s32 s9, s29  }
0x199: {  	v11 =	vmov s9;
	v10, _, _ =	vpop (xrf0)  }
0x19a: {  	v11 =	vadd.s32 $0xFFFFFFFF, v11;
	(v2sf) =	vpush v10, $0xF  }
0x19b: {  	v11 =	vbroadcast v11, $0x0;
	_ =	sdelay $0x1  }
0x19c: {  	v10 =	vadd.s32 v10, v11  }
0x19d: {  	v11 =	vsub.s32 v6, v10  }
0x19e: {  	v10 =	vsub.s32 v10, v5;
	v8 =	vor.u32 v8, v11  }
0x19f: {  	v8 =	vor.u32 v10, v8  }
0x1a0: {  	vm13 =	vlt.s32 v8, $0x0  }
0x1a1: {  	v7 =	vshll.u32 v7, $0xE;
	v8 =	vsel vm13, $0x248, v10  }
0x1a2: {  	v7 =	vand.u32 $0x1FC000, v7;
	v9 =	vshll.u32 v9, $0x15  }
0x1a3: {  	v7 =	vor.u32 v7, v9  }
0x1a4: {  	v7 =	vadd.s32 s1, v7  }
0x1a5: {  	v7 =	vadd.s32 v4, v7  }
0x1a6: {  	s0 =	rddreg [dreg:$0x9];
	s8 =	simm.s32 $0x0;
	[tilespmem:v8+s6+$0x0] =	vst.idx.msk $0xffff, v7  }
0x1a7: {  	[tilespmem:s8], [sflag:$0x8] =	stream.linear.gather [hbm4b:s0+s8], $0x800, $0x38;
	[tilespmem:$0x1EA80] =	vst v63  }
0x1a8: {  	s31 =	spop (v2sf)  }
0x1a9: {  	_ =	swait.ge [sflag:s3], $0x800  }
0x1aa: {  	[sflag:s3] =	ssyncset.done $0x0  }
0x1ab: {  	[sflag:s3] =	ssyncadd.s32 $0xFFFFF800  }
0x1ac: {  	v8 =	vld [tilespmem:s8+$0x0];
	_ =	sdelay $0x4  }
0x1ad: {  	v9 =	vshra.s32 v8, $0x7  }
0x1ae: {  	v7 =	vsub.s32 v9, v0;
	v9 =	vsub.s32 v1, v9  }
0x1af: {  	v9 =	vor.u32 v9, v7  }
0x1b0: {  	vm14 =	vgt.s32 v9, $0xFFFFFFFF  }
0x1b1: {  	v10 =	vsel vm14, $0x1, v3  }
0x1b2: {  	(xrf0) =	vadd.scan.msk.s32 $0xffff, v10;
	_ =	sdelay $0x1  }
0x1b3: {  	s9 =	sadd.s32 s9, s31  }
0x1b4: {  	v10 =	vmov s9  }
0x1b5: {  	v10 =	vadd.s32 $0xFFFFFFFF, v10  }
0x1b6: {  	v10 =	vbroadcast v10, $0x0  }
0x1b7: {  	v11, _, _ =	vpop (xrf0)  }
0x1b8: {  	v10 =	vadd.s32 v11, v10;
	(v2sf) =	vpush v11, $0xF  }
0x1b9: {  	v12 =	vsub.s32 v6, v10  }
0x1ba: {  	v10 =	vsub.s32 v10, v5;
	v9 =	vor.u32 v9, v12  }
0x1bb: {  	v9 =	vor.u32 v10, v9  }
0x1bc: {  	vm15 =	vlt.s32 v9, $0x0  }
0x1bd: {  	s11 =	simm.s32 $0x2820;
	s10 =	simm.s32 $0x2800;
	s1 =	simm.s32 $0x2810;
	v9 =	vshll.u32 v8, $0xE;
	v8 =	vsel vm15, $0x248, v10  }
.LBB2_13:
0x1be: {  	p0 =	sne.s32 s11, $0x2FF0;
	v7 =	vshll.u32 v7, $0x15;
	v9 =	vand.u32 $0x1FC000, v9  }
0x1bf: {  	v7 =	vor.u32 v9, v7  }
0x1c0: {  	v7 =	vadd.s32 s10, v7;
	s10 =	smov.u32 s1;
	s1 =	smov.u32 s11  }
0x1c1: {  	v7 =	vadd.s32 v4, v7  }
0x1c2: {  	s8 =	sadd.s32 $0x10, s8;
	[tilespmem:v8+s6+$0x0] =	vst.idx.msk $0xffff, v7  }
0x1c3: {  	v8 =	vld [tilespmem:s8+$0x0];
	_ =	sdelay $0x3  }
0x1c4: {  	s12 =	spop (v2sf)  }
0x1c5: {  	v9 =	vshra.s32 v8, $0x7;
	s9 =	sadd.s32 s9, s12  }
0x1c6: {  	v7 =	vsub.s32 v9, v0;
	v9 =	vsub.s32 v1, v9  }
0x1c7: {  	v9 =	vor.u32 v9, v7  }
0x1c8: {  	vm0 =	vgt.s32 v9, $0xFFFFFFFF  }
0x1c9: {  	v10 =	vsel vm0, $0x1, v3  }
0x1ca: {  	(xrf0) =	vadd.scan.msk.s32 $0xffff, v10;
	_ =	sdelay $0x2  }
0x1cb: {  	v10 =	vmov s9  }
0x1cc: {  	v10 =	vadd.s32 $0xFFFFFFFF, v10  }
0x1cd: {  	v10 =	vbroadcast v10, $0x0  }
0x1ce: {  	v11, _, _ =	vpop (xrf0)  }
0x1cf: {  	v10 =	vadd.s32 v11, v10;
	(v2sf) =	vpush v11, $0xF  }
.Ltmp5:
0x1d0: {  	v11 =	vsub.s32 v6, v10;
	(pc) =	sbr.rel @p0 .LBB2_13-.Ltmp5, $4  }
0x1d1: {  	v10 =	vsub.s32 v10, v5;
	v9 =	vor.u32 v9, v11  }
0x1d2: {  	v9 =	vor.u32 v10, v9  }
0x1d3: {  	vm0 =	vlt.s32 v9, $0x0  }
0x1d4: {  	s11 =	sadd.s32 $0x10, s11;
	v9 =	vshll.u32 v8, $0xE;
	v8 =	vsel vm0, $0x248, v10  }
0x1d5: {  	v7 =	vshll.u32 v7, $0x15;
	v9 =	vand.u32 $0x1FC000, v9  }
0x1d6: {  	v7 =	vor.u32 v9, v7  }
0x1d7: {  	v7 =	vadd.s32 s10, v7  }
0x1d8: {  	v7 =	vadd.s32 v4, v7  }
0x1d9: {  	s8 =	sadd.s32 $0x10, s8;
	[tilespmem:v8+s6+$0x0] =	vst.idx.msk $0xffff, v7  }
0x1da: {  	v7 =	vld [tilespmem:s8+$0x0];
	_ =	sdelay $0x4  }
0x1db: {  	v8 =	vshra.s32 v7, $0x7  }
0x1dc: {  	v9 =	vsub.s32 v8, v0;
	v8 =	vsub.s32 v1, v8  }
0x1dd: {  	v8 =	vor.u32 v8, v9  }
0x1de: {  	vm0 =	vgt.s32 v8, $0xFFFFFFFF  }
0x1df: {  	v10 =	vsel vm0, $0x1, v3  }
0x1e0: {  	(xrf0) =	vadd.scan.msk.s32 $0xffff, v10;
	_ =	sdelay $0x3  }
0x1e1: {  	s29 =	spop (v2sf)  }
0x1e2: {  	s9 =	sadd.s32 s9, s29  }
0x1e3: {  	v11 =	vmov s9;
	v10, _, _ =	vpop (xrf0)  }
0x1e4: {  	v11 =	vadd.s32 $0xFFFFFFFF, v11;
	(v2sf) =	vpush v10, $0xF  }
0x1e5: {  	v11 =	vbroadcast v11, $0x0;
	_ =	sdelay $0x1  }
0x1e6: {  	v10 =	vadd.s32 v10, v11  }
0x1e7: {  	v11 =	vsub.s32 v6, v10  }
0x1e8: {  	v10 =	vsub.s32 v10, v5;
	v8 =	vor.u32 v8, v11  }
0x1e9: {  	v8 =	vor.u32 v10, v8  }
0x1ea: {  	vm13 =	vlt.s32 v8, $0x0  }
0x1eb: {  	v7 =	vshll.u32 v7, $0xE;
	v8 =	vsel vm13, $0x248, v10  }
0x1ec: {  	v7 =	vand.u32 $0x1FC000, v7;
	v9 =	vshll.u32 v9, $0x15  }
0x1ed: {  	v7 =	vor.u32 v7, v9  }
0x1ee: {  	v7 =	vadd.s32 s1, v7  }
0x1ef: {  	v7 =	vadd.s32 v4, v7  }
0x1f0: {  	s0 =	rddreg [dreg:$0xa];
	s8 =	simm.s32 $0x0;
	[tilespmem:v8+s6+$0x0] =	vst.idx.msk $0xffff, v7  }
0x1f1: {  	[tilespmem:s8], [sflag:$0x8] =	stream.linear.gather [hbm4b:s0+s8], $0x800, $0x38;
	[tilespmem:$0x1EA80] =	vst v63  }
0x1f2: {  	s31 =	spop (v2sf)  }
0x1f3: {  	_ =	swait.ge [sflag:s3], $0x800  }
0x1f4: {  	[sflag:s3] =	ssyncset.done $0x0  }
0x1f5: {  	[sflag:s3] =	ssyncadd.s32 $0xFFFFF800  }
0x1f6: {  	v8 =	vld [tilespmem:s8+$0x0];
	_ =	sdelay $0x4  }
0x1f7: {  	v9 =	vshra.s32 v8, $0x7  }
0x1f8: {  	v7 =	vsub.s32 v9, v0;
	v9 =	vsub.s32 v1, v9  }
0x1f9: {  	v9 =	vor.u32 v9, v7  }
0x1fa: {  	vm14 =	vgt.s32 v9, $0xFFFFFFFF  }
0x1fb: {  	v10 =	vsel vm14, $0x1, v3  }
0x1fc: {  	(xrf0) =	vadd.scan.msk.s32 $0xffff, v10;
	_ =	sdelay $0x1  }
0x1fd: {  	s9 =	sadd.s32 s9, s31  }
0x1fe: {  	v10 =	vmov s9  }
0x1ff: {  	v10 =	vadd.s32 $0xFFFFFFFF, v10  }
0x200: {  	v10 =	vbroadcast v10, $0x0  }
0x201: {  	v11, _, _ =	vpop (xrf0)  }
0x202: {  	v10 =	vadd.s32 v11, v10;
	(v2sf) =	vpush v11, $0xF  }
0x203: {  	v12 =	vsub.s32 v6, v10  }
0x204: {  	v10 =	vsub.s32 v10, v5;
	v9 =	vor.u32 v9, v12  }
0x205: {  	v9 =	vor.u32 v10, v9  }
0x206: {  	vm15 =	vlt.s32 v9, $0x0  }
0x207: {  	s11 =	simm.s32 $0x3020;
	s10 =	simm.s32 $0x3000;
	s1 =	simm.s32 $0x3010;
	v9 =	vshll.u32 v8, $0xE;
	v8 =	vsel vm15, $0x248, v10  }
.LBB2_15:
0x208: {  	p0 =	sne.s32 s11, $0x37F0;
	v7 =	vshll.u32 v7, $0x15;
	v9 =	vand.u32 $0x1FC000, v9  }
0x209: {  	v7 =	vor.u32 v9, v7  }
0x20a: {  	v7 =	vadd.s32 s10, v7;
	s10 =	smov.u32 s1;
	s1 =	smov.u32 s11  }
0x20b: {  	v7 =	vadd.s32 v4, v7  }
0x20c: {  	s8 =	sadd.s32 $0x10, s8;
	[tilespmem:v8+s6+$0x0] =	vst.idx.msk $0xffff, v7  }
0x20d: {  	v8 =	vld [tilespmem:s8+$0x0];
	_ =	sdelay $0x3  }
0x20e: {  	s12 =	spop (v2sf)  }
0x20f: {  	v9 =	vshra.s32 v8, $0x7;
	s9 =	sadd.s32 s9, s12  }
0x210: {  	v7 =	vsub.s32 v9, v0;
	v9 =	vsub.s32 v1, v9  }
0x211: {  	v9 =	vor.u32 v9, v7  }
0x212: {  	vm0 =	vgt.s32 v9, $0xFFFFFFFF  }
0x213: {  	v10 =	vsel vm0, $0x1, v3  }
0x214: {  	(xrf0) =	vadd.scan.msk.s32 $0xffff, v10;
	_ =	sdelay $0x2  }
0x215: {  	v10 =	vmov s9  }
0x216: {  	v10 =	vadd.s32 $0xFFFFFFFF, v10  }
0x217: {  	v10 =	vbroadcast v10, $0x0  }
0x218: {  	v11, _, _ =	vpop (xrf0)  }
0x219: {  	v10 =	vadd.s32 v11, v10;
	(v2sf) =	vpush v11, $0xF  }
.Ltmp6:
0x21a: {  	v11 =	vsub.s32 v6, v10;
	(pc) =	sbr.rel @p0 .LBB2_15-.Ltmp6, $4  }
0x21b: {  	v10 =	vsub.s32 v10, v5;
	v9 =	vor.u32 v9, v11  }
0x21c: {  	v9 =	vor.u32 v10, v9  }
0x21d: {  	vm0 =	vlt.s32 v9, $0x0  }
0x21e: {  	s11 =	sadd.s32 $0x10, s11;
	v9 =	vshll.u32 v8, $0xE;
	v8 =	vsel vm0, $0x248, v10  }
0x21f: {  	v7 =	vshll.u32 v7, $0x15;
	v9 =	vand.u32 $0x1FC000, v9  }
0x220: {  	v7 =	vor.u32 v9, v7  }
0x221: {  	v7 =	vadd.s32 s10, v7  }
0x222: {  	v7 =	vadd.s32 v4, v7  }
0x223: {  	s8 =	sadd.s32 $0x10, s8;
	[tilespmem:v8+s6+$0x0] =	vst.idx.msk $0xffff, v7  }
0x224: {  	v7 =	vld [tilespmem:s8+$0x0];
	_ =	sdelay $0x4  }
0x225: {  	v8 =	vshra.s32 v7, $0x7  }
0x226: {  	v9 =	vsub.s32 v8, v0;
	v8 =	vsub.s32 v1, v8  }
0x227: {  	v8 =	vor.u32 v8, v9  }
0x228: {  	vm0 =	vgt.s32 v8, $0xFFFFFFFF  }
0x229: {  	v10 =	vsel vm0, $0x1, v3  }
0x22a: {  	(xrf0) =	vadd.scan.msk.s32 $0xffff, v10;
	_ =	sdelay $0x3  }
0x22b: {  	s29 =	spop (v2sf)  }
0x22c: {  	s9 =	sadd.s32 s9, s29  }
0x22d: {  	v11 =	vmov s9;
	v10, _, _ =	vpop (xrf0)  }
0x22e: {  	v11 =	vadd.s32 $0xFFFFFFFF, v11;
	(v2sf) =	vpush v10, $0xF  }
0x22f: {  	v11 =	vbroadcast v11, $0x0;
	_ =	sdelay $0x1  }
0x230: {  	v10 =	vadd.s32 v10, v11  }
0x231: {  	v11 =	vsub.s32 v6, v10  }
0x232: {  	v10 =	vsub.s32 v10, v5;
	v8 =	vor.u32 v8, v11  }
0x233: {  	v8 =	vor.u32 v10, v8  }
0x234: {  	vm13 =	vlt.s32 v8, $0x0  }
0x235: {  	v7 =	vshll.u32 v7, $0xE;
	v8 =	vsel vm13, $0x248, v10  }
0x236: {  	v7 =	vand.u32 $0x1FC000, v7;
	v9 =	vshll.u32 v9, $0x15  }
0x237: {  	v7 =	vor.u32 v7, v9  }
0x238: {  	v7 =	vadd.s32 s1, v7  }
0x239: {  	v7 =	vadd.s32 v4, v7  }
0x23a: {  	s0 =	rddreg [dreg:$0xb];
	s8 =	simm.s32 $0x0;
	[tilespmem:v8+s6+$0x0] =	vst.idx.msk $0xffff, v7  }
0x23b: {  	[tilespmem:s8], [sflag:$0x8] =	stream.linear.gather [hbm4b:s0+s8], $0x800, $0x38;
	[tilespmem:$0x1EA80] =	vst v63  }
0x23c: {  	s31 =	spop (v2sf)  }
0x23d: {  	_ =	swait.ge [sflag:s3], $0x800  }
0x23e: {  	[sflag:s3] =	ssyncset.done $0x0  }
0x23f: {  	[sflag:s3] =	ssyncadd.s32 $0xFFFFF800  }
0x240: {  	v8 =	vld [tilespmem:s8+$0x0];
	_ =	sdelay $0x4  }
0x241: {  	v9 =	vshra.s32 v8, $0x7  }
0x242: {  	v7 =	vsub.s32 v9, v0;
	v9 =	vsub.s32 v1, v9  }
0x243: {  	v9 =	vor.u32 v9, v7  }
0x244: {  	vm14 =	vgt.s32 v9, $0xFFFFFFFF  }
0x245: {  	v10 =	vsel vm14, $0x1, v3  }
0x246: {  	(xrf0) =	vadd.scan.msk.s32 $0xffff, v10;
	_ =	sdelay $0x1  }
0x247: {  	s9 =	sadd.s32 s9, s31  }
0x248: {  	v10 =	vmov s9  }
0x249: {  	v10 =	vadd.s32 $0xFFFFFFFF, v10  }
0x24a: {  	v10 =	vbroadcast v10, $0x0  }
0x24b: {  	v11, _, _ =	vpop (xrf0)  }
0x24c: {  	v10 =	vadd.s32 v11, v10;
	(v2sf) =	vpush v11, $0xF  }
0x24d: {  	v12 =	vsub.s32 v6, v10  }
0x24e: {  	v10 =	vsub.s32 v10, v5;
	v9 =	vor.u32 v9, v12  }
0x24f: {  	v9 =	vor.u32 v10, v9  }
0x250: {  	vm15 =	vlt.s32 v9, $0x0  }
0x251: {  	s11 =	simm.s32 $0x3820;
	s10 =	simm.s32 $0x3800;
	s1 =	simm.s32 $0x3810;
	v9 =	vshll.u32 v8, $0xE;
	v8 =	vsel vm15, $0x248, v10  }
.LBB2_17:
0x252: {  	p0 =	sne.s32 s11, $0x3FF0;
	v7 =	vshll.u32 v7, $0x15;
	v9 =	vand.u32 $0x1FC000, v9  }
0x253: {  	v7 =	vor.u32 v9, v7  }
0x254: {  	v7 =	vadd.s32 s10, v7;
	s10 =	smov.u32 s1;
	s1 =	smov.u32 s11  }
0x255: {  	v7 =	vadd.s32 v4, v7  }
0x256: {  	s8 =	sadd.s32 $0x10, s8;
	[tilespmem:v8+s6+$0x0] =	vst.idx.msk $0xffff, v7  }
0x257: {  	v8 =	vld [tilespmem:s8+$0x0];
	_ =	sdelay $0x3  }
0x258: {  	s12 =	spop (v2sf)  }
0x259: {  	v9 =	vshra.s32 v8, $0x7;
	s9 =	sadd.s32 s9, s12  }
0x25a: {  	v7 =	vsub.s32 v9, v0;
	v9 =	vsub.s32 v1, v9  }
0x25b: {  	v9 =	vor.u32 v9, v7  }
0x25c: {  	vm0 =	vgt.s32 v9, $0xFFFFFFFF  }
0x25d: {  	v10 =	vsel vm0, $0x1, v3  }
0x25e: {  	(xrf0) =	vadd.scan.msk.s32 $0xffff, v10;
	_ =	sdelay $0x2  }
0x25f: {  	v10 =	vmov s9  }
0x260: {  	v10 =	vadd.s32 $0xFFFFFFFF, v10  }
0x261: {  	v10 =	vbroadcast v10, $0x0  }
0x262: {  	v11, _, _ =	vpop (xrf0)  }
0x263: {  	v10 =	vadd.s32 v11, v10;
	(v2sf) =	vpush v11, $0xF  }
.Ltmp7:
0x264: {  	v11 =	vsub.s32 v6, v10;
	(pc) =	sbr.rel @p0 .LBB2_17-.Ltmp7, $4  }
0x265: {  	v10 =	vsub.s32 v10, v5;
	v9 =	vor.u32 v9, v11  }
0x266: {  	v9 =	vor.u32 v10, v9  }
0x267: {  	vm0 =	vlt.s32 v9, $0x0  }
0x268: {  	s11 =	sadd.s32 $0x10, s11;
	v9 =	vshll.u32 v8, $0xE;
	v8 =	vsel vm0, $0x248, v10  }
0x269: {  	v7 =	vshll.u32 v7, $0x15;
	v9 =	vand.u32 $0x1FC000, v9  }
0x26a: {  	v7 =	vor.u32 v9, v7  }
0x26b: {  	v7 =	vadd.s32 s10, v7  }
0x26c: {  	v7 =	vadd.s32 v4, v7  }
0x26d: {  	s8 =	sadd.s32 $0x10, s8;
	[tilespmem:v8+s6+$0x0] =	vst.idx.msk $0xffff, v7  }
0x26e: {  	v7 =	vld [tilespmem:s8+$0x0];
	_ =	sdelay $0x4  }
0x26f: {  	v62 =	vshra.s32 v7, $0x7  }
0x270: {  	v63 =	vsub.s32 v62, v0;
	v8 =	vsub.s32 v1, v62  }
0x271: {  	v8 =	vor.u32 v8, v63  }
0x272: {  	vm0 =	vgt.s32 v8, $0xFFFFFFFF  }
0x273: {  	v10 =	vsel vm0, $0x1, v3  }
0x274: {  	(xrf0) =	vadd.scan.msk.s32 $0xffff, v10;
	_ =	sdelay $0x5  }
0x275: {  	v10, _, _ =	vpop (xrf0)  }
0x276: {  	(v2sf) =	vpush v10, $0xF  }
0x277: {  	s29 =	spop (v2sf)  }
0x278: {  	s8 =	sadd.s32 s9, s29  }
0x279: {  	v11 =	vmov s8  }
0x27a: {  	v11 =	vadd.s32 $0xFFFFFFFF, v11  }
0x27b: {  	v11 =	vbroadcast v11, $0x0;
	_ =	sdelay $0x1  }
0x27c: {  	v10 =	vadd.s32 v10, v11  }
0x27d: {  	v6 =	vsub.s32 v6, v10  }
0x27e: {  	v5 =	vsub.s32 v10, v5;
	v6 =	vor.u32 v8, v6  }
0x27f: {  	v6 =	vor.u32 v5, v6  }
0x280: {  	vm15 =	vlt.s32 v6, $0x0  }
0x281: {  	v6 =	vshll.u32 v7, $0xE;
	v5 =	vsel vm15, $0x248, v5  }
0x282: {  	v7 =	vshll.u32 v63, $0x15;
	v6 =	vand.u32 $0x1FC000, v6  }
0x283: {  	v6 =	vor.u32 v6, v7  }
0x284: {  	v6 =	vadd.s32 s1, v6;
	s31 =	spop (v2sf)  }
0x285: {  	s9 =	simm.s32 $0x0;
	v6 =	vadd.s32 v4, v6;
	s0 =	sadd.s32 s8, s31  }
0x286: {  	s1 =	simm.s32 $0x0;
	[tilespmem:v5+s6+$0x0] =	vst.idx.msk $0xffff, v6;
	s8 =	simm.s32 $0x4;
	[dreg:$0xf] =	wrdreg s0  }
.LBB2_19:
0x287: {  	p0 =	sne.s32 s8, $0x3FC  }
0x288: {  	[smem:s1] =	sst s9;
	s1 =	smov.u32 s8;
	s8 =	sadd.s32 $0x4, s8  }
.Ltmp8:
0x289: {  	(pc) =	sbr.rel @p0 .LBB2_19-.Ltmp8, $2  }
0x28a: {  	_ =	sdelay $0x2  }
0x28b: {  	s1 =	sshra.s32 s1, $0x2  }
0x28c: {  	s8 =	simm.s32 $0x0  }
0x28d: {  	v5 =	vld [tilespmem:s8+$0x800];
	_ =	sdelay $0x4  }
0x28e: {  	v5 =	vshra.s32 v5, $0x15  }
0x28f: {  	(v2sf) =	vpush v5, $0x0;
	_ =	sdelay $0x4  }
0x290: {  	(v2sf) =	vpush v5, $0x1;
	_ =	sdelay $0x4  }
0x291: {  	(v2sf) =	vpush v5, $0x2;
	_ =	sdelay $0x4  }
0x292: {  	(v2sf) =	vpush v5, $0x3;
	s8 =	spop (v2sf)  }
0x293: {  	p0 =	slt.s32 s8, s7  }
0x294: {  	[smem:s1] =	sst s9;
	s8 =	simm.s32 @!p0 $0xFF  }
0x295: {  	s1 =	sld [smem:s8+$0x0];
	_ =	sdelay $0x1  }
0x296: {  	(v2sf) =	vpush v5, $0x4;
	s10 =	spop (v2sf)  }
0x297: {  	p0 =	slt.s32 s10, s7;
	s1 =	sadd.s32 $0x1, s1  }
0x298: {  	s10 =	simm.s32 @!p0 $0xFF;
	[smem:s8] =	sst s1  }
0x299: {  	s1 =	sld [smem:s10+$0x0];
	_ =	sdelay $0x1  }
0x29a: {  	(v2sf) =	vpush v5, $0x5;
	s8 =	spop (v2sf)  }
0x29b: {  	p0 =	slt.s32 s8, s7;
	s1 =	sadd.s32 $0x1, s1  }
0x29c: {  	s8 =	simm.s32 @!p0 $0xFF;
	[smem:s10] =	sst s1  }
0x29d: {  	s1 =	sld [smem:s8+$0x0];
	_ =	sdelay $0x1  }
0x29e: {  	(v2sf) =	vpush v5, $0x6;
	s10 =	spop (v2sf)  }
0x29f: {  	p0 =	slt.s32 s10, s7;
	s1 =	sadd.s32 $0x1, s1  }
0x2a0: {  	s10 =	simm.s32 @!p0 $0xFF;
	[smem:s8] =	sst s1  }
0x2a1: {  	s1 =	sld [smem:s10+$0x0];
	_ =	sdelay $0x1  }
0x2a2: {  	(v2sf) =	vpush v5, $0x7;
	s8 =	spop (v2sf)  }
0x2a3: {  	p0 =	slt.s32 s8, s7;
	s1 =	sadd.s32 $0x1, s1  }
0x2a4: {  	s8 =	simm.s32 @!p0 $0xFF;
	[smem:s10] =	sst s1  }
0x2a5: {  	s1 =	sld [smem:s8+$0x0];
	_ =	sdelay $0x1  }
0x2a6: {  	(v2sf) =	vpush v5, $0x8;
	s10 =	spop (v2sf)  }
0x2a7: {  	p0 =	slt.s32 s10, s7;
	s1 =	sadd.s32 $0x1, s1  }
0x2a8: {  	s10 =	simm.s32 @!p0 $0xFF;
	[smem:s8] =	sst s1  }
0x2a9: {  	s1 =	sld [smem:s10+$0x0];
	_ =	sdelay $0x1  }
0x2aa: {  	(v2sf) =	vpush v5, $0x9;
	s8 =	spop (v2sf)  }
0x2ab: {  	p0 =	slt.s32 s8, s7;
	s1 =	sadd.s32 $0x1, s1  }
0x2ac: {  	s8 =	simm.s32 @!p0 $0xFF;
	[smem:s10] =	sst s1  }
0x2ad: {  	s1 =	sld [smem:s8+$0x0];
	_ =	sdelay $0x1  }
0x2ae: {  	(v2sf) =	vpush v5, $0xA;
	s10 =	spop (v2sf)  }
0x2af: {  	p0 =	slt.s32 s10, s7;
	s1 =	sadd.s32 $0x1, s1  }
0x2b0: {  	s10 =	simm.s32 @!p0 $0xFF;
	[smem:s8] =	sst s1  }
0x2b1: {  	s1 =	sld [smem:s10+$0x0];
	_ =	sdelay $0x1  }
0x2b2: {  	(v2sf) =	vpush v5, $0xB;
	s8 =	spop (v2sf)  }
0x2b3: {  	p0 =	slt.s32 s8, s7;
	s1 =	sadd.s32 $0x1, s1  }
0x2b4: {  	s8 =	simm.s32 @!p0 $0xFF;
	[smem:s10] =	sst s1  }
0x2b5: {  	s1 =	sld [smem:s8+$0x0];
	_ =	sdelay $0x1  }
0x2b6: {  	(v2sf) =	vpush v5, $0xC;
	s10 =	spop (v2sf)  }
0x2b7: {  	p0 =	slt.s32 s10, s7;
	s1 =	sadd.s32 $0x1, s1  }
0x2b8: {  	s10 =	simm.s32 @!p0 $0xFF;
	[smem:s8] =	sst s1  }
0x2b9: {  	s1 =	sld [smem:s10+$0x0];
	_ =	sdelay $0x1  }
0x2ba: {  	(v2sf) =	vpush v5, $0xD;
	s8 =	spop (v2sf)  }
0x2bb: {  	p0 =	slt.s32 s8, s7;
	s1 =	sadd.s32 $0x1, s1  }
0x2bc: {  	s8 =	simm.s32 @!p0 $0xFF;
	[smem:s10] =	sst s1  }
0x2bd: {  	s1 =	sld [smem:s8+$0x0];
	_ =	sdelay $0x1  }
0x2be: {  	(v2sf) =	vpush v5, $0xE;
	s10 =	spop (v2sf)  }
0x2bf: {  	p0 =	slt.s32 s10, s7;
	s1 =	sadd.s32 $0x1, s1  }
0x2c0: {  	s10 =	simm.s32 @!p0 $0xFF;
	[smem:s8] =	sst s1  }
0x2c1: {  	s31 =	simm.s32 $0x10;
	s8 =	sld [smem:s10+$0x0]  }
0x2c2: {  	v6 =	vld [tilespmem:s31+$0x800]  }
0x2c3: {  	(v2sf) =	vpush v5, $0xF;
	s1 =	spop (v2sf)  }
0x2c4: {  	p0 =	slt.s32 s1, s7;
	s8 =	sadd.s32 $0x1, s8  }
0x2c5: {  	s1 =	simm.s32 @!p0 $0xFF;
	[smem:s10] =	sst s8  }
0x2c6: {  	s8 =	sld [smem:s1+$0x0]  }
0x2c7: {  	v5 =	vshra.s32 v6, $0x15  }
0x2c8: {  	(v2sf) =	vpush v5, $0x0;
	s10 =	spop (v2sf)  }
0x2c9: {  	(v2sf) =	vpush v5, $0x1;
	p0 =	slt.s32 s10, s7;
	s8 =	sadd.s32 $0x1, s8  }
0x2ca: {  	s10 =	simm.s32 @!p0 $0xFF;
	[smem:s1] =	sst s8  }
0x2cb: {  	s1 =	sld [smem:s10+$0x0];
	_ =	sdelay $0x1  }
0x2cc: {  	s11 =	spop (v2sf)  }
0x2cd: {  	(v2sf) =	vpush v5, $0x2;
	p0 =	slt.s32 s11, s7;
	s1 =	sadd.s32 $0x1, s1  }
0x2ce: {  	(v2sf) =	vpush v5, $0x3;
	s11 =	simm.s32 @!p0 $0xFF;
	[smem:s10] =	sst s1  }
0x2cf: {  	(v2sf) =	vpush v5, $0x4;
	s1 =	sld [smem:s11+$0x0]  }
0x2d0: {  	(v2sf) =	vpush v5, $0x5  }
0x2d1: {  	s8 =	spop (v2sf);
	(v2sf) =	vpush v5, $0x6  }
0x2d2: {  	p0 =	slt.s32 s8, s7;
	(v2sf) =	vpush v5, $0x7;
	s1 =	sadd.s32 $0x1, s1  }
0x2d3: {  	(v2sf) =	vpush v5, $0x8;
	s8 =	simm.s32 @!p0 $0xFF;
	[smem:s11] =	sst s1  }
0x2d4: {  	(v2sf) =	vpush v5, $0x9;
	s1 =	sld [smem:s8+$0x0]  }
0x2d5: {  	(v2sf) =	vpush v5, $0xA  }
0x2d6: {  	s13 =	simm.s32 $0x80;
	s6 =	simm.s32 $0x2;
	s12 =	spop (v2sf);
	(v2sf) =	vpush v5, $0xB  }
0x2d7: {  	p0 =	slt.s32 s12, s7;
	(v2sf) =	vpush v5, $0xC;
	s11 =	spop (v2sf);
	s10 =	sadd.s32 $0x1, s1  }
.LBB2_21:
0x2d8: {  	s12 =	simm.s32 @!p0 $0xFF;
	[smem:s8] =	sst s10  }
0x2d9: {  	s8 =	sld [smem:s12+$0x0];
	_ =	sdelay $0x2  }
0x2da: {  	p2 =	slt.s32 s11, s7;
	s8 =	sadd.s32 $0x1, s8  }
0x2db: {  	s11 =	simm.s32 @!p2 $0xFF;
	[smem:s12] =	sst s8  }
0x2dc: {  	s8 =	sld [smem:s11+$0x0];
	_ =	sdelay $0x1  }
0x2dd: {  	s31 =	spop (v2sf)  }
0x2de: {  	p5 =	slt.s32 s31, s7;
	s8 =	sadd.s32 $0x1, s8  }
0x2df: {  	p0 =	sne.s32 s13, $0x8C0;
	s31 =	simm.s32 @!p5 $0xFF;
	[smem:s11] =	sst s8  }
0x2e0: {  	s0 =	simm.s32 @!p0 $0x0;
	s8 =	sld [smem:s31+$0x0]  }
0x2e1: {  	s0 =	simm.s32 @p0 $0x1  }
0x2e2: {  	[smem:$0x7FD] =	sst s0;
	s0 =	spop (v2sf)  }
0x2e3: {  	p0 =	slt.s32 s0, s7;
	s8 =	sadd.s32 $0x1, s8  }
0x2e4: {  	s0 =	simm.s32 @!p0 $0xFF;
	[smem:s31] =	sst s8  }
0x2e5: {  	s31 =	sld [smem:s0+$0x0];
	_ =	sdelay $0x1  }
0x2e6: {  	s28 =	spop (v2sf)  }
0x2e7: {  	p1 =	slt.s32 s28, s7;
	s31 =	sadd.s32 $0x1, s31  }
0x2e8: {  	s28 =	simm.s32 @!p1 $0xFF;
	[smem:s0] =	sst s31  }
0x2e9: {  	s0 =	sld [smem:s28+$0x0];
	_ =	sdelay $0x1  }
0x2ea: {  	s29 =	spop (v2sf)  }
0x2eb: {  	p2 =	slt.s32 s29, s7;
	s0 =	sadd.s32 $0x1, s0  }
0x2ec: {  	s29 =	simm.s32 @!p2 $0xFF;
	[smem:s28] =	sst s0  }
0x2ed: {  	s0 =	sld [smem:s29+$0x0];
	_ =	sdelay $0x1  }
0x2ee: {  	s25 =	spop (v2sf)  }
0x2ef: {  	p3 =	slt.s32 s25, s7;
	s0 =	sadd.s32 $0x1, s0  }
0x2f0: {  	s25 =	simm.s32 @!p3 $0xFF;
	[smem:s29] =	sst s0  }
0x2f1: {  	s0 =	sld [smem:s25+$0x0];
	_ =	sdelay $0x1  }
0x2f2: {  	s21 =	spop (v2sf)  }
0x2f3: {  	(v2sf) =	vpush v5, $0xD;
	p4 =	slt.s32 s21, s7;
	s0 =	sadd.s32 $0x1, s0  }
0x2f4: {  	s21 =	simm.s32 @!p4 $0xFF;
	[smem:s25] =	sst s0  }
0x2f5: {  	s0 =	sld [smem:s21+$0x0]  }
0x2f6: {  	s20 =	spop (v2sf)  }
0x2f7: {  	(v2sf) =	vpush v5, $0xE;
	p5 =	slt.s32 s20, s7;
	s19 =	spop (v2sf)  }
0x2f8: {  	p6 =	slt.s32 s19, s7;
	s17 =	spop (v2sf);
	s0 =	sadd.s32 $0x1, s0  }
0x2f9: {  	s20 =	simm.s32 @!p5 $0xFF;
	s3 =	simm.s32 @!p6 $0x0;
	[smem:s21] =	sst s0  }
0x2fa: {  	s3 =	simm.s32 @p6 $0x1;
	p6 =	slt.s32 s17, s7;
	s0 =	sld [smem:s20+$0x0]  }
0x2fb: {  	s10 =	smov.u32 s13;
	[smem:$0x7F7] =	sst s3;
	s3 =	simm.s32 @!p6 $0x0  }
0x2fc: {  	s1 =	sadd.s32 $0x40, s13;
	s14 =	spop (v2sf);
	s3 =	simm.s32 @p6 $0x1  }
0x2fd: {  	p6 =	slt.s32 s14, s7;
	[smem:$0x7F8] =	sst s3;
	s0 =	sadd.s32 $0x1, s0  }
0x2fe: {  	s13 =	spop (v2sf);
	s3 =	simm.s32 @!p6 $0x0;
	[smem:s20] =	sst s0  }
0x2ff: {  	p0 =	slt.s32 s13, s7;
	s3 =	simm.s32 @p6 $0x1;
	s20 =	sld [smem:$0x7F7]  }
0x300: {  	[smem:$0x7F9] =	sst s3;
	s3 =	simm.s32 @!p0 $0x0  }
0x301: {  	s3 =	simm.s32 @p0 $0x1  }
0x302: {  	s12 =	spop (v2sf);
	[smem:$0x7FA] =	sst s3;
	p1 =	seq.s32 s20, $0x1  }
0x303: {  	p0 =	slt.s32 s12, s7;
	s25 =	sld [smem:$0x7F8];
	s19 =	simm.s32 @!p1 $0xFF  }
0x304: {  	s3 =	simm.s32 @!p0 $0x0;
	s21 =	sld [smem:s19+$0x0]  }
0x305: {  	s3 =	simm.s32 @p0 $0x1  }
0x306: {  	(v2sf) =	vpush v5, $0xF;
	s11 =	spop (v2sf);
	[smem:$0x7FB] =	sst s3  }
0x307: {  	s29 =	sld [smem:$0x7F9];
	p1 =	seq.s32 s25, $0x1;
	s0 =	sadd.s32 $0x1, s21  }
0x308: {  	p0 =	slt.s32 s11, s7;
	s17 =	simm.s32 @!p1 $0xFF;
	[smem:s19] =	sst s0  }
0x309: {  	s3 =	simm.s32 @!p0 $0x0;
	s28 =	sld [smem:s17+$0x0]  }
0x30a: {  	s3 =	simm.s32 @p0 $0x1  }
0x30b: {  	[smem:$0x7FC] =	sst s3  }
0x30c: {  	p1 =	seq.s32 s29, $0x1;
	s19 =	sld [smem:$0x7FA];
	s0 =	sadd.s32 $0x1, s28  }
0x30d: {  	s14 =	simm.s32 @!p1 $0xFF;
	[smem:s17] =	sst s0  }
0x30e: {  	s31 =	sshra.s32 s10, $0x2;
	s3 =	sld [smem:s14+$0x0]  }
0x30f: {  	v5 =	vld [tilespmem:s31+$0x800];
	_ =	sdelay $0x1  }
0x310: {  	s21 =	sld [smem:$0x7FB];
	p1 =	seq.s32 s19, $0x1;
	s17 =	sadd.s32 $0x1, s3  }
0x311: {  	s13 =	simm.s32 @!p1 $0xFF;
	[smem:s14] =	sst s17  }
0x312: {  	s20 =	sld [smem:s13+$0x0]  }
0x313: {  	v5 =	vshra.s32 v5, $0x15  }
0x314: {  	s8 =	spop (v2sf);
	(v2sf) =	vpush v5, $0x0  }
0x315: {  	(v2sf) =	vpush v5, $0x1;
	p1 =	seq.s32 s21, $0x1;
	s28 =	sld [smem:$0x7FC];
	s0 =	sadd.s32 $0x1, s20  }
0x316: {  	s12 =	simm.s32 @!p1 $0xFF;
	[smem:s13] =	sst s0  }
0x317: {  	s25 =	sld [smem:s12+$0x0];
	_ =	sdelay $0x2  }
0x318: {  	s31 =	sld [smem:$0x7FD];
	(v2sf) =	vpush v5, $0x2;
	p1 =	seq.s32 s28, $0x1;
	s0 =	sadd.s32 $0x1, s25  }
0x319: {  	(v2sf) =	vpush v5, $0x3;
	s11 =	simm.s32 @!p1 $0xFF;
	[smem:s12] =	sst s0  }
0x31a: {  	(v2sf) =	vpush v5, $0x4;
	s29 =	sld [smem:s11+$0x0]  }
0x31b: {  	(v2sf) =	vpush v5, $0x5  }
0x31c: {  	(v2sf) =	vpush v5, $0x6  }
0x31d: {  	p0 =	slt.s32 s8, s7;
	(v2sf) =	vpush v5, $0x7;
	p1 =	seq.s32 s31, $0x1;
	s0 =	sadd.s32 $0x1, s29  }
.Ltmp9:
0x31e: {  	s8 =	simm.s32 @!p0 $0xFF;
	(v2sf) =	vpush v5, $0x8;
	[smem:s11] =	sst s0;
	(pc) =	sbr.rel @p1 .LBB2_21-.Ltmp9, $4  }
0x31f: {  	(v2sf) =	vpush v5, $0x9;
	s0 =	sld [smem:s8+$0x0]  }
0x320: {  	(v2sf) =	vpush v5, $0xA  }
0x321: {  	s13 =	smov.u32 s1;
	s12 =	spop (v2sf);
	(v2sf) =	vpush v5, $0xB  }
0x322: {  	p0 =	slt.s32 s12, s7;
	s11 =	spop (v2sf);
	(v2sf) =	vpush v5, $0xC;
	s10 =	sadd.s32 $0x1, s0  }
0x323: {  	s12 =	simm.s32 @!p0 $0xFF;
	[smem:s8] =	sst s10  }
0x324: {  	s0 =	sld [smem:s12+$0x0];
	_ =	sdelay $0x2  }
0x325: {  	p0 =	slt.s32 s11, s7;
	s0 =	sadd.s32 $0x1, s0  }
0x326: {  	s11 =	simm.s32 @!p0 $0xFF;
	[smem:s12] =	sst s0  }
0x327: {  	s0 =	sld [smem:s11+$0x0];
	_ =	sdelay $0x1  }
0x328: {  	s1 =	spop (v2sf)  }
0x329: {  	p0 =	slt.s32 s1, s7;
	s0 =	sadd.s32 $0x1, s0  }
0x32a: {  	s1 =	simm.s32 @!p0 $0xFF;
	[smem:s11] =	sst s0  }
0x32b: {  	s0 =	sld [smem:s1+$0x0];
	_ =	sdelay $0x1  }
0x32c: {  	s8 =	spop (v2sf)  }
0x32d: {  	p0 =	slt.s32 s8, s7;
	s0 =	sadd.s32 $0x1, s0  }
0x32e: {  	s8 =	simm.s32 @!p0 $0xFF;
	[smem:s1] =	sst s0  }
0x32f: {  	s0 =	sld [smem:s8+$0x0];
	_ =	sdelay $0x1  }
0x330: {  	s1 =	spop (v2sf)  }
0x331: {  	p0 =	slt.s32 s1, s7;
	s0 =	sadd.s32 $0x1, s0  }
0x332: {  	s1 =	simm.s32 @!p0 $0xFF;
	[smem:s8] =	sst s0  }
0x333: {  	s0 =	sld [smem:s1+$0x0];
	_ =	sdelay $0x1  }
0x334: {  	s8 =	spop (v2sf)  }
0x335: {  	p0 =	slt.s32 s8, s7;
	s0 =	sadd.s32 $0x1, s0  }
0x336: {  	s8 =	simm.s32 @!p0 $0xFF;
	[smem:s1] =	sst s0  }
0x337: {  	s0 =	sld [smem:s8+$0x0];
	_ =	sdelay $0x1  }
0x338: {  	s1 =	spop (v2sf)  }
0x339: {  	p0 =	slt.s32 s1, s7;
	s0 =	sadd.s32 $0x1, s0  }
0x33a: {  	s1 =	simm.s32 @!p0 $0xFF;
	[smem:s8] =	sst s0  }
0x33b: {  	s0 =	sld [smem:s1+$0x0];
	_ =	sdelay $0x1  }
0x33c: {  	s8 =	spop (v2sf)  }
0x33d: {  	p0 =	slt.s32 s8, s7;
	s0 =	sadd.s32 $0x1, s0  }
0x33e: {  	s8 =	simm.s32 @!p0 $0xFF;
	[smem:s1] =	sst s0  }
0x33f: {  	s0 =	sld [smem:s8+$0x0];
	_ =	sdelay $0x1  }
0x340: {  	s1 =	spop (v2sf)  }
0x341: {  	p0 =	slt.s32 s1, s7;
	s0 =	sadd.s32 $0x1, s0  }
0x342: {  	s1 =	simm.s32 @!p0 $0xFF;
	[smem:s8] =	sst s0  }
0x343: {  	s0 =	sld [smem:s1+$0x0];
	_ =	sdelay $0x1  }
0x344: {  	s8 =	spop (v2sf)  }
0x345: {  	p0 =	slt.s32 s8, s7;
	s0 =	sadd.s32 $0x1, s0  }
0x346: {  	s8 =	simm.s32 @!p0 $0xFF;
	[smem:s1] =	sst s0  }
0x347: {  	s0 =	sld [smem:s8+$0x0];
	_ =	sdelay $0x1  }
0x348: {  	(v2sf) =	vpush v5, $0xD;
	s1 =	spop (v2sf)  }
0x349: {  	p0 =	slt.s32 s1, s7;
	s0 =	sadd.s32 $0x1, s0  }
0x34a: {  	s1 =	simm.s32 @!p0 $0xFF;
	[smem:s8] =	sst s0  }
0x34b: {  	s0 =	sld [smem:s1+$0x0];
	_ =	sdelay $0x1  }
0x34c: {  	(v2sf) =	vpush v5, $0xE;
	s8 =	spop (v2sf)  }
0x34d: {  	p0 =	slt.s32 s8, s7;
	s0 =	sadd.s32 $0x1, s0  }
0x34e: {  	s8 =	simm.s32 @!p0 $0xFF;
	[smem:s1] =	sst s0  }
0x34f: {  	s0 =	sld [smem:s8+$0x0];
	_ =	sdelay $0x1  }
0x350: {  	(v2sf) =	vpush v5, $0xF;
	s1 =	spop (v2sf)  }
0x351: {  	p0 =	slt.s32 s1, s7;
	s0 =	sadd.s32 $0x1, s0  }
0x352: {  	s1 =	simm.s32 @!p0 $0xFF;
	[smem:s8] =	sst s0  }
0x353: {  	s0 =	sld [smem:s1+$0x0];
	_ =	sdelay $0x1  }
0x354: {  	s8 =	spop (v2sf)  }
0x355: {  	p0 =	slt.s32 s8, s7;
	s0 =	sadd.s32 $0x1, s0  }
0x356: {  	s8 =	simm.s32 @!p0 $0xFF;
	[smem:s1] =	sst s0  }
0x357: {  	s0 =	sld [smem:s8+$0x0];
	_ =	sdelay $0x1  }
0x358: {  	s1 =	spop (v2sf)  }
0x359: {  	p0 =	slt.s32 s1, s7;
	s0 =	sadd.s32 $0x1, s0  }
0x35a: {  	s1 =	simm.s32 @!p0 $0xFF;
	[smem:s8] =	sst s0  }
0x35b: {  	s0 =	sld [smem:s1+$0x0];
	_ =	sdelay $0x1  }
0x35c: {  	s8 =	spop (v2sf)  }
0x35d: {  	p0 =	slt.s32 s8, s7;
	s0 =	sadd.s32 $0x1, s0  }
0x35e: {  	s8 =	simm.s32 @!p0 $0xFF;
	[smem:s1] =	sst s0  }
0x35f: {  	s0 =	sld [smem:s8+$0x0];
	_ =	sdelay $0x2  }
0x360: {  	s0 =	sadd.s32 $0x1, s0  }
0x361: {  	[smem:s8] =	sst s0  }
0x362: {  	s0 =	sld [smem:$0x0];
	_ =	sdelay $0x1  }
0x363: {  	s10 =	simm.s32 $0x1  }
0x364: {  	s12 =	simm.s32 $0x1;
	p0 =	sgt.s32 s7, $0x0;
	p1 =	sgt.s32 s0, $0x0  }
0x365: {  	s11 =	smov.u32 s9;
	s0 =	simm.s32 @!p0 $0x0;
	p1 =	por !p0, !p1  }
0x366: {  	s1 =	simm.s32 $0x1;
	s8 =	sadd.s32 $0x0, s0;
	p0 =	por !p1, !p1  }
0x367: {  	[smem:$0x380] =	sst @p0 s9;
	s1 =	simm.s32 @!p0 $0x0;
	p0 =	sle.s32 s7, $0x0  }
.LBB2_23:
0x368: {  	s9 =	sadd.s32 s1, s9;
	[smem:s11] =	sst @!p0 s8  }
0x369: {  	s0 =	smov.u32 s10;
	s10 =	sadd.s32 $0x1, s10;
	s11 =	smov.u32 s12  }
0x36a: {  	s1 =	sld [smem:s12+$0x0];
	p1 =	sne.s32 s10, $0xF6;
	_ =	sdelay $0x1  }
.Ltmp10:
0x36b: {  	p0 =	slt.s32 s0, s7;
	(pc) =	sbr.rel @p1 .LBB2_23-.Ltmp10, $4  }
0x36c: {  	p2 =	sgt.s32 s1, $0x0;
	s1 =	simm.s32 @!p0 $0x0  }
0x36d: {  	s12 =	sadd.s32 $0x1, s12;
	p0 =	por !p0, !p2;
	s8 =	sadd.s32 s8, s1  }
0x36e: {  	s1 =	simm.s32 $0x1;
	p2 =	por !p0, !p0;
	p0 =	sge.s32 s0, s7  }
0x36f: {  	[smem:s9+$0x380] =	sst @p2 s0;
	s1 =	simm.s32 @!p2 $0x0  }
0x370: {  	s0 =	simm.s32 $0x230  }
0x371: {  	v5 =	vld [tilespmem:s0+$0x800];
	_ =	sdelay $0x4  }
0x372: {  	(v2sf) =	vpush v5, $0xF;
	_ =	sdelay $0x5  }
0x373: {  	(v2sf) =	vpush v5, $0xE;
	_ =	sdelay $0x5  }
0x374: {  	(v2sf) =	vpush v5, $0xD;
	_ =	sdelay $0x2  }
0x375: {  	s0 =	spop (v2sf)  }
0x376: {  	[smem:s11] =	sst @!p0 s8;
	s10 =	sshra.s32 s0, $0x15  }
0x377: {  	[smem:$0xF6] =	sst s8;
	p0 =	sge.s32 s10, s7  }
0x378: {  	(v2sf) =	vpush v5, $0xC;
	s11 =	sld @!p0 [smem:s10+$0x0];
	_ =	sdelay $0x2  }
0x379: {  	s13 =	spop (v2sf);
	s12 =	sadd.s32 @!p0 $0xFFFFFFFF, s11  }
0x37a: {  	[smem:s10] =	sst @!p0 s12;
	s10 =	sshra.s32 s13, $0x15  }
0x37b: {  	[smem:s11+$0xFF] =	sst @!p0 s0;
	p0 =	sge.s32 s10, s7  }
0x37c: {  	(v2sf) =	vpush v5, $0xB;
	s0 =	sld @!p0 [smem:s10+$0x0];
	_ =	sdelay $0x2  }
0x37d: {  	s12 =	spop (v2sf);
	s11 =	sadd.s32 @!p0 $0xFFFFFFFF, s0  }
0x37e: {  	[smem:s10] =	sst @!p0 s11;
	s10 =	sshra.s32 s12, $0x15  }
0x37f: {  	[smem:s0+$0xFF] =	sst @!p0 s13;
	p0 =	sge.s32 s10, s7  }
0x380: {  	(v2sf) =	vpush v5, $0xA;
	s0 =	sld @!p0 [smem:s10+$0x0];
	_ =	sdelay $0x2  }
0x381: {  	s13 =	spop (v2sf);
	s11 =	sadd.s32 @!p0 $0xFFFFFFFF, s0  }
0x382: {  	[smem:s10] =	sst @!p0 s11;
	s10 =	sshra.s32 s13, $0x15  }
0x383: {  	[smem:s0+$0xFF] =	sst @!p0 s12;
	p0 =	sge.s32 s10, s7  }
0x384: {  	(v2sf) =	vpush v5, $0x9;
	s0 =	sld @!p0 [smem:s10+$0x0];
	_ =	sdelay $0x2  }
0x385: {  	s12 =	spop (v2sf);
	s11 =	sadd.s32 @!p0 $0xFFFFFFFF, s0  }
0x386: {  	[smem:s10] =	sst @!p0 s11;
	s10 =	sshra.s32 s12, $0x15  }
0x387: {  	[smem:s0+$0xFF] =	sst @!p0 s13;
	p0 =	sge.s32 s10, s7  }
0x388: {  	(v2sf) =	vpush v5, $0x8;
	s0 =	sld @!p0 [smem:s10+$0x0];
	_ =	sdelay $0x2  }
0x389: {  	s13 =	spop (v2sf);
	s11 =	sadd.s32 @!p0 $0xFFFFFFFF, s0  }
0x38a: {  	[smem:s10] =	sst @!p0 s11;
	s10 =	sshra.s32 s13, $0x15  }
0x38b: {  	[smem:s0+$0xFF] =	sst @!p0 s12;
	p0 =	sge.s32 s10, s7  }
0x38c: {  	(v2sf) =	vpush v5, $0x7;
	s0 =	sld @!p0 [smem:s10+$0x0];
	_ =	sdelay $0x2  }
0x38d: {  	s12 =	spop (v2sf);
	s11 =	sadd.s32 @!p0 $0xFFFFFFFF, s0  }
0x38e: {  	[smem:s10] =	sst @!p0 s11;
	s10 =	sshra.s32 s12, $0x15  }
0x38f: {  	[smem:s0+$0xFF] =	sst @!p0 s13;
	p0 =	sge.s32 s10, s7  }
0x390: {  	(v2sf) =	vpush v5, $0x6;
	s0 =	sld @!p0 [smem:s10+$0x0];
	_ =	sdelay $0x2  }
0x391: {  	s13 =	spop (v2sf);
	s11 =	sadd.s32 @!p0 $0xFFFFFFFF, s0  }
0x392: {  	[smem:s10] =	sst @!p0 s11;
	s10 =	sshra.s32 s13, $0x15  }
0x393: {  	[smem:s0+$0xFF] =	sst @!p0 s12;
	p0 =	sge.s32 s10, s7  }
0x394: {  	(v2sf) =	vpush v5, $0x5;
	s0 =	sld @!p0 [smem:s10+$0x0];
	_ =	sdelay $0x2  }
0x395: {  	s12 =	spop (v2sf);
	s11 =	sadd.s32 @!p0 $0xFFFFFFFF, s0  }
0x396: {  	[smem:s10] =	sst @!p0 s11;
	s10 =	sshra.s32 s12, $0x15  }
0x397: {  	[smem:s0+$0xFF] =	sst @!p0 s13;
	p0 =	sge.s32 s10, s7  }
0x398: {  	(v2sf) =	vpush v5, $0x4;
	s0 =	sld @!p0 [smem:s10+$0x0];
	_ =	sdelay $0x2  }
0x399: {  	s13 =	spop (v2sf);
	s11 =	sadd.s32 @!p0 $0xFFFFFFFF, s0  }
0x39a: {  	[smem:s10] =	sst @!p0 s11;
	s10 =	sshra.s32 s13, $0x15  }
0x39b: {  	[smem:s0+$0xFF] =	sst @!p0 s12;
	p0 =	sge.s32 s10, s7  }
0x39c: {  	(v2sf) =	vpush v5, $0x3;
	s0 =	sld @!p0 [smem:s10+$0x0];
	_ =	sdelay $0x2  }
0x39d: {  	s12 =	spop (v2sf);
	s11 =	sadd.s32 @!p0 $0xFFFFFFFF, s0  }
0x39e: {  	[smem:s10] =	sst @!p0 s11;
	s10 =	sshra.s32 s12, $0x15  }
0x39f: {  	[smem:s0+$0xFF] =	sst @!p0 s13;
	p0 =	sge.s32 s10, s7  }
0x3a0: {  	(v2sf) =	vpush v5, $0x2;
	s0 =	sld @!p0 [smem:s10+$0x0];
	_ =	sdelay $0x2  }
0x3a1: {  	s13 =	spop (v2sf);
	s11 =	sadd.s32 @!p0 $0xFFFFFFFF, s0  }
0x3a2: {  	[smem:s10] =	sst @!p0 s11;
	s10 =	sshra.s32 s13, $0x15  }
0x3a3: {  	[smem:s0+$0xFF] =	sst @!p0 s12;
	p0 =	sge.s32 s10, s7  }
0x3a4: {  	(v2sf) =	vpush v5, $0x1;
	s0 =	sld @!p0 [smem:s10+$0x0];
	_ =	sdelay $0x2  }
0x3a5: {  	s12 =	spop (v2sf);
	s11 =	sadd.s32 @!p0 $0xFFFFFFFF, s0  }
0x3a6: {  	[smem:s10] =	sst @!p0 s11;
	s10 =	sshra.s32 s12, $0x15  }
0x3a7: {  	[smem:s0+$0xFF] =	sst @!p0 s13;
	p0 =	sge.s32 s10, s7  }
0x3a8: {  	s31 =	simm.s32 $0x220;
	(v2sf) =	vpush v5, $0x0;
	s11 =	sld @!p0 [smem:s10+$0x0]  }
0x3a9: {  	v5 =	vld [tilespmem:s31+$0x800];
	_ =	sdelay $0x1  }
0x3aa: {  	s13 =	spop (v2sf);
	s0 =	sadd.s32 @!p0 $0xFFFFFFFF, s11  }
0x3ab: {  	[smem:s10] =	sst @!p0 s0;
	s0 =	sshra.s32 s13, $0x15  }
0x3ac: {  	[smem:s11+$0xFF] =	sst @!p0 s12;
	p0 =	sge.s32 s0, s7  }
0x3ad: {  	(v2sf) =	vpush v5, $0xF;
	s10 =	sld @!p0 [smem:s0+$0x0];
	_ =	sdelay $0x2  }
0x3ae: {  	s12 =	spop (v2sf);
	s11 =	sadd.s32 @!p0 $0xFFFFFFFF, s10  }
0x3af: {  	[smem:s0] =	sst @!p0 s11;
	s0 =	sshra.s32 s12, $0x15  }
0x3b0: {  	[smem:s10+$0xFF] =	sst @!p0 s13;
	p0 =	sge.s32 s0, s7  }
0x3b1: {  	s11 =	sld @!p0 [smem:s0+$0x0]  }
0x3b2: {  	(v2sf) =	vpush v5, $0xE;
	_ =	sdelay $0x1  }
0x3b3: {  	s10 =	spop (v2sf);
	s13 =	sadd.s32 @!p0 $0xFFFFFFFF, s11  }
0x3b4: {  	[smem:s0] =	sst @!p0 s13;
	s0 =	sshra.s32 s10, $0x15  }
0x3b5: {  	[smem:s11+$0xFF] =	sst @!p0 s12;
	p1 =	sge.s32 s0, s7  }
0x3b6: {  	s13 =	sld @!p1 [smem:s0+$0x0]  }
0x3b7: {  	s9 =	sadd.s32 s1, s9;
	s1 =	simm.s32 $0x840;
	(v2sf) =	vpush v5, $0xD  }
0x3b8: {  	s19 =	simm.s32 $0x2A80;
	s20 =	simm.s32 $0x3;
	s21 =	simm.s32 $0x4  }
0x3b9: {  	s25 =	simm.s32 $0x5;
	s11 =	spop (v2sf);
	s14 =	sadd.s32 @!p1 $0xFFFFFFFF, s13  }
0x3ba: {  	s28 =	simm.s32 $0x6;
	s12 =	sshra.s32 s11, $0x15;
	[smem:s0] =	sst @!p1 s14  }
.LBB2_25:
0x3bb: {  	p2 =	sge.s32 s12, s7  }
0x3bc: {  	[smem:s13+$0xFF] =	sst @!p1 s10;
	s10 =	smov.u32 s1;
	s1 =	sadd.s32 $0xFFFFFFC0, s1  }
0x3bd: {  	p0 =	sne.s32 s1, $0xFFFFFFC0;
	s0 =	sld @!p2 [smem:s12+$0x0];
	(v2sf) =	vpush v5, $0xC;
	_ =	sdelay $0x2  }
0x3be: {  	s13 =	sadd.s32 @!p2 $0xFFFFFFFF, s0;
	s14 =	spop (v2sf)  }
0x3bf: {  	[smem:s12] =	sst @!p2 s13;
	s12 =	sshra.s32 s14, $0x15  }
0x3c0: {  	[smem:s0+$0xFF] =	sst @!p2 s11;
	p1 =	sge.s32 s12, s7  }
0x3c1: {  	s0 =	sld @!p1 [smem:s12+$0x0];
	(v2sf) =	vpush v5, $0xB;
	_ =	sdelay $0x2  }
0x3c2: {  	s11 =	sadd.s32 @!p1 $0xFFFFFFFF, s0;
	s13 =	spop (v2sf)  }
0x3c3: {  	[smem:s12] =	sst @!p1 s11;
	s11 =	sshra.s32 s13, $0x15  }
0x3c4: {  	[smem:s0+$0xFF] =	sst @!p1 s14;
	p1 =	sge.s32 s11, s7  }
0x3c5: {  	s0 =	sld @!p1 [smem:s11+$0x0];
	(v2sf) =	vpush v5, $0xA;
	_ =	sdelay $0x2  }
0x3c6: {  	s12 =	sadd.s32 @!p1 $0xFFFFFFFF, s0;
	s14 =	spop (v2sf)  }
0x3c7: {  	[smem:s11] =	sst @!p1 s12;
	s11 =	sshra.s32 s14, $0x15  }
0x3c8: {  	[smem:s0+$0xFF] =	sst @!p1 s13;
	p1 =	sge.s32 s11, s7  }
0x3c9: {  	s0 =	sld @!p1 [smem:s11+$0x0];
	(v2sf) =	vpush v5, $0x9;
	_ =	sdelay $0x2  }
0x3ca: {  	s12 =	sadd.s32 @!p1 $0xFFFFFFFF, s0;
	s13 =	spop (v2sf)  }
0x3cb: {  	[smem:s11] =	sst @!p1 s12;
	s11 =	sshra.s32 s13, $0x15  }
0x3cc: {  	[smem:s0+$0xFF] =	sst @!p1 s14;
	p1 =	sge.s32 s11, s7  }
0x3cd: {  	s0 =	sld @!p1 [smem:s11+$0x0];
	(v2sf) =	vpush v5, $0x8;
	_ =	sdelay $0x2  }
0x3ce: {  	s12 =	sadd.s32 @!p1 $0xFFFFFFFF, s0;
	s14 =	spop (v2sf)  }
0x3cf: {  	[smem:s11] =	sst @!p1 s12;
	s11 =	sshra.s32 s14, $0x15  }
0x3d0: {  	[smem:s0+$0xFF] =	sst @!p1 s13;
	p1 =	sge.s32 s11, s7  }
0x3d1: {  	s0 =	sld @!p1 [smem:s11+$0x0];
	(v2sf) =	vpush v5, $0x7;
	_ =	sdelay $0x2  }
0x3d2: {  	s12 =	sadd.s32 @!p1 $0xFFFFFFFF, s0;
	s13 =	spop (v2sf)  }
0x3d3: {  	[smem:s11] =	sst @!p1 s12;
	s11 =	sshra.s32 s13, $0x15  }
0x3d4: {  	[smem:s0+$0xFF] =	sst @!p1 s14;
	p1 =	sge.s32 s11, s7  }
0x3d5: {  	s0 =	sld @!p1 [smem:s11+$0x0];
	(v2sf) =	vpush v5, $0x6;
	_ =	sdelay $0x2  }
0x3d6: {  	s12 =	sadd.s32 @!p1 $0xFFFFFFFF, s0;
	s14 =	spop (v2sf)  }
0x3d7: {  	[smem:s11] =	sst @!p1 s12;
	s11 =	sshra.s32 s14, $0x15  }
0x3d8: {  	[smem:s0+$0xFF] =	sst @!p1 s13;
	p1 =	sge.s32 s11, s7  }
0x3d9: {  	s0 =	sld @!p1 [smem:s11+$0x0];
	(v2sf) =	vpush v5, $0x5;
	_ =	sdelay $0x2  }
0x3da: {  	s12 =	sadd.s32 @!p1 $0xFFFFFFFF, s0;
	s13 =	spop (v2sf)  }
0x3db: {  	[smem:s11] =	sst @!p1 s12;
	s11 =	sshra.s32 s13, $0x15  }
0x3dc: {  	[smem:s0+$0xFF] =	sst @!p1 s14;
	p1 =	sge.s32 s11, s7  }
0x3dd: {  	s0 =	sld @!p1 [smem:s11+$0x0];
	(v2sf) =	vpush v5, $0x4;
	_ =	sdelay $0x2  }
0x3de: {  	s12 =	sadd.s32 @!p1 $0xFFFFFFFF, s0;
	s14 =	spop (v2sf)  }
0x3df: {  	[smem:s11] =	sst @!p1 s12;
	s11 =	sshra.s32 s14, $0x15  }
0x3e0: {  	[smem:s0+$0xFF] =	sst @!p1 s13;
	p1 =	sge.s32 s11, s7  }
0x3e1: {  	s0 =	sld @!p1 [smem:s11+$0x0];
	(v2sf) =	vpush v5, $0x3;
	_ =	sdelay $0x2  }
0x3e2: {  	s12 =	sadd.s32 @!p1 $0xFFFFFFFF, s0;
	s13 =	spop (v2sf)  }
0x3e3: {  	[smem:s11] =	sst @!p1 s12;
	s11 =	sshra.s32 s13, $0x15  }
0x3e4: {  	[smem:s0+$0xFF] =	sst @!p1 s14;
	p1 =	sge.s32 s11, s7  }
0x3e5: {  	s0 =	sld @!p1 [smem:s11+$0x0];
	(v2sf) =	vpush v5, $0x2;
	_ =	sdelay $0x2  }
0x3e6: {  	s12 =	sadd.s32 @!p1 $0xFFFFFFFF, s0;
	s14 =	spop (v2sf)  }
0x3e7: {  	[smem:s11] =	sst @!p1 s12;
	s11 =	sshra.s32 s14, $0x15  }
0x3e8: {  	[smem:s0+$0xFF] =	sst @!p1 s13;
	p1 =	sge.s32 s11, s7  }
0x3e9: {  	s0 =	sld @!p1 [smem:s11+$0x0];
	(v2sf) =	vpush v5, $0x1;
	_ =	sdelay $0x2  }
0x3ea: {  	s12 =	sadd.s32 @!p1 $0xFFFFFFFF, s0;
	s13 =	spop (v2sf)  }
0x3eb: {  	[smem:s11] =	sst @!p1 s12;
	s11 =	sshra.s32 s13, $0x15  }
0x3ec: {  	[smem:s0+$0xFF] =	sst @!p1 s14;
	p1 =	sge.s32 s11, s7  }
0x3ed: {  	s0 =	sshra.s32 s10, $0x2;
	s10 =	sld @!p1 [smem:s11+$0x0];
	(v2sf) =	vpush v5, $0x0  }
0x3ee: {  	v5 =	vld [tilespmem:s0+$0x800];
	_ =	sdelay $0x1  }
0x3ef: {  	s0 =	sadd.s32 @!p1 $0xFFFFFFFF, s10;
	s12 =	spop (v2sf)  }
0x3f0: {  	[smem:s11] =	sst @!p1 s0;
	s0 =	sshra.s32 s12, $0x15  }
0x3f1: {  	[smem:s10+$0xFF] =	sst @!p1 s13;
	p1 =	sge.s32 s0, s7  }
0x3f2: {  	(v2sf) =	vpush v5, $0xF;
	s10 =	sld @!p1 [smem:s0+$0x0];
	_ =	sdelay $0x2  }
0x3f3: {  	s11 =	sadd.s32 @!p1 $0xFFFFFFFF, s10;
	s13 =	spop (v2sf)  }
0x3f4: {  	[smem:s0] =	sst @!p1 s11;
	s0 =	sshra.s32 s13, $0x15  }
0x3f5: {  	[smem:s10+$0xFF] =	sst @!p1 s12;
	p1 =	sge.s32 s0, s7  }
0x3f6: {  	(v2sf) =	vpush v5, $0xE;
	s11 =	sld @!p1 [smem:s0+$0x0];
	_ =	sdelay $0x2  }
0x3f7: {  	s12 =	sadd.s32 @!p1 $0xFFFFFFFF, s11;
	s10 =	spop (v2sf)  }
0x3f8: {  	[smem:s0] =	sst @!p1 s12;
	s0 =	sshra.s32 s10, $0x15  }
0x3f9: {  	[smem:s11+$0xFF] =	sst @!p1 s13;
	p1 =	sge.s32 s0, s7  }
.Ltmp11:
0x3fa: {  	(v2sf) =	vpush v5, $0xD;
	s13 =	sld @!p1 [smem:s0+$0x0];
	(pc) =	sbr.rel @p0 .LBB2_25-.Ltmp11, $3  }
0x3fb: {  	_ =	sdelay $0x1  }
0x3fc: {  	s11 =	spop (v2sf);
	s14 =	sadd.s32 @!p1 $0xFFFFFFFF, s13  }
0x3fd: {  	s12 =	sshra.s32 s11, $0x15;
	[smem:s0] =	sst @!p1 s14  }
0x3fe: {  	p0 =	sge.s32 s12, s7;
	[smem:s13+$0xFF] =	sst @!p1 s10  }
0x3ff: {  	(v2sf) =	vpush v5, $0xC;
	s0 =	sld @!p0 [smem:s12+$0x0];
	_ =	sdelay $0x2  }
0x400: {  	s1 =	sadd.s32 @!p0 $0xFFFFFFFF, s0;
	s10 =	spop (v2sf)  }
0x401: {  	[smem:s12] =	sst @!p0 s1;
	s1 =	sshra.s32 s10, $0x15  }
0x402: {  	[smem:s0+$0xFF] =	sst @!p0 s11;
	p0 =	sge.s32 s1, s7  }
0x403: {  	(v2sf) =	vpush v5, $0xB;
	s0 =	sld @!p0 [smem:s1+$0x0];
	_ =	sdelay $0x2  }
0x404: {  	s11 =	sadd.s32 @!p0 $0xFFFFFFFF, s0;
	s12 =	spop (v2sf)  }
0x405: {  	[smem:s1] =	sst @!p0 s11;
	s1 =	sshra.s32 s12, $0x15  }
0x406: {  	[smem:s0+$0xFF] =	sst @!p0 s10;
	p0 =	sge.s32 s1, s7  }
0x407: {  	(v2sf) =	vpush v5, $0xA;
	s0 =	sld @!p0 [smem:s1+$0x0];
	_ =	sdelay $0x2  }
0x408: {  	s11 =	spop (v2sf);
	s10 =	sadd.s32 @!p0 $0xFFFFFFFF, s0  }
0x409: {  	[smem:s1] =	sst @!p0 s10;
	s1 =	sshra.s32 s11, $0x15  }
0x40a: {  	[smem:s0+$0xFF] =	sst @!p0 s12;
	p0 =	sge.s32 s1, s7  }
0x40b: {  	(v2sf) =	vpush v5, $0x9;
	s0 =	sld @!p0 [smem:s1+$0x0];
	_ =	sdelay $0x2  }
0x40c: {  	s12 =	spop (v2sf);
	s10 =	sadd.s32 @!p0 $0xFFFFFFFF, s0  }
0x40d: {  	[smem:s1] =	sst @!p0 s10;
	s1 =	sshra.s32 s12, $0x15  }
0x40e: {  	[smem:s0+$0xFF] =	sst @!p0 s11;
	p0 =	sge.s32 s1, s7  }
0x40f: {  	(v2sf) =	vpush v5, $0x8;
	s0 =	sld @!p0 [smem:s1+$0x0];
	_ =	sdelay $0x2  }
0x410: {  	s11 =	spop (v2sf);
	s10 =	sadd.s32 @!p0 $0xFFFFFFFF, s0  }
0x411: {  	[smem:s1] =	sst @!p0 s10;
	s1 =	sshra.s32 s11, $0x15  }
0x412: {  	[smem:s0+$0xFF] =	sst @!p0 s12;
	p0 =	sge.s32 s1, s7  }
0x413: {  	(v2sf) =	vpush v5, $0x7;
	s0 =	sld @!p0 [smem:s1+$0x0];
	_ =	sdelay $0x2  }
0x414: {  	s12 =	spop (v2sf);
	s10 =	sadd.s32 @!p0 $0xFFFFFFFF, s0  }
0x415: {  	[smem:s1] =	sst @!p0 s10;
	s1 =	sshra.s32 s12, $0x15  }
0x416: {  	[smem:s0+$0xFF] =	sst @!p0 s11;
	p0 =	sge.s32 s1, s7  }
0x417: {  	(v2sf) =	vpush v5, $0x6;
	s0 =	sld @!p0 [smem:s1+$0x0];
	_ =	sdelay $0x2  }
0x418: {  	s11 =	spop (v2sf);
	s10 =	sadd.s32 @!p0 $0xFFFFFFFF, s0  }
0x419: {  	[smem:s1] =	sst @!p0 s10;
	s1 =	sshra.s32 s11, $0x15  }
0x41a: {  	[smem:s0+$0xFF] =	sst @!p0 s12;
	p0 =	sge.s32 s1, s7  }
0x41b: {  	(v2sf) =	vpush v5, $0x5;
	s0 =	sld @!p0 [smem:s1+$0x0];
	_ =	sdelay $0x2  }
0x41c: {  	s12 =	spop (v2sf);
	s10 =	sadd.s32 @!p0 $0xFFFFFFFF, s0  }
0x41d: {  	[smem:s1] =	sst @!p0 s10;
	s1 =	sshra.s32 s12, $0x15  }
0x41e: {  	[smem:s0+$0xFF] =	sst @!p0 s11;
	p0 =	sge.s32 s1, s7  }
0x41f: {  	(v2sf) =	vpush v5, $0x4;
	s0 =	sld @!p0 [smem:s1+$0x0];
	_ =	sdelay $0x2  }
0x420: {  	s11 =	spop (v2sf);
	s10 =	sadd.s32 @!p0 $0xFFFFFFFF, s0  }
0x421: {  	[smem:s1] =	sst @!p0 s10;
	s1 =	sshra.s32 s11, $0x15  }
0x422: {  	[smem:s0+$0xFF] =	sst @!p0 s12;
	p0 =	sge.s32 s1, s7  }
0x423: {  	(v2sf) =	vpush v5, $0x3;
	s0 =	sld @!p0 [smem:s1+$0x0];
	_ =	sdelay $0x2  }
0x424: {  	s12 =	spop (v2sf);
	s10 =	sadd.s32 @!p0 $0xFFFFFFFF, s0  }
0x425: {  	[smem:s1] =	sst @!p0 s10;
	s1 =	sshra.s32 s12, $0x15  }
0x426: {  	[smem:s0+$0xFF] =	sst @!p0 s11;
	p0 =	sge.s32 s1, s7  }
0x427: {  	(v2sf) =	vpush v5, $0x2;
	s0 =	sld @!p0 [smem:s1+$0x0];
	_ =	sdelay $0x2  }
0x428: {  	s11 =	spop (v2sf);
	s10 =	sadd.s32 @!p0 $0xFFFFFFFF, s0  }
0x429: {  	[smem:s1] =	sst @!p0 s10;
	s1 =	sshra.s32 s11, $0x15  }
0x42a: {  	[smem:s0+$0xFF] =	sst @!p0 s12;
	p0 =	sge.s32 s1, s7  }
0x42b: {  	(v2sf) =	vpush v5, $0x1;
	s0 =	sld @!p0 [smem:s1+$0x0];
	_ =	sdelay $0x2  }
0x42c: {  	s12 =	spop (v2sf);
	s10 =	sadd.s32 @!p0 $0xFFFFFFFF, s0  }
0x42d: {  	[smem:s1] =	sst @!p0 s10;
	s1 =	sshra.s32 s12, $0x15  }
0x42e: {  	[smem:s0+$0xFF] =	sst @!p0 s11;
	p0 =	sge.s32 s1, s7  }
0x42f: {  	(v2sf) =	vpush v5, $0x0;
	s0 =	sld @!p0 [smem:s1+$0x0];
	_ =	sdelay $0x2  }
0x430: {  	s11 =	spop (v2sf);
	s10 =	sadd.s32 @!p0 $0xFFFFFFFF, s0  }
0x431: {  	[smem:s1] =	sst @!p0 s10;
	s1 =	sshra.s32 s11, $0x15  }
0x432: {  	[smem:s0+$0xFF] =	sst @!p0 s12;
	p0 =	sge.s32 s1, s7  }
0x433: {  	s0 =	sld @!p0 [smem:s1+$0x0];
	_ =	sdelay $0x2  }
0x434: {  	s12 =	spop (v2sf);
	s10 =	sadd.s32 @!p0 $0xFFFFFFFF, s0  }
0x435: {  	[smem:s1] =	sst @!p0 s10;
	s1 =	sshra.s32 s12, $0x15  }
0x436: {  	[smem:s0+$0xFF] =	sst @!p0 s11;
	p0 =	sge.s32 s1, s7  }
0x437: {  	s0 =	sld @!p0 [smem:s1+$0x0];
	_ =	sdelay $0x2  }
0x438: {  	s11 =	spop (v2sf);
	s10 =	sadd.s32 @!p0 $0xFFFFFFFF, s0  }
0x439: {  	[smem:s1] =	sst @!p0 s10;
	s1 =	sshra.s32 s11, $0x15  }
0x43a: {  	[smem:s0+$0xFF] =	sst @!p0 s12;
	p0 =	sge.s32 s1, s7  }
0x43b: {  	s0 =	sld @!p0 [smem:s1+$0x0];
	_ =	sdelay $0x2  }
0x43c: {  	s10 =	sadd.s32 @!p0 $0xFFFFFFFF, s0  }
0x43d: {  	[smem:s1] =	sst @!p0 s10  }
0x43e: {  	p1 =	slt.s32 s9, $0x1;
	[smem:s0+$0xFF] =	sst @!p0 s11  }
0x43f: {  	s0 =	sld @!p1 [smem:$0x380];
	_ =	sdelay $0x2  }
0x440: {  	p0 =	seq.s32 @!p1 s9, $0x1;
	s0 =	sadd.s32 @!p1 s5, s0  }
0x441: {  	p0 =	por p1, p0;
	s0 =	sshll.u32 @!p1 s0, $0x7  }
0x442: {  	s12 =	simm.s32 @!p1 $0xA80;
	s1 =	sld @!p0 [smem:$0x381];
	s0 =	sand.u32 @!p1 $0x1FFFFF80, s0  }
0x443: {  	s10 =	simm.s32 @!p1 $0x400;
	s11 =	simm.s32 @!p1 $0x7A1400;
	s0 =	sadd.s32 @!p1 s4, s0  }
0x444: {  	[tilespmem:s12], [sflag:$0x1] =	stream.strided.gather @!p1 [hbm4b:s0+s10], $0x2000, s11, s10, $0x38;
	[tilespmem:$0x1EA80] =	vst v63  }
0x445: {  	s0 =	sadd.s32 @!p0 s5, s1  }
0x446: {  	s1 =	simm.s32 @!p0 $0x400;
	s0 =	sshll.u32 @!p0 s0, $0x7  }
0x447: {  	s10 =	simm.s32 @!p0 $0x7A1400;
	s0 =	sand.u32 @!p0 $0x1FFFFF80, s0  }
0x448: {  	s11 =	simm.s32 @!p0 $0x2A80;
	p1 =	slt.u32 @!p0 s9, $0x3;
	s0 =	sadd.s32 @!p0 s4, s0  }
0x449: {  	[tilespmem:s11], [sflag:$0x2] =	stream.strided.gather @!p0 [hbm4b:s0+s1], $0x2000, s10, s1, $0x38;
	[tilespmem:$0x1EA80] =	vst v63  }
0x44a: {  	p0 =	por p0, p1  }
.Ltmp12:
0x44b: {  	_ = 	snop;
	(pc) =	sbr.rel @p0 .LBB2_28-.Ltmp12, $1  }
0x44c: {  	_ =	sdelay $0x3  }
0x44d: {  	s0 =	sld [smem:$0x382];
	_ =	sdelay $0x2  }
0x44e: {  	s0 =	sadd.s32 s5, s0  }
0x44f: {  	p0 =	seq.s32 s9, $0x3;
	s0 =	sshll.u32 s0, $0x7  }
0x450: {  	s1 =	sld @!p0 [smem:$0x383];
	s0 =	sand.u32 $0x1FFFFF80, s0  }
0x451: {  	s3 =	simm.s32 $0x400;
	s6 =	simm.s32 $0x7A1400;
	s0 =	sadd.s32 s4, s0  }
0x452: {  	[tilespmem:s26], [sflag:$0x3] =	stream.strided.gather [hbm4b:s0+s3], $0x2000, s6, s3, $0x38;
	[tilespmem:$0x1EA80] =	vst v63  }
0x453: {  	p2 =	slt.u32 @!p0 s9, $0x5;
	s0 =	sadd.s32 @!p0 s5, s1  }
0x454: {  	s11 =	simm.s32 @!p0 $0x7A1400;
	p1 =	por p2, p0;
	s0 =	sshll.u32 @!p0 s0, $0x7  }
0x455: {  	s10 =	simm.s32 @!p0 $0x400;
	s1 =	sld @!p1 [smem:$0x384];
	s0 =	sand.u32 @!p0 $0x1FFFFF80, s0  }
0x456: {  	s12 =	simm.s32 @!p0 $0x6A80;
	p3 =	seq.s32 @!p1 s9, $0x5;
	s0 =	sadd.s32 @!p0 s4, s0  }
0x457: {  	[tilespmem:s12], [sflag:$0x4] =	stream.strided.gather @!p0 [hbm4b:s0+s10], $0x2000, s11, s10, $0x38;
	[tilespmem:$0x1EA80] =	vst v63  }
0x458: {  	p2 =	por @!p0 p3, p2;
	s0 =	sadd.s32 @!p1 s5, s1  }
0x459: {  	p0 =	por p2, p0;
	s0 =	sshll.u32 @!p1 s0, $0x7  }
0x45a: {  	s10 =	simm.s32 @!p1 $0x400;
	s1 =	sld @!p0 [smem:$0x385];
	s0 =	sand.u32 @!p1 $0x1FFFFF80, s0  }
0x45b: {  	s11 =	simm.s32 @!p1 $0x7A1400;
	s12 =	simm.s32 @!p1 $0x8A80;
	s0 =	sadd.s32 @!p1 s4, s0  }
0x45c: {  	[tilespmem:s12], [sflag:$0x5] =	stream.strided.gather @!p1 [hbm4b:s0+s10], $0x2000, s11, s10, $0x38;
	[tilespmem:$0x1EA80] =	vst v63  }
0x45d: {  	s0 =	sadd.s32 @!p0 s5, s1  }
0x45e: {  	s0 =	sshll.u32 @!p0 s0, $0x7  }
0x45f: {  	s6 =	simm.s32 $0x2;
	s1 =	simm.s32 @!p0 $0x400;
	s0 =	sand.u32 @!p0 $0x1FFFFF80, s0  }
0x460: {  	s10 =	simm.s32 @!p0 $0x7A1400;
	s11 =	simm.s32 @!p0 $0xAA80;
	s0 =	sadd.s32 @!p0 s4, s0  }
0x461: {  	[tilespmem:s11], [sflag:$0x6] =	stream.strided.gather @!p0 [hbm4b:s0+s1], $0x2000, s10, s1, $0x38;
	[tilespmem:$0x1EA80] =	vst v63  }
.LBB2_28:
.Ltmp13:
0x462: {  	(pc) =	sbr.rel .LBB2_29-.Ltmp13, $2  }
0x463: {  	_ =	sdelay $0x2  }
0x464: {  	s10 =	simm.s32 $0x0;
	s3 =	simm.s32 $0xA80  }
.LBB2_63:
0x465: {  	_ =	sdelay $0x3  }
0x466: {  	[tilespmem:v13+s24+$0x0] =	vst.idx.msk $0xffff, v11;
	v5 =	vor.u32 $0x30, v4  }
0x467: {  	v6 =	vld.idx.msk [tilespmem:v12+s16+$0x0], $0xffff;
	v5 =	vor.u32 s12, v5;
	_ =	sdelay $0x4  }
0x468: {  	[tilespmem:v5+s24+$0x0] =	vst.idx.msk $0xffff, v6  }
.LBB2_64:
0x469: {  	s0 =	sadd.s32 $0xB, s11  }
0x46a: {  	p0 =	sge.u32 s0, s9  }
0x46b: {  	s0 =	sld @!p0 [smem:s0+$0x380];
	_ =	sdelay $0x2  }
0x46c: {  	s0 =	sadd.s32 @!p0 s5, s0  }
0x46d: {  	s0 =	sshll.u32 @!p0 s0, $0x7  }
0x46e: {  	s1 =	simm.s32 @!p0 $0x400;
	s0 =	sand.u32 @!p0 $0x1FFFFF80, s0  }
0x46f: {  	s11 =	simm.s32 @!p0 $0x7A1400;
	s12 =	simm.s32 @!p0 $0xAA80;
	s0 =	sadd.s32 @!p0 s4, s0  }
0x470: {  	[tilespmem:s12], [sflag:$0x6] =	stream.strided.gather @!p0 [hbm4b:s0+s1], $0x2000, s11, s1, $0x38;
	[tilespmem:$0x1EA80] =	vst v63  }
.LBB2_65:
0x471: {  	s10 =	sadd.s32 $0x1, s10  }
0x472: {  	p0 =	sne.s32 s10, $0x29  }
.Ltmp14:
0x473: {  	_ = 	snop;
	(pc) =	sbr.rel @!p0 .LBB2_66-.Ltmp14, $1  }
0x474: {  	_ =	sdelay $0x3  }
.LBB2_29:
0x475: {  	s11 =	smul.u32 $0x6, s10;
	_ =	sdelay $0x1  }
0x476: {  	p0 =	sge.s32 s11, s9  }
.Ltmp15:
0x477: {  	_ = 	snop;
	(pc) =	sbr.rel @p0 .LBB2_35-.Ltmp15, $1  }
0x478: {  	_ =	sdelay $0x3  }
0x479: {  	_ =	swait.ge [sflag:s23], $0x2000  }
0x47a: {  	[sflag:s23] =	ssyncset.done $0x0  }
0x47b: {  	[sflag:s23] =	ssyncadd.s32 $0xFFFFE000  }
0x47c: {  	s0 =	sld [smem:s11+$0x380];
	_ =	sdelay $0x2  }
0x47d: {  	s1 =	sadd.s32 $0x1, s0  }
0x47e: {  	p0 =	slt.s32 s1, s7  }
0x47f: {  	s1 =	simm.s32 @!p0 $0xF6  }
0x480: {  	s12 =	sld [smem:s1+$0x0]  }
0x481: {  	s13 =	sld [smem:s0+$0x0]  }
0x482: {  	s1 =	smov.u32 s8  }
0x483: {  	s1 =	smov.u32 @p0 s12  }
0x484: {  	p0 =	sge.s32 s13, s1  }
.Ltmp16:
0x485: {  	_ = 	snop;
	(pc) =	sbr.rel @p0 .LBB2_34-.Ltmp16, $1  }
0x486: {  	_ =	sdelay $0x3  }
0x487: {  	s0 =	sshll.u32 s13, $0x2  }
0x488: {  	s0 =	sshra.s32 s0, $0x2  }
0x489: {  	s0 =	sadd.s32 $0x100, s0  }
0x48a: {  	s12 =	sld [smem:s0+$0x0];
	_ =	sdelay $0x2  }
0x48b: {  	v5 =	vmul.u32 $0x80, v4;
	s12 =	sshrl.u32 s12, $0xE  }
0x48c: {  	s14 =	sand.u32 $0x7F, s12  }
0x48d: {  	v6 =	vor.u32 s14, v5;
	_ =	sdelay $0x3  }
0x48e: {  	s12 =	sshll.u32 s13, $0x7  }
0x48f: {  	v8 =	vor.u32 s12, v4;
	v7 =	vld.idx.msk [tilespmem:v6+s3+$0x0], $0xffff;
	v6 =	vor.u32 $0x800, v5  }
0x490: {  	v9 =	vor.u32 s14, v6;
	_ =	sdelay $0x3  }
0x491: {  	[tilespmem:v8+s24+$0x0] =	vst.idx.msk $0xffff, v7;
	v7 =	vor.u32 $0x10, v4  }
0x492: {  	v8 =	vor.u32 $0x1000, v5;
	v9 =	vld.idx.msk [tilespmem:v9+s3+$0x0], $0xffff;
	v10 =	vor.u32 s12, v7  }
0x493: {  	v11 =	vor.u32 s14, v8  }
0x494: {  	s13 =	sadd.s32 $0x1, s13  }
0x495: {  	p0 =	sne.s32 s1, s13  }
.Ltmp17:
0x496: {  	_ = 	snop;
	(pc) =	sbr.rel @!p0 .LBB2_33-.Ltmp17, $4  }
0x497: {  	[tilespmem:v10+s24+$0x0] =	vst.idx.msk $0xffff, v9;
	v9 =	vor.u32 $0x20, v4  }
0x498: {  	v10 =	vor.u32 $0x1800, v5;
	v11 =	vld.idx.msk [tilespmem:v11+s3+$0x0], $0xffff;
	v13 =	vor.u32 s12, v9  }
0x499: {  	v12 =	vor.u32 s14, v10  }
0x49a: {  	s14 =	sadd.s32 $0x1, s0  }
.LBB2_32:
0x49b: {  	s0 =	sld [smem:s14+$0x0];
	s17 =	smov.u32 s13;
	s13 =	sadd.s32 $0x1, s13  }
0x49c: {  	p0 =	sne.s32 s1, s13  }
0x49d: {  	[tilespmem:v13+s24+$0x0] =	vst.idx.msk $0xffff, v11  }
0x49e: {  	s0 =	sshrl.u32 s0, $0xE;
	v11 =	vld.idx.msk [tilespmem:v12+s3+$0x0], $0xffff;
	v12 =	vor.u32 $0x30, v4  }
0x49f: {  	s0 =	sand.u32 $0x7F, s0;
	v12 =	vor.u32 s12, v12  }
0x4a0: {  	v13 =	vor.u32 s0, v5;
	_ =	sdelay $0x3  }
0x4a1: {  	[tilespmem:v12+s24+$0x0] =	vst.idx.msk $0xffff, v11  }
0x4a2: {  	s12 =	sshll.u32 s17, $0x7;
	v11 =	vld.idx.msk [tilespmem:v13+s3+$0x0], $0xffff  }
0x4a3: {  	v12 =	vor.u32 s12, v4  }
0x4a4: {  	v13 =	vor.u32 s0, v6;
	_ =	sdelay $0x3  }
0x4a5: {  	[tilespmem:v12+s24+$0x0] =	vst.idx.msk $0xffff, v11  }
0x4a6: {  	v11 =	vld.idx.msk [tilespmem:v13+s3+$0x0], $0xffff  }
0x4a7: {  	v12 =	vor.u32 s12, v7  }
0x4a8: {  	v13 =	vor.u32 s0, v8;
	_ =	sdelay $0x3  }
.Ltmp18:
0x4a9: {  	[tilespmem:v12+s24+$0x0] =	vst.idx.msk $0xffff, v11;
	(pc) =	sbr.rel @p0 .LBB2_32-.Ltmp18, $4  }
0x4aa: {  	v11 =	vld.idx.msk [tilespmem:v13+s3+$0x0], $0xffff  }
0x4ab: {  	v13 =	vor.u32 s12, v9  }
0x4ac: {  	v12 =	vor.u32 s0, v10  }
0x4ad: {  	s14 =	sadd.s32 $0x1, s14  }
.LBB2_33:
0x4ae: {  	_ =	sdelay $0x3  }
0x4af: {  	v5 =	vor.u32 $0x30, v4;
	[tilespmem:v13+s24+$0x0] =	vst.idx.msk $0xffff, v11  }
0x4b0: {  	v5 =	vor.u32 s12, v5;
	v6 =	vld.idx.msk [tilespmem:v12+s3+$0x0], $0xffff;
	_ =	sdelay $0x4  }
0x4b1: {  	[tilespmem:v5+s24+$0x0] =	vst.idx.msk $0xffff, v6  }
.LBB2_34:
0x4b2: {  	s0 =	sadd.s32 $0x6, s11  }
0x4b3: {  	p0 =	sge.u32 s0, s9  }
0x4b4: {  	s0 =	sld @!p0 [smem:s0+$0x380];
	_ =	sdelay $0x2  }
0x4b5: {  	s0 =	sadd.s32 @!p0 s5, s0  }
0x4b6: {  	s0 =	sshll.u32 @!p0 s0, $0x7  }
0x4b7: {  	s1 =	simm.s32 @!p0 $0x400;
	s0 =	sand.u32 @!p0 $0x1FFFFF80, s0  }
0x4b8: {  	s12 =	simm.s32 @!p0 $0x7A1400;
	s13 =	simm.s32 @!p0 $0xA80;
	s0 =	sadd.s32 @!p0 s4, s0  }
0x4b9: {  	[tilespmem:s13], [sflag:$0x1] =	stream.strided.gather @!p0 [hbm4b:s0+s1], $0x2000, s12, s1, $0x38;
	[tilespmem:$0x1EA80] =	vst v63  }
.LBB2_35:
0x4ba: {  	s0 =	sor.u32 $0x1, s11  }
0x4bb: {  	p0 =	sge.s32 s0, s9  }
.Ltmp19:
0x4bc: {  	_ = 	snop;
	(pc) =	sbr.rel @p0 .LBB2_41-.Ltmp19, $1  }
0x4bd: {  	_ =	sdelay $0x3  }
0x4be: {  	_ =	swait.ge [sflag:s6], $0x2000  }
0x4bf: {  	[sflag:s6] =	ssyncset.done $0x0  }
0x4c0: {  	[sflag:s6] =	ssyncadd.s32 $0xFFFFE000  }
0x4c1: {  	s0 =	sld [smem:s11+$0x381];
	_ =	sdelay $0x2  }
0x4c2: {  	s1 =	sadd.s32 $0x1, s0  }
0x4c3: {  	p0 =	slt.s32 s1, s7  }
0x4c4: {  	s1 =	simm.s32 @!p0 $0xF6  }
0x4c5: {  	s12 =	sld [smem:s1+$0x0]  }
0x4c6: {  	s13 =	sld [smem:s0+$0x0]  }
0x4c7: {  	s1 =	smov.u32 s8  }
0x4c8: {  	s1 =	smov.u32 @p0 s12  }
0x4c9: {  	p0 =	sge.s32 s13, s1  }
.Ltmp20:
0x4ca: {  	_ = 	snop;
	(pc) =	sbr.rel @p0 .LBB2_40-.Ltmp20, $1  }
0x4cb: {  	_ =	sdelay $0x3  }
0x4cc: {  	s0 =	sshll.u32 s13, $0x2  }
0x4cd: {  	s0 =	sshra.s32 s0, $0x2  }
0x4ce: {  	s0 =	sadd.s32 $0x100, s0  }
0x4cf: {  	s12 =	sld [smem:s0+$0x0];
	_ =	sdelay $0x2  }
0x4d0: {  	v5 =	vmul.u32 $0x80, v4;
	s12 =	sshrl.u32 s12, $0xE  }
0x4d1: {  	s14 =	sand.u32 $0x7F, s12  }
0x4d2: {  	v6 =	vor.u32 s14, v5;
	_ =	sdelay $0x3  }
0x4d3: {  	s12 =	sshll.u32 s13, $0x7  }
0x4d4: {  	v8 =	vor.u32 s12, v4;
	v7 =	vld.idx.msk [tilespmem:v6+s19+$0x0], $0xffff;
	v6 =	vor.u32 $0x800, v5  }
0x4d5: {  	v9 =	vor.u32 s14, v6;
	_ =	sdelay $0x3  }
0x4d6: {  	[tilespmem:v8+s24+$0x0] =	vst.idx.msk $0xffff, v7;
	v7 =	vor.u32 $0x10, v4  }
0x4d7: {  	v8 =	vor.u32 $0x1000, v5;
	v9 =	vld.idx.msk [tilespmem:v9+s19+$0x0], $0xffff;
	v10 =	vor.u32 s12, v7  }
0x4d8: {  	v11 =	vor.u32 s14, v8  }
0x4d9: {  	s13 =	sadd.s32 $0x1, s13  }
0x4da: {  	p0 =	sne.s32 s1, s13  }
.Ltmp21:
0x4db: {  	_ = 	snop;
	(pc) =	sbr.rel @!p0 .LBB2_39-.Ltmp21, $4  }
0x4dc: {  	[tilespmem:v10+s24+$0x0] =	vst.idx.msk $0xffff, v9;
	v9 =	vor.u32 $0x20, v4  }
0x4dd: {  	v10 =	vor.u32 $0x1800, v5;
	v11 =	vld.idx.msk [tilespmem:v11+s19+$0x0], $0xffff;
	v13 =	vor.u32 s12, v9  }
0x4de: {  	v12 =	vor.u32 s14, v10  }
0x4df: {  	s14 =	sadd.s32 $0x1, s0  }
.LBB2_38:
0x4e0: {  	s0 =	sld [smem:s14+$0x0];
	s17 =	smov.u32 s13;
	s13 =	sadd.s32 $0x1, s13  }
0x4e1: {  	p0 =	sne.s32 s1, s13  }
0x4e2: {  	[tilespmem:v13+s24+$0x0] =	vst.idx.msk $0xffff, v11  }
0x4e3: {  	s0 =	sshrl.u32 s0, $0xE;
	v11 =	vld.idx.msk [tilespmem:v12+s19+$0x0], $0xffff;
	v12 =	vor.u32 $0x30, v4  }
0x4e4: {  	s0 =	sand.u32 $0x7F, s0;
	v12 =	vor.u32 s12, v12  }
0x4e5: {  	v13 =	vor.u32 s0, v5;
	_ =	sdelay $0x3  }
0x4e6: {  	[tilespmem:v12+s24+$0x0] =	vst.idx.msk $0xffff, v11  }
0x4e7: {  	s12 =	sshll.u32 s17, $0x7;
	v11 =	vld.idx.msk [tilespmem:v13+s19+$0x0], $0xffff  }
0x4e8: {  	v12 =	vor.u32 s12, v4  }
0x4e9: {  	v13 =	vor.u32 s0, v6;
	_ =	sdelay $0x3  }
0x4ea: {  	[tilespmem:v12+s24+$0x0] =	vst.idx.msk $0xffff, v11  }
0x4eb: {  	v11 =	vld.idx.msk [tilespmem:v13+s19+$0x0], $0xffff  }
0x4ec: {  	v12 =	vor.u32 s12, v7  }
0x4ed: {  	v13 =	vor.u32 s0, v8;
	_ =	sdelay $0x3  }
.Ltmp22:
0x4ee: {  	[tilespmem:v12+s24+$0x0] =	vst.idx.msk $0xffff, v11;
	(pc) =	sbr.rel @p0 .LBB2_38-.Ltmp22, $4  }
0x4ef: {  	v11 =	vld.idx.msk [tilespmem:v13+s19+$0x0], $0xffff  }
0x4f0: {  	v13 =	vor.u32 s12, v9  }
0x4f1: {  	v12 =	vor.u32 s0, v10  }
0x4f2: {  	s14 =	sadd.s32 $0x1, s14  }
.LBB2_39:
0x4f3: {  	_ =	sdelay $0x3  }
0x4f4: {  	v5 =	vor.u32 $0x30, v4;
	[tilespmem:v13+s24+$0x0] =	vst.idx.msk $0xffff, v11  }
0x4f5: {  	v5 =	vor.u32 s12, v5;
	v6 =	vld.idx.msk [tilespmem:v12+s19+$0x0], $0xffff;
	_ =	sdelay $0x4  }
0x4f6: {  	[tilespmem:v5+s24+$0x0] =	vst.idx.msk $0xffff, v6  }
.LBB2_40:
0x4f7: {  	s0 =	sadd.s32 $0x7, s11  }
0x4f8: {  	p0 =	sge.u32 s0, s9  }
0x4f9: {  	s0 =	sld @!p0 [smem:s0+$0x380];
	_ =	sdelay $0x2  }
0x4fa: {  	s0 =	sadd.s32 @!p0 s5, s0  }
0x4fb: {  	s0 =	sshll.u32 @!p0 s0, $0x7  }
0x4fc: {  	s1 =	simm.s32 @!p0 $0x400;
	s0 =	sand.u32 @!p0 $0x1FFFFF80, s0  }
0x4fd: {  	s12 =	simm.s32 @!p0 $0x7A1400;
	s13 =	simm.s32 @!p0 $0x2A80;
	s0 =	sadd.s32 @!p0 s4, s0  }
0x4fe: {  	[tilespmem:s13], [sflag:$0x2] =	stream.strided.gather @!p0 [hbm4b:s0+s1], $0x2000, s12, s1, $0x38;
	[tilespmem:$0x1EA80] =	vst v63  }
.LBB2_41:
0x4ff: {  	s1 =	sadd.s32 $0x2, s11  }
0x500: {  	p0 =	sge.s32 s1, s9  }
.Ltmp23:
0x501: {  	_ = 	snop;
	(pc) =	sbr.rel @p0 .LBB2_47-.Ltmp23, $1  }
0x502: {  	_ =	sdelay $0x3  }
0x503: {  	_ =	swait.ge [sflag:s20], $0x2000  }
0x504: {  	[sflag:s20] =	ssyncset.done $0x0  }
0x505: {  	[sflag:s20] =	ssyncadd.s32 $0xFFFFE000  }
0x506: {  	s0 =	sld [smem:s1+$0x380];
	_ =	sdelay $0x2  }
0x507: {  	s1 =	sadd.s32 $0x1, s0  }
0x508: {  	p0 =	slt.s32 s1, s7  }
0x509: {  	s1 =	simm.s32 @!p0 $0xF6  }
0x50a: {  	s12 =	sld [smem:s1+$0x0]  }
0x50b: {  	s13 =	sld [smem:s0+$0x0]  }
0x50c: {  	s1 =	smov.u32 s8  }
0x50d: {  	s1 =	smov.u32 @p0 s12  }
0x50e: {  	p0 =	sge.s32 s13, s1  }
.Ltmp24:
0x50f: {  	_ = 	snop;
	(pc) =	sbr.rel @p0 .LBB2_46-.Ltmp24, $1  }
0x510: {  	_ =	sdelay $0x3  }
0x511: {  	s0 =	sshll.u32 s13, $0x2  }
0x512: {  	s0 =	sshra.s32 s0, $0x2  }
0x513: {  	s0 =	sadd.s32 $0x100, s0  }
0x514: {  	s12 =	sld [smem:s0+$0x0];
	_ =	sdelay $0x2  }
0x515: {  	v5 =	vmul.u32 $0x80, v4;
	s12 =	sshrl.u32 s12, $0xE  }
0x516: {  	s14 =	sand.u32 $0x7F, s12  }
0x517: {  	v6 =	vor.u32 s14, v5;
	_ =	sdelay $0x3  }
0x518: {  	s12 =	sshll.u32 s13, $0x7  }
0x519: {  	v8 =	vor.u32 s12, v4;
	v7 =	vld.idx.msk [tilespmem:v6+s26+$0x0], $0xffff;
	v6 =	vor.u32 $0x800, v5  }
0x51a: {  	v9 =	vor.u32 s14, v6;
	_ =	sdelay $0x3  }
0x51b: {  	[tilespmem:v8+s24+$0x0] =	vst.idx.msk $0xffff, v7;
	v7 =	vor.u32 $0x10, v4  }
0x51c: {  	v8 =	vor.u32 $0x1000, v5;
	v9 =	vld.idx.msk [tilespmem:v9+s26+$0x0], $0xffff;
	v10 =	vor.u32 s12, v7  }
0x51d: {  	v11 =	vor.u32 s14, v8  }
0x51e: {  	s13 =	sadd.s32 $0x1, s13  }
0x51f: {  	p0 =	sne.s32 s1, s13  }
.Ltmp25:
0x520: {  	_ = 	snop;
	(pc) =	sbr.rel @!p0 .LBB2_45-.Ltmp25, $4  }
0x521: {  	[tilespmem:v10+s24+$0x0] =	vst.idx.msk $0xffff, v9;
	v9 =	vor.u32 $0x20, v4  }
0x522: {  	v10 =	vor.u32 $0x1800, v5;
	v11 =	vld.idx.msk [tilespmem:v11+s26+$0x0], $0xffff;
	v13 =	vor.u32 s12, v9  }
0x523: {  	v12 =	vor.u32 s14, v10  }
0x524: {  	s14 =	sadd.s32 $0x1, s0  }
.LBB2_44:
0x525: {  	s0 =	sld [smem:s14+$0x0];
	s17 =	smov.u32 s13;
	s13 =	sadd.s32 $0x1, s13  }
0x526: {  	p0 =	sne.s32 s1, s13  }
0x527: {  	[tilespmem:v13+s24+$0x0] =	vst.idx.msk $0xffff, v11  }
0x528: {  	s0 =	sshrl.u32 s0, $0xE;
	v11 =	vld.idx.msk [tilespmem:v12+s26+$0x0], $0xffff;
	v12 =	vor.u32 $0x30, v4  }
0x529: {  	s0 =	sand.u32 $0x7F, s0;
	v12 =	vor.u32 s12, v12  }
0x52a: {  	v13 =	vor.u32 s0, v5;
	_ =	sdelay $0x3  }
0x52b: {  	[tilespmem:v12+s24+$0x0] =	vst.idx.msk $0xffff, v11  }
0x52c: {  	s12 =	sshll.u32 s17, $0x7;
	v11 =	vld.idx.msk [tilespmem:v13+s26+$0x0], $0xffff  }
0x52d: {  	v12 =	vor.u32 s12, v4  }
0x52e: {  	v13 =	vor.u32 s0, v6;
	_ =	sdelay $0x3  }
0x52f: {  	[tilespmem:v12+s24+$0x0] =	vst.idx.msk $0xffff, v11  }
0x530: {  	v11 =	vld.idx.msk [tilespmem:v13+s26+$0x0], $0xffff  }
0x531: {  	v12 =	vor.u32 s12, v7  }
0x532: {  	v13 =	vor.u32 s0, v8;
	_ =	sdelay $0x3  }
.Ltmp26:
0x533: {  	[tilespmem:v12+s24+$0x0] =	vst.idx.msk $0xffff, v11;
	(pc) =	sbr.rel @p0 .LBB2_44-.Ltmp26, $4  }
0x534: {  	v11 =	vld.idx.msk [tilespmem:v13+s26+$0x0], $0xffff  }
0x535: {  	v13 =	vor.u32 s12, v9  }
0x536: {  	v12 =	vor.u32 s0, v10  }
0x537: {  	s14 =	sadd.s32 $0x1, s14  }
.LBB2_45:
0x538: {  	_ =	sdelay $0x3  }
0x539: {  	v5 =	vor.u32 $0x30, v4;
	[tilespmem:v13+s24+$0x0] =	vst.idx.msk $0xffff, v11  }
0x53a: {  	v5 =	vor.u32 s12, v5;
	v6 =	vld.idx.msk [tilespmem:v12+s26+$0x0], $0xffff;
	_ =	sdelay $0x4  }
0x53b: {  	[tilespmem:v5+s24+$0x0] =	vst.idx.msk $0xffff, v6  }
.LBB2_46:
0x53c: {  	s0 =	sadd.s32 $0x8, s11  }
0x53d: {  	p0 =	sge.u32 s0, s9  }
0x53e: {  	s0 =	sld @!p0 [smem:s0+$0x380];
	_ =	sdelay $0x2  }
0x53f: {  	s0 =	sadd.s32 @!p0 s5, s0  }
0x540: {  	s0 =	sshll.u32 @!p0 s0, $0x7  }
0x541: {  	s1 =	simm.s32 @!p0 $0x400;
	s0 =	sand.u32 @!p0 $0x1FFFFF80, s0  }
0x542: {  	s12 =	simm.s32 @!p0 $0x7A1400;
	s13 =	simm.s32 @!p0 $0x4A80;
	s0 =	sadd.s32 @!p0 s4, s0  }
0x543: {  	[tilespmem:s13], [sflag:$0x3] =	stream.strided.gather @!p0 [hbm4b:s0+s1], $0x2000, s12, s1, $0x38;
	[tilespmem:$0x1EA80] =	vst v63  }
.LBB2_47:
0x544: {  	s1 =	sadd.s32 $0x3, s11  }
0x545: {  	p0 =	sge.s32 s1, s9  }
.Ltmp27:
0x546: {  	_ = 	snop;
	(pc) =	sbr.rel @p0 .LBB2_53-.Ltmp27, $1  }
0x547: {  	_ =	sdelay $0x3  }
0x548: {  	_ =	swait.ge [sflag:s21], $0x2000  }
0x549: {  	[sflag:s21] =	ssyncset.done $0x0  }
0x54a: {  	[sflag:s21] =	ssyncadd.s32 $0xFFFFE000  }
0x54b: {  	s0 =	sld [smem:s1+$0x380];
	_ =	sdelay $0x2  }
0x54c: {  	s1 =	sadd.s32 $0x1, s0  }
0x54d: {  	p0 =	slt.s32 s1, s7  }
0x54e: {  	s1 =	simm.s32 @!p0 $0xF6  }
0x54f: {  	s12 =	sld [smem:s1+$0x0]  }
0x550: {  	s13 =	sld [smem:s0+$0x0]  }
0x551: {  	s1 =	smov.u32 s8  }
0x552: {  	s1 =	smov.u32 @p0 s12  }
0x553: {  	p0 =	sge.s32 s13, s1  }
.Ltmp28:
0x554: {  	_ = 	snop;
	(pc) =	sbr.rel @p0 .LBB2_52-.Ltmp28, $1  }
0x555: {  	_ =	sdelay $0x3  }
0x556: {  	s0 =	sshll.u32 s13, $0x2  }
0x557: {  	s0 =	sshra.s32 s0, $0x2  }
0x558: {  	s0 =	sadd.s32 $0x100, s0  }
0x559: {  	s12 =	sld [smem:s0+$0x0];
	_ =	sdelay $0x2  }
0x55a: {  	v5 =	vmul.u32 $0x80, v4;
	s12 =	sshrl.u32 s12, $0xE  }
0x55b: {  	s14 =	sand.u32 $0x7F, s12  }
0x55c: {  	v6 =	vor.u32 s14, v5;
	_ =	sdelay $0x3  }
0x55d: {  	s12 =	sshll.u32 s13, $0x7  }
0x55e: {  	v8 =	vor.u32 s12, v4;
	v7 =	vld.idx.msk [tilespmem:v6+s30+$0x0], $0xffff;
	v6 =	vor.u32 $0x800, v5  }
0x55f: {  	v9 =	vor.u32 s14, v6;
	_ =	sdelay $0x3  }
0x560: {  	[tilespmem:v8+s24+$0x0] =	vst.idx.msk $0xffff, v7;
	v7 =	vor.u32 $0x10, v4  }
0x561: {  	v8 =	vor.u32 $0x1000, v5;
	v9 =	vld.idx.msk [tilespmem:v9+s30+$0x0], $0xffff;
	v10 =	vor.u32 s12, v7  }
0x562: {  	v11 =	vor.u32 s14, v8  }
0x563: {  	s13 =	sadd.s32 $0x1, s13  }
0x564: {  	p0 =	sne.s32 s1, s13  }
.Ltmp29:
0x565: {  	_ = 	snop;
	(pc) =	sbr.rel @!p0 .LBB2_51-.Ltmp29, $4  }
0x566: {  	[tilespmem:v10+s24+$0x0] =	vst.idx.msk $0xffff, v9;
	v9 =	vor.u32 $0x20, v4  }
0x567: {  	v10 =	vor.u32 $0x1800, v5;
	v11 =	vld.idx.msk [tilespmem:v11+s30+$0x0], $0xffff;
	v13 =	vor.u32 s12, v9  }
0x568: {  	v12 =	vor.u32 s14, v10  }
0x569: {  	s14 =	sadd.s32 $0x1, s0  }
.LBB2_50:
0x56a: {  	s0 =	sld [smem:s14+$0x0];
	s17 =	smov.u32 s13;
	s13 =	sadd.s32 $0x1, s13  }
0x56b: {  	p0 =	sne.s32 s1, s13  }
0x56c: {  	[tilespmem:v13+s24+$0x0] =	vst.idx.msk $0xffff, v11  }
0x56d: {  	s0 =	sshrl.u32 s0, $0xE;
	v11 =	vld.idx.msk [tilespmem:v12+s30+$0x0], $0xffff;
	v12 =	vor.u32 $0x30, v4  }
0x56e: {  	s0 =	sand.u32 $0x7F, s0;
	v12 =	vor.u32 s12, v12  }
0x56f: {  	v13 =	vor.u32 s0, v5;
	_ =	sdelay $0x3  }
0x570: {  	[tilespmem:v12+s24+$0x0] =	vst.idx.msk $0xffff, v11  }
0x571: {  	s12 =	sshll.u32 s17, $0x7;
	v11 =	vld.idx.msk [tilespmem:v13+s30+$0x0], $0xffff  }
0x572: {  	v12 =	vor.u32 s12, v4  }
0x573: {  	v13 =	vor.u32 s0, v6;
	_ =	sdelay $0x3  }
0x574: {  	[tilespmem:v12+s24+$0x0] =	vst.idx.msk $0xffff, v11  }
0x575: {  	v11 =	vld.idx.msk [tilespmem:v13+s30+$0x0], $0xffff  }
0x576: {  	v12 =	vor.u32 s12, v7  }
0x577: {  	v13 =	vor.u32 s0, v8;
	_ =	sdelay $0x3  }
.Ltmp30:
0x578: {  	[tilespmem:v12+s24+$0x0] =	vst.idx.msk $0xffff, v11;
	(pc) =	sbr.rel @p0 .LBB2_50-.Ltmp30, $4  }
0x579: {  	v11 =	vld.idx.msk [tilespmem:v13+s30+$0x0], $0xffff  }
0x57a: {  	v13 =	vor.u32 s12, v9  }
0x57b: {  	v12 =	vor.u32 s0, v10  }
0x57c: {  	s14 =	sadd.s32 $0x1, s14  }
.LBB2_51:
0x57d: {  	_ =	sdelay $0x3  }
0x57e: {  	v5 =	vor.u32 $0x30, v4;
	[tilespmem:v13+s24+$0x0] =	vst.idx.msk $0xffff, v11  }
0x57f: {  	v5 =	vor.u32 s12, v5;
	v6 =	vld.idx.msk [tilespmem:v12+s30+$0x0], $0xffff;
	_ =	sdelay $0x4  }
0x580: {  	[tilespmem:v5+s24+$0x0] =	vst.idx.msk $0xffff, v6  }
.LBB2_52:
0x581: {  	s0 =	sadd.s32 $0x9, s11  }
0x582: {  	p0 =	sge.u32 s0, s9  }
0x583: {  	s0 =	sld @!p0 [smem:s0+$0x380];
	_ =	sdelay $0x2  }
0x584: {  	s0 =	sadd.s32 @!p0 s5, s0  }
0x585: {  	s0 =	sshll.u32 @!p0 s0, $0x7  }
0x586: {  	s1 =	simm.s32 @!p0 $0x400;
	s0 =	sand.u32 @!p0 $0x1FFFFF80, s0  }
0x587: {  	s12 =	simm.s32 @!p0 $0x7A1400;
	s13 =	simm.s32 @!p0 $0x6A80;
	s0 =	sadd.s32 @!p0 s4, s0  }
0x588: {  	[tilespmem:s13], [sflag:$0x4] =	stream.strided.gather @!p0 [hbm4b:s0+s1], $0x2000, s12, s1, $0x38;
	[tilespmem:$0x1EA80] =	vst v63  }
.LBB2_53:
0x589: {  	s1 =	sadd.s32 $0x4, s11  }
0x58a: {  	p0 =	sge.s32 s1, s9  }
.Ltmp31:
0x58b: {  	_ = 	snop;
	(pc) =	sbr.rel @p0 .LBB2_59-.Ltmp31, $1  }
0x58c: {  	_ =	sdelay $0x3  }
0x58d: {  	_ =	swait.ge [sflag:s25], $0x2000  }
0x58e: {  	[sflag:s25] =	ssyncset.done $0x0  }
0x58f: {  	[sflag:s25] =	ssyncadd.s32 $0xFFFFE000  }
0x590: {  	s0 =	sld [smem:s1+$0x380];
	_ =	sdelay $0x2  }
0x591: {  	s1 =	sadd.s32 $0x1, s0  }
0x592: {  	p0 =	slt.s32 s1, s7  }
0x593: {  	s1 =	simm.s32 @!p0 $0xF6  }
0x594: {  	s12 =	sld [smem:s1+$0x0]  }
0x595: {  	s13 =	sld [smem:s0+$0x0]  }
0x596: {  	s1 =	smov.u32 s8  }
0x597: {  	s1 =	smov.u32 @p0 s12  }
0x598: {  	p0 =	sge.s32 s13, s1  }
.Ltmp32:
0x599: {  	_ = 	snop;
	(pc) =	sbr.rel @p0 .LBB2_58-.Ltmp32, $1  }
0x59a: {  	_ =	sdelay $0x3  }
0x59b: {  	s0 =	sshll.u32 s13, $0x2  }
0x59c: {  	s0 =	sshra.s32 s0, $0x2  }
0x59d: {  	s0 =	sadd.s32 $0x100, s0  }
0x59e: {  	s12 =	sld [smem:s0+$0x0];
	_ =	sdelay $0x2  }
0x59f: {  	v5 =	vmul.u32 $0x80, v4;
	s12 =	sshrl.u32 s12, $0xE  }
0x5a0: {  	s14 =	sand.u32 $0x7F, s12  }
0x5a1: {  	v6 =	vor.u32 s14, v5;
	_ =	sdelay $0x3  }
0x5a2: {  	s12 =	sshll.u32 s13, $0x7  }
0x5a3: {  	v8 =	vor.u32 s12, v4;
	v7 =	vld.idx.msk [tilespmem:v6+s2+$0x0], $0xffff;
	v6 =	vor.u32 $0x800, v5  }
0x5a4: {  	v9 =	vor.u32 s14, v6;
	_ =	sdelay $0x3  }
0x5a5: {  	[tilespmem:v8+s24+$0x0] =	vst.idx.msk $0xffff, v7;
	v7 =	vor.u32 $0x10, v4  }
0x5a6: {  	v8 =	vor.u32 $0x1000, v5;
	v9 =	vld.idx.msk [tilespmem:v9+s2+$0x0], $0xffff;
	v10 =	vor.u32 s12, v7  }
0x5a7: {  	v11 =	vor.u32 s14, v8  }
0x5a8: {  	s13 =	sadd.s32 $0x1, s13  }
0x5a9: {  	p0 =	sne.s32 s1, s13  }
.Ltmp33:
0x5aa: {  	_ = 	snop;
	(pc) =	sbr.rel @!p0 .LBB2_57-.Ltmp33, $4  }
0x5ab: {  	[tilespmem:v10+s24+$0x0] =	vst.idx.msk $0xffff, v9;
	v9 =	vor.u32 $0x20, v4  }
0x5ac: {  	v10 =	vor.u32 $0x1800, v5;
	v11 =	vld.idx.msk [tilespmem:v11+s2+$0x0], $0xffff;
	v13 =	vor.u32 s12, v9  }
0x5ad: {  	v12 =	vor.u32 s14, v10  }
0x5ae: {  	s14 =	sadd.s32 $0x1, s0  }
.LBB2_56:
0x5af: {  	s0 =	sld [smem:s14+$0x0];
	s17 =	smov.u32 s13;
	s13 =	sadd.s32 $0x1, s13  }
0x5b0: {  	p0 =	sne.s32 s1, s13  }
0x5b1: {  	[tilespmem:v13+s24+$0x0] =	vst.idx.msk $0xffff, v11  }
0x5b2: {  	s0 =	sshrl.u32 s0, $0xE;
	v11 =	vld.idx.msk [tilespmem:v12+s2+$0x0], $0xffff;
	v12 =	vor.u32 $0x30, v4  }
0x5b3: {  	s0 =	sand.u32 $0x7F, s0;
	v12 =	vor.u32 s12, v12  }
0x5b4: {  	v13 =	vor.u32 s0, v5;
	_ =	sdelay $0x3  }
0x5b5: {  	[tilespmem:v12+s24+$0x0] =	vst.idx.msk $0xffff, v11  }
0x5b6: {  	s12 =	sshll.u32 s17, $0x7;
	v11 =	vld.idx.msk [tilespmem:v13+s2+$0x0], $0xffff  }
0x5b7: {  	v12 =	vor.u32 s12, v4  }
0x5b8: {  	v13 =	vor.u32 s0, v6;
	_ =	sdelay $0x3  }
0x5b9: {  	[tilespmem:v12+s24+$0x0] =	vst.idx.msk $0xffff, v11  }
0x5ba: {  	v11 =	vld.idx.msk [tilespmem:v13+s2+$0x0], $0xffff  }
0x5bb: {  	v12 =	vor.u32 s12, v7  }
0x5bc: {  	v13 =	vor.u32 s0, v8;
	_ =	sdelay $0x3  }
.Ltmp34:
0x5bd: {  	[tilespmem:v12+s24+$0x0] =	vst.idx.msk $0xffff, v11;
	(pc) =	sbr.rel @p0 .LBB2_56-.Ltmp34, $4  }
0x5be: {  	v11 =	vld.idx.msk [tilespmem:v13+s2+$0x0], $0xffff  }
0x5bf: {  	v13 =	vor.u32 s12, v9  }
0x5c0: {  	v12 =	vor.u32 s0, v10  }
0x5c1: {  	s14 =	sadd.s32 $0x1, s14  }
.LBB2_57:
0x5c2: {  	_ =	sdelay $0x3  }
0x5c3: {  	v5 =	vor.u32 $0x30, v4;
	[tilespmem:v13+s24+$0x0] =	vst.idx.msk $0xffff, v11  }
0x5c4: {  	v5 =	vor.u32 s12, v5;
	v6 =	vld.idx.msk [tilespmem:v12+s2+$0x0], $0xffff;
	_ =	sdelay $0x4  }
0x5c5: {  	[tilespmem:v5+s24+$0x0] =	vst.idx.msk $0xffff, v6  }
.LBB2_58:
0x5c6: {  	s0 =	sadd.s32 $0xA, s11  }
0x5c7: {  	p0 =	sge.u32 s0, s9  }
0x5c8: {  	s0 =	sld @!p0 [smem:s0+$0x380];
	_ =	sdelay $0x2  }
0x5c9: {  	s0 =	sadd.s32 @!p0 s5, s0  }
0x5ca: {  	s0 =	sshll.u32 @!p0 s0, $0x7  }
0x5cb: {  	s1 =	simm.s32 @!p0 $0x400;
	s0 =	sand.u32 @!p0 $0x1FFFFF80, s0  }
0x5cc: {  	s12 =	simm.s32 @!p0 $0x7A1400;
	s13 =	simm.s32 @!p0 $0x8A80;
	s0 =	sadd.s32 @!p0 s4, s0  }
0x5cd: {  	[tilespmem:s13], [sflag:$0x5] =	stream.strided.gather @!p0 [hbm4b:s0+s1], $0x2000, s12, s1, $0x38;
	[tilespmem:$0x1EA80] =	vst v63  }
.LBB2_59:
0x5ce: {  	s1 =	sadd.s32 $0x5, s11  }
0x5cf: {  	p0 =	sge.s32 s1, s9  }
.Ltmp35:
0x5d0: {  	_ = 	snop;
	(pc) =	sbr.rel @p0 .LBB2_65-.Ltmp35, $1  }
0x5d1: {  	_ =	sdelay $0x3  }
0x5d2: {  	_ =	swait.ge [sflag:s28], $0x2000  }
0x5d3: {  	[sflag:s28] =	ssyncset.done $0x0  }
0x5d4: {  	[sflag:s28] =	ssyncadd.s32 $0xFFFFE000  }
0x5d5: {  	s0 =	sld [smem:s1+$0x380];
	_ =	sdelay $0x2  }
0x5d6: {  	s1 =	sadd.s32 $0x1, s0  }
0x5d7: {  	p0 =	slt.s32 s1, s7  }
0x5d8: {  	s1 =	simm.s32 @!p0 $0xF6  }
0x5d9: {  	s12 =	sld [smem:s1+$0x0]  }
0x5da: {  	s13 =	sld [smem:s0+$0x0]  }
0x5db: {  	s1 =	smov.u32 s8  }
0x5dc: {  	s1 =	smov.u32 @p0 s12  }
0x5dd: {  	p0 =	sge.s32 s13, s1  }
.Ltmp36:
0x5de: {  	_ = 	snop;
	(pc) =	sbr.rel @p0 .LBB2_64-.Ltmp36, $1  }
0x5df: {  	_ =	sdelay $0x3  }
0x5e0: {  	s0 =	sshll.u32 s13, $0x2  }
0x5e1: {  	s0 =	sshra.s32 s0, $0x2  }
0x5e2: {  	s0 =	sadd.s32 $0x100, s0  }
0x5e3: {  	s12 =	sld [smem:s0+$0x0];
	_ =	sdelay $0x2  }
0x5e4: {  	v5 =	vmul.u32 $0x80, v4;
	s12 =	sshrl.u32 s12, $0xE  }
0x5e5: {  	s14 =	sand.u32 $0x7F, s12  }
0x5e6: {  	v6 =	vor.u32 s14, v5;
	_ =	sdelay $0x3  }
0x5e7: {  	s12 =	sshll.u32 s13, $0x7  }
0x5e8: {  	v8 =	vor.u32 s12, v4;
	v7 =	vld.idx.msk [tilespmem:v6+s16+$0x0], $0xffff;
	v6 =	vor.u32 $0x800, v5  }
0x5e9: {  	v9 =	vor.u32 s14, v6;
	_ =	sdelay $0x3  }
0x5ea: {  	[tilespmem:v8+s24+$0x0] =	vst.idx.msk $0xffff, v7;
	v7 =	vor.u32 $0x10, v4  }
0x5eb: {  	v8 =	vor.u32 $0x1000, v5;
	v9 =	vld.idx.msk [tilespmem:v9+s16+$0x0], $0xffff;
	v10 =	vor.u32 s12, v7  }
0x5ec: {  	v11 =	vor.u32 s14, v8  }
0x5ed: {  	s13 =	sadd.s32 $0x1, s13  }
0x5ee: {  	p0 =	sne.s32 s1, s13  }
.Ltmp37:
0x5ef: {  	_ = 	snop;
	(pc) =	sbr.rel @!p0 .LBB2_63-.Ltmp37, $4  }
0x5f0: {  	[tilespmem:v10+s24+$0x0] =	vst.idx.msk $0xffff, v9;
	v9 =	vor.u32 $0x20, v4  }
0x5f1: {  	v10 =	vor.u32 $0x1800, v5;
	v11 =	vld.idx.msk [tilespmem:v11+s16+$0x0], $0xffff;
	v13 =	vor.u32 s12, v9  }
0x5f2: {  	v12 =	vor.u32 s14, v10  }
0x5f3: {  	s14 =	sadd.s32 $0x1, s0  }
.LBB2_62:
0x5f4: {  	s0 =	sld [smem:s14+$0x0];
	s17 =	smov.u32 s13;
	s13 =	sadd.s32 $0x1, s13  }
0x5f5: {  	p0 =	sne.s32 s1, s13  }
0x5f6: {  	[tilespmem:v13+s24+$0x0] =	vst.idx.msk $0xffff, v11  }
0x5f7: {  	s0 =	sshrl.u32 s0, $0xE;
	v11 =	vld.idx.msk [tilespmem:v12+s16+$0x0], $0xffff;
	v12 =	vor.u32 $0x30, v4  }
0x5f8: {  	s0 =	sand.u32 $0x7F, s0;
	v12 =	vor.u32 s12, v12  }
0x5f9: {  	v13 =	vor.u32 s0, v5;
	_ =	sdelay $0x3  }
0x5fa: {  	[tilespmem:v12+s24+$0x0] =	vst.idx.msk $0xffff, v11  }
0x5fb: {  	s12 =	sshll.u32 s17, $0x7;
	v11 =	vld.idx.msk [tilespmem:v13+s16+$0x0], $0xffff  }
0x5fc: {  	v12 =	vor.u32 s12, v4  }
0x5fd: {  	v13 =	vor.u32 s0, v6;
	_ =	sdelay $0x3  }
0x5fe: {  	[tilespmem:v12+s24+$0x0] =	vst.idx.msk $0xffff, v11  }
0x5ff: {  	v11 =	vld.idx.msk [tilespmem:v13+s16+$0x0], $0xffff  }
0x600: {  	v12 =	vor.u32 s12, v7  }
0x601: {  	v13 =	vor.u32 s0, v8;
	_ =	sdelay $0x3  }
.Ltmp38:
0x602: {  	[tilespmem:v12+s24+$0x0] =	vst.idx.msk $0xffff, v11;
	(pc) =	sbr.rel @p0 .LBB2_62-.Ltmp38, $4  }
0x603: {  	v11 =	vld.idx.msk [tilespmem:v13+s16+$0x0], $0xffff  }
0x604: {  	v13 =	vor.u32 s12, v9  }
0x605: {  	v12 =	vor.u32 s0, v10  }
0x606: {  	s14 =	sadd.s32 $0x1, s14  }
.Ltmp39:
0x607: {  	_ = 	snop;
	(pc) =	sbr.rel .LBB2_63-.Ltmp39, $1  }
0x608: {  	_ =	sdelay $0x3  }
.LBB2_66:
0x609: {  	s10 =	simm.s32 $0xF;
	s9 =	simm.s32 $0xCA80  }
0x60a: {  	s12 =	simm.s32 $0x1F;
	s13 =	simm.s32 $0xE;
	s1 =	simm.s32 $0xCE80  }
0x60b: {  	s14 =	simm.s32 $0xCF00;
	s11 =	simm.s32 $0xD000;
	s0 =	simm.s32 $0x0  }
0x60c: {  	s5 =	simm.s32 $0xCC00;
	s20 =	simm.s32 $0xD;
	p4 =	sgt.s32 s8, $0x0  }
0x60d: {  	s4 =	simm.s32 $0xA;
	p0 =	sgt.s32 s8, $0xD;
	s25 =	simm.s32 $0x1  }
0x60e: {  	p3 =	sgt.s32 s8, $0x1;
	s21 =	simm.s32 $0x8;
	s28 =	simm.s32 $0x2  }
0x60f: {  	p1 =	sgt.s32 s8, $0x8;
	s29 =	simm.s32 $0x5;
	s0 =	simm.s32 @!p4 $0x0  }
0x610: {  	p5 =	sgt.s32 s8, $0x5;
	s25 =	simm.s32 @!p3 $0x0;
	s0 =	sld [smem:s0+$0x100]  }
0x611: {  	p2 =	sgt.s32 s8, $0x2;
	s29 =	simm.s32 @!p5 $0x0;
	s25 =	sld [smem:s25+$0x100]  }
0x612: {  	s31 =	simm.s32 $0x4;
	s21 =	simm.s32 @!p1 $0x0;
	s29 =	sld [smem:s29+$0x100]  }
0x613: {  	s3 =	smov.u32 s22;
	s28 =	simm.s32 @!p2 $0x0;
	s21 =	sld [smem:s21+$0x100]  }
0x614: {  	s6 =	smov.u32 s22;
	s20 =	simm.s32 @!p0 $0x0;
	s19 =	sld [smem:s28+$0x100]  }
0x615: {  	s28 =	simm.s32 $0x3;
	s0 =	sand.u32 $0x3FFF, s0;
	s25 =	sand.u32 $0x3FFF, s25  }
0x616: {  	s29 =	sand.u32 $0x3FFF, s29;
	s21 =	sand.u32 $0x3FFF, s21;
	s3 =	smov.u32 @p4 s0  }
0x617: {  	p4 =	sgt.s32 s8, $0x3;
	s6 =	smov.u32 @p3 s25;
	s0 =	sand.u32 $0x3FFF, s19  }
0x618: {  	p3 =	sgt.s32 s8, $0x4;
	s19 =	simm.s32 $0xCB00;
	s3 =	sshll.u32 s3, $0x4  }
0x619: {  	s28 =	simm.s32 @!p4 $0x0;
	s6 =	sshll.u32 s6, $0x4;
	s31 =	simm.s32 @!p3 $0x0  }
0x61a: {  	s17 =	sadd.s32 s18, s3;
	s23 =	sld [smem:s28+$0x100];
	s28 =	smov.u32 s22  }
0x61b: {  	s6 =	sadd.s32 s18, s6;
	s31 =	sld [smem:s31+$0x100];
	s28 =	smov.u32 @p2 s0  }
0x61c: {  	[hbm4b:s17+s15] =	stream.linear.scatter [tilespmem:s9], [sflag:$0x7], $0x80, $0x38;
	[tilespmem:$0x1EA80] =	vst v63  }
0x61d: {  	p2 =	sgt.s32 s8, $0x7;
	s0 =	smov.u32 s22;
	s17 =	smov.u32 s22  }
0x61e: {  	s26 =	sshll.u32 s28, $0x4;
	s28 =	simm.s32 $0x7;
	s25 =	sand.u32 $0x3FFF, s23  }
0x61f: {  	s23 =	simm.s32 $0xCB80;
	s31 =	sand.u32 $0x3FFF, s31;
	s3 =	sadd.s32 s18, s26  }
0x620: {  	[hbm4b:s6+s15] =	stream.linear.scatter [tilespmem:s19], [sflag:$0x7], $0x80, $0x38;
	[tilespmem:$0x1EA80] =	vst v63  }
0x621: {  	s6 =	smov.u32 s22;
	s28 =	simm.s32 @!p2 $0x0;
	s19 =	smov.u32 s22  }
0x622: {  	s0 =	smov.u32 @p4 s25;
	s25 =	simm.s32 $0x6;
	p4 =	sgt.s32 s8, $0x6  }
0x623: {  	s17 =	smov.u32 @p3 s31;
	s6 =	smov.u32 @p5 s29;
	s31 =	simm.s32 $0xCD80  }
0x624: {  	p3 =	sgt.s32 s8, $0xA;
	s0 =	sshll.u32 s0, $0x4;
	s25 =	simm.s32 @!p4 $0x0  }
0x625: {  	[hbm4b:s3+s15] =	stream.linear.scatter [tilespmem:s23], [sflag:$0x7], $0x80, $0x38;
	[tilespmem:$0x1EA80] =	vst v63  }
0x626: {  	s17 =	sshll.u32 s17, $0x4;
	s3 =	sshll.u32 s6, $0x4;
	s23 =	simm.s32 $0xCD00  }
0x627: {  	s4 =	simm.s32 @!p3 $0x0;
	s25 =	sld [smem:s25+$0x100];
	s0 =	sadd.s32 s18, s0  }
0x628: {  	s17 =	sadd.s32 s18, s17;
	s3 =	sadd.s32 s18, s3;
	s29 =	sld [smem:s4+$0x100]  }
0x629: {  	[hbm4b:s0+s15] =	stream.linear.scatter [tilespmem:s5], [sflag:$0x7], $0x80, $0x38;
	[tilespmem:$0x1EA80] =	vst v63  }
0x62a: {  	s5 =	simm.s32 $0xCC80;
	s6 =	sand.u32 $0x3FFF, s25;
	s25 =	sld [smem:s28+$0x100]  }
0x62b: {  	[hbm4b:s17+s15] =	stream.linear.scatter [tilespmem:s5], [sflag:$0x7], $0x80, $0x38;
	[tilespmem:$0x1EA80] =	vst v63  }
0x62c: {  	s17 =	smov.u32 s22;
	s28 =	smov.u32 s22;
	s19 =	smov.u32 @p4 s6  }
0x62d: {  	[hbm4b:s3+s15] =	stream.linear.scatter [tilespmem:s23], [sflag:$0x7], $0x80, $0x38;
	[tilespmem:$0x1EA80] =	vst v63  }
0x62e: {  	p4 =	sgt.s32 s8, $0x9;
	s26 =	sshll.u32 s19, $0x4;
	s6 =	sand.u32 $0x3FFF, s25  }
0x62f: {  	s0 =	sadd.s32 s18, s26;
	s17 =	smov.u32 @p2 s6;
	s6 =	simm.s32 $0x9  }
0x630: {  	[hbm4b:s0+s15] =	stream.linear.scatter [tilespmem:s31], [sflag:$0x7], $0x80, $0x38;
	[tilespmem:$0x1EA80] =	vst v63  }
0x631: {  	s28 =	smov.u32 @p1 s21;
	s21 =	simm.s32 $0xD280;
	s6 =	simm.s32 @!p4 $0x0  }
0x632: {  	s19 =	simm.s32 $0xB;
	s17 =	sshll.u32 s17, $0x4;
	s6 =	sld [smem:s6+$0x100]  }
0x633: {  	s26 =	sshll.u32 s28, $0x4;
	s31 =	simm.s32 $0xCE00;
	s17 =	sadd.s32 s18, s17  }
0x634: {  	[hbm4b:s17+s15] =	stream.linear.scatter [tilespmem:s31], [sflag:$0x7], $0x80, $0x38;
	[tilespmem:$0x1EA80] =	vst v63  }
0x635: {  	s28 =	smov.u32 s22;
	p2 =	sgt.s32 s8, $0xB;
	s0 =	sand.u32 $0x3FFF, s6  }
0x636: {  	s25 =	sadd.s32 s18, s26;
	s19 =	simm.s32 @!p2 $0x0;
	s28 =	smov.u32 @p4 s0  }
.LBB2_67:
0x637: {  	s0 =	sshll.u32 s28, $0x4;
	s3 =	sld [smem:s19+$0x100];
	s6 =	sadd.s32 $0xFFFFFFFD, s10  }
0x638: {  	s19 =	smov.u32 s12;
	s17 =	smov.u32 s9;
	s9 =	smov.u32 s21  }
0x639: {  	s0 =	sadd.s32 s18, s0;
	s28 =	sand.u32 $0x3FFF, s29;
	p4 =	slt.s32 s6, s8  }
0x63a: {  	[hbm4b:s25+s15] =	stream.linear.scatter [tilespmem:s1], [sflag:$0x7], $0x80, $0x38;
	[tilespmem:$0x1EA80] =	vst v63  }
0x63b: {  	p1 =	sne.s32 s12, $0x23F;
	s1 =	smov.u32 s22  }
0x63c: {  	s12 =	sadd.s32 $0x10, s12;
	s6 =	simm.s32 @!p4 $0x0;
	s1 =	smov.u32 @p3 s28  }
0x63d: {  	s25 =	smov.u32 s22;
	s3 =	sand.u32 $0x3FFF, s3;
	s1 =	sshll.u32 s1, $0x4  }
0x63e: {  	s25 =	smov.u32 @p2 s3;
	s1 =	sadd.s32 s18, s1;
	s3 =	sld [smem:s6+$0x100]  }
0x63f: {  	[hbm4b:s0+s15] =	stream.linear.scatter [tilespmem:s14], [sflag:$0x7], $0x80, $0x38;
	[tilespmem:$0x1EA80] =	vst v63  }
0x640: {  	s6 =	sshll.u32 s25, $0x4;
	s0 =	sadd.s32 $0x500, s17;
	s14 =	sld [smem:s20+$0x100]  }
0x641: {  	[hbm4b:s1+s15] =	stream.linear.scatter [tilespmem:s0], [sflag:$0x7], $0x80, $0x38;
	[tilespmem:$0x1EA80] =	vst v63  }
0x642: {  	p2 =	slt.s32 s13, s8;
	s1 =	sand.u32 $0x3FFF, s3;
	s3 =	smov.u32 s22  }
0x643: {  	s13 =	simm.s32 @!p2 $0x0;
	s0 =	sadd.s32 s18, s6;
	s3 =	smov.u32 @p4 s1  }
0x644: {  	s6 =	smov.u32 s22;
	s1 =	sand.u32 $0x3FFF, s14;
	s3 =	sshll.u32 s3, $0x4  }
0x645: {  	s6 =	smov.u32 @p0 s1;
	s1 =	sld [smem:s13+$0x100];
	s3 =	sadd.s32 s18, s3  }
0x646: {  	p0 =	slt.s32 s10, s8;
	s13 =	smov.u32 s10;
	s6 =	sshll.u32 s6, $0x4  }
0x647: {  	s10 =	smov.u32 s19;
	s13 =	simm.s32 @!p0 $0x0  }
0x648: {  	s1 =	sand.u32 $0x3FFF, s1;
	s13 =	sld [smem:s13+$0x100]  }
0x649: {  	[hbm4b:s0+s15] =	stream.linear.scatter [tilespmem:s11], [sflag:$0x7], $0x80, $0x38;
	[tilespmem:$0x1EA80] =	vst v63  }
0x64a: {  	s11 =	smov.u32 s22  }
0x64b: {  	s31 =	smov.u32 s22;
	s0 =	sadd.s32 $0x600, s17;
	s11 =	smov.u32 @p2 s1  }
0x64c: {  	[hbm4b:s3+s15] =	stream.linear.scatter [tilespmem:s0], [sflag:$0x7], $0x80, $0x38;
	[tilespmem:$0x1EA80] =	vst v63  }
0x64d: {  	s23 =	simm.s32 $0x0;
	s0 =	sadd.s32 $0x680, s17;
	s1 =	sand.u32 $0x3FFF, s13  }
0x64e: {  	s3 =	sadd.s32 s18, s6;
	s6 =	sshll.u32 s11, $0x4;
	s11 =	smov.u32 s22  }
0x64f: {  	s4 =	sadd.s32 $0x100, s21;
	s26 =	smov.u32 s18;
	s11 =	smov.u32 @p0 s1  }
0x650: {  	s1 =	sadd.s32 s18, s6;
	s6 =	sadd.s32 $0x700, s17;
	s11 =	sshll.u32 s11, $0x4  }
0x651: {  	[hbm4b:s3+s15] =	stream.linear.scatter [tilespmem:s0], [sflag:$0x7], $0x80, $0x38;
	[tilespmem:$0x1EA80] =	vst v63  }
0x652: {  	s13 =	sadd.s32 $0xFFFFFFFF, s10;
	s0 =	sadd.s32 s18, s11;
	s3 =	sadd.s32 $0x780, s17  }
0x653: {  	[hbm4b:s1+s15] =	stream.linear.scatter [tilespmem:s6], [sflag:$0x7], $0x80, $0x38;
	[tilespmem:$0x1EA80] =	vst v63  }
0x654: {  	s14 =	sadd.s32 $0x480, s21;
	s11 =	sadd.s32 $0x580, s21;
	s1 =	sadd.s32 $0x400, s21  }
0x655: {  	[hbm4b:s0+s15] =	stream.linear.scatter [tilespmem:s3], [sflag:$0x7], $0x80, $0x38;
	[tilespmem:$0x1EA80] =	vst v63  }
0x656: {  	s19 =	sadd.s32 $0x180, s21;
	s20 =	sadd.s32 $0xFFFFFFFE, s10;
	s0 =	sadd.s32 $0xFFFFFFF1, s10  }
0x657: {  	p0 =	slt.s32 s20, s8;
	s17 =	sadd.s32 $0xFFFFFFFB, s10;
	p5 =	slt.s32 s0, s8  }
0x658: {  	s20 =	simm.s32 @!p0 $0x0;
	s3 =	sadd.s32 $0xFFFFFFF2, s10;
	s0 =	simm.s32 @!p5 $0x0  }
0x659: {  	s25 =	sadd.s32 $0xFFFFFFF9, s10;
	p4 =	slt.s32 s3, s8;
	s0 =	sld [smem:s0+$0x100]  }
0x65a: {  	p2 =	slt.s32 s25, s8;
	s6 =	sadd.s32 $0xFFFFFFF3, s10;
	s3 =	simm.s32 @!p4 $0x0  }
0x65b: {  	s28 =	sadd.s32 $0xFFFFFFF6, s10;
	p3 =	slt.s32 s6, s8;
	s3 =	sld [smem:s3+$0x100]  }
0x65c: {  	s29 =	sadd.s32 $0xFFFFFFF5, s10;
	s6 =	simm.s32 @!p3 $0x0;
	s0 =	sand.u32 $0x3FFF, s0  }
0x65d: {  	s15 =	smov.u32 s22;
	s31 =	smov.u32 @p5 s0;
	s0 =	sld [smem:s6+$0x100]  }
0x65e: {  	s6 =	sadd.s32 $0xFFFFFFF4, s10;
	p5 =	slt.s32 s29, s8;
	s3 =	sand.u32 $0x3FFF, s3  }
0x65f: {  	s31 =	sshll.u32 s31, $0x4;
	p6 =	slt.s32 s6, s8;
	s15 =	smov.u32 @p4 s3  }
0x660: {  	s31 =	sadd.s32 s18, s31;
	s6 =	simm.s32 @!p6 $0x0;
	s3 =	sshll.u32 s15, $0x4  }
0x661: {  	s0 =	sand.u32 $0x3FFF, s0;
	s6 =	sld [smem:s6+$0x100];
	s15 =	smov.u32 s22  }
0x662: {  	s29 =	simm.s32 @!p5 $0x0;
	s3 =	sadd.s32 s18, s3;
	s15 =	smov.u32 @p3 s0  }
0x663: {  	s18 =	smov.u32 s22;
	s0 =	sshll.u32 s15, $0x4;
	s15 =	sadd.s32 $0xFFFFFFF8, s10  }
0x664: {  	s6 =	sand.u32 $0x3FFF, s6;
	s29 =	sld [smem:s29+$0x100];
	p3 =	slt.s32 s15, s8  }
0x665: {  	s5 =	smov.u32 s22;
	s18 =	smov.u32 @p6 s6;
	p6 =	slt.s32 s28, s8  }
0x666: {  	s6 =	sshll.u32 s18, $0x4;
	s28 =	simm.s32 @!p6 $0x0;
	s18 =	sadd.s32 $0xFFFFFFF7, s10  }
0x667: {  	s29 =	sand.u32 $0x3FFF, s29;
	s28 =	sld [smem:s28+$0x100];
	p4 =	slt.s32 s18, s8  }
0x668: {  	[hbm4b:s31+s23] =	stream.linear.scatter [tilespmem:s21], [sflag:$0x7], $0x80, $0x38;
	[tilespmem:$0x1EA80] =	vst v63  }
0x669: {  	s31 =	sadd.s32 $0x80, s21;
	s5 =	smov.u32 @p5 s29;
	s18 =	simm.s32 @!p4 $0x0  }
0x66a: {  	s0 =	sadd.s32 s26, s0;
	s28 =	sand.u32 $0x3FFF, s28;
	s18 =	sld [smem:s18+$0x100]  }
0x66b: {  	[hbm4b:s3+s23] =	stream.linear.scatter [tilespmem:s31], [sflag:$0x7], $0x80, $0x38;
	[tilespmem:$0x1EA80] =	vst v63  }
0x66c: {  	s3 =	sadd.s32 s26, s6;
	s6 =	smov.u32 s22  }
0x66d: {  	s15 =	simm.s32 @!p3 $0x0;
	s5 =	sshll.u32 s5, $0x4;
	s6 =	smov.u32 @p6 s28  }
0x66e: {  	[hbm4b:s0+s23] =	stream.linear.scatter [tilespmem:s4], [sflag:$0x7], $0x80, $0x38;
	[tilespmem:$0x1EA80] =	vst v63  }
0x66f: {  	s0 =	sshll.u32 s6, $0x4;
	s4 =	sand.u32 $0x3FFF, s18;
	s6 =	smov.u32 s22  }
0x670: {  	s5 =	sadd.s32 s26, s5;
	s6 =	smov.u32 @p4 s4;
	s4 =	sld [smem:s15+$0x100]  }
0x671: {  	[hbm4b:s3+s23] =	stream.linear.scatter [tilespmem:s19], [sflag:$0x7], $0x80, $0x38;
	[tilespmem:$0x1EA80] =	vst v63  }
0x672: {  	s25 =	simm.s32 @!p2 $0x0;
	s3 =	sshll.u32 s6, $0x4;
	s6 =	sadd.s32 $0x300, s21  }
0x673: {  	s15 =	sadd.s32 $0x200, s21;
	s4 =	sand.u32 $0x3FFF, s4;
	s18 =	sld [smem:s25+$0x100]  }
0x674: {  	[hbm4b:s5+s23] =	stream.linear.scatter [tilespmem:s15], [sflag:$0x7], $0x80, $0x38;
	[tilespmem:$0x1EA80] =	vst v63  }
0x675: {  	s0 =	sadd.s32 s26, s0;
	s19 =	smov.u32 s22;
	s15 =	smov.u32 s22  }
0x676: {  	s5 =	sadd.s32 $0x280, s21;
	s15 =	smov.u32 @p3 s4;
	s4 =	sadd.s32 $0xFFFFFFFA, s10  }
0x677: {  	s3 =	sadd.s32 s26, s3;
	s15 =	sshll.u32 s15, $0x4;
	p4 =	slt.s32 s4, s8  }
0x678: {  	s18 =	sand.u32 $0x3FFF, s18;
	s15 =	sadd.s32 s26, s15;
	s4 =	simm.s32 @!p4 $0x0  }
0x679: {  	s19 =	smov.u32 @p2 s18;
	s18 =	smov.u32 s26;
	s4 =	sld [smem:s4+$0x100]  }
0x67a: {  	[hbm4b:s0+s23] =	stream.linear.scatter [tilespmem:s5], [sflag:$0x7], $0x80, $0x38;
	[tilespmem:$0x1EA80] =	vst v63  }
0x67b: {  	p3 =	slt.s32 s17, s8;
	s0 =	sshll.u32 s19, $0x4;
	s19 =	sadd.s32 $0xFFFFFFFC, s10  }
0x67c: {  	s21 =	sadd.s32 $0x800, s21;
	s17 =	simm.s32 @!p3 $0x0;
	p2 =	slt.s32 s19, s8  }
0x67d: {  	[hbm4b:s3+s23] =	stream.linear.scatter [tilespmem:s6], [sflag:$0x7], $0x80, $0x38;
	[tilespmem:$0x1EA80] =	vst v63  }
.Ltmp40:
0x67e: {  	s28 =	smov.u32 s22;
	(pc) =	sbr.rel @p1 .LBB2_67-.Ltmp40, $4  }
0x67f: {  	s4 =	sand.u32 $0x3FFF, s4;
	s19 =	simm.s32 @!p2 $0x0;
	s3 =	sadd.s32 $0x380, s9  }
0x680: {  	s25 =	sadd.s32 s26, s0;
	s28 =	smov.u32 @p4 s4;
	s29 =	sld [smem:s17+$0x100]  }
0x681: {  	[hbm4b:s15+s23] =	stream.linear.scatter [tilespmem:s3], [sflag:$0x7], $0x80, $0x38;
	[tilespmem:$0x1EA80] =	vst v63  }
0x682: {  	s15 =	simm.s32 $0x0  }
0x683: {  	s0 =	sld [smem:s19+$0x100];
	s3 =	sadd.s32 $0xFFFFFFFD, s10;
	s4 =	sand.u32 $0x3FFF, s29  }
0x684: {  	[hbm4b:s25+s15] =	stream.linear.scatter [tilespmem:s1], [sflag:$0x7], $0x80, $0x38;
	[tilespmem:$0x1EA80] =	vst v63  }
0x685: {  	s1 =	smov.u32 s22;
	s5 =	sshll.u32 s28, $0x4;
	s29 =	sadd.s32 $0x500, s9  }
0x686: {  	s31 =	sld [smem:s20+$0x100];
	s17 =	sadd.s32 $0x600, s9;
	s19 =	sadd.s32 $0x680, s9  }
0x687: {  	p1 =	slt.s32 s3, s8;
	s1 =	smov.u32 @p3 s4;
	s28 =	sadd.s32 s18, s5  }
0x688: {  	s5 =	smov.u32 s22;
	s3 =	simm.s32 @!p1 $0x0;
	s1 =	sshll.u32 s1, $0x4  }
0x689: {  	[hbm4b:s28+s15] =	stream.linear.scatter [tilespmem:s14], [sflag:$0x7], $0x80, $0x38;
	[tilespmem:$0x1EA80] =	vst v63  }
0x68a: {  	s0 =	sand.u32 $0x3FFF, s0;
	s1 =	sadd.s32 s18, s1;
	s3 =	sld [smem:s3+$0x100]  }
0x68b: {  	[hbm4b:s1+s15] =	stream.linear.scatter [tilespmem:s29], [sflag:$0x7], $0x80, $0x38;
	[tilespmem:$0x1EA80] =	vst v63  }
0x68c: {  	s4 =	smov.u32 s22;
	s5 =	smov.u32 @p2 s0;
	p2 =	slt.s32 s13, s8  }
0x68d: {  	s6 =	sshll.u32 s5, $0x4;
	s1 =	sand.u32 $0x3FFF, s3;
	s3 =	smov.u32 s22  }
0x68e: {  	s13 =	simm.s32 @!p2 $0x0;
	s0 =	sadd.s32 s18, s6;
	s3 =	smov.u32 @p1 s1  }
0x68f: {  	s1 =	sand.u32 $0x3FFF, s31;
	p1 =	slt.s32 s10, s8;
	s8 =	sld [smem:s13+$0x100]  }
0x690: {  	[hbm4b:s0+s15] =	stream.linear.scatter [tilespmem:s11], [sflag:$0x7], $0x80, $0x38;
	[tilespmem:$0x1EA80] =	vst v63  }
0x691: {  	s3 =	sshll.u32 s3, $0x4;
	s10 =	simm.s32 @!p1 $0x0;
	s4 =	smov.u32 @p0 s1  }
0x692: {  	s12 =	sadd.s32 s18, s3;
	s13 =	sld [smem:s10+$0x100];
	s14 =	sshll.u32 s4, $0x4  }
0x693: {  	[hbm4b:s12+s15] =	stream.linear.scatter [tilespmem:s17], [sflag:$0x7], $0x80, $0x38;
	[tilespmem:$0x1EA80] =	vst v63  }
0x694: {  	s6 =	smov.u32 s22;
	s4 =	sand.u32 $0x3FFF, s8;
	s0 =	sadd.s32 s18, s14  }
0x695: {  	s6 =	smov.u32 @p2 s4;
	s4 =	smov.u32 s22;
	s3 =	sand.u32 $0x3FFF, s13  }
0x696: {  	[hbm4b:s0+s15] =	stream.linear.scatter [tilespmem:s19], [sflag:$0x7], $0x80, $0x38;
	[tilespmem:$0x1EA80] =	vst v63  }
0x697: {  	s20 =	sshll.u32 s6, $0x4;
	s4 =	smov.u32 @p1 s3  }
0x698: {  	s23 =	sadd.s32 $0x700, s9;
	s21 =	sadd.s32 s18, s20;
	s3 =	sshll.u32 s4, $0x4  }
0x699: {  	[hbm4b:s21+s15] =	stream.linear.scatter [tilespmem:s23], [sflag:$0x7], $0x80, $0x38;
	[tilespmem:$0x1EA80] =	vst v63  }
0x69a: {  	s26 =	sadd.s32 $0x780, s9;
	s28 =	simm.s32 $0x7;
	s25 =	sadd.s32 s18, s3  }
0x69b: {  	[hbm4b:s25+s15] =	stream.linear.scatter [tilespmem:s26], [sflag:$0x7], $0x80, $0x38;
	[tilespmem:$0x1EA80] =	vst v63  }
0x69c: {  	_ =	swait.ge [sflag:s28], $0x12000  }
0x69d: {  	s29 =	rddreg [dreg:$0xe]  }
0x69e: {  	s31 =	rddreg [dreg:$0xf];
	s1 =	sadd.s32 $0x240, s29  }
0x69f: {  	p0 =	slt.s32 s1, s31  }
.Ltmp41:
0x6a0: {  	_ = 	snop;
	(pc) =	sbr.rel @p0 .LBB2_2-.Ltmp41, $4  }
0x6a1: {  	_ = 	snop  }
0x6a2: {  	s6 =	simm.s32 $0x800;
	[sflag:s28] =	ssyncset.done $0x0  }
0x6a3: {  	s23 =	simm.s32 $0x1;
	s5 =	rddreg [dreg:$0x4];
	[sflag:s28] =	ssyncadd.s32 $0xFFFEE000  }
0x6a4: {  	s3 =	simm.s32 $0x8;
	s26 =	simm.s32 $0x4A80;
	s4 =	rddreg [dreg:$0x1]  }
0x6a5: {  	s1 =	rddreg [dreg:$0xd]  }
0x6a6: {  	s0 =	rddreg [dreg:$0xc];
	s1 =	sadd.s32 $0x1, s1  }
0x6a7: {  	p0 =	sne.s32 s1, s0  }
.Ltmp42:
0x6a8: {  	_ = 	snop;
	(pc) =	sbr.rel @p0 .LBB2_1-.Ltmp42, $1  }
0x6a9: {  	_ =	sdelay $0x3  }
0x6aa: {  	_ =	sfence.sel $0x180000  }
0x6ab: {  	[bflag:$0x0] =	sbarrier.arrive $0xFFFF  }
0x6ac: {  	_ =	strace $0x90000047  }
0x6ad: {  	s0 =	stileid.u32;
	[bflag:$0x2] =	sbarrier.arrive $0xFFFF  }
0x6ae: {  	p0 =	sne.s32 s0, $0x0;
	s0 =	rddreg [dreg:$0x3]  }
0x6af: {  	s0 =	sadd.s32 @!p0 $0x100000, s0  }
0x6b0: {  	[sflag:s0] =	ssyncadd.tile.s32 @!p0 $0x1;
	_ =	shalt  }
.Lfunc_end2:
_tile_overlayer_lowered:
.L_overlay_start_2:
0x6b1: {  	(tag) =	ssettag $0x2  }
0x6b2: {  	s0 =	rddreg [dreg:$0x0];
	s2 =	stileid.u32  }
0x6b3: {  	s1 =	rddreg [dreg:$0x1];
	p0 =	sne.s32 s2, $0x0  }
0x6b4: {  	s3 =	rddreg [dreg:$0x2];
	[bflag:$0x3] =	sbarrier.arrive $0xFFFF;
	s2 =	simm.s32 @!p0 $0x1C08  }
0x6b5: {  	[timem:s3], [sflag:s2] =	dma.local @!p0 [hbm:s0], s1  }
0x6b6: {  	s0 =	simm.s32 @!p0 $0x8  }
0x6b7: {  	_ =	swait.ge @!p0 [sflag:s0], s1  }
0x6b8: {  	s1 =	ssub.s32 @!p0 $0x0, s1;
	[sflag:s0] =	ssyncset.done @!p0 $0x0  }
0x6b9: {  	[sflag:s0] =	ssyncadd.s32 @!p0 s1  }
0x6ba: {  	[bflag:$0x3] =	sbarrier.arrive $0xFFFF  }
0x6bb: {  	_ =	shalt  }

</sc_bundles>
